<compile_context>
chip_gen: v7x
topology: tpu7x:2x2x1
jax: 0.10.2.dev20260603
libtpu: 0.0.44.dev20260713+nightly
codegen_flags: <defaults>
</compile_context>

<pallas_src>
import functools

import jax
import jax.numpy as jnp
from jax import lax
from jax.experimental import pallas as pl
from jax.experimental.pallas import tpu as pltpu
from jax.experimental.pallas import tpu_sc as plsc

B = 16384
L = 50
D = 32
NC, NS = 2, 16
NW = NC * NS
BPW = B // NW
U = 8

_VOCAB = 1000000
_TR = 65536
_TQ = _TR // 4
_TG = -(-_VOCAB // _TR)
_VPAD = _TG * _TR

_mesh = plsc.VectorSubcoreMesh(core_axis_name="c", subcore_axis_name="s")


@functools.partial(
    pl.kernel,
    out_type=jax.ShapeDtypeStruct((B, D), jnp.float32),
    mesh=_mesh,
    compiler_params=pltpu.CompilerParams(use_tc_tiling_on_sc=False),
    scratch_types=[
        pltpu.VMEM((L * BPW,), jnp.int32),
        pltpu.VMEM((BPW, D), jnp.float32),
        pltpu.SemaphoreType.DMA,
        pltpu.SemaphoreType.DMA,
    ],
)
def _emb_bag(idx_hbm, w_hbm, out_hbm, idx_v, acc, si, s0):
    wid = lax.axis_index("s") * NC + lax.axis_index("c")
    base = wid * BPW

    for l in range(L):
        pltpu.async_copy(
            idx_hbm.at[l, pl.ds(base, BPW)], idx_v.at[pl.ds(l * BPW, BPW)], si)

    zero = jnp.zeros((16,), jnp.float32)

    def zbody(z8, _):
        z0 = z8 * U
        for u in range(U):
            acc[z0 + u, 0:16] = zero
            acc[z0 + u, 16:32] = zero
        return 0

    lax.fori_loop(0, BPW // U, zbody, 0)

    for l in range(L):
        pltpu.make_async_copy(
            idx_hbm.at[l, pl.ds(base, BPW)], idx_v.at[pl.ds(l * BPW, BPW)], si
        ).wait()
        pltpu.async_copy(
            w_hbm.at[idx_v.at[pl.ds(l * BPW, BPW)]], acc, s0, add=True)
    for l in range(L):
        pltpu.make_async_copy(
            w_hbm.at[idx_v.at[pl.ds(l * BPW, BPW)]], acc, s0).wait()

    pltpu.sync_copy(acc, out_hbm.at[pl.ds(base, BPW)])


def _t_body(x_ref, o_ref):
    x = x_ref[...]
    for t in range(_TR // 512):
        chunk = x[:, t * 512:(t + 1) * 512]
        z = jnp.concatenate(
            [chunk[:, q * 128:(q + 1) * 128] for q in range(4)], axis=0)
        o_ref[t * 128:(t + 1) * 128, :] = z.T


def _linearize_table(wt):
    return pl.pallas_call(
        _t_body,
        grid=(_TG,),
        in_specs=[pl.BlockSpec((32, _TR), lambda i: (0, i))],
        out_specs=pl.BlockSpec((_TQ, 128), lambda i: (i, 0)),
        out_shape=jax.ShapeDtypeStruct((_VPAD // 4, 128), jnp.float32),
    )(wt)


def kernel(input, weight):
    flat = _linearize_table(weight.T).reshape(_VPAD * D)
    table = flat.reshape(_VPAD, D)
    r = input.astype(jnp.int32)
    pidx = (r & ~jnp.int32(511)) | ((r & jnp.int32(127)) << 2) \
        | ((r >> 7) & jnp.int32(3))
    return _emb_bag(pidx, table)

# --- scband reference (transcript-rebuilt; emitter-appended) ---
"""Pipeline reference for scband-set-embedding-11252814316039 (READ-ONLY COPY).

The authoritative reference and input builder live on the scoring server;
editing this copy changes nothing except your own understanding.
"""

import jax, jax.numpy as jnp
import numpy as np

VOCAB = 1000000
EMB = 32

def setup_inputs(seed: int = 0) -> dict:
    key = jax.random.key(seed)
    k_idx, k_w = jax.random.split(key)
    input = jax.random.randint(k_idx, (50, 16384), 0, VOCAB, dtype=jnp.int64)
    # EmbeddingBag weight, default init ~ N(0,1) in torch
    weight = jax.random.normal(k_w, (VOCAB, EMB), dtype=jnp.float32)
    return {"input": input, "weight": weight}

def reference(input, weight):
    # SetEmbedding.forward: emb(input.transpose(0,1))
    # EmbeddingBag 2D input [B, L] with mode='sum': sum of embeddings per row -> [B, EMB]
    bags = input.T  # [B, L] = [16384, 50]
    gathered = jnp.take(weight, bags, axis=0)  # [B, L, EMB]
    out = jnp.sum(gathered, axis=1)  # [B, EMB]
    return out

if __name__ == "__main__":
    import jax
    _d = setup_inputs()
    print(jax.jit(kernel)(*tuple(_d.values())))

</pallas_src>

<mosaic_0001>
#map = affine_map<(d0, d1) -> (0, 0)>
module attributes {stable_mosaic.version = 14 : i64} {
  func.func @_emb_bag(%arg0: i32, %arg1: i32, %arg2: memref<50x16384xi32, #tpu.memory_space<hbm>>, %arg3: memref<1048576x32xf32, #tpu.memory_space<hbm>>, %arg4: memref<16384x32xf32, #tpu.memory_space<hbm>>, %arg5: memref<25600xi32, #tpu.memory_space<vmem>>, %arg6: memref<512x32xf32, #tpu.memory_space<vmem>>, %arg7: memref<!tpu.dma_semaphore, #tpu.memory_space<semaphore_mem>>, %arg8: memref<!tpu.dma_semaphore, #tpu.memory_space<semaphore_mem>>) attributes {dimension_semantics = [#tpu.dimension_semantics<core_parallel>, #tpu.dimension_semantics<subcore_parallel>], iteration_bounds = array<i64: 2, 16>, scalar_prefetch = 0 : i64, scratch_operands = 4 : i64, tpu.core_type = #tpu.core_type<sc_vector_subcore>, window_params = [{transform_indices = #map}, {transform_indices = #map}, {transform_indices = #map}]} {
    %mul3A = arith.constant 2 : i32
    %mul3A_0 = arith.muli %arg1, %mul3A : i32
    %add3A = arith.addi %mul3A_0, %arg0 : i32
    %mul3A_1 = arith.constant 512 : i32
    %mul3A_2 = arith.muli %add3A, %mul3A_1 : i32
    %dma_start3A = arith.constant 0 : i32
    %dma_start3A_3 = arith.constant 0 : i32
    %dma_start3A_4 = tpu.memref_slice %arg5[%dma_start3A_3] : memref<25600xi32, #tpu.memory_space<vmem>> -> memref<512xi32, #tpu.memory_space<vmem>>
    %dma_start3A_5 = tpu.memref_slice %arg2[%dma_start3A, %mul3A_2] : memref<50x16384xi32, #tpu.memory_space<hbm>> -> memref<1x512xi32, #tpu.memory_space<hbm>>
    %dma_start3A_6 = tpu.memref_squeeze %dma_start3A_5 : memref<1x512xi32, #tpu.memory_space<hbm>> -> memref<512xi32, #tpu.memory_space<hbm>>
    %dma_start3A_7 = arith.constant 0 : i32
    %dma_start3A_8 = tpu.memref_slice %arg5[%dma_start3A_7] : memref<25600xi32, #tpu.memory_space<vmem>> -> memref<512xi32, #tpu.memory_space<vmem>>
    %dma_start3A_9 = tpu.memref_slice %arg2[%dma_start3A, %mul3A_2] : memref<50x16384xi32, #tpu.memory_space<hbm>> -> memref<1x512xi32, #tpu.memory_space<hbm>>
    %dma_start3A_10 = tpu.memref_squeeze %dma_start3A_9 : memref<1x512xi32, #tpu.memory_space<hbm>> -> memref<512xi32, #tpu.memory_space<hbm>>
    tpu.enqueue_dma source(%dma_start3A_10 : memref<512xi32, #tpu.memory_space<hbm>>) target(%dma_start3A_8 : memref<512xi32, #tpu.memory_space<vmem>>) target_semaphore(%arg7 : memref<!tpu.dma_semaphore, #tpu.memory_space<semaphore_mem>>)
    %dma_start3A_11 = arith.constant 1 : i32
    %dma_start3A_12 = arith.constant 512 : i32
    %dma_start3A_13 = tpu.memref_slice %arg5[%dma_start3A_12] : memref<25600xi32, #tpu.memory_space<vmem>> -> memref<512xi32, #tpu.memory_space<vmem>>
    %dma_start3A_14 = tpu.memref_slice %arg2[%dma_start3A_11, %mul3A_2] : memref<50x16384xi32, #tpu.memory_space<hbm>> -> memref<1x512xi32, #tpu.memory_space<hbm>>
    %dma_start3A_15 = tpu.memref_squeeze %dma_start3A_14 : memref<1x512xi32, #tpu.memory_space<hbm>> -> memref<512xi32, #tpu.memory_space<hbm>>
    %dma_start3A_16 = arith.constant 512 : i32
    %dma_start3A_17 = tpu.memref_slice %arg5[%dma_start3A_16] : memref<25600xi32, #tpu.memory_space<vmem>> -> memref<512xi32, #tpu.memory_space<vmem>>
    %dma_start3A_18 = tpu.memref_slice %arg2[%dma_start3A_11, %mul3A_2] : memref<50x16384xi32, #tpu.memory_space<hbm>> -> memref<1x512xi32, #tpu.memory_space<hbm>>
    %dma_start3A_19 = tpu.memref_squeeze %dma_start3A_18 : memref<1x512xi32, #tpu.memory_space<hbm>> -> memref<512xi32, #tpu.memory_space<hbm>>
    tpu.enqueue_dma source(%dma_start3A_19 : memref<512xi32, #tpu.memory_space<hbm>>) target(%dma_start3A_17 : memref<512xi32, #tpu.memory_space<vmem>>) target_semaphore(%arg7 : memref<!tpu.dma_semaphore, #tpu.memory_space<semaphore_mem>>)
    %dma_start3A_20 = arith.constant 2 : i32
    %dma_start3A_21 = arith.constant 1024 : i32
    %dma_start3A_22 = tpu.memref_slice %arg5[%dma_start3A_21] : memref<25600xi32, #tpu.memory_space<vmem>> -> memref<512xi32, #tpu.memory_space<vmem>>
    %dma_start3A_23 = tpu.memref_slice %arg2[%dma_start3A_20, %mul3A_2] : memref<50x16384xi32, #tpu.memory_space<hbm>> -> memref<1x512xi32, #tpu.memory_space<hbm>>
    %dma_start3A_24 = tpu.memref_squeeze %dma_start3A_23 : memref<1x512xi32, #tpu.memory_space<hbm>> -> memref<512xi32, #tpu.memory_space<hbm>>
    %dma_start3A_25 = arith.constant 1024 : i32
    %dma_start3A_26 = tpu.memref_slice %arg5[%dma_start3A_25] : memref<25600xi32, #tpu.memory_space<vmem>> -> memref<512xi32, #tpu.memory_space<vmem>>
    %dma_start3A_27 = tpu.memref_slice %arg2[%dma_start3A_20, %mul3A_2] : memref<50x16384xi32, #tpu.memory_space<hbm>> -> memref<1x512xi32, #tpu.memory_space<hbm>>
    %dma_start3A_28 = tpu.memref_squeeze %dma_start3A_27 : memref<1x512xi32, #tpu.memory_space<hbm>> -> memref<512xi32, #tpu.memory_space<hbm>>
    tpu.enqueue_dma source(%dma_start3A_28 : memref<512xi32, #tpu.memory_space<hbm>>) target(%dma_start3A_26 : memref<512xi32, #tpu.memory_space<vmem>>) target_semaphore(%arg7 : memref<!tpu.dma_semaphore, #tpu.memory_space<semaphore_mem>>)
    %dma_start3A_29 = arith.constant 3 : i32
    %dma_start3A_30 = arith.constant 1536 : i32
    %dma_start3A_31 = tpu.memref_slice %arg5[%dma_start3A_30] : memref<25600xi32, #tpu.memory_space<vmem>> -> memref<512xi32, #tpu.memory_space<vmem>>
    %dma_start3A_32 = tpu.memref_slice %arg2[%dma_start3A_29, %mul3A_2] : memref<50x16384xi32, #tpu.memory_space<hbm>> -> memref<1x512xi32, #tpu.memory_space<hbm>>
    %dma_start3A_33 = tpu.memref_squeeze %dma_start3A_32 : memref<1x512xi32, #tpu.memory_space<hbm>> -> memref<512xi32, #tpu.memory_space<hbm>>
    %dma_start3A_34 = arith.constant 1536 : i32
    %dma_start3A_35 = tpu.memref_slice %arg5[%dma_start3A_34] : memref<25600xi32, #tpu.memory_space<vmem>> -> memref<512xi32, #tpu.memory_space<vmem>>
    %dma_start3A_36 = tpu.memref_slice %arg2[%dma_start3A_29, %mul3A_2] : memref<50x16384xi32, #tpu.memory_space<hbm>> -> memref<1x512xi32, #tpu.memory_space<hbm>>
    %dma_start3A_37 = tpu.memref_squeeze %dma_start3A_36 : memref<1x512xi32, #tpu.memory_space<hbm>> -> memref<512xi32, #tpu.memory_space<hbm>>
    tpu.enqueue_dma source(%dma_start3A_37 : memref<512xi32, #tpu.memory_space<hbm>>) target(%dma_start3A_35 : memref<512xi32, #tpu.memory_space<vmem>>) target_semaphore(%arg7 : memref<!tpu.dma_semaphore, #tpu.memory_space<semaphore_mem>>)
    %dma_start3A_38 = arith.constant 4 : i32
    %dma_start3A_39 = arith.constant 2048 : i32
    %dma_start3A_40 = tpu.memref_slice %arg5[%dma_start3A_39] : memref<25600xi32, #tpu.memory_space<vmem>> -> memref<512xi32, #tpu.memory_space<vmem>>
    %dma_start3A_41 = tpu.memref_slice %arg2[%dma_start3A_38, %mul3A_2] : memref<50x16384xi32, #tpu.memory_space<hbm>> -> memref<1x512xi32, #tpu.memory_space<hbm>>
    %dma_start3A_42 = tpu.memref_squeeze %dma_start3A_41 : memref<1x512xi32, #tpu.memory_space<hbm>> -> memref<512xi32, #tpu.memory_space<hbm>>
    %dma_start3A_43 = arith.constant 2048 : i32
    %dma_start3A_44 = tpu.memref_slice %arg5[%dma_start3A_43] : memref<25600xi32, #tpu.memory_space<vmem>> -> memref<512xi32, #tpu.memory_space<vmem>>
    %dma_start3A_45 = tpu.memref_slice %arg2[%dma_start3A_38, %mul3A_2] : memref<50x16384xi32, #tpu.memory_space<hbm>> -> memref<1x512xi32, #tpu.memory_space<hbm>>
    %dma_start3A_46 = tpu.memref_squeeze %dma_start3A_45 : memref<1x512xi32, #tpu.memory_space<hbm>> -> memref<512xi32, #tpu.memory_space<hbm>>
    tpu.enqueue_dma source(%dma_start3A_46 : memref<512xi32, #tpu.memory_space<hbm>>) target(%dma_start3A_44 : memref<512xi32, #tpu.memory_space<vmem>>) target_semaphore(%arg7 : memref<!tpu.dma_semaphore, #tpu.memory_space<semaphore_mem>>)
    %dma_start3A_47 = arith.constant 5 : i32
    %dma_start3A_48 = arith.constant 2560 : i32
    %dma_start3A_49 = tpu.memref_slice %arg5[%dma_start3A_48] : memref<25600xi32, #tpu.memory_space<vmem>> -> memref<512xi32, #tpu.memory_space<vmem>>
    %dma_start3A_50 = tpu.memref_slice %arg2[%dma_start3A_47, %mul3A_2] : memref<50x16384xi32, #tpu.memory_space<hbm>> -> memref<1x512xi32, #tpu.memory_space<hbm>>
    %dma_start3A_51 = tpu.memref_squeeze %dma_start3A_50 : memref<1x512xi32, #tpu.memory_space<hbm>> -> memref<512xi32, #tpu.memory_space<hbm>>
    %dma_start3A_52 = arith.constant 2560 : i32
    %dma_start3A_53 = tpu.memref_slice %arg5[%dma_start3A_52] : memref<25600xi32, #tpu.memory_space<vmem>> -> memref<512xi32, #tpu.memory_space<vmem>>
    %dma_start3A_54 = tpu.memref_slice %arg2[%dma_start3A_47, %mul3A_2] : memref<50x16384xi32, #tpu.memory_space<hbm>> -> memref<1x512xi32, #tpu.memory_space<hbm>>
    %dma_start3A_55 = tpu.memref_squeeze %dma_start3A_54 : memref<1x512xi32, #tpu.memory_space<hbm>> -> memref<512xi32, #tpu.memory_space<hbm>>
    tpu.enqueue_dma source(%dma_start3A_55 : memref<512xi32, #tpu.memory_space<hbm>>) target(%dma_start3A_53 : memref<512xi32, #tpu.memory_space<vmem>>) target_semaphore(%arg7 : memref<!tpu.dma_semaphore, #tpu.memory_space<semaphore_mem>>)
    %dma_start3A_56 = arith.constant 6 : i32
    %dma_start3A_57 = arith.constant 3072 : i32
    %dma_start3A_58 = tpu.memref_slice %arg5[%dma_start3A_57] : memref<25600xi32, #tpu.memory_space<vmem>> -> memref<512xi32, #tpu.memory_space<vmem>>
    %dma_start3A_59 = tpu.memref_slice %arg2[%dma_start3A_56, %mul3A_2] : memref<50x16384xi32, #tpu.memory_space<hbm>> -> memref<1x512xi32, #tpu.memory_space<hbm>>
    %dma_start3A_60 = tpu.memref_squeeze %dma_start3A_59 : memref<1x512xi32, #tpu.memory_space<hbm>> -> memref<512xi32, #tpu.memory_space<hbm>>
    %dma_start3A_61 = arith.constant 3072 : i32
    %dma_start3A_62 = tpu.memref_slice %arg5[%dma_start3A_61] : memref<25600xi32, #tpu.memory_space<vmem>> -> memref<512xi32, #tpu.memory_space<vmem>>
    %dma_start3A_63 = tpu.memref_slice %arg2[%dma_start3A_56, %mul3A_2] : memref<50x16384xi32, #tpu.memory_space<hbm>> -> memref<1x512xi32, #tpu.memory_space<hbm>>
    %dma_start3A_64 = tpu.memref_squeeze %dma_start3A_63 : memref<1x512xi32, #tpu.memory_space<hbm>> -> memref<512xi32, #tpu.memory_space<hbm>>
    tpu.enqueue_dma source(%dma_start3A_64 : memref<512xi32, #tpu.memory_space<hbm>>) target(%dma_start3A_62 : memref<512xi32, #tpu.memory_space<vmem>>) target_semaphore(%arg7 : memref<!tpu.dma_semaphore, #tpu.memory_space<semaphore_mem>>)
    %dma_start3A_65 = arith.constant 7 : i32
    %dma_start3A_66 = arith.constant 3584 : i32
    %dma_start3A_67 = tpu.memref_slice %arg5[%dma_start3A_66] : memref<25600xi32, #tpu.memory_space<vmem>> -> memref<512xi32, #tpu.memory_space<vmem>>
    %dma_start3A_68 = tpu.memref_slice %arg2[%dma_start3A_65, %mul3A_2] : memref<50x16384xi32, #tpu.memory_space<hbm>> -> memref<1x512xi32, #tpu.memory_space<hbm>>
    %dma_start3A_69 = tpu.memref_squeeze %dma_start3A_68 : memref<1x512xi32, #tpu.memory_space<hbm>> -> memref<512xi32, #tpu.memory_space<hbm>>
    %dma_start3A_70 = arith.constant 3584 : i32
    %dma_start3A_71 = tpu.memref_slice %arg5[%dma_start3A_70] : memref<25600xi32, #tpu.memory_space<vmem>> -> memref<512xi32, #tpu.memory_space<vmem>>
    %dma_start3A_72 = tpu.memref_slice %arg2[%dma_start3A_65, %mul3A_2] : memref<50x16384xi32, #tpu.memory_space<hbm>> -> memref<1x512xi32, #tpu.memory_space<hbm>>
    %dma_start3A_73 = tpu.memref_squeeze %dma_start3A_72 : memref<1x512xi32, #tpu.memory_space<hbm>> -> memref<512xi32, #tpu.memory_space<hbm>>
    tpu.enqueue_dma source(%dma_start3A_73 : memref<512xi32, #tpu.memory_space<hbm>>) target(%dma_start3A_71 : memref<512xi32, #tpu.memory_space<vmem>>) target_semaphore(%arg7 : memref<!tpu.dma_semaphore, #tpu.memory_space<semaphore_mem>>)
    %dma_start3A_74 = arith.constant 8 : i32
    %dma_start3A_75 = arith.constant 4096 : i32
    %dma_start3A_76 = tpu.memref_slice %arg5[%dma_start3A_75] : memref<25600xi32, #tpu.memory_space<vmem>> -> memref<512xi32, #tpu.memory_space<vmem>>
    %dma_start3A_77 = tpu.memref_slice %arg2[%dma_start3A_74, %mul3A_2] : memref<50x16384xi32, #tpu.memory_space<hbm>> -> memref<1x512xi32, #tpu.memory_space<hbm>>
    %dma_start3A_78 = tpu.memref_squeeze %dma_start3A_77 : memref<1x512xi32, #tpu.memory_space<hbm>> -> memref<512xi32, #tpu.memory_space<hbm>>
    %dma_start3A_79 = arith.constant 4096 : i32
    %dma_start3A_80 = tpu.memref_slice %arg5[%dma_start3A_79] : memref<25600xi32, #tpu.memory_space<vmem>> -> memref<512xi32, #tpu.memory_space<vmem>>
    %dma_start3A_81 = tpu.memref_slice %arg2[%dma_start3A_74, %mul3A_2] : memref<50x16384xi32, #tpu.memory_space<hbm>> -> memref<1x512xi32, #tpu.memory_space<hbm>>
    %dma_start3A_82 = tpu.memref_squeeze %dma_start3A_81 : memref<1x512xi32, #tpu.memory_space<hbm>> -> memref<512xi32, #tpu.memory_space<hbm>>
    tpu.enqueue_dma source(%dma_start3A_82 : memref<512xi32, #tpu.memory_space<hbm>>) target(%dma_start3A_80 : memref<512xi32, #tpu.memory_space<vmem>>) target_semaphore(%arg7 : memref<!tpu.dma_semaphore, #tpu.memory_space<semaphore_mem>>)
    %dma_start3A_83 = arith.constant 9 : i32
    %dma_start3A_84 = arith.constant 4608 : i32
    %dma_start3A_85 = tpu.memref_slice %arg5[%dma_start3A_84] : memref<25600xi32, #tpu.memory_space<vmem>> -> memref<512xi32, #tpu.memory_space<vmem>>
    %dma_start3A_86 = tpu.memref_slice %arg2[%dma_start3A_83, %mul3A_2] : memref<50x16384xi32, #tpu.memory_space<hbm>> -> memref<1x512xi32, #tpu.memory_space<hbm>>
    %dma_start3A_87 = tpu.memref_squeeze %dma_start3A_86 : memref<1x512xi32, #tpu.memory_space<hbm>> -> memref<512xi32, #tpu.memory_space<hbm>>
    %dma_start3A_88 = arith.constant 4608 : i32
    %dma_start3A_89 = tpu.memref_slice %arg5[%dma_start3A_88] : memref<25600xi32, #tpu.memory_space<vmem>> -> memref<512xi32, #tpu.memory_space<vmem>>
    %dma_start3A_90 = tpu.memref_slice %arg2[%dma_start3A_83, %mul3A_2] : memref<50x16384xi32, #tpu.memory_space<hbm>> -> memref<1x512xi32, #tpu.memory_space<hbm>>
    %dma_start3A_91 = tpu.memref_squeeze %dma_start3A_90 : memref<1x512xi32, #tpu.memory_space<hbm>> -> memref<512xi32, #tpu.memory_space<hbm>>
    tpu.enqueue_dma source(%dma_start3A_91 : memref<512xi32, #tpu.memory_space<hbm>>) target(%dma_start3A_89 : memref<512xi32, #tpu.memory_space<vmem>>) target_semaphore(%arg7 : memref<!tpu.dma_semaphore, #tpu.memory_space<semaphore_mem>>)
    %dma_start3A_92 = arith.constant 10 : i32
    %dma_start3A_93 = arith.constant 5120 : i32
    %dma_start3A_94 = tpu.memref_slice %arg5[%dma_start3A_93] : memref<25600xi32, #tpu.memory_space<vmem>> -> memref<512xi32, #tpu.memory_space<vmem>>
    %dma_start3A_95 = tpu.memref_slice %arg2[%dma_start3A_92, %mul3A_2] : memref<50x16384xi32, #tpu.memory_space<hbm>> -> memref<1x512xi32, #tpu.memory_space<hbm>>
    %dma_start3A_96 = tpu.memref_squeeze %dma_start3A_95 : memref<1x512xi32, #tpu.memory_space<hbm>> -> memref<512xi32, #tpu.memory_space<hbm>>
    %dma_start3A_97 = arith.constant 5120 : i32
    %dma_start3A_98 = tpu.memref_slice %arg5[%dma_start3A_97] : memref<25600xi32, #tpu.memory_space<vmem>> -> memref<512xi32, #tpu.memory_space<vmem>>
    %dma_start3A_99 = tpu.memref_slice %arg2[%dma_start3A_92, %mul3A_2] : memref<50x16384xi32, #tpu.memory_space<hbm>> -> memref<1x512xi32, #tpu.memory_space<hbm>>
    %dma_start3A_100 = tpu.memref_squeeze %dma_start3A_99 : memref<1x512xi32, #tpu.memory_space<hbm>> -> memref<512xi32, #tpu.memory_space<hbm>>
    tpu.enqueue_dma source(%dma_start3A_100 : memref<512xi32, #tpu.memory_space<hbm>>) target(%dma_start3A_98 : memref<512xi32, #tpu.memory_space<vmem>>) target_semaphore(%arg7 : memref<!tpu.dma_semaphore, #tpu.memory_space<semaphore_mem>>)
    %dma_start3A_101 = arith.constant 11 : i32
    %dma_start3A_102 = arith.constant 5632 : i32
    %dma_start3A_103 = tpu.memref_slice %arg5[%dma_start3A_102] : memref<25600xi32, #tpu.memory_space<vmem>> -> memref<512xi32, #tpu.memory_space<vmem>>
    %dma_start3A_104 = tpu.memref_slice %arg2[%dma_start3A_101, %mul3A_2] : memref<50x16384xi32, #tpu.memory_space<hbm>> -> memref<1x512xi32, #tpu.memory_space<hbm>>
    %dma_start3A_105 = tpu.memref_squeeze %dma_start3A_104 : memref<1x512xi32, #tpu.memory_space<hbm>> -> memref<512xi32, #tpu.memory_space<hbm>>
    %dma_start3A_106 = arith.constant 5632 : i32
    %dma_start3A_107 = tpu.memref_slice %arg5[%dma_start3A_106] : memref<25600xi32, #tpu.memory_space<vmem>> -> memref<512xi32, #tpu.memory_space<vmem>>
    %dma_start3A_108 = tpu.memref_slice %arg2[%dma_start3A_101, %mul3A_2] : memref<50x16384xi32, #tpu.memory_space<hbm>> -> memref<1x512xi32, #tpu.memory_space<hbm>>
    %dma_start3A_109 = tpu.memref_squeeze %dma_start3A_108 : memref<1x512xi32, #tpu.memory_space<hbm>> -> memref<512xi32, #tpu.memory_space<hbm>>
    tpu.enqueue_dma source(%dma_start3A_109 : memref<512xi32, #tpu.memory_space<hbm>>) target(%dma_start3A_107 : memref<512xi32, #tpu.memory_space<vmem>>) target_semaphore(%arg7 : memref<!tpu.dma_semaphore, #tpu.memory_space<semaphore_mem>>)
    %dma_start3A_110 = arith.constant 12 : i32
    %dma_start3A_111 = arith.constant 6144 : i32
    %dma_start3A_112 = tpu.memref_slice %arg5[%dma_start3A_111] : memref<25600xi32, #tpu.memory_space<vmem>> -> memref<512xi32, #tpu.memory_space<vmem>>
    %dma_start3A_113 = tpu.memref_slice %arg2[%dma_start3A_110, %mul3A_2] : memref<50x16384xi32, #tpu.memory_space<hbm>> -> memref<1x512xi32, #tpu.memory_space<hbm>>
    %dma_start3A_114 = tpu.memref_squeeze %dma_start3A_113 : memref<1x512xi32, #tpu.memory_space<hbm>> -> memref<512xi32, #tpu.memory_space<hbm>>
    %dma_start3A_115 = arith.constant 6144 : i32
    %dma_start3A_116 = tpu.memref_slice %arg5[%dma_start3A_115] : memref<25600xi32, #tpu.memory_space<vmem>> -> memref<512xi32, #tpu.memory_space<vmem>>
    %dma_start3A_117 = tpu.memref_slice %arg2[%dma_start3A_110, %mul3A_2] : memref<50x16384xi32, #tpu.memory_space<hbm>> -> memref<1x512xi32, #tpu.memory_space<hbm>>
    %dma_start3A_118 = tpu.memref_squeeze %dma_start3A_117 : memref<1x512xi32, #tpu.memory_space<hbm>> -> memref<512xi32, #tpu.memory_space<hbm>>
    tpu.enqueue_dma source(%dma_start3A_118 : memref<512xi32, #tpu.memory_space<hbm>>) target(%dma_start3A_116 : memref<512xi32, #tpu.memory_space<vmem>>) target_semaphore(%arg7 : memref<!tpu.dma_semaphore, #tpu.memory_space<semaphore_mem>>)
    %dma_start3A_119 = arith.constant 13 : i32
    %dma_start3A_120 = arith.constant 6656 : i32
    %dma_start3A_121 = tpu.memref_slice %arg5[%dma_start3A_120] : memref<25600xi32, #tpu.memory_space<vmem>> -> memref<512xi32, #tpu.memory_space<vmem>>
    %dma_start3A_122 = tpu.memref_slice %arg2[%dma_start3A_119, %mul3A_2] : memref<50x16384xi32, #tpu.memory_space<hbm>> -> memref<1x512xi32, #tpu.memory_space<hbm>>
    %dma_start3A_123 = tpu.memref_squeeze %dma_start3A_122 : memref<1x512xi32, #tpu.memory_space<hbm>> -> memref<512xi32, #tpu.memory_space<hbm>>
    %dma_start3A_124 = arith.constant 6656 : i32
    %dma_start3A_125 = tpu.memref_slice %arg5[%dma_start3A_124] : memref<25600xi32, #tpu.memory_space<vmem>> -> memref<512xi32, #tpu.memory_space<vmem>>
    %dma_start3A_126 = tpu.memref_slice %arg2[%dma_start3A_119, %mul3A_2] : memref<50x16384xi32, #tpu.memory_space<hbm>> -> memref<1x512xi32, #tpu.memory_space<hbm>>
    %dma_start3A_127 = tpu.memref_squeeze %dma_start3A_126 : memref<1x512xi32, #tpu.memory_space<hbm>> -> memref<512xi32, #tpu.memory_space<hbm>>
    tpu.enqueue_dma source(%dma_start3A_127 : memref<512xi32, #tpu.memory_space<hbm>>) target(%dma_start3A_125 : memref<512xi32, #tpu.memory_space<vmem>>) target_semaphore(%arg7 : memref<!tpu.dma_semaphore, #tpu.memory_space<semaphore_mem>>)
    %dma_start3A_128 = arith.constant 14 : i32
    %dma_start3A_129 = arith.constant 7168 : i32
    %dma_start3A_130 = tpu.memref_slice %arg5[%dma_start3A_129] : memref<25600xi32, #tpu.memory_space<vmem>> -> memref<512xi32, #tpu.memory_space<vmem>>
    %dma_start3A_131 = tpu.memref_slice %arg2[%dma_start3A_128, %mul3A_2] : memref<50x16384xi32, #tpu.memory_space<hbm>> -> memref<1x512xi32, #tpu.memory_space<hbm>>
    %dma_start3A_132 = tpu.memref_squeeze %dma_start3A_131 : memref<1x512xi32, #tpu.memory_space<hbm>> -> memref<512xi32, #tpu.memory_space<hbm>>
    %dma_start3A_133 = arith.constant 7168 : i32
    %dma_start3A_134 = tpu.memref_slice %arg5[%dma_start3A_133] : memref<25600xi32, #tpu.memory_space<vmem>> -> memref<512xi32, #tpu.memory_space<vmem>>
    %dma_start3A_135 = tpu.memref_slice %arg2[%dma_start3A_128, %mul3A_2] : memref<50x16384xi32, #tpu.memory_space<hbm>> -> memref<1x512xi32, #tpu.memory_space<hbm>>
    %dma_start3A_136 = tpu.memref_squeeze %dma_start3A_135 : memref<1x512xi32, #tpu.memory_space<hbm>> -> memref<512xi32, #tpu.memory_space<hbm>>
    tpu.enqueue_dma source(%dma_start3A_136 : memref<512xi32, #tpu.memory_space<hbm>>) target(%dma_start3A_134 : memref<512xi32, #tpu.memory_space<vmem>>) target_semaphore(%arg7 : memref<!tpu.dma_semaphore, #tpu.memory_space<semaphore_mem>>)
    %dma_start3A_137 = arith.constant 15 : i32
    %dma_start3A_138 = arith.constant 7680 : i32
    %dma_start3A_139 = tpu.memref_slice %arg5[%dma_start3A_138] : memref<25600xi32, #tpu.memory_space<vmem>> -> memref<512xi32, #tpu.memory_space<vmem>>
    %dma_start3A_140 = tpu.memref_slice %arg2[%dma_start3A_137, %mul3A_2] : memref<50x16384xi32, #tpu.memory_space<hbm>> -> memref<1x512xi32, #tpu.memory_space<hbm>>
    %dma_start3A_141 = tpu.memref_squeeze %dma_start3A_140 : memref<1x512xi32, #tpu.memory_space<hbm>> -> memref<512xi32, #tpu.memory_space<hbm>>
    %dma_start3A_142 = arith.constant 7680 : i32
    %dma_start3A_143 = tpu.memref_slice %arg5[%dma_start3A_142] : memref<25600xi32, #tpu.memory_space<vmem>> -> memref<512xi32, #tpu.memory_space<vmem>>
    %dma_start3A_144 = tpu.memref_slice %arg2[%dma_start3A_137, %mul3A_2] : memref<50x16384xi32, #tpu.memory_space<hbm>> -> memref<1x512xi32, #tpu.memory_space<hbm>>
    %dma_start3A_145 = tpu.memref_squeeze %dma_start3A_144 : memref<1x512xi32, #tpu.memory_space<hbm>> -> memref<512xi32, #tpu.memory_space<hbm>>
    tpu.enqueue_dma source(%dma_start3A_145 : memref<512xi32, #tpu.memory_space<hbm>>) target(%dma_start3A_143 : memref<512xi32, #tpu.memory_space<vmem>>) target_semaphore(%arg7 : memref<!tpu.dma_semaphore, #tpu.memory_space<semaphore_mem>>)
    %dma_start3A_146 = arith.constant 16 : i32
    %dma_start3A_147 = arith.constant 8192 : i32
    %dma_start3A_148 = tpu.memref_slice %arg5[%dma_start3A_147] : memref<25600xi32, #tpu.memory_space<vmem>> -> memref<512xi32, #tpu.memory_space<vmem>>
    %dma_start3A_149 = tpu.memref_slice %arg2[%dma_start3A_146, %mul3A_2] : memref<50x16384xi32, #tpu.memory_space<hbm>> -> memref<1x512xi32, #tpu.memory_space<hbm>>
    %dma_start3A_150 = tpu.memref_squeeze %dma_start3A_149 : memref<1x512xi32, #tpu.memory_space<hbm>> -> memref<512xi32, #tpu.memory_space<hbm>>
    %dma_start3A_151 = arith.constant 8192 : i32
    %dma_start3A_152 = tpu.memref_slice %arg5[%dma_start3A_151] : memref<25600xi32, #tpu.memory_space<vmem>> -> memref<512xi32, #tpu.memory_space<vmem>>
    %dma_start3A_153 = tpu.memref_slice %arg2[%dma_start3A_146, %mul3A_2] : memref<50x16384xi32, #tpu.memory_space<hbm>> -> memref<1x512xi32, #tpu.memory_space<hbm>>
    %dma_start3A_154 = tpu.memref_squeeze %dma_start3A_153 : memref<1x512xi32, #tpu.memory_space<hbm>> -> memref<512xi32, #tpu.memory_space<hbm>>
    tpu.enqueue_dma source(%dma_start3A_154 : memref<512xi32, #tpu.memory_space<hbm>>) target(%dma_start3A_152 : memref<512xi32, #tpu.memory_space<vmem>>) target_semaphore(%arg7 : memref<!tpu.dma_semaphore, #tpu.memory_space<semaphore_mem>>)
    %dma_start3A_155 = arith.constant 17 : i32
    %dma_start3A_156 = arith.constant 8704 : i32
    %dma_start3A_157 = tpu.memref_slice %arg5[%dma_start3A_156] : memref<25600xi32, #tpu.memory_space<vmem>> -> memref<512xi32, #tpu.memory_space<vmem>>
    %dma_start3A_158 = tpu.memref_slice %arg2[%dma_start3A_155, %mul3A_2] : memref<50x16384xi32, #tpu.memory_space<hbm>> -> memref<1x512xi32, #tpu.memory_space<hbm>>
    %dma_start3A_159 = tpu.memref_squeeze %dma_start3A_158 : memref<1x512xi32, #tpu.memory_space<hbm>> -> memref<512xi32, #tpu.memory_space<hbm>>
    %dma_start3A_160 = arith.constant 8704 : i32
    %dma_start3A_161 = tpu.memref_slice %arg5[%dma_start3A_160] : memref<25600xi32, #tpu.memory_space<vmem>> -> memref<512xi32, #tpu.memory_space<vmem>>
    %dma_start3A_162 = tpu.memref_slice %arg2[%dma_start3A_155, %mul3A_2] : memref<50x16384xi32, #tpu.memory_space<hbm>> -> memref<1x512xi32, #tpu.memory_space<hbm>>
    %dma_start3A_163 = tpu.memref_squeeze %dma_start3A_162 : memref<1x512xi32, #tpu.memory_space<hbm>> -> memref<512xi32, #tpu.memory_space<hbm>>
    tpu.enqueue_dma source(%dma_start3A_163 : memref<512xi32, #tpu.memory_space<hbm>>) target(%dma_start3A_161 : memref<512xi32, #tpu.memory_space<vmem>>) target_semaphore(%arg7 : memref<!tpu.dma_semaphore, #tpu.memory_space<semaphore_mem>>)
    %dma_start3A_164 = arith.constant 18 : i32
    %dma_start3A_165 = arith.constant 9216 : i32
    %dma_start3A_166 = tpu.memref_slice %arg5[%dma_start3A_165] : memref<25600xi32, #tpu.memory_space<vmem>> -> memref<512xi32, #tpu.memory_space<vmem>>
    %dma_start3A_167 = tpu.memref_slice %arg2[%dma_start3A_164, %mul3A_2] : memref<50x16384xi32, #tpu.memory_space<hbm>> -> memref<1x512xi32, #tpu.memory_space<hbm>>
    %dma_start3A_168 = tpu.memref_squeeze %dma_start3A_167 : memref<1x512xi32, #tpu.memory_space<hbm>> -> memref<512xi32, #tpu.memory_space<hbm>>
    %dma_start3A_169 = arith.constant 9216 : i32
    %dma_start3A_170 = tpu.memref_slice %arg5[%dma_start3A_169] : memref<25600xi32, #tpu.memory_space<vmem>> -> memref<512xi32, #tpu.memory_space<vmem>>
    %dma_start3A_171 = tpu.memref_slice %arg2[%dma_start3A_164, %mul3A_2] : memref<50x16384xi32, #tpu.memory_space<hbm>> -> memref<1x512xi32, #tpu.memory_space<hbm>>
    %dma_start3A_172 = tpu.memref_squeeze %dma_start3A_171 : memref<1x512xi32, #tpu.memory_space<hbm>> -> memref<512xi32, #tpu.memory_space<hbm>>
    tpu.enqueue_dma source(%dma_start3A_172 : memref<512xi32, #tpu.memory_space<hbm>>) target(%dma_start3A_170 : memref<512xi32, #tpu.memory_space<vmem>>) target_semaphore(%arg7 : memref<!tpu.dma_semaphore, #tpu.memory_space<semaphore_mem>>)
    %dma_start3A_173 = arith.constant 19 : i32
    %dma_start3A_174 = arith.constant 9728 : i32
    %dma_start3A_175 = tpu.memref_slice %arg5[%dma_start3A_174] : memref<25600xi32, #tpu.memory_space<vmem>> -> memref<512xi32, #tpu.memory_space<vmem>>
    %dma_start3A_176 = tpu.memref_slice %arg2[%dma_start3A_173, %mul3A_2] : memref<50x16384xi32, #tpu.memory_space<hbm>> -> memref<1x512xi32, #tpu.memory_space<hbm>>
    %dma_start3A_177 = tpu.memref_squeeze %dma_start3A_176 : memref<1x512xi32, #tpu.memory_space<hbm>> -> memref<512xi32, #tpu.memory_space<hbm>>
    %dma_start3A_178 = arith.constant 9728 : i32
    %dma_start3A_179 = tpu.memref_slice %arg5[%dma_start3A_178] : memref<25600xi32, #tpu.memory_space<vmem>> -> memref<512xi32, #tpu.memory_space<vmem>>
    %dma_start3A_180 = tpu.memref_slice %arg2[%dma_start3A_173, %mul3A_2] : memref<50x16384xi32, #tpu.memory_space<hbm>> -> memref<1x512xi32, #tpu.memory_space<hbm>>
    %dma_start3A_181 = tpu.memref_squeeze %dma_start3A_180 : memref<1x512xi32, #tpu.memory_space<hbm>> -> memref<512xi32, #tpu.memory_space<hbm>>
    tpu.enqueue_dma source(%dma_start3A_181 : memref<512xi32, #tpu.memory_space<hbm>>) target(%dma_start3A_179 : memref<512xi32, #tpu.memory_space<vmem>>) target_semaphore(%arg7 : memref<!tpu.dma_semaphore, #tpu.memory_space<semaphore_mem>>)
    %dma_start3A_182 = arith.constant 20 : i32
    %dma_start3A_183 = arith.constant 10240 : i32
    %dma_start3A_184 = tpu.memref_slice %arg5[%dma_start3A_183] : memref<25600xi32, #tpu.memory_space<vmem>> -> memref<512xi32, #tpu.memory_space<vmem>>
    %dma_start3A_185 = tpu.memref_slice %arg2[%dma_start3A_182, %mul3A_2] : memref<50x16384xi32, #tpu.memory_space<hbm>> -> memref<1x512xi32, #tpu.memory_space<hbm>>
    %dma_start3A_186 = tpu.memref_squeeze %dma_start3A_185 : memref<1x512xi32, #tpu.memory_space<hbm>> -> memref<512xi32, #tpu.memory_space<hbm>>
    %dma_start3A_187 = arith.constant 10240 : i32
    %dma_start3A_188 = tpu.memref_slice %arg5[%dma_start3A_187] : memref<25600xi32, #tpu.memory_space<vmem>> -> memref<512xi32, #tpu.memory_space<vmem>>
    %dma_start3A_189 = tpu.memref_slice %arg2[%dma_start3A_182, %mul3A_2] : memref<50x16384xi32, #tpu.memory_space<hbm>> -> memref<1x512xi32, #tpu.memory_space<hbm>>
    %dma_start3A_190 = tpu.memref_squeeze %dma_start3A_189 : memref<1x512xi32, #tpu.memory_space<hbm>> -> memref<512xi32, #tpu.memory_space<hbm>>
    tpu.enqueue_dma source(%dma_start3A_190 : memref<512xi32, #tpu.memory_space<hbm>>) target(%dma_start3A_188 : memref<512xi32, #tpu.memory_space<vmem>>) target_semaphore(%arg7 : memref<!tpu.dma_semaphore, #tpu.memory_space<semaphore_mem>>)
    %dma_start3A_191 = arith.constant 21 : i32
    %dma_start3A_192 = arith.constant 10752 : i32
    %dma_start3A_193 = tpu.memref_slice %arg5[%dma_start3A_192] : memref<25600xi32, #tpu.memory_space<vmem>> -> memref<512xi32, #tpu.memory_space<vmem>>
    %dma_start3A_194 = tpu.memref_slice %arg2[%dma_start3A_191, %mul3A_2] : memref<50x16384xi32, #tpu.memory_space<hbm>> -> memref<1x512xi32, #tpu.memory_space<hbm>>
    %dma_start3A_195 = tpu.memref_squeeze %dma_start3A_194 : memref<1x512xi32, #tpu.memory_space<hbm>> -> memref<512xi32, #tpu.memory_space<hbm>>
    %dma_start3A_196 = arith.constant 10752 : i32
    %dma_start3A_197 = tpu.memref_slice %arg5[%dma_start3A_196] : memref<25600xi32, #tpu.memory_space<vmem>> -> memref<512xi32, #tpu.memory_space<vmem>>
    %dma_start3A_198 = tpu.memref_slice %arg2[%dma_start3A_191, %mul3A_2] : memref<50x16384xi32, #tpu.memory_space<hbm>> -> memref<1x512xi32, #tpu.memory_space<hbm>>
    %dma_start3A_199 = tpu.memref_squeeze %dma_start3A_198 : memref<1x512xi32, #tpu.memory_space<hbm>> -> memref<512xi32, #tpu.memory_space<hbm>>
    tpu.enqueue_dma source(%dma_start3A_199 : memref<512xi32, #tpu.memory_space<hbm>>) target(%dma_start3A_197 : memref<512xi32, #tpu.memory_space<vmem>>) target_semaphore(%arg7 : memref<!tpu.dma_semaphore, #tpu.memory_space<semaphore_mem>>)
    %dma_start3A_200 = arith.constant 22 : i32
    %dma_start3A_201 = arith.constant 11264 : i32
    %dma_start3A_202 = tpu.memref_slice %arg5[%dma_start3A_201] : memref<25600xi32, #tpu.memory_space<vmem>> -> memref<512xi32, #tpu.memory_space<vmem>>
    %dma_start3A_203 = tpu.memref_slice %arg2[%dma_start3A_200, %mul3A_2] : memref<50x16384xi32, #tpu.memory_space<hbm>> -> memref<1x512xi32, #tpu.memory_space<hbm>>
    %dma_start3A_204 = tpu.memref_squeeze %dma_start3A_203 : memref<1x512xi32, #tpu.memory_space<hbm>> -> memref<512xi32, #tpu.memory_space<hbm>>
    %dma_start3A_205 = arith.constant 11264 : i32
    %dma_start3A_206 = tpu.memref_slice %arg5[%dma_start3A_205] : memref<25600xi32, #tpu.memory_space<vmem>> -> memref<512xi32, #tpu.memory_space<vmem>>
    %dma_start3A_207 = tpu.memref_slice %arg2[%dma_start3A_200, %mul3A_2] : memref<50x16384xi32, #tpu.memory_space<hbm>> -> memref<1x512xi32, #tpu.memory_space<hbm>>
    %dma_start3A_208 = tpu.memref_squeeze %dma_start3A_207 : memref<1x512xi32, #tpu.memory_space<hbm>> -> memref<512xi32, #tpu.memory_space<hbm>>
    tpu.enqueue_dma source(%dma_start3A_208 : memref<512xi32, #tpu.memory_space<hbm>>) target(%dma_start3A_206 : memref<512xi32, #tpu.memory_space<vmem>>) target_semaphore(%arg7 : memref<!tpu.dma_semaphore, #tpu.memory_space<semaphore_mem>>)
    %dma_start3A_209 = arith.constant 23 : i32
    %dma_start3A_210 = arith.constant 11776 : i32
    %dma_start3A_211 = tpu.memref_slice %arg5[%dma_start3A_210] : memref<25600xi32, #tpu.memory_space<vmem>> -> memref<512xi32, #tpu.memory_space<vmem>>
    %dma_start3A_212 = tpu.memref_slice %arg2[%dma_start3A_209, %mul3A_2] : memref<50x16384xi32, #tpu.memory_space<hbm>> -> memref<1x512xi32, #tpu.memory_space<hbm>>
    %dma_start3A_213 = tpu.memref_squeeze %dma_start3A_212 : memref<1x512xi32, #tpu.memory_space<hbm>> -> memref<512xi32, #tpu.memory_space<hbm>>
    %dma_start3A_214 = arith.constant 11776 : i32
    %dma_start3A_215 = tpu.memref_slice %arg5[%dma_start3A_214] : memref<25600xi32, #tpu.memory_space<vmem>> -> memref<512xi32, #tpu.memory_space<vmem>>
    %dma_start3A_216 = tpu.memref_slice %arg2[%dma_start3A_209, %mul3A_2] : memref<50x16384xi32, #tpu.memory_space<hbm>> -> memref<1x512xi32, #tpu.memory_space<hbm>>
    %dma_start3A_217 = tpu.memref_squeeze %dma_start3A_216 : memref<1x512xi32, #tpu.memory_space<hbm>> -> memref<512xi32, #tpu.memory_space<hbm>>
    tpu.enqueue_dma source(%dma_start3A_217 : memref<512xi32, #tpu.memory_space<hbm>>) target(%dma_start3A_215 : memref<512xi32, #tpu.memory_space<vmem>>) target_semaphore(%arg7 : memref<!tpu.dma_semaphore, #tpu.memory_space<semaphore_mem>>)
    %dma_start3A_218 = arith.constant 24 : i32
    %dma_start3A_219 = arith.constant 12288 : i32
    %dma_start3A_220 = tpu.memref_slice %arg5[%dma_start3A_219] : memref<25600xi32, #tpu.memory_space<vmem>> -> memref<512xi32, #tpu.memory_space<vmem>>
    %dma_start3A_221 = tpu.memref_slice %arg2[%dma_start3A_218, %mul3A_2] : memref<50x16384xi32, #tpu.memory_space<hbm>> -> memref<1x512xi32, #tpu.memory_space<hbm>>
    %dma_start3A_222 = tpu.memref_squeeze %dma_start3A_221 : memref<1x512xi32, #tpu.memory_space<hbm>> -> memref<512xi32, #tpu.memory_space<hbm>>
    %dma_start3A_223 = arith.constant 12288 : i32
    %dma_start3A_224 = tpu.memref_slice %arg5[%dma_start3A_223] : memref<25600xi32, #tpu.memory_space<vmem>> -> memref<512xi32, #tpu.memory_space<vmem>>
    %dma_start3A_225 = tpu.memref_slice %arg2[%dma_start3A_218, %mul3A_2] : memref<50x16384xi32, #tpu.memory_space<hbm>> -> memref<1x512xi32, #tpu.memory_space<hbm>>
    %dma_start3A_226 = tpu.memref_squeeze %dma_start3A_225 : memref<1x512xi32, #tpu.memory_space<hbm>> -> memref<512xi32, #tpu.memory_space<hbm>>
    tpu.enqueue_dma source(%dma_start3A_226 : memref<512xi32, #tpu.memory_space<hbm>>) target(%dma_start3A_224 : memref<512xi32, #tpu.memory_space<vmem>>) target_semaphore(%arg7 : memref<!tpu.dma_semaphore, #tpu.memory_space<semaphore_mem>>)
    %dma_start3A_227 = arith.constant 25 : i32
    %dma_start3A_228 = arith.constant 12800 : i32
    %dma_start3A_229 = tpu.memref_slice %arg5[%dma_start3A_228] : memref<25600xi32, #tpu.memory_space<vmem>> -> memref<512xi32, #tpu.memory_space<vmem>>
    %dma_start3A_230 = tpu.memref_slice %arg2[%dma_start3A_227, %mul3A_2] : memref<50x16384xi32, #tpu.memory_space<hbm>> -> memref<1x512xi32, #tpu.memory_space<hbm>>
    %dma_start3A_231 = tpu.memref_squeeze %dma_start3A_230 : memref<1x512xi32, #tpu.memory_space<hbm>> -> memref<512xi32, #tpu.memory_space<hbm>>
    %dma_start3A_232 = arith.constant 12800 : i32
    %dma_start3A_233 = tpu.memref_slice %arg5[%dma_start3A_232] : memref<25600xi32, #tpu.memory_space<vmem>> -> memref<512xi32, #tpu.memory_space<vmem>>
    %dma_start3A_234 = tpu.memref_slice %arg2[%dma_start3A_227, %mul3A_2] : memref<50x16384xi32, #tpu.memory_space<hbm>> -> memref<1x512xi32, #tpu.memory_space<hbm>>
    %dma_start3A_235 = tpu.memref_squeeze %dma_start3A_234 : memref<1x512xi32, #tpu.memory_space<hbm>> -> memref<512xi32, #tpu.memory_space<hbm>>
    tpu.enqueue_dma source(%dma_start3A_235 : memref<512xi32, #tpu.memory_space<hbm>>) target(%dma_start3A_233 : memref<512xi32, #tpu.memory_space<vmem>>) target_semaphore(%arg7 : memref<!tpu.dma_semaphore, #tpu.memory_space<semaphore_mem>>)
    %dma_start3A_236 = arith.constant 26 : i32
    %dma_start3A_237 = arith.constant 13312 : i32
    %dma_start3A_238 = tpu.memref_slice %arg5[%dma_start3A_237] : memref<25600xi32, #tpu.memory_space<vmem>> -> memref<512xi32, #tpu.memory_space<vmem>>
    %dma_start3A_239 = tpu.memref_slice %arg2[%dma_start3A_236, %mul3A_2] : memref<50x16384xi32, #tpu.memory_space<hbm>> -> memref<1x512xi32, #tpu.memory_space<hbm>>
    %dma_start3A_240 = tpu.memref_squeeze %dma_start3A_239 : memref<1x512xi32, #tpu.memory_space<hbm>> -> memref<512xi32, #tpu.memory_space<hbm>>
    %dma_start3A_241 = arith.constant 13312 : i32
    %dma_start3A_242 = tpu.memref_slice %arg5[%dma_start3A_241] : memref<25600xi32, #tpu.memory_space<vmem>> -> memref<512xi32, #tpu.memory_space<vmem>>
    %dma_start3A_243 = tpu.memref_slice %arg2[%dma_start3A_236, %mul3A_2] : memref<50x16384xi32, #tpu.memory_space<hbm>> -> memref<1x512xi32, #tpu.memory_space<hbm>>
    %dma_start3A_244 = tpu.memref_squeeze %dma_start3A_243 : memref<1x512xi32, #tpu.memory_space<hbm>> -> memref<512xi32, #tpu.memory_space<hbm>>
    tpu.enqueue_dma source(%dma_start3A_244 : memref<512xi32, #tpu.memory_space<hbm>>) target(%dma_start3A_242 : memref<512xi32, #tpu.memory_space<vmem>>) target_semaphore(%arg7 : memref<!tpu.dma_semaphore, #tpu.memory_space<semaphore_mem>>)
    %dma_start3A_245 = arith.constant 27 : i32
    %dma_start3A_246 = arith.constant 13824 : i32
    %dma_start3A_247 = tpu.memref_slice %arg5[%dma_start3A_246] : memref<25600xi32, #tpu.memory_space<vmem>> -> memref<512xi32, #tpu.memory_space<vmem>>
    %dma_start3A_248 = tpu.memref_slice %arg2[%dma_start3A_245, %mul3A_2] : memref<50x16384xi32, #tpu.memory_space<hbm>> -> memref<1x512xi32, #tpu.memory_space<hbm>>
    %dma_start3A_249 = tpu.memref_squeeze %dma_start3A_248 : memref<1x512xi32, #tpu.memory_space<hbm>> -> memref<512xi32, #tpu.memory_space<hbm>>
    %dma_start3A_250 = arith.constant 13824 : i32
    %dma_start3A_251 = tpu.memref_slice %arg5[%dma_start3A_250] : memref<25600xi32, #tpu.memory_space<vmem>> -> memref<512xi32, #tpu.memory_space<vmem>>
    %dma_start3A_252 = tpu.memref_slice %arg2[%dma_start3A_245, %mul3A_2] : memref<50x16384xi32, #tpu.memory_space<hbm>> -> memref<1x512xi32, #tpu.memory_space<hbm>>
    %dma_start3A_253 = tpu.memref_squeeze %dma_start3A_252 : memref<1x512xi32, #tpu.memory_space<hbm>> -> memref<512xi32, #tpu.memory_space<hbm>>
    tpu.enqueue_dma source(%dma_start3A_253 : memref<512xi32, #tpu.memory_space<hbm>>) target(%dma_start3A_251 : memref<512xi32, #tpu.memory_space<vmem>>) target_semaphore(%arg7 : memref<!tpu.dma_semaphore, #tpu.memory_space<semaphore_mem>>)
    %dma_start3A_254 = arith.constant 28 : i32
    %dma_start3A_255 = arith.constant 14336 : i32
    %dma_start3A_256 = tpu.memref_slice %arg5[%dma_start3A_255] : memref<25600xi32, #tpu.memory_space<vmem>> -> memref<512xi32, #tpu.memory_space<vmem>>
    %dma_start3A_257 = tpu.memref_slice %arg2[%dma_start3A_254, %mul3A_2] : memref<50x16384xi32, #tpu.memory_space<hbm>> -> memref<1x512xi32, #tpu.memory_space<hbm>>
    %dma_start3A_258 = tpu.memref_squeeze %dma_start3A_257 : memref<1x512xi32, #tpu.memory_space<hbm>> -> memref<512xi32, #tpu.memory_space<hbm>>
    %dma_start3A_259 = arith.constant 14336 : i32
    %dma_start3A_260 = tpu.memref_slice %arg5[%dma_start3A_259] : memref<25600xi32, #tpu.memory_space<vmem>> -> memref<512xi32, #tpu.memory_space<vmem>>
    %dma_start3A_261 = tpu.memref_slice %arg2[%dma_start3A_254, %mul3A_2] : memref<50x16384xi32, #tpu.memory_space<hbm>> -> memref<1x512xi32, #tpu.memory_space<hbm>>
    %dma_start3A_262 = tpu.memref_squeeze %dma_start3A_261 : memref<1x512xi32, #tpu.memory_space<hbm>> -> memref<512xi32, #tpu.memory_space<hbm>>
    tpu.enqueue_dma source(%dma_start3A_262 : memref<512xi32, #tpu.memory_space<hbm>>) target(%dma_start3A_260 : memref<512xi32, #tpu.memory_space<vmem>>) target_semaphore(%arg7 : memref<!tpu.dma_semaphore, #tpu.memory_space<semaphore_mem>>)
    %dma_start3A_263 = arith.constant 29 : i32
    %dma_start3A_264 = arith.constant 14848 : i32
    %dma_start3A_265 = tpu.memref_slice %arg5[%dma_start3A_264] : memref<25600xi32, #tpu.memory_space<vmem>> -> memref<512xi32, #tpu.memory_space<vmem>>
    %dma_start3A_266 = tpu.memref_slice %arg2[%dma_start3A_263, %mul3A_2] : memref<50x16384xi32, #tpu.memory_space<hbm>> -> memref<1x512xi32, #tpu.memory_space<hbm>>
    %dma_start3A_267 = tpu.memref_squeeze %dma_start3A_266 : memref<1x512xi32, #tpu.memory_space<hbm>> -> memref<512xi32, #tpu.memory_space<hbm>>
    %dma_start3A_268 = arith.constant 14848 : i32
    %dma_start3A_269 = tpu.memref_slice %arg5[%dma_start3A_268] : memref<25600xi32, #tpu.memory_space<vmem>> -> memref<512xi32, #tpu.memory_space<vmem>>
    %dma_start3A_270 = tpu.memref_slice %arg2[%dma_start3A_263, %mul3A_2] : memref<50x16384xi32, #tpu.memory_space<hbm>> -> memref<1x512xi32, #tpu.memory_space<hbm>>
    %dma_start3A_271 = tpu.memref_squeeze %dma_start3A_270 : memref<1x512xi32, #tpu.memory_space<hbm>> -> memref<512xi32, #tpu.memory_space<hbm>>
    tpu.enqueue_dma source(%dma_start3A_271 : memref<512xi32, #tpu.memory_space<hbm>>) target(%dma_start3A_269 : memref<512xi32, #tpu.memory_space<vmem>>) target_semaphore(%arg7 : memref<!tpu.dma_semaphore, #tpu.memory_space<semaphore_mem>>)
    %dma_start3A_272 = arith.constant 30 : i32
    %dma_start3A_273 = arith.constant 15360 : i32
    %dma_start3A_274 = tpu.memref_slice %arg5[%dma_start3A_273] : memref<25600xi32, #tpu.memory_space<vmem>> -> memref<512xi32, #tpu.memory_space<vmem>>
    %dma_start3A_275 = tpu.memref_slice %arg2[%dma_start3A_272, %mul3A_2] : memref<50x16384xi32, #tpu.memory_space<hbm>> -> memref<1x512xi32, #tpu.memory_space<hbm>>
    %dma_start3A_276 = tpu.memref_squeeze %dma_start3A_275 : memref<1x512xi32, #tpu.memory_space<hbm>> -> memref<512xi32, #tpu.memory_space<hbm>>
    %dma_start3A_277 = arith.constant 15360 : i32
    %dma_start3A_278 = tpu.memref_slice %arg5[%dma_start3A_277] : memref<25600xi32, #tpu.memory_space<vmem>> -> memref<512xi32, #tpu.memory_space<vmem>>
    %dma_start3A_279 = tpu.memref_slice %arg2[%dma_start3A_272, %mul3A_2] : memref<50x16384xi32, #tpu.memory_space<hbm>> -> memref<1x512xi32, #tpu.memory_space<hbm>>
    %dma_start3A_280 = tpu.memref_squeeze %dma_start3A_279 : memref<1x512xi32, #tpu.memory_space<hbm>> -> memref<512xi32, #tpu.memory_space<hbm>>
    tpu.enqueue_dma source(%dma_start3A_280 : memref<512xi32, #tpu.memory_space<hbm>>) target(%dma_start3A_278 : memref<512xi32, #tpu.memory_space<vmem>>) target_semaphore(%arg7 : memref<!tpu.dma_semaphore, #tpu.memory_space<semaphore_mem>>)
    %dma_start3A_281 = arith.constant 31 : i32
    %dma_start3A_282 = arith.constant 15872 : i32
    %dma_start3A_283 = tpu.memref_slice %arg5[%dma_start3A_282] : memref<25600xi32, #tpu.memory_space<vmem>> -> memref<512xi32, #tpu.memory_space<vmem>>
    %dma_start3A_284 = tpu.memref_slice %arg2[%dma_start3A_281, %mul3A_2] : memref<50x16384xi32, #tpu.memory_space<hbm>> -> memref<1x512xi32, #tpu.memory_space<hbm>>
    %dma_start3A_285 = tpu.memref_squeeze %dma_start3A_284 : memref<1x512xi32, #tpu.memory_space<hbm>> -> memref<512xi32, #tpu.memory_space<hbm>>
    %dma_start3A_286 = arith.constant 15872 : i32
    %dma_start3A_287 = tpu.memref_slice %arg5[%dma_start3A_286] : memref<25600xi32, #tpu.memory_space<vmem>> -> memref<512xi32, #tpu.memory_space<vmem>>
    %dma_start3A_288 = tpu.memref_slice %arg2[%dma_start3A_281, %mul3A_2] : memref<50x16384xi32, #tpu.memory_space<hbm>> -> memref<1x512xi32, #tpu.memory_space<hbm>>
    %dma_start3A_289 = tpu.memref_squeeze %dma_start3A_288 : memref<1x512xi32, #tpu.memory_space<hbm>> -> memref<512xi32, #tpu.memory_space<hbm>>
    tpu.enqueue_dma source(%dma_start3A_289 : memref<512xi32, #tpu.memory_space<hbm>>) target(%dma_start3A_287 : memref<512xi32, #tpu.memory_space<vmem>>) target_semaphore(%arg7 : memref<!tpu.dma_semaphore, #tpu.memory_space<semaphore_mem>>)
    %dma_start3A_290 = arith.constant 32 : i32
    %dma_start3A_291 = arith.constant 16384 : i32
    %dma_start3A_292 = tpu.memref_slice %arg5[%dma_start3A_291] : memref<25600xi32, #tpu.memory_space<vmem>> -> memref<512xi32, #tpu.memory_space<vmem>>
    %dma_start3A_293 = tpu.memref_slice %arg2[%dma_start3A_290, %mul3A_2] : memref<50x16384xi32, #tpu.memory_space<hbm>> -> memref<1x512xi32, #tpu.memory_space<hbm>>
    %dma_start3A_294 = tpu.memref_squeeze %dma_start3A_293 : memref<1x512xi32, #tpu.memory_space<hbm>> -> memref<512xi32, #tpu.memory_space<hbm>>
    %dma_start3A_295 = arith.constant 16384 : i32
    %dma_start3A_296 = tpu.memref_slice %arg5[%dma_start3A_295] : memref<25600xi32, #tpu.memory_space<vmem>> -> memref<512xi32, #tpu.memory_space<vmem>>
    %dma_start3A_297 = tpu.memref_slice %arg2[%dma_start3A_290, %mul3A_2] : memref<50x16384xi32, #tpu.memory_space<hbm>> -> memref<1x512xi32, #tpu.memory_space<hbm>>
    %dma_start3A_298 = tpu.memref_squeeze %dma_start3A_297 : memref<1x512xi32, #tpu.memory_space<hbm>> -> memref<512xi32, #tpu.memory_space<hbm>>
    tpu.enqueue_dma source(%dma_start3A_298 : memref<512xi32, #tpu.memory_space<hbm>>) target(%dma_start3A_296 : memref<512xi32, #tpu.memory_space<vmem>>) target_semaphore(%arg7 : memref<!tpu.dma_semaphore, #tpu.memory_space<semaphore_mem>>)
    %dma_start3A_299 = arith.constant 33 : i32
    %dma_start3A_300 = arith.constant 16896 : i32
    %dma_start3A_301 = tpu.memref_slice %arg5[%dma_start3A_300] : memref<25600xi32, #tpu.memory_space<vmem>> -> memref<512xi32, #tpu.memory_space<vmem>>
    %dma_start3A_302 = tpu.memref_slice %arg2[%dma_start3A_299, %mul3A_2] : memref<50x16384xi32, #tpu.memory_space<hbm>> -> memref<1x512xi32, #tpu.memory_space<hbm>>
    %dma_start3A_303 = tpu.memref_squeeze %dma_start3A_302 : memref<1x512xi32, #tpu.memory_space<hbm>> -> memref<512xi32, #tpu.memory_space<hbm>>
    %dma_start3A_304 = arith.constant 16896 : i32
    %dma_start3A_305 = tpu.memref_slice %arg5[%dma_start3A_304] : memref<25600xi32, #tpu.memory_space<vmem>> -> memref<512xi32, #tpu.memory_space<vmem>>
    %dma_start3A_306 = tpu.memref_slice %arg2[%dma_start3A_299, %mul3A_2] : memref<50x16384xi32, #tpu.memory_space<hbm>> -> memref<1x512xi32, #tpu.memory_space<hbm>>
    %dma_start3A_307 = tpu.memref_squeeze %dma_start3A_306 : memref<1x512xi32, #tpu.memory_space<hbm>> -> memref<512xi32, #tpu.memory_space<hbm>>
    tpu.enqueue_dma source(%dma_start3A_307 : memref<512xi32, #tpu.memory_space<hbm>>) target(%dma_start3A_305 : memref<512xi32, #tpu.memory_space<vmem>>) target_semaphore(%arg7 : memref<!tpu.dma_semaphore, #tpu.memory_space<semaphore_mem>>)
    %dma_start3A_308 = arith.constant 34 : i32
    %dma_start3A_309 = arith.constant 17408 : i32
    %dma_start3A_310 = tpu.memref_slice %arg5[%dma_start3A_309] : memref<25600xi32, #tpu.memory_space<vmem>> -> memref<512xi32, #tpu.memory_space<vmem>>
    %dma_start3A_311 = tpu.memref_slice %arg2[%dma_start3A_308, %mul3A_2] : memref<50x16384xi32, #tpu.memory_space<hbm>> -> memref<1x512xi32, #tpu.memory_space<hbm>>
    %dma_start3A_312 = tpu.memref_squeeze %dma_start3A_311 : memref<1x512xi32, #tpu.memory_space<hbm>> -> memref<512xi32, #tpu.memory_space<hbm>>
    %dma_start3A_313 = arith.constant 17408 : i32
    %dma_start3A_314 = tpu.memref_slice %arg5[%dma_start3A_313] : memref<25600xi32, #tpu.memory_space<vmem>> -> memref<512xi32, #tpu.memory_space<vmem>>
    %dma_start3A_315 = tpu.memref_slice %arg2[%dma_start3A_308, %mul3A_2] : memref<50x16384xi32, #tpu.memory_space<hbm>> -> memref<1x512xi32, #tpu.memory_space<hbm>>
    %dma_start3A_316 = tpu.memref_squeeze %dma_start3A_315 : memref<1x512xi32, #tpu.memory_space<hbm>> -> memref<512xi32, #tpu.memory_space<hbm>>
    tpu.enqueue_dma source(%dma_start3A_316 : memref<512xi32, #tpu.memory_space<hbm>>) target(%dma_start3A_314 : memref<512xi32, #tpu.memory_space<vmem>>) target_semaphore(%arg7 : memref<!tpu.dma_semaphore, #tpu.memory_space<semaphore_mem>>)
    %dma_start3A_317 = arith.constant 35 : i32
    %dma_start3A_318 = arith.constant 17920 : i32
    %dma_start3A_319 = tpu.memref_slice %arg5[%dma_start3A_318] : memref<25600xi32, #tpu.memory_space<vmem>> -> memref<512xi32, #tpu.memory_space<vmem>>
    %dma_start3A_320 = tpu.memref_slice %arg2[%dma_start3A_317, %mul3A_2] : memref<50x16384xi32, #tpu.memory_space<hbm>> -> memref<1x512xi32, #tpu.memory_space<hbm>>
    %dma_start3A_321 = tpu.memref_squeeze %dma_start3A_320 : memref<1x512xi32, #tpu.memory_space<hbm>> -> memref<512xi32, #tpu.memory_space<hbm>>
    %dma_start3A_322 = arith.constant 17920 : i32
    %dma_start3A_323 = tpu.memref_slice %arg5[%dma_start3A_322] : memref<25600xi32, #tpu.memory_space<vmem>> -> memref<512xi32, #tpu.memory_space<vmem>>
    %dma_start3A_324 = tpu.memref_slice %arg2[%dma_start3A_317, %mul3A_2] : memref<50x16384xi32, #tpu.memory_space<hbm>> -> memref<1x512xi32, #tpu.memory_space<hbm>>
    %dma_start3A_325 = tpu.memref_squeeze %dma_start3A_324 : memref<1x512xi32, #tpu.memory_space<hbm>> -> memref<512xi32, #tpu.memory_space<hbm>>
    tpu.enqueue_dma source(%dma_start3A_325 : memref<512xi32, #tpu.memory_space<hbm>>) target(%dma_start3A_323 : memref<512xi32, #tpu.memory_space<vmem>>) target_semaphore(%arg7 : memref<!tpu.dma_semaphore, #tpu.memory_space<semaphore_mem>>)
    %dma_start3A_326 = arith.constant 36 : i32
    %dma_start3A_327 = arith.constant 18432 : i32
    %dma_start3A_328 = tpu.memref_slice %arg5[%dma_start3A_327] : memref<25600xi32, #tpu.memory_space<vmem>> -> memref<512xi32, #tpu.memory_space<vmem>>
    %dma_start3A_329 = tpu.memref_slice %arg2[%dma_start3A_326, %mul3A_2] : memref<50x16384xi32, #tpu.memory_space<hbm>> -> memref<1x512xi32, #tpu.memory_space<hbm>>
    %dma_start3A_330 = tpu.memref_squeeze %dma_start3A_329 : memref<1x512xi32, #tpu.memory_space<hbm>> -> memref<512xi32, #tpu.memory_space<hbm>>
    %dma_start3A_331 = arith.constant 18432 : i32
    %dma_start3A_332 = tpu.memref_slice %arg5[%dma_start3A_331] : memref<25600xi32, #tpu.memory_space<vmem>> -> memref<512xi32, #tpu.memory_space<vmem>>
    %dma_start3A_333 = tpu.memref_slice %arg2[%dma_start3A_326, %mul3A_2] : memref<50x16384xi32, #tpu.memory_space<hbm>> -> memref<1x512xi32, #tpu.memory_space<hbm>>
    %dma_start3A_334 = tpu.memref_squeeze %dma_start3A_333 : memref<1x512xi32, #tpu.memory_space<hbm>> -> memref<512xi32, #tpu.memory_space<hbm>>
    tpu.enqueue_dma source(%dma_start3A_334 : memref<512xi32, #tpu.memory_space<hbm>>) target(%dma_start3A_332 : memref<512xi32, #tpu.memory_space<vmem>>) target_semaphore(%arg7 : memref<!tpu.dma_semaphore, #tpu.memory_space<semaphore_mem>>)
    %dma_start3A_335 = arith.constant 37 : i32
    %dma_start3A_336 = arith.constant 18944 : i32
    %dma_start3A_337 = tpu.memref_slice %arg5[%dma_start3A_336] : memref<25600xi32, #tpu.memory_space<vmem>> -> memref<512xi32, #tpu.memory_space<vmem>>
    %dma_start3A_338 = tpu.memref_slice %arg2[%dma_start3A_335, %mul3A_2] : memref<50x16384xi32, #tpu.memory_space<hbm>> -> memref<1x512xi32, #tpu.memory_space<hbm>>
    %dma_start3A_339 = tpu.memref_squeeze %dma_start3A_338 : memref<1x512xi32, #tpu.memory_space<hbm>> -> memref<512xi32, #tpu.memory_space<hbm>>
    %dma_start3A_340 = arith.constant 18944 : i32
    %dma_start3A_341 = tpu.memref_slice %arg5[%dma_start3A_340] : memref<25600xi32, #tpu.memory_space<vmem>> -> memref<512xi32, #tpu.memory_space<vmem>>
    %dma_start3A_342 = tpu.memref_slice %arg2[%dma_start3A_335, %mul3A_2] : memref<50x16384xi32, #tpu.memory_space<hbm>> -> memref<1x512xi32, #tpu.memory_space<hbm>>
    %dma_start3A_343 = tpu.memref_squeeze %dma_start3A_342 : memref<1x512xi32, #tpu.memory_space<hbm>> -> memref<512xi32, #tpu.memory_space<hbm>>
    tpu.enqueue_dma source(%dma_start3A_343 : memref<512xi32, #tpu.memory_space<hbm>>) target(%dma_start3A_341 : memref<512xi32, #tpu.memory_space<vmem>>) target_semaphore(%arg7 : memref<!tpu.dma_semaphore, #tpu.memory_space<semaphore_mem>>)
    %dma_start3A_344 = arith.constant 38 : i32
    %dma_start3A_345 = arith.constant 19456 : i32
    %dma_start3A_346 = tpu.memref_slice %arg5[%dma_start3A_345] : memref<25600xi32, #tpu.memory_space<vmem>> -> memref<512xi32, #tpu.memory_space<vmem>>
    %dma_start3A_347 = tpu.memref_slice %arg2[%dma_start3A_344, %mul3A_2] : memref<50x16384xi32, #tpu.memory_space<hbm>> -> memref<1x512xi32, #tpu.memory_space<hbm>>
    %dma_start3A_348 = tpu.memref_squeeze %dma_start3A_347 : memref<1x512xi32, #tpu.memory_space<hbm>> -> memref<512xi32, #tpu.memory_space<hbm>>
    %dma_start3A_349 = arith.constant 19456 : i32
    %dma_start3A_350 = tpu.memref_slice %arg5[%dma_start3A_349] : memref<25600xi32, #tpu.memory_space<vmem>> -> memref<512xi32, #tpu.memory_space<vmem>>
    %dma_start3A_351 = tpu.memref_slice %arg2[%dma_start3A_344, %mul3A_2] : memref<50x16384xi32, #tpu.memory_space<hbm>> -> memref<1x512xi32, #tpu.memory_space<hbm>>
    %dma_start3A_352 = tpu.memref_squeeze %dma_start3A_351 : memref<1x512xi32, #tpu.memory_space<hbm>> -> memref<512xi32, #tpu.memory_space<hbm>>
    tpu.enqueue_dma source(%dma_start3A_352 : memref<512xi32, #tpu.memory_space<hbm>>) target(%dma_start3A_350 : memref<512xi32, #tpu.memory_space<vmem>>) target_semaphore(%arg7 : memref<!tpu.dma_semaphore, #tpu.memory_space<semaphore_mem>>)
    %dma_start3A_353 = arith.constant 39 : i32
    %dma_start3A_354 = arith.constant 19968 : i32
    %dma_start3A_355 = tpu.memref_slice %arg5[%dma_start3A_354] : memref<25600xi32, #tpu.memory_space<vmem>> -> memref<512xi32, #tpu.memory_space<vmem>>
    %dma_start3A_356 = tpu.memref_slice %arg2[%dma_start3A_353, %mul3A_2] : memref<50x16384xi32, #tpu.memory_space<hbm>> -> memref<1x512xi32, #tpu.memory_space<hbm>>
    %dma_start3A_357 = tpu.memref_squeeze %dma_start3A_356 : memref<1x512xi32, #tpu.memory_space<hbm>> -> memref<512xi32, #tpu.memory_space<hbm>>
    %dma_start3A_358 = arith.constant 19968 : i32
    %dma_start3A_359 = tpu.memref_slice %arg5[%dma_start3A_358] : memref<25600xi32, #tpu.memory_space<vmem>> -> memref<512xi32, #tpu.memory_space<vmem>>
    %dma_start3A_360 = tpu.memref_slice %arg2[%dma_start3A_353, %mul3A_2] : memref<50x16384xi32, #tpu.memory_space<hbm>> -> memref<1x512xi32, #tpu.memory_space<hbm>>
    %dma_start3A_361 = tpu.memref_squeeze %dma_start3A_360 : memref<1x512xi32, #tpu.memory_space<hbm>> -> memref<512xi32, #tpu.memory_space<hbm>>
    tpu.enqueue_dma source(%dma_start3A_361 : memref<512xi32, #tpu.memory_space<hbm>>) target(%dma_start3A_359 : memref<512xi32, #tpu.memory_space<vmem>>) target_semaphore(%arg7 : memref<!tpu.dma_semaphore, #tpu.memory_space<semaphore_mem>>)
    %dma_start3A_362 = arith.constant 40 : i32
    %dma_start3A_363 = arith.constant 20480 : i32
    %dma_start3A_364 = tpu.memref_slice %arg5[%dma_start3A_363] : memref<25600xi32, #tpu.memory_space<vmem>> -> memref<512xi32, #tpu.memory_space<vmem>>
    %dma_start3A_365 = tpu.memref_slice %arg2[%dma_start3A_362, %mul3A_2] : memref<50x16384xi32, #tpu.memory_space<hbm>> -> memref<1x512xi32, #tpu.memory_space<hbm>>
    %dma_start3A_366 = tpu.memref_squeeze %dma_start3A_365 : memref<1x512xi32, #tpu.memory_space<hbm>> -> memref<512xi32, #tpu.memory_space<hbm>>
    %dma_start3A_367 = arith.constant 20480 : i32
    %dma_start3A_368 = tpu.memref_slice %arg5[%dma_start3A_367] : memref<25600xi32, #tpu.memory_space<vmem>> -> memref<512xi32, #tpu.memory_space<vmem>>
    %dma_start3A_369 = tpu.memref_slice %arg2[%dma_start3A_362, %mul3A_2] : memref<50x16384xi32, #tpu.memory_space<hbm>> -> memref<1x512xi32, #tpu.memory_space<hbm>>
    %dma_start3A_370 = tpu.memref_squeeze %dma_start3A_369 : memref<1x512xi32, #tpu.memory_space<hbm>> -> memref<512xi32, #tpu.memory_space<hbm>>
    tpu.enqueue_dma source(%dma_start3A_370 : memref<512xi32, #tpu.memory_space<hbm>>) target(%dma_start3A_368 : memref<512xi32, #tpu.memory_space<vmem>>) target_semaphore(%arg7 : memref<!tpu.dma_semaphore, #tpu.memory_space<semaphore_mem>>)
    %dma_start3A_371 = arith.constant 41 : i32
    %dma_start3A_372 = arith.constant 20992 : i32
    %dma_start3A_373 = tpu.memref_slice %arg5[%dma_start3A_372] : memref<25600xi32, #tpu.memory_space<vmem>> -> memref<512xi32, #tpu.memory_space<vmem>>
    %dma_start3A_374 = tpu.memref_slice %arg2[%dma_start3A_371, %mul3A_2] : memref<50x16384xi32, #tpu.memory_space<hbm>> -> memref<1x512xi32, #tpu.memory_space<hbm>>
    %dma_start3A_375 = tpu.memref_squeeze %dma_start3A_374 : memref<1x512xi32, #tpu.memory_space<hbm>> -> memref<512xi32, #tpu.memory_space<hbm>>
    %dma_start3A_376 = arith.constant 20992 : i32
    %dma_start3A_377 = tpu.memref_slice %arg5[%dma_start3A_376] : memref<25600xi32, #tpu.memory_space<vmem>> -> memref<512xi32, #tpu.memory_space<vmem>>
    %dma_start3A_378 = tpu.memref_slice %arg2[%dma_start3A_371, %mul3A_2] : memref<50x16384xi32, #tpu.memory_space<hbm>> -> memref<1x512xi32, #tpu.memory_space<hbm>>
    %dma_start3A_379 = tpu.memref_squeeze %dma_start3A_378 : memref<1x512xi32, #tpu.memory_space<hbm>> -> memref<512xi32, #tpu.memory_space<hbm>>
    tpu.enqueue_dma source(%dma_start3A_379 : memref<512xi32, #tpu.memory_space<hbm>>) target(%dma_start3A_377 : memref<512xi32, #tpu.memory_space<vmem>>) target_semaphore(%arg7 : memref<!tpu.dma_semaphore, #tpu.memory_space<semaphore_mem>>)
    %dma_start3A_380 = arith.constant 42 : i32
    %dma_start3A_381 = arith.constant 21504 : i32
    %dma_start3A_382 = tpu.memref_slice %arg5[%dma_start3A_381] : memref<25600xi32, #tpu.memory_space<vmem>> -> memref<512xi32, #tpu.memory_space<vmem>>
    %dma_start3A_383 = tpu.memref_slice %arg2[%dma_start3A_380, %mul3A_2] : memref<50x16384xi32, #tpu.memory_space<hbm>> -> memref<1x512xi32, #tpu.memory_space<hbm>>
    %dma_start3A_384 = tpu.memref_squeeze %dma_start3A_383 : memref<1x512xi32, #tpu.memory_space<hbm>> -> memref<512xi32, #tpu.memory_space<hbm>>
    %dma_start3A_385 = arith.constant 21504 : i32
    %dma_start3A_386 = tpu.memref_slice %arg5[%dma_start3A_385] : memref<25600xi32, #tpu.memory_space<vmem>> -> memref<512xi32, #tpu.memory_space<vmem>>
    %dma_start3A_387 = tpu.memref_slice %arg2[%dma_start3A_380, %mul3A_2] : memref<50x16384xi32, #tpu.memory_space<hbm>> -> memref<1x512xi32, #tpu.memory_space<hbm>>
    %dma_start3A_388 = tpu.memref_squeeze %dma_start3A_387 : memref<1x512xi32, #tpu.memory_space<hbm>> -> memref<512xi32, #tpu.memory_space<hbm>>
    tpu.enqueue_dma source(%dma_start3A_388 : memref<512xi32, #tpu.memory_space<hbm>>) target(%dma_start3A_386 : memref<512xi32, #tpu.memory_space<vmem>>) target_semaphore(%arg7 : memref<!tpu.dma_semaphore, #tpu.memory_space<semaphore_mem>>)
    %dma_start3A_389 = arith.constant 43 : i32
    %dma_start3A_390 = arith.constant 22016 : i32
    %dma_start3A_391 = tpu.memref_slice %arg5[%dma_start3A_390] : memref<25600xi32, #tpu.memory_space<vmem>> -> memref<512xi32, #tpu.memory_space<vmem>>
    %dma_start3A_392 = tpu.memref_slice %arg2[%dma_start3A_389, %mul3A_2] : memref<50x16384xi32, #tpu.memory_space<hbm>> -> memref<1x512xi32, #tpu.memory_space<hbm>>
    %dma_start3A_393 = tpu.memref_squeeze %dma_start3A_392 : memref<1x512xi32, #tpu.memory_space<hbm>> -> memref<512xi32, #tpu.memory_space<hbm>>
    %dma_start3A_394 = arith.constant 22016 : i32
    %dma_start3A_395 = tpu.memref_slice %arg5[%dma_start3A_394] : memref<25600xi32, #tpu.memory_space<vmem>> -> memref<512xi32, #tpu.memory_space<vmem>>
    %dma_start3A_396 = tpu.memref_slice %arg2[%dma_start3A_389, %mul3A_2] : memref<50x16384xi32, #tpu.memory_space<hbm>> -> memref<1x512xi32, #tpu.memory_space<hbm>>
    %dma_start3A_397 = tpu.memref_squeeze %dma_start3A_396 : memref<1x512xi32, #tpu.memory_space<hbm>> -> memref<512xi32, #tpu.memory_space<hbm>>
    tpu.enqueue_dma source(%dma_start3A_397 : memref<512xi32, #tpu.memory_space<hbm>>) target(%dma_start3A_395 : memref<512xi32, #tpu.memory_space<vmem>>) target_semaphore(%arg7 : memref<!tpu.dma_semaphore, #tpu.memory_space<semaphore_mem>>)
    %dma_start3A_398 = arith.constant 44 : i32
    %dma_start3A_399 = arith.constant 22528 : i32
    %dma_start3A_400 = tpu.memref_slice %arg5[%dma_start3A_399] : memref<25600xi32, #tpu.memory_space<vmem>> -> memref<512xi32, #tpu.memory_space<vmem>>
    %dma_start3A_401 = tpu.memref_slice %arg2[%dma_start3A_398, %mul3A_2] : memref<50x16384xi32, #tpu.memory_space<hbm>> -> memref<1x512xi32, #tpu.memory_space<hbm>>
    %dma_start3A_402 = tpu.memref_squeeze %dma_start3A_401 : memref<1x512xi32, #tpu.memory_space<hbm>> -> memref<512xi32, #tpu.memory_space<hbm>>
    %dma_start3A_403 = arith.constant 22528 : i32
    %dma_start3A_404 = tpu.memref_slice %arg5[%dma_start3A_403] : memref<25600xi32, #tpu.memory_space<vmem>> -> memref<512xi32, #tpu.memory_space<vmem>>
    %dma_start3A_405 = tpu.memref_slice %arg2[%dma_start3A_398, %mul3A_2] : memref<50x16384xi32, #tpu.memory_space<hbm>> -> memref<1x512xi32, #tpu.memory_space<hbm>>
    %dma_start3A_406 = tpu.memref_squeeze %dma_start3A_405 : memref<1x512xi32, #tpu.memory_space<hbm>> -> memref<512xi32, #tpu.memory_space<hbm>>
    tpu.enqueue_dma source(%dma_start3A_406 : memref<512xi32, #tpu.memory_space<hbm>>) target(%dma_start3A_404 : memref<512xi32, #tpu.memory_space<vmem>>) target_semaphore(%arg7 : memref<!tpu.dma_semaphore, #tpu.memory_space<semaphore_mem>>)
    %dma_start3A_407 = arith.constant 45 : i32
    %dma_start3A_408 = arith.constant 23040 : i32
    %dma_start3A_409 = tpu.memref_slice %arg5[%dma_start3A_408] : memref<25600xi32, #tpu.memory_space<vmem>> -> memref<512xi32, #tpu.memory_space<vmem>>
    %dma_start3A_410 = tpu.memref_slice %arg2[%dma_start3A_407, %mul3A_2] : memref<50x16384xi32, #tpu.memory_space<hbm>> -> memref<1x512xi32, #tpu.memory_space<hbm>>
    %dma_start3A_411 = tpu.memref_squeeze %dma_start3A_410 : memref<1x512xi32, #tpu.memory_space<hbm>> -> memref<512xi32, #tpu.memory_space<hbm>>
    %dma_start3A_412 = arith.constant 23040 : i32
    %dma_start3A_413 = tpu.memref_slice %arg5[%dma_start3A_412] : memref<25600xi32, #tpu.memory_space<vmem>> -> memref<512xi32, #tpu.memory_space<vmem>>
    %dma_start3A_414 = tpu.memref_slice %arg2[%dma_start3A_407, %mul3A_2] : memref<50x16384xi32, #tpu.memory_space<hbm>> -> memref<1x512xi32, #tpu.memory_space<hbm>>
    %dma_start3A_415 = tpu.memref_squeeze %dma_start3A_414 : memref<1x512xi32, #tpu.memory_space<hbm>> -> memref<512xi32, #tpu.memory_space<hbm>>
    tpu.enqueue_dma source(%dma_start3A_415 : memref<512xi32, #tpu.memory_space<hbm>>) target(%dma_start3A_413 : memref<512xi32, #tpu.memory_space<vmem>>) target_semaphore(%arg7 : memref<!tpu.dma_semaphore, #tpu.memory_space<semaphore_mem>>)
    %dma_start3A_416 = arith.constant 46 : i32
    %dma_start3A_417 = arith.constant 23552 : i32
    %dma_start3A_418 = tpu.memref_slice %arg5[%dma_start3A_417] : memref<25600xi32, #tpu.memory_space<vmem>> -> memref<512xi32, #tpu.memory_space<vmem>>
    %dma_start3A_419 = tpu.memref_slice %arg2[%dma_start3A_416, %mul3A_2] : memref<50x16384xi32, #tpu.memory_space<hbm>> -> memref<1x512xi32, #tpu.memory_space<hbm>>
    %dma_start3A_420 = tpu.memref_squeeze %dma_start3A_419 : memref<1x512xi32, #tpu.memory_space<hbm>> -> memref<512xi32, #tpu.memory_space<hbm>>
    %dma_start3A_421 = arith.constant 23552 : i32
    %dma_start3A_422 = tpu.memref_slice %arg5[%dma_start3A_421] : memref<25600xi32, #tpu.memory_space<vmem>> -> memref<512xi32, #tpu.memory_space<vmem>>
    %dma_start3A_423 = tpu.memref_slice %arg2[%dma_start3A_416, %mul3A_2] : memref<50x16384xi32, #tpu.memory_space<hbm>> -> memref<1x512xi32, #tpu.memory_space<hbm>>
    %dma_start3A_424 = tpu.memref_squeeze %dma_start3A_423 : memref<1x512xi32, #tpu.memory_space<hbm>> -> memref<512xi32, #tpu.memory_space<hbm>>
    tpu.enqueue_dma source(%dma_start3A_424 : memref<512xi32, #tpu.memory_space<hbm>>) target(%dma_start3A_422 : memref<512xi32, #tpu.memory_space<vmem>>) target_semaphore(%arg7 : memref<!tpu.dma_semaphore, #tpu.memory_space<semaphore_mem>>)
    %dma_start3A_425 = arith.constant 47 : i32
    %dma_start3A_426 = arith.constant 24064 : i32
    %dma_start3A_427 = tpu.memref_slice %arg5[%dma_start3A_426] : memref<25600xi32, #tpu.memory_space<vmem>> -> memref<512xi32, #tpu.memory_space<vmem>>
    %dma_start3A_428 = tpu.memref_slice %arg2[%dma_start3A_425, %mul3A_2] : memref<50x16384xi32, #tpu.memory_space<hbm>> -> memref<1x512xi32, #tpu.memory_space<hbm>>
    %dma_start3A_429 = tpu.memref_squeeze %dma_start3A_428 : memref<1x512xi32, #tpu.memory_space<hbm>> -> memref<512xi32, #tpu.memory_space<hbm>>
    %dma_start3A_430 = arith.constant 24064 : i32
    %dma_start3A_431 = tpu.memref_slice %arg5[%dma_start3A_430] : memref<25600xi32, #tpu.memory_space<vmem>> -> memref<512xi32, #tpu.memory_space<vmem>>
    %dma_start3A_432 = tpu.memref_slice %arg2[%dma_start3A_425, %mul3A_2] : memref<50x16384xi32, #tpu.memory_space<hbm>> -> memref<1x512xi32, #tpu.memory_space<hbm>>
    %dma_start3A_433 = tpu.memref_squeeze %dma_start3A_432 : memref<1x512xi32, #tpu.memory_space<hbm>> -> memref<512xi32, #tpu.memory_space<hbm>>
    tpu.enqueue_dma source(%dma_start3A_433 : memref<512xi32, #tpu.memory_space<hbm>>) target(%dma_start3A_431 : memref<512xi32, #tpu.memory_space<vmem>>) target_semaphore(%arg7 : memref<!tpu.dma_semaphore, #tpu.memory_space<semaphore_mem>>)
    %dma_start3A_434 = arith.constant 48 : i32
    %dma_start3A_435 = arith.constant 24576 : i32
    %dma_start3A_436 = tpu.memref_slice %arg5[%dma_start3A_435] : memref<25600xi32, #tpu.memory_space<vmem>> -> memref<512xi32, #tpu.memory_space<vmem>>
    %dma_start3A_437 = tpu.memref_slice %arg2[%dma_start3A_434, %mul3A_2] : memref<50x16384xi32, #tpu.memory_space<hbm>> -> memref<1x512xi32, #tpu.memory_space<hbm>>
    %dma_start3A_438 = tpu.memref_squeeze %dma_start3A_437 : memref<1x512xi32, #tpu.memory_space<hbm>> -> memref<512xi32, #tpu.memory_space<hbm>>
    %dma_start3A_439 = arith.constant 24576 : i32
    %dma_start3A_440 = tpu.memref_slice %arg5[%dma_start3A_439] : memref<25600xi32, #tpu.memory_space<vmem>> -> memref<512xi32, #tpu.memory_space<vmem>>
    %dma_start3A_441 = tpu.memref_slice %arg2[%dma_start3A_434, %mul3A_2] : memref<50x16384xi32, #tpu.memory_space<hbm>> -> memref<1x512xi32, #tpu.memory_space<hbm>>
    %dma_start3A_442 = tpu.memref_squeeze %dma_start3A_441 : memref<1x512xi32, #tpu.memory_space<hbm>> -> memref<512xi32, #tpu.memory_space<hbm>>
    tpu.enqueue_dma source(%dma_start3A_442 : memref<512xi32, #tpu.memory_space<hbm>>) target(%dma_start3A_440 : memref<512xi32, #tpu.memory_space<vmem>>) target_semaphore(%arg7 : memref<!tpu.dma_semaphore, #tpu.memory_space<semaphore_mem>>)
    %dma_start3A_443 = arith.constant 49 : i32
    %dma_start3A_444 = arith.constant 25088 : i32
    %dma_start3A_445 = tpu.memref_slice %arg5[%dma_start3A_444] : memref<25600xi32, #tpu.memory_space<vmem>> -> memref<512xi32, #tpu.memory_space<vmem>>
    %dma_start3A_446 = tpu.memref_slice %arg2[%dma_start3A_443, %mul3A_2] : memref<50x16384xi32, #tpu.memory_space<hbm>> -> memref<1x512xi32, #tpu.memory_space<hbm>>
    %dma_start3A_447 = tpu.memref_squeeze %dma_start3A_446 : memref<1x512xi32, #tpu.memory_space<hbm>> -> memref<512xi32, #tpu.memory_space<hbm>>
    %dma_start3A_448 = arith.constant 25088 : i32
    %dma_start3A_449 = tpu.memref_slice %arg5[%dma_start3A_448] : memref<25600xi32, #tpu.memory_space<vmem>> -> memref<512xi32, #tpu.memory_space<vmem>>
    %dma_start3A_450 = tpu.memref_slice %arg2[%dma_start3A_443, %mul3A_2] : memref<50x16384xi32, #tpu.memory_space<hbm>> -> memref<1x512xi32, #tpu.memory_space<hbm>>
    %dma_start3A_451 = tpu.memref_squeeze %dma_start3A_450 : memref<1x512xi32, #tpu.memory_space<hbm>> -> memref<512xi32, #tpu.memory_space<hbm>>
    tpu.enqueue_dma source(%dma_start3A_451 : memref<512xi32, #tpu.memory_space<hbm>>) target(%dma_start3A_449 : memref<512xi32, #tpu.memory_space<vmem>>) target_semaphore(%arg7 : memref<!tpu.dma_semaphore, #tpu.memory_space<semaphore_mem>>)
    %broadcast_in_dim3A = arith.constant 0.000000e+00 : f32
    %broadcast_in_dim3A_452 = vector.broadcast %broadcast_in_dim3A : f32 to vector<16xf32>
    %scan3A = arith.constant 0 : i32
    %scan3A_453 = arith.constant 0 : i32
    %scan3A_454 = arith.constant 64 : i32
    %scan3A_455 = arith.addi %scan3A_453, %scan3A_454 : i32
    %scan3A_456 = arith.constant 1 : i32
    %scan3A_457 = scf.for %scan3A_1408 = %scan3A_453 to %scan3A_455 step %scan3A_456 iter_args(%scan3A_1409 = %scan3A) -> (i32)  : i32 {
      %mul3A_1410 = arith.constant 8 : i32
      %mul3A_1411 = arith.muli %scan3A_1408, %mul3A_1410 : i32
      %add3A_1412 = arith.constant 0 : i32
      %add3A_1413 = arith.addi %mul3A_1411, %add3A_1412 : i32
      %swap3A = arith.index_cast %add3A_1413 : i32 to index
      %swap3A_1414 = arith.constant 0 : index
      %swap3A_1415 = tpu.vector_load %arg6[%swap3A, %swap3A_1414] {strides = array<i32>} : memref<512x32xf32, #tpu.memory_space<vmem>>, vector<1x16xf32>,
      %swap3A_1416 = vector.shape_cast %swap3A_1415 : vector<1x16xf32> to vector<16xf32>
      %swap3A_1417 = vector.shape_cast %broadcast_in_dim3A_452 : vector<16xf32> to vector<1x16xf32>
      tpu.vector_store %arg6[%swap3A, %swap3A_1414], %swap3A_1417 {strides = array<i32>} : memref<512x32xf32, #tpu.memory_space<vmem>>, vector<1x16xf32>,
      %add3A_1418 = arith.constant 0 : i32
      %add3A_1419 = arith.addi %mul3A_1411, %add3A_1418 : i32
      %swap3A_1420 = arith.index_cast %add3A_1419 : i32 to index
      %swap3A_1421 = arith.constant 16 : index
      %swap3A_1422 = tpu.vector_load %arg6[%swap3A_1420, %swap3A_1421] {strides = array<i32>} : memref<512x32xf32, #tpu.memory_space<vmem>>, vector<1x16xf32>,
      %swap3A_1423 = vector.shape_cast %swap3A_1422 : vector<1x16xf32> to vector<16xf32>
      %swap3A_1424 = vector.shape_cast %broadcast_in_dim3A_452 : vector<16xf32> to vector<1x16xf32>
      tpu.vector_store %arg6[%swap3A_1420, %swap3A_1421], %swap3A_1424 {strides = array<i32>} : memref<512x32xf32, #tpu.memory_space<vmem>>, vector<1x16xf32>,
      %add3A_1425 = arith.constant 1 : i32
      %add3A_1426 = arith.addi %mul3A_1411, %add3A_1425 : i32
      %swap3A_1427 = arith.index_cast %add3A_1426 : i32 to index
      %swap3A_1428 = arith.constant 0 : index
      %swap3A_1429 = tpu.vector_load %arg6[%swap3A_1427, %swap3A_1428] {strides = array<i32>} : memref<512x32xf32, #tpu.memory_space<vmem>>, vector<1x16xf32>,
      %swap3A_1430 = vector.shape_cast %swap3A_1429 : vector<1x16xf32> to vector<16xf32>
      %swap3A_1431 = vector.shape_cast %broadcast_in_dim3A_452 : vector<16xf32> to vector<1x16xf32>
      tpu.vector_store %arg6[%swap3A_1427, %swap3A_1428], %swap3A_1431 {strides = array<i32>} : memref<512x32xf32, #tpu.memory_space<vmem>>, vector<1x16xf32>,
      %add3A_1432 = arith.constant 1 : i32
      %add3A_1433 = arith.addi %mul3A_1411, %add3A_1432 : i32
      %swap3A_1434 = arith.index_cast %add3A_1433 : i32 to index
      %swap3A_1435 = arith.constant 16 : index
      %swap3A_1436 = tpu.vector_load %arg6[%swap3A_1434, %swap3A_1435] {strides = array<i32>} : memref<512x32xf32, #tpu.memory_space<vmem>>, vector<1x16xf32>,
      %swap3A_1437 = vector.shape_cast %swap3A_1436 : vector<1x16xf32> to vector<16xf32>
      %swap3A_1438 = vector.shape_cast %broadcast_in_dim3A_452 : vector<16xf32> to vector<1x16xf32>
      tpu.vector_store %arg6[%swap3A_1434, %swap3A_1435], %swap3A_1438 {strides = array<i32>} : memref<512x32xf32, #tpu.memory_space<vmem>>, vector<1x16xf32>,
      %add3A_1439 = arith.constant 2 : i32
      %add3A_1440 = arith.addi %mul3A_1411, %add3A_1439 : i32
      %swap3A_1441 = arith.index_cast %add3A_1440 : i32 to index
      %swap3A_1442 = arith.constant 0 : index
      %swap3A_1443 = tpu.vector_load %arg6[%swap3A_1441, %swap3A_1442] {strides = array<i32>} : memref<512x32xf32, #tpu.memory_space<vmem>>, vector<1x16xf32>,
      %swap3A_1444 = vector.shape_cast %swap3A_1443 : vector<1x16xf32> to vector<16xf32>
      %swap3A_1445 = vector.shape_cast %broadcast_in_dim3A_452 : vector<16xf32> to vector<1x16xf32>
      tpu.vector_store %arg6[%swap3A_1441, %swap3A_1442], %swap3A_1445 {strides = array<i32>} : memref<512x32xf32, #tpu.memory_space<vmem>>, vector<1x16xf32>,
      %add3A_1446 = arith.constant 2 : i32
      %add3A_1447 = arith.addi %mul3A_1411, %add3A_1446 : i32
      %swap3A_1448 = arith.index_cast %add3A_1447 : i32 to index
      %swap3A_1449 = arith.constant 16 : index
      %swap3A_1450 = tpu.vector_load %arg6[%swap3A_1448, %swap3A_1449] {strides = array<i32>} : memref<512x32xf32, #tpu.memory_space<vmem>>, vector<1x16xf32>,
      %swap3A_1451 = vector.shape_cast %swap3A_1450 : vector<1x16xf32> to vector<16xf32>
      %swap3A_1452 = vector.shape_cast %broadcast_in_dim3A_452 : vector<16xf32> to vector<1x16xf32>
      tpu.vector_store %arg6[%swap3A_1448, %swap3A_1449], %swap3A_1452 {strides = array<i32>} : memref<512x32xf32, #tpu.memory_space<vmem>>, vector<1x16xf32>,
      %add3A_1453 = arith.constant 3 : i32
      %add3A_1454 = arith.addi %mul3A_1411, %add3A_1453 : i32
      %swap3A_1455 = arith.index_cast %add3A_1454 : i32 to index
      %swap3A_1456 = arith.constant 0 : index
      %swap3A_1457 = tpu.vector_load %arg6[%swap3A_1455, %swap3A_1456] {strides = array<i32>} : memref<512x32xf32, #tpu.memory_space<vmem>>, vector<1x16xf32>,
      %swap3A_1458 = vector.shape_cast %swap3A_1457 : vector<1x16xf32> to vector<16xf32>
      %swap3A_1459 = vector.shape_cast %broadcast_in_dim3A_452 : vector<16xf32> to vector<1x16xf32>
      tpu.vector_store %arg6[%swap3A_1455, %swap3A_1456], %swap3A_1459 {strides = array<i32>} : memref<512x32xf32, #tpu.memory_space<vmem>>, vector<1x16xf32>,
      %add3A_1460 = arith.constant 3 : i32
      %add3A_1461 = arith.addi %mul3A_1411, %add3A_1460 : i32
      %swap3A_1462 = arith.index_cast %add3A_1461 : i32 to index
      %swap3A_1463 = arith.constant 16 : index
      %swap3A_1464 = tpu.vector_load %arg6[%swap3A_1462, %swap3A_1463] {strides = array<i32>} : memref<512x32xf32, #tpu.memory_space<vmem>>, vector<1x16xf32>,
      %swap3A_1465 = vector.shape_cast %swap3A_1464 : vector<1x16xf32> to vector<16xf32>
      %swap3A_1466 = vector.shape_cast %broadcast_in_dim3A_452 : vector<16xf32> to vector<1x16xf32>
      tpu.vector_store %arg6[%swap3A_1462, %swap3A_1463], %swap3A_1466 {strides = array<i32>} : memref<512x32xf32, #tpu.memory_space<vmem>>, vector<1x16xf32>,
      %add3A_1467 = arith.constant 4 : i32
      %add3A_1468 = arith.addi %mul3A_1411, %add3A_1467 : i32
      %swap3A_1469 = arith.index_cast %add3A_1468 : i32 to index
      %swap3A_1470 = arith.constant 0 : index
      %swap3A_1471 = tpu.vector_load %arg6[%swap3A_1469, %swap3A_1470] {strides = array<i32>} : memref<512x32xf32, #tpu.memory_space<vmem>>, vector<1x16xf32>,
      %swap3A_1472 = vector.shape_cast %swap3A_1471 : vector<1x16xf32> to vector<16xf32>
      %swap3A_1473 = vector.shape_cast %broadcast_in_dim3A_452 : vector<16xf32> to vector<1x16xf32>
      tpu.vector_store %arg6[%swap3A_1469, %swap3A_1470], %swap3A_1473 {strides = array<i32>} : memref<512x32xf32, #tpu.memory_space<vmem>>, vector<1x16xf32>,
      %add3A_1474 = arith.constant 4 : i32
      %add3A_1475 = arith.addi %mul3A_1411, %add3A_1474 : i32
      %swap3A_1476 = arith.index_cast %add3A_1475 : i32 to index
      %swap3A_1477 = arith.constant 16 : index
      %swap3A_1478 = tpu.vector_load %arg6[%swap3A_1476, %swap3A_1477] {strides = array<i32>} : memref<512x32xf32, #tpu.memory_space<vmem>>, vector<1x16xf32>,
      %swap3A_1479 = vector.shape_cast %swap3A_1478 : vector<1x16xf32> to vector<16xf32>
      %swap3A_1480 = vector.shape_cast %broadcast_in_dim3A_452 : vector<16xf32> to vector<1x16xf32>
      tpu.vector_store %arg6[%swap3A_1476, %swap3A_1477], %swap3A_1480 {strides = array<i32>} : memref<512x32xf32, #tpu.memory_space<vmem>>, vector<1x16xf32>,
      %add3A_1481 = arith.constant 5 : i32
      %add3A_1482 = arith.addi %mul3A_1411, %add3A_1481 : i32
      %swap3A_1483 = arith.index_cast %add3A_1482 : i32 to index
      %swap3A_1484 = arith.constant 0 : index
      %swap3A_1485 = tpu.vector_load %arg6[%swap3A_1483, %swap3A_1484] {strides = array<i32>} : memref<512x32xf32, #tpu.memory_space<vmem>>, vector<1x16xf32>,
      %swap3A_1486 = vector.shape_cast %swap3A_1485 : vector<1x16xf32> to vector<16xf32>
      %swap3A_1487 = vector.shape_cast %broadcast_in_dim3A_452 : vector<16xf32> to vector<1x16xf32>
      tpu.vector_store %arg6[%swap3A_1483, %swap3A_1484], %swap3A_1487 {strides = array<i32>} : memref<512x32xf32, #tpu.memory_space<vmem>>, vector<1x16xf32>,
      %add3A_1488 = arith.constant 5 : i32
      %add3A_1489 = arith.addi %mul3A_1411, %add3A_1488 : i32
      %swap3A_1490 = arith.index_cast %add3A_1489 : i32 to index
      %swap3A_1491 = arith.constant 16 : index
      %swap3A_1492 = tpu.vector_load %arg6[%swap3A_1490, %swap3A_1491] {strides = array<i32>} : memref<512x32xf32, #tpu.memory_space<vmem>>, vector<1x16xf32>,
      %swap3A_1493 = vector.shape_cast %swap3A_1492 : vector<1x16xf32> to vector<16xf32>
      %swap3A_1494 = vector.shape_cast %broadcast_in_dim3A_452 : vector<16xf32> to vector<1x16xf32>
      tpu.vector_store %arg6[%swap3A_1490, %swap3A_1491], %swap3A_1494 {strides = array<i32>} : memref<512x32xf32, #tpu.memory_space<vmem>>, vector<1x16xf32>,
      %add3A_1495 = arith.constant 6 : i32
      %add3A_1496 = arith.addi %mul3A_1411, %add3A_1495 : i32
      %swap3A_1497 = arith.index_cast %add3A_1496 : i32 to index
      %swap3A_1498 = arith.constant 0 : index
      %swap3A_1499 = tpu.vector_load %arg6[%swap3A_1497, %swap3A_1498] {strides = array<i32>} : memref<512x32xf32, #tpu.memory_space<vmem>>, vector<1x16xf32>,
      %swap3A_1500 = vector.shape_cast %swap3A_1499 : vector<1x16xf32> to vector<16xf32>
      %swap3A_1501 = vector.shape_cast %broadcast_in_dim3A_452 : vector<16xf32> to vector<1x16xf32>
      tpu.vector_store %arg6[%swap3A_1497, %swap3A_1498], %swap3A_1501 {strides = array<i32>} : memref<512x32xf32, #tpu.memory_space<vmem>>, vector<1x16xf32>,
      %add3A_1502 = arith.constant 6 : i32
      %add3A_1503 = arith.addi %mul3A_1411, %add3A_1502 : i32
      %swap3A_1504 = arith.index_cast %add3A_1503 : i32 to index
      %swap3A_1505 = arith.constant 16 : index
      %swap3A_1506 = tpu.vector_load %arg6[%swap3A_1504, %swap3A_1505] {strides = array<i32>} : memref<512x32xf32, #tpu.memory_space<vmem>>, vector<1x16xf32>,
      %swap3A_1507 = vector.shape_cast %swap3A_1506 : vector<1x16xf32> to vector<16xf32>
      %swap3A_1508 = vector.shape_cast %broadcast_in_dim3A_452 : vector<16xf32> to vector<1x16xf32>
      tpu.vector_store %arg6[%swap3A_1504, %swap3A_1505], %swap3A_1508 {strides = array<i32>} : memref<512x32xf32, #tpu.memory_space<vmem>>, vector<1x16xf32>,
      %add3A_1509 = arith.constant 7 : i32
      %add3A_1510 = arith.addi %mul3A_1411, %add3A_1509 : i32
      %swap3A_1511 = arith.index_cast %add3A_1510 : i32 to index
      %swap3A_1512 = arith.constant 0 : index
      %swap3A_1513 = tpu.vector_load %arg6[%swap3A_1511, %swap3A_1512] {strides = array<i32>} : memref<512x32xf32, #tpu.memory_space<vmem>>, vector<1x16xf32>,
      %swap3A_1514 = vector.shape_cast %swap3A_1513 : vector<1x16xf32> to vector<16xf32>
      %swap3A_1515 = vector.shape_cast %broadcast_in_dim3A_452 : vector<16xf32> to vector<1x16xf32>
      tpu.vector_store %arg6[%swap3A_1511, %swap3A_1512], %swap3A_1515 {strides = array<i32>} : memref<512x32xf32, #tpu.memory_space<vmem>>, vector<1x16xf32>,
      %add3A_1516 = arith.constant 7 : i32
      %add3A_1517 = arith.addi %mul3A_1411, %add3A_1516 : i32
      %swap3A_1518 = arith.index_cast %add3A_1517 : i32 to index
      %swap3A_1519 = arith.constant 16 : index
      %swap3A_1520 = tpu.vector_load %arg6[%swap3A_1518, %swap3A_1519] {strides = array<i32>} : memref<512x32xf32, #tpu.memory_space<vmem>>, vector<1x16xf32>,
      %swap3A_1521 = vector.shape_cast %swap3A_1520 : vector<1x16xf32> to vector<16xf32>
      %swap3A_1522 = vector.shape_cast %broadcast_in_dim3A_452 : vector<16xf32> to vector<1x16xf32>
      tpu.vector_store %arg6[%swap3A_1518, %swap3A_1519], %swap3A_1522 {strides = array<i32>} : memref<512x32xf32, #tpu.memory_space<vmem>>, vector<1x16xf32>,
      %scan3A_1523 = arith.constant 0 : i32
      scf.yield %scan3A_1523 : i32
    }
    %scan3A_458 = arith.constant 64 : i32
    %dma_wait3A = arith.constant 0 : i32
    %dma_wait3A_459 = arith.constant 0 : i32
    %dma_wait3A_460 = tpu.memref_slice %arg5[%dma_wait3A_459] : memref<25600xi32, #tpu.memory_space<vmem>> -> memref<512xi32, #tpu.memory_space<vmem>>
    %dma_wait3A_461 = tpu.memref_slice %arg2[%dma_wait3A, %mul3A_2] : memref<50x16384xi32, #tpu.memory_space<hbm>> -> memref<1x512xi32, #tpu.memory_space<hbm>>
    %dma_wait3A_462 = tpu.memref_squeeze %dma_wait3A_461 : memref<1x512xi32, #tpu.memory_space<hbm>> -> memref<512xi32, #tpu.memory_space<hbm>>
    %dma_wait3A_463 = arith.constant 0 : i32
    %dma_wait3A_464 = tpu.memref_slice %arg5[%dma_wait3A_463] : memref<25600xi32, #tpu.memory_space<vmem>> -> memref<512xi32, #tpu.memory_space<vmem>>
    %dma_wait3A_465 = tpu.memref_slice %arg2[%dma_wait3A, %mul3A_2] : memref<50x16384xi32, #tpu.memory_space<hbm>> -> memref<1x512xi32, #tpu.memory_space<hbm>>
    %dma_wait3A_466 = tpu.memref_squeeze %dma_wait3A_465 : memref<1x512xi32, #tpu.memory_space<hbm>> -> memref<512xi32, #tpu.memory_space<hbm>>
    tpu.wait_dma2 semaphore(%arg7 : memref<!tpu.dma_semaphore, #tpu.memory_space<semaphore_mem>>) src(%dma_wait3A_466 : memref<512xi32, #tpu.memory_space<hbm>>) dst(%dma_wait3A_464 : memref<512xi32, #tpu.memory_space<vmem>>)
    %dma_start3A_467 = arith.constant 0 : i32
    %dma_start3A_468 = tpu.memref_slice %arg5[%dma_start3A_467] : memref<25600xi32, #tpu.memory_space<vmem>> -> memref<512xi32, #tpu.memory_space<vmem>>
    %dma_start3A_469 = arith.constant 0 : i32
    %dma_start3A_470 = arith.constant 0 : i32
    %dma_start3A_471 = tpu.memref_slice %arg3[%dma_start3A_469, %dma_start3A_470] : memref<1048576x32xf32, #tpu.memory_space<hbm>> -> memref<1048576x32xf32, #tpu.memory_space<hbm>>
    tpu.enqueue_indirect_dma source(%dma_start3A_471 : memref<1048576x32xf32, #tpu.memory_space<hbm>>) target(%arg6 : memref<512x32xf32, #tpu.memory_space<vmem>>) offsets(%dma_start3A_468 : memref<512xi32, #tpu.memory_space<vmem>>) semaphore(%arg8 : memref<!tpu.dma_semaphore, #tpu.memory_space<semaphore_mem>>) {add = true}
    %dma_wait3A_472 = arith.constant 1 : i32
    %dma_wait3A_473 = arith.constant 512 : i32
    %dma_wait3A_474 = tpu.memref_slice %arg5[%dma_wait3A_473] : memref<25600xi32, #tpu.memory_space<vmem>> -> memref<512xi32, #tpu.memory_space<vmem>>
    %dma_wait3A_475 = tpu.memref_slice %arg2[%dma_wait3A_472, %mul3A_2] : memref<50x16384xi32, #tpu.memory_space<hbm>> -> memref<1x512xi32, #tpu.memory_space<hbm>>
    %dma_wait3A_476 = tpu.memref_squeeze %dma_wait3A_475 : memref<1x512xi32, #tpu.memory_space<hbm>> -> memref<512xi32, #tpu.memory_space<hbm>>
    %dma_wait3A_477 = arith.constant 512 : i32
    %dma_wait3A_478 = tpu.memref_slice %arg5[%dma_wait3A_477] : memref<25600xi32, #tpu.memory_space<vmem>> -> memref<512xi32, #tpu.memory_space<vmem>>
    %dma_wait3A_479 = tpu.memref_slice %arg2[%dma_wait3A_472, %mul3A_2] : memref<50x16384xi32, #tpu.memory_space<hbm>> -> memref<1x512xi32, #tpu.memory_space<hbm>>
    %dma_wait3A_480 = tpu.memref_squeeze %dma_wait3A_479 : memref<1x512xi32, #tpu.memory_space<hbm>> -> memref<512xi32, #tpu.memory_space<hbm>>
    tpu.wait_dma2 semaphore(%arg7 : memref<!tpu.dma_semaphore, #tpu.memory_space<semaphore_mem>>) src(%dma_wait3A_480 : memref<512xi32, #tpu.memory_space<hbm>>) dst(%dma_wait3A_478 : memref<512xi32, #tpu.memory_space<vmem>>)
    %dma_start3A_481 = arith.constant 512 : i32
    %dma_start3A_482 = tpu.memref_slice %arg5[%dma_start3A_481] : memref<25600xi32, #tpu.memory_space<vmem>> -> memref<512xi32, #tpu.memory_space<vmem>>
    %dma_start3A_483 = arith.constant 0 : i32
    %dma_start3A_484 = arith.constant 0 : i32
    %dma_start3A_485 = tpu.memref_slice %arg3[%dma_start3A_483, %dma_start3A_484] : memref<1048576x32xf32, #tpu.memory_space<hbm>> -> memref<1048576x32xf32, #tpu.memory_space<hbm>>
    tpu.enqueue_indirect_dma source(%dma_start3A_485 : memref<1048576x32xf32, #tpu.memory_space<hbm>>) target(%arg6 : memref<512x32xf32, #tpu.memory_space<vmem>>) offsets(%dma_start3A_482 : memref<512xi32, #tpu.memory_space<vmem>>) semaphore(%arg8 : memref<!tpu.dma_semaphore, #tpu.memory_space<semaphore_mem>>) {add = true}
    %dma_wait3A_486 = arith.constant 2 : i32
    %dma_wait3A_487 = arith.constant 1024 : i32
    %dma_wait3A_488 = tpu.memref_slice %arg5[%dma_wait3A_487] : memref<25600xi32, #tpu.memory_space<vmem>> -> memref<512xi32, #tpu.memory_space<vmem>>
    %dma_wait3A_489 = tpu.memref_slice %arg2[%dma_wait3A_486, %mul3A_2] : memref<50x16384xi32, #tpu.memory_space<hbm>> -> memref<1x512xi32, #tpu.memory_space<hbm>>
    %dma_wait3A_490 = tpu.memref_squeeze %dma_wait3A_489 : memref<1x512xi32, #tpu.memory_space<hbm>> -> memref<512xi32, #tpu.memory_space<hbm>>
    %dma_wait3A_491 = arith.constant 1024 : i32
    %dma_wait3A_492 = tpu.memref_slice %arg5[%dma_wait3A_491] : memref<25600xi32, #tpu.memory_space<vmem>> -> memref<512xi32, #tpu.memory_space<vmem>>
    %dma_wait3A_493 = tpu.memref_slice %arg2[%dma_wait3A_486, %mul3A_2] : memref<50x16384xi32, #tpu.memory_space<hbm>> -> memref<1x512xi32, #tpu.memory_space<hbm>>
    %dma_wait3A_494 = tpu.memref_squeeze %dma_wait3A_493 : memref<1x512xi32, #tpu.memory_space<hbm>> -> memref<512xi32, #tpu.memory_space<hbm>>
    tpu.wait_dma2 semaphore(%arg7 : memref<!tpu.dma_semaphore, #tpu.memory_space<semaphore_mem>>) src(%dma_wait3A_494 : memref<512xi32, #tpu.memory_space<hbm>>) dst(%dma_wait3A_492 : memref<512xi32, #tpu.memory_space<vmem>>)
    %dma_start3A_495 = arith.constant 1024 : i32
    %dma_start3A_496 = tpu.memref_slice %arg5[%dma_start3A_495] : memref<25600xi32, #tpu.memory_space<vmem>> -> memref<512xi32, #tpu.memory_space<vmem>>
    %dma_start3A_497 = arith.constant 0 : i32
    %dma_start3A_498 = arith.constant 0 : i32
    %dma_start3A_499 = tpu.memref_slice %arg3[%dma_start3A_497, %dma_start3A_498] : memref<1048576x32xf32, #tpu.memory_space<hbm>> -> memref<1048576x32xf32, #tpu.memory_space<hbm>>
    tpu.enqueue_indirect_dma source(%dma_start3A_499 : memref<1048576x32xf32, #tpu.memory_space<hbm>>) target(%arg6 : memref<512x32xf32, #tpu.memory_space<vmem>>) offsets(%dma_start3A_496 : memref<512xi32, #tpu.memory_space<vmem>>) semaphore(%arg8 : memref<!tpu.dma_semaphore, #tpu.memory_space<semaphore_mem>>) {add = true}
    %dma_wait3A_500 = arith.constant 3 : i32
    %dma_wait3A_501 = arith.constant 1536 : i32
    %dma_wait3A_502 = tpu.memref_slice %arg5[%dma_wait3A_501] : memref<25600xi32, #tpu.memory_space<vmem>> -> memref<512xi32, #tpu.memory_space<vmem>>
    %dma_wait3A_503 = tpu.memref_slice %arg2[%dma_wait3A_500, %mul3A_2] : memref<50x16384xi32, #tpu.memory_space<hbm>> -> memref<1x512xi32, #tpu.memory_space<hbm>>
    %dma_wait3A_504 = tpu.memref_squeeze %dma_wait3A_503 : memref<1x512xi32, #tpu.memory_space<hbm>> -> memref<512xi32, #tpu.memory_space<hbm>>
    %dma_wait3A_505 = arith.constant 1536 : i32
    %dma_wait3A_506 = tpu.memref_slice %arg5[%dma_wait3A_505] : memref<25600xi32, #tpu.memory_space<vmem>> -> memref<512xi32, #tpu.memory_space<vmem>>
    %dma_wait3A_507 = tpu.memref_slice %arg2[%dma_wait3A_500, %mul3A_2] : memref<50x16384xi32, #tpu.memory_space<hbm>> -> memref<1x512xi32, #tpu.memory_space<hbm>>
    %dma_wait3A_508 = tpu.memref_squeeze %dma_wait3A_507 : memref<1x512xi32, #tpu.memory_space<hbm>> -> memref<512xi32, #tpu.memory_space<hbm>>
    tpu.wait_dma2 semaphore(%arg7 : memref<!tpu.dma_semaphore, #tpu.memory_space<semaphore_mem>>) src(%dma_wait3A_508 : memref<512xi32, #tpu.memory_space<hbm>>) dst(%dma_wait3A_506 : memref<512xi32, #tpu.memory_space<vmem>>)
    %dma_start3A_509 = arith.constant 1536 : i32
    %dma_start3A_510 = tpu.memref_slice %arg5[%dma_start3A_509] : memref<25600xi32, #tpu.memory_space<vmem>> -> memref<512xi32, #tpu.memory_space<vmem>>
    %dma_start3A_511 = arith.constant 0 : i32
    %dma_start3A_512 = arith.constant 0 : i32
    %dma_start3A_513 = tpu.memref_slice %arg3[%dma_start3A_511, %dma_start3A_512] : memref<1048576x32xf32, #tpu.memory_space<hbm>> -> memref<1048576x32xf32, #tpu.memory_space<hbm>>
    tpu.enqueue_indirect_dma source(%dma_start3A_513 : memref<1048576x32xf32, #tpu.memory_space<hbm>>) target(%arg6 : memref<512x32xf32, #tpu.memory_space<vmem>>) offsets(%dma_start3A_510 : memref<512xi32, #tpu.memory_space<vmem>>) semaphore(%arg8 : memref<!tpu.dma_semaphore, #tpu.memory_space<semaphore_mem>>) {add = true}
    %dma_wait3A_514 = arith.constant 4 : i32
    %dma_wait3A_515 = arith.constant 2048 : i32
    %dma_wait3A_516 = tpu.memref_slice %arg5[%dma_wait3A_515] : memref<25600xi32, #tpu.memory_space<vmem>> -> memref<512xi32, #tpu.memory_space<vmem>>
    %dma_wait3A_517 = tpu.memref_slice %arg2[%dma_wait3A_514, %mul3A_2] : memref<50x16384xi32, #tpu.memory_space<hbm>> -> memref<1x512xi32, #tpu.memory_space<hbm>>
    %dma_wait3A_518 = tpu.memref_squeeze %dma_wait3A_517 : memref<1x512xi32, #tpu.memory_space<hbm>> -> memref<512xi32, #tpu.memory_space<hbm>>
    %dma_wait3A_519 = arith.constant 2048 : i32
    %dma_wait3A_520 = tpu.memref_slice %arg5[%dma_wait3A_519] : memref<25600xi32, #tpu.memory_space<vmem>> -> memref<512xi32, #tpu.memory_space<vmem>>
    %dma_wait3A_521 = tpu.memref_slice %arg2[%dma_wait3A_514, %mul3A_2] : memref<50x16384xi32, #tpu.memory_space<hbm>> -> memref<1x512xi32, #tpu.memory_space<hbm>>
    %dma_wait3A_522 = tpu.memref_squeeze %dma_wait3A_521 : memref<1x512xi32, #tpu.memory_space<hbm>> -> memref<512xi32, #tpu.memory_space<hbm>>
    tpu.wait_dma2 semaphore(%arg7 : memref<!tpu.dma_semaphore, #tpu.memory_space<semaphore_mem>>) src(%dma_wait3A_522 : memref<512xi32, #tpu.memory_space<hbm>>) dst(%dma_wait3A_520 : memref<512xi32, #tpu.memory_space<vmem>>)
    %dma_start3A_523 = arith.constant 2048 : i32
    %dma_start3A_524 = tpu.memref_slice %arg5[%dma_start3A_523] : memref<25600xi32, #tpu.memory_space<vmem>> -> memref<512xi32, #tpu.memory_space<vmem>>
    %dma_start3A_525 = arith.constant 0 : i32
    %dma_start3A_526 = arith.constant 0 : i32
    %dma_start3A_527 = tpu.memref_slice %arg3[%dma_start3A_525, %dma_start3A_526] : memref<1048576x32xf32, #tpu.memory_space<hbm>> -> memref<1048576x32xf32, #tpu.memory_space<hbm>>
    tpu.enqueue_indirect_dma source(%dma_start3A_527 : memref<1048576x32xf32, #tpu.memory_space<hbm>>) target(%arg6 : memref<512x32xf32, #tpu.memory_space<vmem>>) offsets(%dma_start3A_524 : memref<512xi32, #tpu.memory_space<vmem>>) semaphore(%arg8 : memref<!tpu.dma_semaphore, #tpu.memory_space<semaphore_mem>>) {add = true}
    %dma_wait3A_528 = arith.constant 5 : i32
    %dma_wait3A_529 = arith.constant 2560 : i32
    %dma_wait3A_530 = tpu.memref_slice %arg5[%dma_wait3A_529] : memref<25600xi32, #tpu.memory_space<vmem>> -> memref<512xi32, #tpu.memory_space<vmem>>
    %dma_wait3A_531 = tpu.memref_slice %arg2[%dma_wait3A_528, %mul3A_2] : memref<50x16384xi32, #tpu.memory_space<hbm>> -> memref<1x512xi32, #tpu.memory_space<hbm>>
    %dma_wait3A_532 = tpu.memref_squeeze %dma_wait3A_531 : memref<1x512xi32, #tpu.memory_space<hbm>> -> memref<512xi32, #tpu.memory_space<hbm>>
    %dma_wait3A_533 = arith.constant 2560 : i32
    %dma_wait3A_534 = tpu.memref_slice %arg5[%dma_wait3A_533] : memref<25600xi32, #tpu.memory_space<vmem>> -> memref<512xi32, #tpu.memory_space<vmem>>
    %dma_wait3A_535 = tpu.memref_slice %arg2[%dma_wait3A_528, %mul3A_2] : memref<50x16384xi32, #tpu.memory_space<hbm>> -> memref<1x512xi32, #tpu.memory_space<hbm>>
    %dma_wait3A_536 = tpu.memref_squeeze %dma_wait3A_535 : memref<1x512xi32, #tpu.memory_space<hbm>> -> memref<512xi32, #tpu.memory_space<hbm>>
    tpu.wait_dma2 semaphore(%arg7 : memref<!tpu.dma_semaphore, #tpu.memory_space<semaphore_mem>>) src(%dma_wait3A_536 : memref<512xi32, #tpu.memory_space<hbm>>) dst(%dma_wait3A_534 : memref<512xi32, #tpu.memory_space<vmem>>)
    %dma_start3A_537 = arith.constant 2560 : i32
    %dma_start3A_538 = tpu.memref_slice %arg5[%dma_start3A_537] : memref<25600xi32, #tpu.memory_space<vmem>> -> memref<512xi32, #tpu.memory_space<vmem>>
    %dma_start3A_539 = arith.constant 0 : i32
    %dma_start3A_540 = arith.constant 0 : i32
    %dma_start3A_541 = tpu.memref_slice %arg3[%dma_start3A_539, %dma_start3A_540] : memref<1048576x32xf32, #tpu.memory_space<hbm>> -> memref<1048576x32xf32, #tpu.memory_space<hbm>>
    tpu.enqueue_indirect_dma source(%dma_start3A_541 : memref<1048576x32xf32, #tpu.memory_space<hbm>>) target(%arg6 : memref<512x32xf32, #tpu.memory_space<vmem>>) offsets(%dma_start3A_538 : memref<512xi32, #tpu.memory_space<vmem>>) semaphore(%arg8 : memref<!tpu.dma_semaphore, #tpu.memory_space<semaphore_mem>>) {add = true}
    %dma_wait3A_542 = arith.constant 6 : i32
    %dma_wait3A_543 = arith.constant 3072 : i32
    %dma_wait3A_544 = tpu.memref_slice %arg5[%dma_wait3A_543] : memref<25600xi32, #tpu.memory_space<vmem>> -> memref<512xi32, #tpu.memory_space<vmem>>
    %dma_wait3A_545 = tpu.memref_slice %arg2[%dma_wait3A_542, %mul3A_2] : memref<50x16384xi32, #tpu.memory_space<hbm>> -> memref<1x512xi32, #tpu.memory_space<hbm>>
    %dma_wait3A_546 = tpu.memref_squeeze %dma_wait3A_545 : memref<1x512xi32, #tpu.memory_space<hbm>> -> memref<512xi32, #tpu.memory_space<hbm>>
    %dma_wait3A_547 = arith.constant 3072 : i32
    %dma_wait3A_548 = tpu.memref_slice %arg5[%dma_wait3A_547] : memref<25600xi32, #tpu.memory_space<vmem>> -> memref<512xi32, #tpu.memory_space<vmem>>
    %dma_wait3A_549 = tpu.memref_slice %arg2[%dma_wait3A_542, %mul3A_2] : memref<50x16384xi32, #tpu.memory_space<hbm>> -> memref<1x512xi32, #tpu.memory_space<hbm>>
    %dma_wait3A_550 = tpu.memref_squeeze %dma_wait3A_549 : memref<1x512xi32, #tpu.memory_space<hbm>> -> memref<512xi32, #tpu.memory_space<hbm>>
    tpu.wait_dma2 semaphore(%arg7 : memref<!tpu.dma_semaphore, #tpu.memory_space<semaphore_mem>>) src(%dma_wait3A_550 : memref<512xi32, #tpu.memory_space<hbm>>) dst(%dma_wait3A_548 : memref<512xi32, #tpu.memory_space<vmem>>)
    %dma_start3A_551 = arith.constant 3072 : i32
    %dma_start3A_552 = tpu.memref_slice %arg5[%dma_start3A_551] : memref<25600xi32, #tpu.memory_space<vmem>> -> memref<512xi32, #tpu.memory_space<vmem>>
    %dma_start3A_553 = arith.constant 0 : i32
    %dma_start3A_554 = arith.constant 0 : i32
    %dma_start3A_555 = tpu.memref_slice %arg3[%dma_start3A_553, %dma_start3A_554] : memref<1048576x32xf32, #tpu.memory_space<hbm>> -> memref<1048576x32xf32, #tpu.memory_space<hbm>>
    tpu.enqueue_indirect_dma source(%dma_start3A_555 : memref<1048576x32xf32, #tpu.memory_space<hbm>>) target(%arg6 : memref<512x32xf32, #tpu.memory_space<vmem>>) offsets(%dma_start3A_552 : memref<512xi32, #tpu.memory_space<vmem>>) semaphore(%arg8 : memref<!tpu.dma_semaphore, #tpu.memory_space<semaphore_mem>>) {add = true}
    %dma_wait3A_556 = arith.constant 7 : i32
    %dma_wait3A_557 = arith.constant 3584 : i32
    %dma_wait3A_558 = tpu.memref_slice %arg5[%dma_wait3A_557] : memref<25600xi32, #tpu.memory_space<vmem>> -> memref<512xi32, #tpu.memory_space<vmem>>
    %dma_wait3A_559 = tpu.memref_slice %arg2[%dma_wait3A_556, %mul3A_2] : memref<50x16384xi32, #tpu.memory_space<hbm>> -> memref<1x512xi32, #tpu.memory_space<hbm>>
    %dma_wait3A_560 = tpu.memref_squeeze %dma_wait3A_559 : memref<1x512xi32, #tpu.memory_space<hbm>> -> memref<512xi32, #tpu.memory_space<hbm>>
    %dma_wait3A_561 = arith.constant 3584 : i32
    %dma_wait3A_562 = tpu.memref_slice %arg5[%dma_wait3A_561] : memref<25600xi32, #tpu.memory_space<vmem>> -> memref<512xi32, #tpu.memory_space<vmem>>
    %dma_wait3A_563 = tpu.memref_slice %arg2[%dma_wait3A_556, %mul3A_2] : memref<50x16384xi32, #tpu.memory_space<hbm>> -> memref<1x512xi32, #tpu.memory_space<hbm>>
    %dma_wait3A_564 = tpu.memref_squeeze %dma_wait3A_563 : memref<1x512xi32, #tpu.memory_space<hbm>> -> memref<512xi32, #tpu.memory_space<hbm>>
    tpu.wait_dma2 semaphore(%arg7 : memref<!tpu.dma_semaphore, #tpu.memory_space<semaphore_mem>>) src(%dma_wait3A_564 : memref<512xi32, #tpu.memory_space<hbm>>) dst(%dma_wait3A_562 : memref<512xi32, #tpu.memory_space<vmem>>)
    %dma_start3A_565 = arith.constant 3584 : i32
    %dma_start3A_566 = tpu.memref_slice %arg5[%dma_start3A_565] : memref<25600xi32, #tpu.memory_space<vmem>> -> memref<512xi32, #tpu.memory_space<vmem>>
    %dma_start3A_567 = arith.constant 0 : i32
    %dma_start3A_568 = arith.constant 0 : i32
    %dma_start3A_569 = tpu.memref_slice %arg3[%dma_start3A_567, %dma_start3A_568] : memref<1048576x32xf32, #tpu.memory_space<hbm>> -> memref<1048576x32xf32, #tpu.memory_space<hbm>>
    tpu.enqueue_indirect_dma source(%dma_start3A_569 : memref<1048576x32xf32, #tpu.memory_space<hbm>>) target(%arg6 : memref<512x32xf32, #tpu.memory_space<vmem>>) offsets(%dma_start3A_566 : memref<512xi32, #tpu.memory_space<vmem>>) semaphore(%arg8 : memref<!tpu.dma_semaphore, #tpu.memory_space<semaphore_mem>>) {add = true}
    %dma_wait3A_570 = arith.constant 8 : i32
    %dma_wait3A_571 = arith.constant 4096 : i32
    %dma_wait3A_572 = tpu.memref_slice %arg5[%dma_wait3A_571] : memref<25600xi32, #tpu.memory_space<vmem>> -> memref<512xi32, #tpu.memory_space<vmem>>
    %dma_wait3A_573 = tpu.memref_slice %arg2[%dma_wait3A_570, %mul3A_2] : memref<50x16384xi32, #tpu.memory_space<hbm>> -> memref<1x512xi32, #tpu.memory_space<hbm>>
    %dma_wait3A_574 = tpu.memref_squeeze %dma_wait3A_573 : memref<1x512xi32, #tpu.memory_space<hbm>> -> memref<512xi32, #tpu.memory_space<hbm>>
    %dma_wait3A_575 = arith.constant 4096 : i32
    %dma_wait3A_576 = tpu.memref_slice %arg5[%dma_wait3A_575] : memref<25600xi32, #tpu.memory_space<vmem>> -> memref<512xi32, #tpu.memory_space<vmem>>
    %dma_wait3A_577 = tpu.memref_slice %arg2[%dma_wait3A_570, %mul3A_2] : memref<50x16384xi32, #tpu.memory_space<hbm>> -> memref<1x512xi32, #tpu.memory_space<hbm>>
    %dma_wait3A_578 = tpu.memref_squeeze %dma_wait3A_577 : memref<1x512xi32, #tpu.memory_space<hbm>> -> memref<512xi32, #tpu.memory_space<hbm>>
    tpu.wait_dma2 semaphore(%arg7 : memref<!tpu.dma_semaphore, #tpu.memory_space<semaphore_mem>>) src(%dma_wait3A_578 : memref<512xi32, #tpu.memory_space<hbm>>) dst(%dma_wait3A_576 : memref<512xi32, #tpu.memory_space<vmem>>)
    %dma_start3A_579 = arith.constant 4096 : i32
    %dma_start3A_580 = tpu.memref_slice %arg5[%dma_start3A_579] : memref<25600xi32, #tpu.memory_space<vmem>> -> memref<512xi32, #tpu.memory_space<vmem>>
    %dma_start3A_581 = arith.constant 0 : i32
    %dma_start3A_582 = arith.constant 0 : i32
    %dma_start3A_583 = tpu.memref_slice %arg3[%dma_start3A_581, %dma_start3A_582] : memref<1048576x32xf32, #tpu.memory_space<hbm>> -> memref<1048576x32xf32, #tpu.memory_space<hbm>>
    tpu.enqueue_indirect_dma source(%dma_start3A_583 : memref<1048576x32xf32, #tpu.memory_space<hbm>>) target(%arg6 : memref<512x32xf32, #tpu.memory_space<vmem>>) offsets(%dma_start3A_580 : memref<512xi32, #tpu.memory_space<vmem>>) semaphore(%arg8 : memref<!tpu.dma_semaphore, #tpu.memory_space<semaphore_mem>>) {add = true}
    %dma_wait3A_584 = arith.constant 9 : i32
    %dma_wait3A_585 = arith.constant 4608 : i32
    %dma_wait3A_586 = tpu.memref_slice %arg5[%dma_wait3A_585] : memref<25600xi32, #tpu.memory_space<vmem>> -> memref<512xi32, #tpu.memory_space<vmem>>
    %dma_wait3A_587 = tpu.memref_slice %arg2[%dma_wait3A_584, %mul3A_2] : memref<50x16384xi32, #tpu.memory_space<hbm>> -> memref<1x512xi32, #tpu.memory_space<hbm>>
    %dma_wait3A_588 = tpu.memref_squeeze %dma_wait3A_587 : memref<1x512xi32, #tpu.memory_space<hbm>> -> memref<512xi32, #tpu.memory_space<hbm>>
    %dma_wait3A_589 = arith.constant 4608 : i32
    %dma_wait3A_590 = tpu.memref_slice %arg5[%dma_wait3A_589] : memref<25600xi32, #tpu.memory_space<vmem>> -> memref<512xi32, #tpu.memory_space<vmem>>
    %dma_wait3A_591 = tpu.memref_slice %arg2[%dma_wait3A_584, %mul3A_2] : memref<50x16384xi32, #tpu.memory_space<hbm>> -> memref<1x512xi32, #tpu.memory_space<hbm>>
    %dma_wait3A_592 = tpu.memref_squeeze %dma_wait3A_591 : memref<1x512xi32, #tpu.memory_space<hbm>> -> memref<512xi32, #tpu.memory_space<hbm>>
    tpu.wait_dma2 semaphore(%arg7 : memref<!tpu.dma_semaphore, #tpu.memory_space<semaphore_mem>>) src(%dma_wait3A_592 : memref<512xi32, #tpu.memory_space<hbm>>) dst(%dma_wait3A_590 : memref<512xi32, #tpu.memory_space<vmem>>)
    %dma_start3A_593 = arith.constant 4608 : i32
    %dma_start3A_594 = tpu.memref_slice %arg5[%dma_start3A_593] : memref<25600xi32, #tpu.memory_space<vmem>> -> memref<512xi32, #tpu.memory_space<vmem>>
    %dma_start3A_595 = arith.constant 0 : i32
    %dma_start3A_596 = arith.constant 0 : i32
    %dma_start3A_597 = tpu.memref_slice %arg3[%dma_start3A_595, %dma_start3A_596] : memref<1048576x32xf32, #tpu.memory_space<hbm>> -> memref<1048576x32xf32, #tpu.memory_space<hbm>>
    tpu.enqueue_indirect_dma source(%dma_start3A_597 : memref<1048576x32xf32, #tpu.memory_space<hbm>>) target(%arg6 : memref<512x32xf32, #tpu.memory_space<vmem>>) offsets(%dma_start3A_594 : memref<512xi32, #tpu.memory_space<vmem>>) semaphore(%arg8 : memref<!tpu.dma_semaphore, #tpu.memory_space<semaphore_mem>>) {add = true}
    %dma_wait3A_598 = arith.constant 10 : i32
    %dma_wait3A_599 = arith.constant 5120 : i32
    %dma_wait3A_600 = tpu.memref_slice %arg5[%dma_wait3A_599] : memref<25600xi32, #tpu.memory_space<vmem>> -> memref<512xi32, #tpu.memory_space<vmem>>
    %dma_wait3A_601 = tpu.memref_slice %arg2[%dma_wait3A_598, %mul3A_2] : memref<50x16384xi32, #tpu.memory_space<hbm>> -> memref<1x512xi32, #tpu.memory_space<hbm>>
    %dma_wait3A_602 = tpu.memref_squeeze %dma_wait3A_601 : memref<1x512xi32, #tpu.memory_space<hbm>> -> memref<512xi32, #tpu.memory_space<hbm>>
    %dma_wait3A_603 = arith.constant 5120 : i32
    %dma_wait3A_604 = tpu.memref_slice %arg5[%dma_wait3A_603] : memref<25600xi32, #tpu.memory_space<vmem>> -> memref<512xi32, #tpu.memory_space<vmem>>
    %dma_wait3A_605 = tpu.memref_slice %arg2[%dma_wait3A_598, %mul3A_2] : memref<50x16384xi32, #tpu.memory_space<hbm>> -> memref<1x512xi32, #tpu.memory_space<hbm>>
    %dma_wait3A_606 = tpu.memref_squeeze %dma_wait3A_605 : memref<1x512xi32, #tpu.memory_space<hbm>> -> memref<512xi32, #tpu.memory_space<hbm>>
    tpu.wait_dma2 semaphore(%arg7 : memref<!tpu.dma_semaphore, #tpu.memory_space<semaphore_mem>>) src(%dma_wait3A_606 : memref<512xi32, #tpu.memory_space<hbm>>) dst(%dma_wait3A_604 : memref<512xi32, #tpu.memory_space<vmem>>)
    %dma_start3A_607 = arith.constant 5120 : i32
    %dma_start3A_608 = tpu.memref_slice %arg5[%dma_start3A_607] : memref<25600xi32, #tpu.memory_space<vmem>> -> memref<512xi32, #tpu.memory_space<vmem>>
    %dma_start3A_609 = arith.constant 0 : i32
    %dma_start3A_610 = arith.constant 0 : i32
    %dma_start3A_611 = tpu.memref_slice %arg3[%dma_start3A_609, %dma_start3A_610] : memref<1048576x32xf32, #tpu.memory_space<hbm>> -> memref<1048576x32xf32, #tpu.memory_space<hbm>>
    tpu.enqueue_indirect_dma source(%dma_start3A_611 : memref<1048576x32xf32, #tpu.memory_space<hbm>>) target(%arg6 : memref<512x32xf32, #tpu.memory_space<vmem>>) offsets(%dma_start3A_608 : memref<512xi32, #tpu.memory_space<vmem>>) semaphore(%arg8 : memref<!tpu.dma_semaphore, #tpu.memory_space<semaphore_mem>>) {add = true}
    %dma_wait3A_612 = arith.constant 11 : i32
    %dma_wait3A_613 = arith.constant 5632 : i32
    %dma_wait3A_614 = tpu.memref_slice %arg5[%dma_wait3A_613] : memref<25600xi32, #tpu.memory_space<vmem>> -> memref<512xi32, #tpu.memory_space<vmem>>
    %dma_wait3A_615 = tpu.memref_slice %arg2[%dma_wait3A_612, %mul3A_2] : memref<50x16384xi32, #tpu.memory_space<hbm>> -> memref<1x512xi32, #tpu.memory_space<hbm>>
    %dma_wait3A_616 = tpu.memref_squeeze %dma_wait3A_615 : memref<1x512xi32, #tpu.memory_space<hbm>> -> memref<512xi32, #tpu.memory_space<hbm>>
    %dma_wait3A_617 = arith.constant 5632 : i32
    %dma_wait3A_618 = tpu.memref_slice %arg5[%dma_wait3A_617] : memref<25600xi32, #tpu.memory_space<vmem>> -> memref<512xi32, #tpu.memory_space<vmem>>
    %dma_wait3A_619 = tpu.memref_slice %arg2[%dma_wait3A_612, %mul3A_2] : memref<50x16384xi32, #tpu.memory_space<hbm>> -> memref<1x512xi32, #tpu.memory_space<hbm>>
    %dma_wait3A_620 = tpu.memref_squeeze %dma_wait3A_619 : memref<1x512xi32, #tpu.memory_space<hbm>> -> memref<512xi32, #tpu.memory_space<hbm>>
    tpu.wait_dma2 semaphore(%arg7 : memref<!tpu.dma_semaphore, #tpu.memory_space<semaphore_mem>>) src(%dma_wait3A_620 : memref<512xi32, #tpu.memory_space<hbm>>) dst(%dma_wait3A_618 : memref<512xi32, #tpu.memory_space<vmem>>)
    %dma_start3A_621 = arith.constant 5632 : i32
    %dma_start3A_622 = tpu.memref_slice %arg5[%dma_start3A_621] : memref<25600xi32, #tpu.memory_space<vmem>> -> memref<512xi32, #tpu.memory_space<vmem>>
    %dma_start3A_623 = arith.constant 0 : i32
    %dma_start3A_624 = arith.constant 0 : i32
    %dma_start3A_625 = tpu.memref_slice %arg3[%dma_start3A_623, %dma_start3A_624] : memref<1048576x32xf32, #tpu.memory_space<hbm>> -> memref<1048576x32xf32, #tpu.memory_space<hbm>>
    tpu.enqueue_indirect_dma source(%dma_start3A_625 : memref<1048576x32xf32, #tpu.memory_space<hbm>>) target(%arg6 : memref<512x32xf32, #tpu.memory_space<vmem>>) offsets(%dma_start3A_622 : memref<512xi32, #tpu.memory_space<vmem>>) semaphore(%arg8 : memref<!tpu.dma_semaphore, #tpu.memory_space<semaphore_mem>>) {add = true}
    %dma_wait3A_626 = arith.constant 12 : i32
    %dma_wait3A_627 = arith.constant 6144 : i32
    %dma_wait3A_628 = tpu.memref_slice %arg5[%dma_wait3A_627] : memref<25600xi32, #tpu.memory_space<vmem>> -> memref<512xi32, #tpu.memory_space<vmem>>
    %dma_wait3A_629 = tpu.memref_slice %arg2[%dma_wait3A_626, %mul3A_2] : memref<50x16384xi32, #tpu.memory_space<hbm>> -> memref<1x512xi32, #tpu.memory_space<hbm>>
    %dma_wait3A_630 = tpu.memref_squeeze %dma_wait3A_629 : memref<1x512xi32, #tpu.memory_space<hbm>> -> memref<512xi32, #tpu.memory_space<hbm>>
    %dma_wait3A_631 = arith.constant 6144 : i32
    %dma_wait3A_632 = tpu.memref_slice %arg5[%dma_wait3A_631] : memref<25600xi32, #tpu.memory_space<vmem>> -> memref<512xi32, #tpu.memory_space<vmem>>
    %dma_wait3A_633 = tpu.memref_slice %arg2[%dma_wait3A_626, %mul3A_2] : memref<50x16384xi32, #tpu.memory_space<hbm>> -> memref<1x512xi32, #tpu.memory_space<hbm>>
    %dma_wait3A_634 = tpu.memref_squeeze %dma_wait3A_633 : memref<1x512xi32, #tpu.memory_space<hbm>> -> memref<512xi32, #tpu.memory_space<hbm>>
    tpu.wait_dma2 semaphore(%arg7 : memref<!tpu.dma_semaphore, #tpu.memory_space<semaphore_mem>>) src(%dma_wait3A_634 : memref<512xi32, #tpu.memory_space<hbm>>) dst(%dma_wait3A_632 : memref<512xi32, #tpu.memory_space<vmem>>)
    %dma_start3A_635 = arith.constant 6144 : i32
    %dma_start3A_636 = tpu.memref_slice %arg5[%dma_start3A_635] : memref<25600xi32, #tpu.memory_space<vmem>> -> memref<512xi32, #tpu.memory_space<vmem>>
    %dma_start3A_637 = arith.constant 0 : i32
    %dma_start3A_638 = arith.constant 0 : i32
    %dma_start3A_639 = tpu.memref_slice %arg3[%dma_start3A_637, %dma_start3A_638] : memref<1048576x32xf32, #tpu.memory_space<hbm>> -> memref<1048576x32xf32, #tpu.memory_space<hbm>>
    tpu.enqueue_indirect_dma source(%dma_start3A_639 : memref<1048576x32xf32, #tpu.memory_space<hbm>>) target(%arg6 : memref<512x32xf32, #tpu.memory_space<vmem>>) offsets(%dma_start3A_636 : memref<512xi32, #tpu.memory_space<vmem>>) semaphore(%arg8 : memref<!tpu.dma_semaphore, #tpu.memory_space<semaphore_mem>>) {add = true}
    %dma_wait3A_640 = arith.constant 13 : i32
    %dma_wait3A_641 = arith.constant 6656 : i32
    %dma_wait3A_642 = tpu.memref_slice %arg5[%dma_wait3A_641] : memref<25600xi32, #tpu.memory_space<vmem>> -> memref<512xi32, #tpu.memory_space<vmem>>
    %dma_wait3A_643 = tpu.memref_slice %arg2[%dma_wait3A_640, %mul3A_2] : memref<50x16384xi32, #tpu.memory_space<hbm>> -> memref<1x512xi32, #tpu.memory_space<hbm>>
    %dma_wait3A_644 = tpu.memref_squeeze %dma_wait3A_643 : memref<1x512xi32, #tpu.memory_space<hbm>> -> memref<512xi32, #tpu.memory_space<hbm>>
    %dma_wait3A_645 = arith.constant 6656 : i32
    %dma_wait3A_646 = tpu.memref_slice %arg5[%dma_wait3A_645] : memref<25600xi32, #tpu.memory_space<vmem>> -> memref<512xi32, #tpu.memory_space<vmem>>
    %dma_wait3A_647 = tpu.memref_slice %arg2[%dma_wait3A_640, %mul3A_2] : memref<50x16384xi32, #tpu.memory_space<hbm>> -> memref<1x512xi32, #tpu.memory_space<hbm>>
    %dma_wait3A_648 = tpu.memref_squeeze %dma_wait3A_647 : memref<1x512xi32, #tpu.memory_space<hbm>> -> memref<512xi32, #tpu.memory_space<hbm>>
    tpu.wait_dma2 semaphore(%arg7 : memref<!tpu.dma_semaphore, #tpu.memory_space<semaphore_mem>>) src(%dma_wait3A_648 : memref<512xi32, #tpu.memory_space<hbm>>) dst(%dma_wait3A_646 : memref<512xi32, #tpu.memory_space<vmem>>)
    %dma_start3A_649 = arith.constant 6656 : i32
    %dma_start3A_650 = tpu.memref_slice %arg5[%dma_start3A_649] : memref<25600xi32, #tpu.memory_space<vmem>> -> memref<512xi32, #tpu.memory_space<vmem>>
    %dma_start3A_651 = arith.constant 0 : i32
    %dma_start3A_652 = arith.constant 0 : i32
    %dma_start3A_653 = tpu.memref_slice %arg3[%dma_start3A_651, %dma_start3A_652] : memref<1048576x32xf32, #tpu.memory_space<hbm>> -> memref<1048576x32xf32, #tpu.memory_space<hbm>>
    tpu.enqueue_indirect_dma source(%dma_start3A_653 : memref<1048576x32xf32, #tpu.memory_space<hbm>>) target(%arg6 : memref<512x32xf32, #tpu.memory_space<vmem>>) offsets(%dma_start3A_650 : memref<512xi32, #tpu.memory_space<vmem>>) semaphore(%arg8 : memref<!tpu.dma_semaphore, #tpu.memory_space<semaphore_mem>>) {add = true}
    %dma_wait3A_654 = arith.constant 14 : i32
    %dma_wait3A_655 = arith.constant 7168 : i32
    %dma_wait3A_656 = tpu.memref_slice %arg5[%dma_wait3A_655] : memref<25600xi32, #tpu.memory_space<vmem>> -> memref<512xi32, #tpu.memory_space<vmem>>
    %dma_wait3A_657 = tpu.memref_slice %arg2[%dma_wait3A_654, %mul3A_2] : memref<50x16384xi32, #tpu.memory_space<hbm>> -> memref<1x512xi32, #tpu.memory_space<hbm>>
    %dma_wait3A_658 = tpu.memref_squeeze %dma_wait3A_657 : memref<1x512xi32, #tpu.memory_space<hbm>> -> memref<512xi32, #tpu.memory_space<hbm>>
    %dma_wait3A_659 = arith.constant 7168 : i32
    %dma_wait3A_660 = tpu.memref_slice %arg5[%dma_wait3A_659] : memref<25600xi32, #tpu.memory_space<vmem>> -> memref<512xi32, #tpu.memory_space<vmem>>
    %dma_wait3A_661 = tpu.memref_slice %arg2[%dma_wait3A_654, %mul3A_2] : memref<50x16384xi32, #tpu.memory_space<hbm>> -> memref<1x512xi32, #tpu.memory_space<hbm>>
    %dma_wait3A_662 = tpu.memref_squeeze %dma_wait3A_661 : memref<1x512xi32, #tpu.memory_space<hbm>> -> memref<512xi32, #tpu.memory_space<hbm>>
    tpu.wait_dma2 semaphore(%arg7 : memref<!tpu.dma_semaphore, #tpu.memory_space<semaphore_mem>>) src(%dma_wait3A_662 : memref<512xi32, #tpu.memory_space<hbm>>) dst(%dma_wait3A_660 : memref<512xi32, #tpu.memory_space<vmem>>)
    %dma_start3A_663 = arith.constant 7168 : i32
    %dma_start3A_664 = tpu.memref_slice %arg5[%dma_start3A_663] : memref<25600xi32, #tpu.memory_space<vmem>> -> memref<512xi32, #tpu.memory_space<vmem>>
    %dma_start3A_665 = arith.constant 0 : i32
    %dma_start3A_666 = arith.constant 0 : i32
    %dma_start3A_667 = tpu.memref_slice %arg3[%dma_start3A_665, %dma_start3A_666] : memref<1048576x32xf32, #tpu.memory_space<hbm>> -> memref<1048576x32xf32, #tpu.memory_space<hbm>>
    tpu.enqueue_indirect_dma source(%dma_start3A_667 : memref<1048576x32xf32, #tpu.memory_space<hbm>>) target(%arg6 : memref<512x32xf32, #tpu.memory_space<vmem>>) offsets(%dma_start3A_664 : memref<512xi32, #tpu.memory_space<vmem>>) semaphore(%arg8 : memref<!tpu.dma_semaphore, #tpu.memory_space<semaphore_mem>>) {add = true}
    %dma_wait3A_668 = arith.constant 15 : i32
    %dma_wait3A_669 = arith.constant 7680 : i32
    %dma_wait3A_670 = tpu.memref_slice %arg5[%dma_wait3A_669] : memref<25600xi32, #tpu.memory_space<vmem>> -> memref<512xi32, #tpu.memory_space<vmem>>
    %dma_wait3A_671 = tpu.memref_slice %arg2[%dma_wait3A_668, %mul3A_2] : memref<50x16384xi32, #tpu.memory_space<hbm>> -> memref<1x512xi32, #tpu.memory_space<hbm>>
    %dma_wait3A_672 = tpu.memref_squeeze %dma_wait3A_671 : memref<1x512xi32, #tpu.memory_space<hbm>> -> memref<512xi32, #tpu.memory_space<hbm>>
    %dma_wait3A_673 = arith.constant 7680 : i32
    %dma_wait3A_674 = tpu.memref_slice %arg5[%dma_wait3A_673] : memref<25600xi32, #tpu.memory_space<vmem>> -> memref<512xi32, #tpu.memory_space<vmem>>
    %dma_wait3A_675 = tpu.memref_slice %arg2[%dma_wait3A_668, %mul3A_2] : memref<50x16384xi32, #tpu.memory_space<hbm>> -> memref<1x512xi32, #tpu.memory_space<hbm>>
    %dma_wait3A_676 = tpu.memref_squeeze %dma_wait3A_675 : memref<1x512xi32, #tpu.memory_space<hbm>> -> memref<512xi32, #tpu.memory_space<hbm>>
    tpu.wait_dma2 semaphore(%arg7 : memref<!tpu.dma_semaphore, #tpu.memory_space<semaphore_mem>>) src(%dma_wait3A_676 : memref<512xi32, #tpu.memory_space<hbm>>) dst(%dma_wait3A_674 : memref<512xi32, #tpu.memory_space<vmem>>)
    %dma_start3A_677 = arith.constant 7680 : i32
    %dma_start3A_678 = tpu.memref_slice %arg5[%dma_start3A_677] : memref<25600xi32, #tpu.memory_space<vmem>> -> memref<512xi32, #tpu.memory_space<vmem>>
    %dma_start3A_679 = arith.constant 0 : i32
    %dma_start3A_680 = arith.constant 0 : i32
    %dma_start3A_681 = tpu.memref_slice %arg3[%dma_start3A_679, %dma_start3A_680] : memref<1048576x32xf32, #tpu.memory_space<hbm>> -> memref<1048576x32xf32, #tpu.memory_space<hbm>>
    tpu.enqueue_indirect_dma source(%dma_start3A_681 : memref<1048576x32xf32, #tpu.memory_space<hbm>>) target(%arg6 : memref<512x32xf32, #tpu.memory_space<vmem>>) offsets(%dma_start3A_678 : memref<512xi32, #tpu.memory_space<vmem>>) semaphore(%arg8 : memref<!tpu.dma_semaphore, #tpu.memory_space<semaphore_mem>>) {add = true}
    %dma_wait3A_682 = arith.constant 16 : i32
    %dma_wait3A_683 = arith.constant 8192 : i32
    %dma_wait3A_684 = tpu.memref_slice %arg5[%dma_wait3A_683] : memref<25600xi32, #tpu.memory_space<vmem>> -> memref<512xi32, #tpu.memory_space<vmem>>
    %dma_wait3A_685 = tpu.memref_slice %arg2[%dma_wait3A_682, %mul3A_2] : memref<50x16384xi32, #tpu.memory_space<hbm>> -> memref<1x512xi32, #tpu.memory_space<hbm>>
    %dma_wait3A_686 = tpu.memref_squeeze %dma_wait3A_685 : memref<1x512xi32, #tpu.memory_space<hbm>> -> memref<512xi32, #tpu.memory_space<hbm>>
    %dma_wait3A_687 = arith.constant 8192 : i32
    %dma_wait3A_688 = tpu.memref_slice %arg5[%dma_wait3A_687] : memref<25600xi32, #tpu.memory_space<vmem>> -> memref<512xi32, #tpu.memory_space<vmem>>
    %dma_wait3A_689 = tpu.memref_slice %arg2[%dma_wait3A_682, %mul3A_2] : memref<50x16384xi32, #tpu.memory_space<hbm>> -> memref<1x512xi32, #tpu.memory_space<hbm>>
    %dma_wait3A_690 = tpu.memref_squeeze %dma_wait3A_689 : memref<1x512xi32, #tpu.memory_space<hbm>> -> memref<512xi32, #tpu.memory_space<hbm>>
    tpu.wait_dma2 semaphore(%arg7 : memref<!tpu.dma_semaphore, #tpu.memory_space<semaphore_mem>>) src(%dma_wait3A_690 : memref<512xi32, #tpu.memory_space<hbm>>) dst(%dma_wait3A_688 : memref<512xi32, #tpu.memory_space<vmem>>)
    %dma_start3A_691 = arith.constant 8192 : i32
    %dma_start3A_692 = tpu.memref_slice %arg5[%dma_start3A_691] : memref<25600xi32, #tpu.memory_space<vmem>> -> memref<512xi32, #tpu.memory_space<vmem>>
    %dma_start3A_693 = arith.constant 0 : i32
    %dma_start3A_694 = arith.constant 0 : i32
    %dma_start3A_695 = tpu.memref_slice %arg3[%dma_start3A_693, %dma_start3A_694] : memref<1048576x32xf32, #tpu.memory_space<hbm>> -> memref<1048576x32xf32, #tpu.memory_space<hbm>>
    tpu.enqueue_indirect_dma source(%dma_start3A_695 : memref<1048576x32xf32, #tpu.memory_space<hbm>>) target(%arg6 : memref<512x32xf32, #tpu.memory_space<vmem>>) offsets(%dma_start3A_692 : memref<512xi32, #tpu.memory_space<vmem>>) semaphore(%arg8 : memref<!tpu.dma_semaphore, #tpu.memory_space<semaphore_mem>>) {add = true}
    %dma_wait3A_696 = arith.constant 17 : i32
    %dma_wait3A_697 = arith.constant 8704 : i32
    %dma_wait3A_698 = tpu.memref_slice %arg5[%dma_wait3A_697] : memref<25600xi32, #tpu.memory_space<vmem>> -> memref<512xi32, #tpu.memory_space<vmem>>
    %dma_wait3A_699 = tpu.memref_slice %arg2[%dma_wait3A_696, %mul3A_2] : memref<50x16384xi32, #tpu.memory_space<hbm>> -> memref<1x512xi32, #tpu.memory_space<hbm>>
    %dma_wait3A_700 = tpu.memref_squeeze %dma_wait3A_699 : memref<1x512xi32, #tpu.memory_space<hbm>> -> memref<512xi32, #tpu.memory_space<hbm>>
    %dma_wait3A_701 = arith.constant 8704 : i32
    %dma_wait3A_702 = tpu.memref_slice %arg5[%dma_wait3A_701] : memref<25600xi32, #tpu.memory_space<vmem>> -> memref<512xi32, #tpu.memory_space<vmem>>
    %dma_wait3A_703 = tpu.memref_slice %arg2[%dma_wait3A_696, %mul3A_2] : memref<50x16384xi32, #tpu.memory_space<hbm>> -> memref<1x512xi32, #tpu.memory_space<hbm>>
    %dma_wait3A_704 = tpu.memref_squeeze %dma_wait3A_703 : memref<1x512xi32, #tpu.memory_space<hbm>> -> memref<512xi32, #tpu.memory_space<hbm>>
    tpu.wait_dma2 semaphore(%arg7 : memref<!tpu.dma_semaphore, #tpu.memory_space<semaphore_mem>>) src(%dma_wait3A_704 : memref<512xi32, #tpu.memory_space<hbm>>) dst(%dma_wait3A_702 : memref<512xi32, #tpu.memory_space<vmem>>)
    %dma_start3A_705 = arith.constant 8704 : i32
    %dma_start3A_706 = tpu.memref_slice %arg5[%dma_start3A_705] : memref<25600xi32, #tpu.memory_space<vmem>> -> memref<512xi32, #tpu.memory_space<vmem>>
    %dma_start3A_707 = arith.constant 0 : i32
    %dma_start3A_708 = arith.constant 0 : i32
    %dma_start3A_709 = tpu.memref_slice %arg3[%dma_start3A_707, %dma_start3A_708] : memref<1048576x32xf32, #tpu.memory_space<hbm>> -> memref<1048576x32xf32, #tpu.memory_space<hbm>>
    tpu.enqueue_indirect_dma source(%dma_start3A_709 : memref<1048576x32xf32, #tpu.memory_space<hbm>>) target(%arg6 : memref<512x32xf32, #tpu.memory_space<vmem>>) offsets(%dma_start3A_706 : memref<512xi32, #tpu.memory_space<vmem>>) semaphore(%arg8 : memref<!tpu.dma_semaphore, #tpu.memory_space<semaphore_mem>>) {add = true}
    %dma_wait3A_710 = arith.constant 18 : i32
    %dma_wait3A_711 = arith.constant 9216 : i32
    %dma_wait3A_712 = tpu.memref_slice %arg5[%dma_wait3A_711] : memref<25600xi32, #tpu.memory_space<vmem>> -> memref<512xi32, #tpu.memory_space<vmem>>
    %dma_wait3A_713 = tpu.memref_slice %arg2[%dma_wait3A_710, %mul3A_2] : memref<50x16384xi32, #tpu.memory_space<hbm>> -> memref<1x512xi32, #tpu.memory_space<hbm>>
    %dma_wait3A_714 = tpu.memref_squeeze %dma_wait3A_713 : memref<1x512xi32, #tpu.memory_space<hbm>> -> memref<512xi32, #tpu.memory_space<hbm>>
    %dma_wait3A_715 = arith.constant 9216 : i32
    %dma_wait3A_716 = tpu.memref_slice %arg5[%dma_wait3A_715] : memref<25600xi32, #tpu.memory_space<vmem>> -> memref<512xi32, #tpu.memory_space<vmem>>
    %dma_wait3A_717 = tpu.memref_slice %arg2[%dma_wait3A_710, %mul3A_2] : memref<50x16384xi32, #tpu.memory_space<hbm>> -> memref<1x512xi32, #tpu.memory_space<hbm>>
    %dma_wait3A_718 = tpu.memref_squeeze %dma_wait3A_717 : memref<1x512xi32, #tpu.memory_space<hbm>> -> memref<512xi32, #tpu.memory_space<hbm>>
    tpu.wait_dma2 semaphore(%arg7 : memref<!tpu.dma_semaphore, #tpu.memory_space<semaphore_mem>>) src(%dma_wait3A_718 : memref<512xi32, #tpu.memory_space<hbm>>) dst(%dma_wait3A_716 : memref<512xi32, #tpu.memory_space<vmem>>)
    %dma_start3A_719 = arith.constant 9216 : i32
    %dma_start3A_720 = tpu.memref_slice %arg5[%dma_start3A_719] : memref<25600xi32, #tpu.memory_space<vmem>> -> memref<512xi32, #tpu.memory_space<vmem>>
    %dma_start3A_721 = arith.constant 0 : i32
    %dma_start3A_722 = arith.constant 0 : i32
    %dma_start3A_723 = tpu.memref_slice %arg3[%dma_start3A_721, %dma_start3A_722] : memref<1048576x32xf32, #tpu.memory_space<hbm>> -> memref<1048576x32xf32, #tpu.memory_space<hbm>>
    tpu.enqueue_indirect_dma source(%dma_start3A_723 : memref<1048576x32xf32, #tpu.memory_space<hbm>>) target(%arg6 : memref<512x32xf32, #tpu.memory_space<vmem>>) offsets(%dma_start3A_720 : memref<512xi32, #tpu.memory_space<vmem>>) semaphore(%arg8 : memref<!tpu.dma_semaphore, #tpu.memory_space<semaphore_mem>>) {add = true}
    %dma_wait3A_724 = arith.constant 19 : i32
    %dma_wait3A_725 = arith.constant 9728 : i32
    %dma_wait3A_726 = tpu.memref_slice %arg5[%dma_wait3A_725] : memref<25600xi32, #tpu.memory_space<vmem>> -> memref<512xi32, #tpu.memory_space<vmem>>
    %dma_wait3A_727 = tpu.memref_slice %arg2[%dma_wait3A_724, %mul3A_2] : memref<50x16384xi32, #tpu.memory_space<hbm>> -> memref<1x512xi32, #tpu.memory_space<hbm>>
    %dma_wait3A_728 = tpu.memref_squeeze %dma_wait3A_727 : memref<1x512xi32, #tpu.memory_space<hbm>> -> memref<512xi32, #tpu.memory_space<hbm>>
    %dma_wait3A_729 = arith.constant 9728 : i32
    %dma_wait3A_730 = tpu.memref_slice %arg5[%dma_wait3A_729] : memref<25600xi32, #tpu.memory_space<vmem>> -> memref<512xi32, #tpu.memory_space<vmem>>
    %dma_wait3A_731 = tpu.memref_slice %arg2[%dma_wait3A_724, %mul3A_2] : memref<50x16384xi32, #tpu.memory_space<hbm>> -> memref<1x512xi32, #tpu.memory_space<hbm>>
    %dma_wait3A_732 = tpu.memref_squeeze %dma_wait3A_731 : memref<1x512xi32, #tpu.memory_space<hbm>> -> memref<512xi32, #tpu.memory_space<hbm>>
    tpu.wait_dma2 semaphore(%arg7 : memref<!tpu.dma_semaphore, #tpu.memory_space<semaphore_mem>>) src(%dma_wait3A_732 : memref<512xi32, #tpu.memory_space<hbm>>) dst(%dma_wait3A_730 : memref<512xi32, #tpu.memory_space<vmem>>)
    %dma_start3A_733 = arith.constant 9728 : i32
    %dma_start3A_734 = tpu.memref_slice %arg5[%dma_start3A_733] : memref<25600xi32, #tpu.memory_space<vmem>> -> memref<512xi32, #tpu.memory_space<vmem>>
    %dma_start3A_735 = arith.constant 0 : i32
    %dma_start3A_736 = arith.constant 0 : i32
    %dma_start3A_737 = tpu.memref_slice %arg3[%dma_start3A_735, %dma_start3A_736] : memref<1048576x32xf32, #tpu.memory_space<hbm>> -> memref<1048576x32xf32, #tpu.memory_space<hbm>>
    tpu.enqueue_indirect_dma source(%dma_start3A_737 : memref<1048576x32xf32, #tpu.memory_space<hbm>>) target(%arg6 : memref<512x32xf32, #tpu.memory_space<vmem>>) offsets(%dma_start3A_734 : memref<512xi32, #tpu.memory_space<vmem>>) semaphore(%arg8 : memref<!tpu.dma_semaphore, #tpu.memory_space<semaphore_mem>>) {add = true}
    %dma_wait3A_738 = arith.constant 20 : i32
    %dma_wait3A_739 = arith.constant 10240 : i32
    %dma_wait3A_740 = tpu.memref_slice %arg5[%dma_wait3A_739] : memref<25600xi32, #tpu.memory_space<vmem>> -> memref<512xi32, #tpu.memory_space<vmem>>
    %dma_wait3A_741 = tpu.memref_slice %arg2[%dma_wait3A_738, %mul3A_2] : memref<50x16384xi32, #tpu.memory_space<hbm>> -> memref<1x512xi32, #tpu.memory_space<hbm>>
    %dma_wait3A_742 = tpu.memref_squeeze %dma_wait3A_741 : memref<1x512xi32, #tpu.memory_space<hbm>> -> memref<512xi32, #tpu.memory_space<hbm>>
    %dma_wait3A_743 = arith.constant 10240 : i32
    %dma_wait3A_744 = tpu.memref_slice %arg5[%dma_wait3A_743] : memref<25600xi32, #tpu.memory_space<vmem>> -> memref<512xi32, #tpu.memory_space<vmem>>
    %dma_wait3A_745 = tpu.memref_slice %arg2[%dma_wait3A_738, %mul3A_2] : memref<50x16384xi32, #tpu.memory_space<hbm>> -> memref<1x512xi32, #tpu.memory_space<hbm>>
    %dma_wait3A_746 = tpu.memref_squeeze %dma_wait3A_745 : memref<1x512xi32, #tpu.memory_space<hbm>> -> memref<512xi32, #tpu.memory_space<hbm>>
    tpu.wait_dma2 semaphore(%arg7 : memref<!tpu.dma_semaphore, #tpu.memory_space<semaphore_mem>>) src(%dma_wait3A_746 : memref<512xi32, #tpu.memory_space<hbm>>) dst(%dma_wait3A_744 : memref<512xi32, #tpu.memory_space<vmem>>)
    %dma_start3A_747 = arith.constant 10240 : i32
    %dma_start3A_748 = tpu.memref_slice %arg5[%dma_start3A_747] : memref<25600xi32, #tpu.memory_space<vmem>> -> memref<512xi32, #tpu.memory_space<vmem>>
    %dma_start3A_749 = arith.constant 0 : i32
    %dma_start3A_750 = arith.constant 0 : i32
    %dma_start3A_751 = tpu.memref_slice %arg3[%dma_start3A_749, %dma_start3A_750] : memref<1048576x32xf32, #tpu.memory_space<hbm>> -> memref<1048576x32xf32, #tpu.memory_space<hbm>>
    tpu.enqueue_indirect_dma source(%dma_start3A_751 : memref<1048576x32xf32, #tpu.memory_space<hbm>>) target(%arg6 : memref<512x32xf32, #tpu.memory_space<vmem>>) offsets(%dma_start3A_748 : memref<512xi32, #tpu.memory_space<vmem>>) semaphore(%arg8 : memref<!tpu.dma_semaphore, #tpu.memory_space<semaphore_mem>>) {add = true}
    %dma_wait3A_752 = arith.constant 21 : i32
    %dma_wait3A_753 = arith.constant 10752 : i32
    %dma_wait3A_754 = tpu.memref_slice %arg5[%dma_wait3A_753] : memref<25600xi32, #tpu.memory_space<vmem>> -> memref<512xi32, #tpu.memory_space<vmem>>
    %dma_wait3A_755 = tpu.memref_slice %arg2[%dma_wait3A_752, %mul3A_2] : memref<50x16384xi32, #tpu.memory_space<hbm>> -> memref<1x512xi32, #tpu.memory_space<hbm>>
    %dma_wait3A_756 = tpu.memref_squeeze %dma_wait3A_755 : memref<1x512xi32, #tpu.memory_space<hbm>> -> memref<512xi32, #tpu.memory_space<hbm>>
    %dma_wait3A_757 = arith.constant 10752 : i32
    %dma_wait3A_758 = tpu.memref_slice %arg5[%dma_wait3A_757] : memref<25600xi32, #tpu.memory_space<vmem>> -> memref<512xi32, #tpu.memory_space<vmem>>
    %dma_wait3A_759 = tpu.memref_slice %arg2[%dma_wait3A_752, %mul3A_2] : memref<50x16384xi32, #tpu.memory_space<hbm>> -> memref<1x512xi32, #tpu.memory_space<hbm>>
    %dma_wait3A_760 = tpu.memref_squeeze %dma_wait3A_759 : memref<1x512xi32, #tpu.memory_space<hbm>> -> memref<512xi32, #tpu.memory_space<hbm>>
    tpu.wait_dma2 semaphore(%arg7 : memref<!tpu.dma_semaphore, #tpu.memory_space<semaphore_mem>>) src(%dma_wait3A_760 : memref<512xi32, #tpu.memory_space<hbm>>) dst(%dma_wait3A_758 : memref<512xi32, #tpu.memory_space<vmem>>)
    %dma_start3A_761 = arith.constant 10752 : i32
    %dma_start3A_762 = tpu.memref_slice %arg5[%dma_start3A_761] : memref<25600xi32, #tpu.memory_space<vmem>> -> memref<512xi32, #tpu.memory_space<vmem>>
    %dma_start3A_763 = arith.constant 0 : i32
    %dma_start3A_764 = arith.constant 0 : i32
    %dma_start3A_765 = tpu.memref_slice %arg3[%dma_start3A_763, %dma_start3A_764] : memref<1048576x32xf32, #tpu.memory_space<hbm>> -> memref<1048576x32xf32, #tpu.memory_space<hbm>>
    tpu.enqueue_indirect_dma source(%dma_start3A_765 : memref<1048576x32xf32, #tpu.memory_space<hbm>>) target(%arg6 : memref<512x32xf32, #tpu.memory_space<vmem>>) offsets(%dma_start3A_762 : memref<512xi32, #tpu.memory_space<vmem>>) semaphore(%arg8 : memref<!tpu.dma_semaphore, #tpu.memory_space<semaphore_mem>>) {add = true}
    %dma_wait3A_766 = arith.constant 22 : i32
    %dma_wait3A_767 = arith.constant 11264 : i32
    %dma_wait3A_768 = tpu.memref_slice %arg5[%dma_wait3A_767] : memref<25600xi32, #tpu.memory_space<vmem>> -> memref<512xi32, #tpu.memory_space<vmem>>
    %dma_wait3A_769 = tpu.memref_slice %arg2[%dma_wait3A_766, %mul3A_2] : memref<50x16384xi32, #tpu.memory_space<hbm>> -> memref<1x512xi32, #tpu.memory_space<hbm>>
    %dma_wait3A_770 = tpu.memref_squeeze %dma_wait3A_769 : memref<1x512xi32, #tpu.memory_space<hbm>> -> memref<512xi32, #tpu.memory_space<hbm>>
    %dma_wait3A_771 = arith.constant 11264 : i32
    %dma_wait3A_772 = tpu.memref_slice %arg5[%dma_wait3A_771] : memref<25600xi32, #tpu.memory_space<vmem>> -> memref<512xi32, #tpu.memory_space<vmem>>
    %dma_wait3A_773 = tpu.memref_slice %arg2[%dma_wait3A_766, %mul3A_2] : memref<50x16384xi32, #tpu.memory_space<hbm>> -> memref<1x512xi32, #tpu.memory_space<hbm>>
    %dma_wait3A_774 = tpu.memref_squeeze %dma_wait3A_773 : memref<1x512xi32, #tpu.memory_space<hbm>> -> memref<512xi32, #tpu.memory_space<hbm>>
    tpu.wait_dma2 semaphore(%arg7 : memref<!tpu.dma_semaphore, #tpu.memory_space<semaphore_mem>>) src(%dma_wait3A_774 : memref<512xi32, #tpu.memory_space<hbm>>) dst(%dma_wait3A_772 : memref<512xi32, #tpu.memory_space<vmem>>)
    %dma_start3A_775 = arith.constant 11264 : i32
    %dma_start3A_776 = tpu.memref_slice %arg5[%dma_start3A_775] : memref<25600xi32, #tpu.memory_space<vmem>> -> memref<512xi32, #tpu.memory_space<vmem>>
    %dma_start3A_777 = arith.constant 0 : i32
    %dma_start3A_778 = arith.constant 0 : i32
    %dma_start3A_779 = tpu.memref_slice %arg3[%dma_start3A_777, %dma_start3A_778] : memref<1048576x32xf32, #tpu.memory_space<hbm>> -> memref<1048576x32xf32, #tpu.memory_space<hbm>>
    tpu.enqueue_indirect_dma source(%dma_start3A_779 : memref<1048576x32xf32, #tpu.memory_space<hbm>>) target(%arg6 : memref<512x32xf32, #tpu.memory_space<vmem>>) offsets(%dma_start3A_776 : memref<512xi32, #tpu.memory_space<vmem>>) semaphore(%arg8 : memref<!tpu.dma_semaphore, #tpu.memory_space<semaphore_mem>>) {add = true}
    %dma_wait3A_780 = arith.constant 23 : i32
    %dma_wait3A_781 = arith.constant 11776 : i32
    %dma_wait3A_782 = tpu.memref_slice %arg5[%dma_wait3A_781] : memref<25600xi32, #tpu.memory_space<vmem>> -> memref<512xi32, #tpu.memory_space<vmem>>
    %dma_wait3A_783 = tpu.memref_slice %arg2[%dma_wait3A_780, %mul3A_2] : memref<50x16384xi32, #tpu.memory_space<hbm>> -> memref<1x512xi32, #tpu.memory_space<hbm>>
    %dma_wait3A_784 = tpu.memref_squeeze %dma_wait3A_783 : memref<1x512xi32, #tpu.memory_space<hbm>> -> memref<512xi32, #tpu.memory_space<hbm>>
    %dma_wait3A_785 = arith.constant 11776 : i32
    %dma_wait3A_786 = tpu.memref_slice %arg5[%dma_wait3A_785] : memref<25600xi32, #tpu.memory_space<vmem>> -> memref<512xi32, #tpu.memory_space<vmem>>
    %dma_wait3A_787 = tpu.memref_slice %arg2[%dma_wait3A_780, %mul3A_2] : memref<50x16384xi32, #tpu.memory_space<hbm>> -> memref<1x512xi32, #tpu.memory_space<hbm>>
    %dma_wait3A_788 = tpu.memref_squeeze %dma_wait3A_787 : memref<1x512xi32, #tpu.memory_space<hbm>> -> memref<512xi32, #tpu.memory_space<hbm>>
    tpu.wait_dma2 semaphore(%arg7 : memref<!tpu.dma_semaphore, #tpu.memory_space<semaphore_mem>>) src(%dma_wait3A_788 : memref<512xi32, #tpu.memory_space<hbm>>) dst(%dma_wait3A_786 : memref<512xi32, #tpu.memory_space<vmem>>)
    %dma_start3A_789 = arith.constant 11776 : i32
    %dma_start3A_790 = tpu.memref_slice %arg5[%dma_start3A_789] : memref<25600xi32, #tpu.memory_space<vmem>> -> memref<512xi32, #tpu.memory_space<vmem>>
    %dma_start3A_791 = arith.constant 0 : i32
    %dma_start3A_792 = arith.constant 0 : i32
    %dma_start3A_793 = tpu.memref_slice %arg3[%dma_start3A_791, %dma_start3A_792] : memref<1048576x32xf32, #tpu.memory_space<hbm>> -> memref<1048576x32xf32, #tpu.memory_space<hbm>>
    tpu.enqueue_indirect_dma source(%dma_start3A_793 : memref<1048576x32xf32, #tpu.memory_space<hbm>>) target(%arg6 : memref<512x32xf32, #tpu.memory_space<vmem>>) offsets(%dma_start3A_790 : memref<512xi32, #tpu.memory_space<vmem>>) semaphore(%arg8 : memref<!tpu.dma_semaphore, #tpu.memory_space<semaphore_mem>>) {add = true}
    %dma_wait3A_794 = arith.constant 24 : i32
    %dma_wait3A_795 = arith.constant 12288 : i32
    %dma_wait3A_796 = tpu.memref_slice %arg5[%dma_wait3A_795] : memref<25600xi32, #tpu.memory_space<vmem>> -> memref<512xi32, #tpu.memory_space<vmem>>
    %dma_wait3A_797 = tpu.memref_slice %arg2[%dma_wait3A_794, %mul3A_2] : memref<50x16384xi32, #tpu.memory_space<hbm>> -> memref<1x512xi32, #tpu.memory_space<hbm>>
    %dma_wait3A_798 = tpu.memref_squeeze %dma_wait3A_797 : memref<1x512xi32, #tpu.memory_space<hbm>> -> memref<512xi32, #tpu.memory_space<hbm>>
    %dma_wait3A_799 = arith.constant 12288 : i32
    %dma_wait3A_800 = tpu.memref_slice %arg5[%dma_wait3A_799] : memref<25600xi32, #tpu.memory_space<vmem>> -> memref<512xi32, #tpu.memory_space<vmem>>
    %dma_wait3A_801 = tpu.memref_slice %arg2[%dma_wait3A_794, %mul3A_2] : memref<50x16384xi32, #tpu.memory_space<hbm>> -> memref<1x512xi32, #tpu.memory_space<hbm>>
    %dma_wait3A_802 = tpu.memref_squeeze %dma_wait3A_801 : memref<1x512xi32, #tpu.memory_space<hbm>> -> memref<512xi32, #tpu.memory_space<hbm>>
    tpu.wait_dma2 semaphore(%arg7 : memref<!tpu.dma_semaphore, #tpu.memory_space<semaphore_mem>>) src(%dma_wait3A_802 : memref<512xi32, #tpu.memory_space<hbm>>) dst(%dma_wait3A_800 : memref<512xi32, #tpu.memory_space<vmem>>)
    %dma_start3A_803 = arith.constant 12288 : i32
    %dma_start3A_804 = tpu.memref_slice %arg5[%dma_start3A_803] : memref<25600xi32, #tpu.memory_space<vmem>> -> memref<512xi32, #tpu.memory_space<vmem>>
    %dma_start3A_805 = arith.constant 0 : i32
    %dma_start3A_806 = arith.constant 0 : i32
    %dma_start3A_807 = tpu.memref_slice %arg3[%dma_start3A_805, %dma_start3A_806] : memref<1048576x32xf32, #tpu.memory_space<hbm>> -> memref<1048576x32xf32, #tpu.memory_space<hbm>>
    tpu.enqueue_indirect_dma source(%dma_start3A_807 : memref<1048576x32xf32, #tpu.memory_space<hbm>>) target(%arg6 : memref<512x32xf32, #tpu.memory_space<vmem>>) offsets(%dma_start3A_804 : memref<512xi32, #tpu.memory_space<vmem>>) semaphore(%arg8 : memref<!tpu.dma_semaphore, #tpu.memory_space<semaphore_mem>>) {add = true}
    %dma_wait3A_808 = arith.constant 25 : i32
    %dma_wait3A_809 = arith.constant 12800 : i32
    %dma_wait3A_810 = tpu.memref_slice %arg5[%dma_wait3A_809] : memref<25600xi32, #tpu.memory_space<vmem>> -> memref<512xi32, #tpu.memory_space<vmem>>
    %dma_wait3A_811 = tpu.memref_slice %arg2[%dma_wait3A_808, %mul3A_2] : memref<50x16384xi32, #tpu.memory_space<hbm>> -> memref<1x512xi32, #tpu.memory_space<hbm>>
    %dma_wait3A_812 = tpu.memref_squeeze %dma_wait3A_811 : memref<1x512xi32, #tpu.memory_space<hbm>> -> memref<512xi32, #tpu.memory_space<hbm>>
    %dma_wait3A_813 = arith.constant 12800 : i32
    %dma_wait3A_814 = tpu.memref_slice %arg5[%dma_wait3A_813] : memref<25600xi32, #tpu.memory_space<vmem>> -> memref<512xi32, #tpu.memory_space<vmem>>
    %dma_wait3A_815 = tpu.memref_slice %arg2[%dma_wait3A_808, %mul3A_2] : memref<50x16384xi32, #tpu.memory_space<hbm>> -> memref<1x512xi32, #tpu.memory_space<hbm>>
    %dma_wait3A_816 = tpu.memref_squeeze %dma_wait3A_815 : memref<1x512xi32, #tpu.memory_space<hbm>> -> memref<512xi32, #tpu.memory_space<hbm>>
    tpu.wait_dma2 semaphore(%arg7 : memref<!tpu.dma_semaphore, #tpu.memory_space<semaphore_mem>>) src(%dma_wait3A_816 : memref<512xi32, #tpu.memory_space<hbm>>) dst(%dma_wait3A_814 : memref<512xi32, #tpu.memory_space<vmem>>)
    %dma_start3A_817 = arith.constant 12800 : i32
    %dma_start3A_818 = tpu.memref_slice %arg5[%dma_start3A_817] : memref<25600xi32, #tpu.memory_space<vmem>> -> memref<512xi32, #tpu.memory_space<vmem>>
    %dma_start3A_819 = arith.constant 0 : i32
    %dma_start3A_820 = arith.constant 0 : i32
    %dma_start3A_821 = tpu.memref_slice %arg3[%dma_start3A_819, %dma_start3A_820] : memref<1048576x32xf32, #tpu.memory_space<hbm>> -> memref<1048576x32xf32, #tpu.memory_space<hbm>>
    tpu.enqueue_indirect_dma source(%dma_start3A_821 : memref<1048576x32xf32, #tpu.memory_space<hbm>>) target(%arg6 : memref<512x32xf32, #tpu.memory_space<vmem>>) offsets(%dma_start3A_818 : memref<512xi32, #tpu.memory_space<vmem>>) semaphore(%arg8 : memref<!tpu.dma_semaphore, #tpu.memory_space<semaphore_mem>>) {add = true}
    %dma_wait3A_822 = arith.constant 26 : i32
    %dma_wait3A_823 = arith.constant 13312 : i32
    %dma_wait3A_824 = tpu.memref_slice %arg5[%dma_wait3A_823] : memref<25600xi32, #tpu.memory_space<vmem>> -> memref<512xi32, #tpu.memory_space<vmem>>
    %dma_wait3A_825 = tpu.memref_slice %arg2[%dma_wait3A_822, %mul3A_2] : memref<50x16384xi32, #tpu.memory_space<hbm>> -> memref<1x512xi32, #tpu.memory_space<hbm>>
    %dma_wait3A_826 = tpu.memref_squeeze %dma_wait3A_825 : memref<1x512xi32, #tpu.memory_space<hbm>> -> memref<512xi32, #tpu.memory_space<hbm>>
    %dma_wait3A_827 = arith.constant 13312 : i32
    %dma_wait3A_828 = tpu.memref_slice %arg5[%dma_wait3A_827] : memref<25600xi32, #tpu.memory_space<vmem>> -> memref<512xi32, #tpu.memory_space<vmem>>
    %dma_wait3A_829 = tpu.memref_slice %arg2[%dma_wait3A_822, %mul3A_2] : memref<50x16384xi32, #tpu.memory_space<hbm>> -> memref<1x512xi32, #tpu.memory_space<hbm>>
    %dma_wait3A_830 = tpu.memref_squeeze %dma_wait3A_829 : memref<1x512xi32, #tpu.memory_space<hbm>> -> memref<512xi32, #tpu.memory_space<hbm>>
    tpu.wait_dma2 semaphore(%arg7 : memref<!tpu.dma_semaphore, #tpu.memory_space<semaphore_mem>>) src(%dma_wait3A_830 : memref<512xi32, #tpu.memory_space<hbm>>) dst(%dma_wait3A_828 : memref<512xi32, #tpu.memory_space<vmem>>)
    %dma_start3A_831 = arith.constant 13312 : i32
    %dma_start3A_832 = tpu.memref_slice %arg5[%dma_start3A_831] : memref<25600xi32, #tpu.memory_space<vmem>> -> memref<512xi32, #tpu.memory_space<vmem>>
    %dma_start3A_833 = arith.constant 0 : i32
    %dma_start3A_834 = arith.constant 0 : i32
    %dma_start3A_835 = tpu.memref_slice %arg3[%dma_start3A_833, %dma_start3A_834] : memref<1048576x32xf32, #tpu.memory_space<hbm>> -> memref<1048576x32xf32, #tpu.memory_space<hbm>>
    tpu.enqueue_indirect_dma source(%dma_start3A_835 : memref<1048576x32xf32, #tpu.memory_space<hbm>>) target(%arg6 : memref<512x32xf32, #tpu.memory_space<vmem>>) offsets(%dma_start3A_832 : memref<512xi32, #tpu.memory_space<vmem>>) semaphore(%arg8 : memref<!tpu.dma_semaphore, #tpu.memory_space<semaphore_mem>>) {add = true}
    %dma_wait3A_836 = arith.constant 27 : i32
    %dma_wait3A_837 = arith.constant 13824 : i32
    %dma_wait3A_838 = tpu.memref_slice %arg5[%dma_wait3A_837] : memref<25600xi32, #tpu.memory_space<vmem>> -> memref<512xi32, #tpu.memory_space<vmem>>
    %dma_wait3A_839 = tpu.memref_slice %arg2[%dma_wait3A_836, %mul3A_2] : memref<50x16384xi32, #tpu.memory_space<hbm>> -> memref<1x512xi32, #tpu.memory_space<hbm>>
    %dma_wait3A_840 = tpu.memref_squeeze %dma_wait3A_839 : memref<1x512xi32, #tpu.memory_space<hbm>> -> memref<512xi32, #tpu.memory_space<hbm>>
    %dma_wait3A_841 = arith.constant 13824 : i32
    %dma_wait3A_842 = tpu.memref_slice %arg5[%dma_wait3A_841] : memref<25600xi32, #tpu.memory_space<vmem>> -> memref<512xi32, #tpu.memory_space<vmem>>
    %dma_wait3A_843 = tpu.memref_slice %arg2[%dma_wait3A_836, %mul3A_2] : memref<50x16384xi32, #tpu.memory_space<hbm>> -> memref<1x512xi32, #tpu.memory_space<hbm>>
    %dma_wait3A_844 = tpu.memref_squeeze %dma_wait3A_843 : memref<1x512xi32, #tpu.memory_space<hbm>> -> memref<512xi32, #tpu.memory_space<hbm>>
    tpu.wait_dma2 semaphore(%arg7 : memref<!tpu.dma_semaphore, #tpu.memory_space<semaphore_mem>>) src(%dma_wait3A_844 : memref<512xi32, #tpu.memory_space<hbm>>) dst(%dma_wait3A_842 : memref<512xi32, #tpu.memory_space<vmem>>)
    %dma_start3A_845 = arith.constant 13824 : i32
    %dma_start3A_846 = tpu.memref_slice %arg5[%dma_start3A_845] : memref<25600xi32, #tpu.memory_space<vmem>> -> memref<512xi32, #tpu.memory_space<vmem>>
    %dma_start3A_847 = arith.constant 0 : i32
    %dma_start3A_848 = arith.constant 0 : i32
    %dma_start3A_849 = tpu.memref_slice %arg3[%dma_start3A_847, %dma_start3A_848] : memref<1048576x32xf32, #tpu.memory_space<hbm>> -> memref<1048576x32xf32, #tpu.memory_space<hbm>>
    tpu.enqueue_indirect_dma source(%dma_start3A_849 : memref<1048576x32xf32, #tpu.memory_space<hbm>>) target(%arg6 : memref<512x32xf32, #tpu.memory_space<vmem>>) offsets(%dma_start3A_846 : memref<512xi32, #tpu.memory_space<vmem>>) semaphore(%arg8 : memref<!tpu.dma_semaphore, #tpu.memory_space<semaphore_mem>>) {add = true}
    %dma_wait3A_850 = arith.constant 28 : i32
    %dma_wait3A_851 = arith.constant 14336 : i32
    %dma_wait3A_852 = tpu.memref_slice %arg5[%dma_wait3A_851] : memref<25600xi32, #tpu.memory_space<vmem>> -> memref<512xi32, #tpu.memory_space<vmem>>
    %dma_wait3A_853 = tpu.memref_slice %arg2[%dma_wait3A_850, %mul3A_2] : memref<50x16384xi32, #tpu.memory_space<hbm>> -> memref<1x512xi32, #tpu.memory_space<hbm>>
    %dma_wait3A_854 = tpu.memref_squeeze %dma_wait3A_853 : memref<1x512xi32, #tpu.memory_space<hbm>> -> memref<512xi32, #tpu.memory_space<hbm>>
    %dma_wait3A_855 = arith.constant 14336 : i32
    %dma_wait3A_856 = tpu.memref_slice %arg5[%dma_wait3A_855] : memref<25600xi32, #tpu.memory_space<vmem>> -> memref<512xi32, #tpu.memory_space<vmem>>
    %dma_wait3A_857 = tpu.memref_slice %arg2[%dma_wait3A_850, %mul3A_2] : memref<50x16384xi32, #tpu.memory_space<hbm>> -> memref<1x512xi32, #tpu.memory_space<hbm>>
    %dma_wait3A_858 = tpu.memref_squeeze %dma_wait3A_857 : memref<1x512xi32, #tpu.memory_space<hbm>> -> memref<512xi32, #tpu.memory_space<hbm>>
    tpu.wait_dma2 semaphore(%arg7 : memref<!tpu.dma_semaphore, #tpu.memory_space<semaphore_mem>>) src(%dma_wait3A_858 : memref<512xi32, #tpu.memory_space<hbm>>) dst(%dma_wait3A_856 : memref<512xi32, #tpu.memory_space<vmem>>)
    %dma_start3A_859 = arith.constant 14336 : i32
    %dma_start3A_860 = tpu.memref_slice %arg5[%dma_start3A_859] : memref<25600xi32, #tpu.memory_space<vmem>> -> memref<512xi32, #tpu.memory_space<vmem>>
    %dma_start3A_861 = arith.constant 0 : i32
    %dma_start3A_862 = arith.constant 0 : i32
    %dma_start3A_863 = tpu.memref_slice %arg3[%dma_start3A_861, %dma_start3A_862] : memref<1048576x32xf32, #tpu.memory_space<hbm>> -> memref<1048576x32xf32, #tpu.memory_space<hbm>>
    tpu.enqueue_indirect_dma source(%dma_start3A_863 : memref<1048576x32xf32, #tpu.memory_space<hbm>>) target(%arg6 : memref<512x32xf32, #tpu.memory_space<vmem>>) offsets(%dma_start3A_860 : memref<512xi32, #tpu.memory_space<vmem>>) semaphore(%arg8 : memref<!tpu.dma_semaphore, #tpu.memory_space<semaphore_mem>>) {add = true}
    %dma_wait3A_864 = arith.constant 29 : i32
    %dma_wait3A_865 = arith.constant 14848 : i32
    %dma_wait3A_866 = tpu.memref_slice %arg5[%dma_wait3A_865] : memref<25600xi32, #tpu.memory_space<vmem>> -> memref<512xi32, #tpu.memory_space<vmem>>
    %dma_wait3A_867 = tpu.memref_slice %arg2[%dma_wait3A_864, %mul3A_2] : memref<50x16384xi32, #tpu.memory_space<hbm>> -> memref<1x512xi32, #tpu.memory_space<hbm>>
    %dma_wait3A_868 = tpu.memref_squeeze %dma_wait3A_867 : memref<1x512xi32, #tpu.memory_space<hbm>> -> memref<512xi32, #tpu.memory_space<hbm>>
    %dma_wait3A_869 = arith.constant 14848 : i32
    %dma_wait3A_870 = tpu.memref_slice %arg5[%dma_wait3A_869] : memref<25600xi32, #tpu.memory_space<vmem>> -> memref<512xi32, #tpu.memory_space<vmem>>
    %dma_wait3A_871 = tpu.memref_slice %arg2[%dma_wait3A_864, %mul3A_2] : memref<50x16384xi32, #tpu.memory_space<hbm>> -> memref<1x512xi32, #tpu.memory_space<hbm>>
    %dma_wait3A_872 = tpu.memref_squeeze %dma_wait3A_871 : memref<1x512xi32, #tpu.memory_space<hbm>> -> memref<512xi32, #tpu.memory_space<hbm>>
    tpu.wait_dma2 semaphore(%arg7 : memref<!tpu.dma_semaphore, #tpu.memory_space<semaphore_mem>>) src(%dma_wait3A_872 : memref<512xi32, #tpu.memory_space<hbm>>) dst(%dma_wait3A_870 : memref<512xi32, #tpu.memory_space<vmem>>)
    %dma_start3A_873 = arith.constant 14848 : i32
    %dma_start3A_874 = tpu.memref_slice %arg5[%dma_start3A_873] : memref<25600xi32, #tpu.memory_space<vmem>> -> memref<512xi32, #tpu.memory_space<vmem>>
    %dma_start3A_875 = arith.constant 0 : i32
    %dma_start3A_876 = arith.constant 0 : i32
    %dma_start3A_877 = tpu.memref_slice %arg3[%dma_start3A_875, %dma_start3A_876] : memref<1048576x32xf32, #tpu.memory_space<hbm>> -> memref<1048576x32xf32, #tpu.memory_space<hbm>>
    tpu.enqueue_indirect_dma source(%dma_start3A_877 : memref<1048576x32xf32, #tpu.memory_space<hbm>>) target(%arg6 : memref<512x32xf32, #tpu.memory_space<vmem>>) offsets(%dma_start3A_874 : memref<512xi32, #tpu.memory_space<vmem>>) semaphore(%arg8 : memref<!tpu.dma_semaphore, #tpu.memory_space<semaphore_mem>>) {add = true}
    %dma_wait3A_878 = arith.constant 30 : i32
    %dma_wait3A_879 = arith.constant 15360 : i32
    %dma_wait3A_880 = tpu.memref_slice %arg5[%dma_wait3A_879] : memref<25600xi32, #tpu.memory_space<vmem>> -> memref<512xi32, #tpu.memory_space<vmem>>
    %dma_wait3A_881 = tpu.memref_slice %arg2[%dma_wait3A_878, %mul3A_2] : memref<50x16384xi32, #tpu.memory_space<hbm>> -> memref<1x512xi32, #tpu.memory_space<hbm>>
    %dma_wait3A_882 = tpu.memref_squeeze %dma_wait3A_881 : memref<1x512xi32, #tpu.memory_space<hbm>> -> memref<512xi32, #tpu.memory_space<hbm>>
    %dma_wait3A_883 = arith.constant 15360 : i32
    %dma_wait3A_884 = tpu.memref_slice %arg5[%dma_wait3A_883] : memref<25600xi32, #tpu.memory_space<vmem>> -> memref<512xi32, #tpu.memory_space<vmem>>
    %dma_wait3A_885 = tpu.memref_slice %arg2[%dma_wait3A_878, %mul3A_2] : memref<50x16384xi32, #tpu.memory_space<hbm>> -> memref<1x512xi32, #tpu.memory_space<hbm>>
    %dma_wait3A_886 = tpu.memref_squeeze %dma_wait3A_885 : memref<1x512xi32, #tpu.memory_space<hbm>> -> memref<512xi32, #tpu.memory_space<hbm>>
    tpu.wait_dma2 semaphore(%arg7 : memref<!tpu.dma_semaphore, #tpu.memory_space<semaphore_mem>>) src(%dma_wait3A_886 : memref<512xi32, #tpu.memory_space<hbm>>) dst(%dma_wait3A_884 : memref<512xi32, #tpu.memory_space<vmem>>)
    %dma_start3A_887 = arith.constant 15360 : i32
    %dma_start3A_888 = tpu.memref_slice %arg5[%dma_start3A_887] : memref<25600xi32, #tpu.memory_space<vmem>> -> memref<512xi32, #tpu.memory_space<vmem>>
    %dma_start3A_889 = arith.constant 0 : i32
    %dma_start3A_890 = arith.constant 0 : i32
    %dma_start3A_891 = tpu.memref_slice %arg3[%dma_start3A_889, %dma_start3A_890] : memref<1048576x32xf32, #tpu.memory_space<hbm>> -> memref<1048576x32xf32, #tpu.memory_space<hbm>>
    tpu.enqueue_indirect_dma source(%dma_start3A_891 : memref<1048576x32xf32, #tpu.memory_space<hbm>>) target(%arg6 : memref<512x32xf32, #tpu.memory_space<vmem>>) offsets(%dma_start3A_888 : memref<512xi32, #tpu.memory_space<vmem>>) semaphore(%arg8 : memref<!tpu.dma_semaphore, #tpu.memory_space<semaphore_mem>>) {add = true}
    %dma_wait3A_892 = arith.constant 31 : i32
    %dma_wait3A_893 = arith.constant 15872 : i32
    %dma_wait3A_894 = tpu.memref_slice %arg5[%dma_wait3A_893] : memref<25600xi32, #tpu.memory_space<vmem>> -> memref<512xi32, #tpu.memory_space<vmem>>
    %dma_wait3A_895 = tpu.memref_slice %arg2[%dma_wait3A_892, %mul3A_2] : memref<50x16384xi32, #tpu.memory_space<hbm>> -> memref<1x512xi32, #tpu.memory_space<hbm>>
    %dma_wait3A_896 = tpu.memref_squeeze %dma_wait3A_895 : memref<1x512xi32, #tpu.memory_space<hbm>> -> memref<512xi32, #tpu.memory_space<hbm>>
    %dma_wait3A_897 = arith.constant 15872 : i32
    %dma_wait3A_898 = tpu.memref_slice %arg5[%dma_wait3A_897] : memref<25600xi32, #tpu.memory_space<vmem>> -> memref<512xi32, #tpu.memory_space<vmem>>
    %dma_wait3A_899 = tpu.memref_slice %arg2[%dma_wait3A_892, %mul3A_2] : memref<50x16384xi32, #tpu.memory_space<hbm>> -> memref<1x512xi32, #tpu.memory_space<hbm>>
    %dma_wait3A_900 = tpu.memref_squeeze %dma_wait3A_899 : memref<1x512xi32, #tpu.memory_space<hbm>> -> memref<512xi32, #tpu.memory_space<hbm>>
    tpu.wait_dma2 semaphore(%arg7 : memref<!tpu.dma_semaphore, #tpu.memory_space<semaphore_mem>>) src(%dma_wait3A_900 : memref<512xi32, #tpu.memory_space<hbm>>) dst(%dma_wait3A_898 : memref<512xi32, #tpu.memory_space<vmem>>)
    %dma_start3A_901 = arith.constant 15872 : i32
    %dma_start3A_902 = tpu.memref_slice %arg5[%dma_start3A_901] : memref<25600xi32, #tpu.memory_space<vmem>> -> memref<512xi32, #tpu.memory_space<vmem>>
    %dma_start3A_903 = arith.constant 0 : i32
    %dma_start3A_904 = arith.constant 0 : i32
    %dma_start3A_905 = tpu.memref_slice %arg3[%dma_start3A_903, %dma_start3A_904] : memref<1048576x32xf32, #tpu.memory_space<hbm>> -> memref<1048576x32xf32, #tpu.memory_space<hbm>>
    tpu.enqueue_indirect_dma source(%dma_start3A_905 : memref<1048576x32xf32, #tpu.memory_space<hbm>>) target(%arg6 : memref<512x32xf32, #tpu.memory_space<vmem>>) offsets(%dma_start3A_902 : memref<512xi32, #tpu.memory_space<vmem>>) semaphore(%arg8 : memref<!tpu.dma_semaphore, #tpu.memory_space<semaphore_mem>>) {add = true}
    %dma_wait3A_906 = arith.constant 32 : i32
    %dma_wait3A_907 = arith.constant 16384 : i32
    %dma_wait3A_908 = tpu.memref_slice %arg5[%dma_wait3A_907] : memref<25600xi32, #tpu.memory_space<vmem>> -> memref<512xi32, #tpu.memory_space<vmem>>
    %dma_wait3A_909 = tpu.memref_slice %arg2[%dma_wait3A_906, %mul3A_2] : memref<50x16384xi32, #tpu.memory_space<hbm>> -> memref<1x512xi32, #tpu.memory_space<hbm>>
    %dma_wait3A_910 = tpu.memref_squeeze %dma_wait3A_909 : memref<1x512xi32, #tpu.memory_space<hbm>> -> memref<512xi32, #tpu.memory_space<hbm>>
    %dma_wait3A_911 = arith.constant 16384 : i32
    %dma_wait3A_912 = tpu.memref_slice %arg5[%dma_wait3A_911] : memref<25600xi32, #tpu.memory_space<vmem>> -> memref<512xi32, #tpu.memory_space<vmem>>
    %dma_wait3A_913 = tpu.memref_slice %arg2[%dma_wait3A_906, %mul3A_2] : memref<50x16384xi32, #tpu.memory_space<hbm>> -> memref<1x512xi32, #tpu.memory_space<hbm>>
    %dma_wait3A_914 = tpu.memref_squeeze %dma_wait3A_913 : memref<1x512xi32, #tpu.memory_space<hbm>> -> memref<512xi32, #tpu.memory_space<hbm>>
    tpu.wait_dma2 semaphore(%arg7 : memref<!tpu.dma_semaphore, #tpu.memory_space<semaphore_mem>>) src(%dma_wait3A_914 : memref<512xi32, #tpu.memory_space<hbm>>) dst(%dma_wait3A_912 : memref<512xi32, #tpu.memory_space<vmem>>)
    %dma_start3A_915 = arith.constant 16384 : i32
    %dma_start3A_916 = tpu.memref_slice %arg5[%dma_start3A_915] : memref<25600xi32, #tpu.memory_space<vmem>> -> memref<512xi32, #tpu.memory_space<vmem>>
    %dma_start3A_917 = arith.constant 0 : i32
    %dma_start3A_918 = arith.constant 0 : i32
    %dma_start3A_919 = tpu.memref_slice %arg3[%dma_start3A_917, %dma_start3A_918] : memref<1048576x32xf32, #tpu.memory_space<hbm>> -> memref<1048576x32xf32, #tpu.memory_space<hbm>>
    tpu.enqueue_indirect_dma source(%dma_start3A_919 : memref<1048576x32xf32, #tpu.memory_space<hbm>>) target(%arg6 : memref<512x32xf32, #tpu.memory_space<vmem>>) offsets(%dma_start3A_916 : memref<512xi32, #tpu.memory_space<vmem>>) semaphore(%arg8 : memref<!tpu.dma_semaphore, #tpu.memory_space<semaphore_mem>>) {add = true}
    %dma_wait3A_920 = arith.constant 33 : i32
    %dma_wait3A_921 = arith.constant 16896 : i32
    %dma_wait3A_922 = tpu.memref_slice %arg5[%dma_wait3A_921] : memref<25600xi32, #tpu.memory_space<vmem>> -> memref<512xi32, #tpu.memory_space<vmem>>
    %dma_wait3A_923 = tpu.memref_slice %arg2[%dma_wait3A_920, %mul3A_2] : memref<50x16384xi32, #tpu.memory_space<hbm>> -> memref<1x512xi32, #tpu.memory_space<hbm>>
    %dma_wait3A_924 = tpu.memref_squeeze %dma_wait3A_923 : memref<1x512xi32, #tpu.memory_space<hbm>> -> memref<512xi32, #tpu.memory_space<hbm>>
    %dma_wait3A_925 = arith.constant 16896 : i32
    %dma_wait3A_926 = tpu.memref_slice %arg5[%dma_wait3A_925] : memref<25600xi32, #tpu.memory_space<vmem>> -> memref<512xi32, #tpu.memory_space<vmem>>
    %dma_wait3A_927 = tpu.memref_slice %arg2[%dma_wait3A_920, %mul3A_2] : memref<50x16384xi32, #tpu.memory_space<hbm>> -> memref<1x512xi32, #tpu.memory_space<hbm>>
    %dma_wait3A_928 = tpu.memref_squeeze %dma_wait3A_927 : memref<1x512xi32, #tpu.memory_space<hbm>> -> memref<512xi32, #tpu.memory_space<hbm>>
    tpu.wait_dma2 semaphore(%arg7 : memref<!tpu.dma_semaphore, #tpu.memory_space<semaphore_mem>>) src(%dma_wait3A_928 : memref<512xi32, #tpu.memory_space<hbm>>) dst(%dma_wait3A_926 : memref<512xi32, #tpu.memory_space<vmem>>)
    %dma_start3A_929 = arith.constant 16896 : i32
    %dma_start3A_930 = tpu.memref_slice %arg5[%dma_start3A_929] : memref<25600xi32, #tpu.memory_space<vmem>> -> memref<512xi32, #tpu.memory_space<vmem>>
    %dma_start3A_931 = arith.constant 0 : i32
    %dma_start3A_932 = arith.constant 0 : i32
    %dma_start3A_933 = tpu.memref_slice %arg3[%dma_start3A_931, %dma_start3A_932] : memref<1048576x32xf32, #tpu.memory_space<hbm>> -> memref<1048576x32xf32, #tpu.memory_space<hbm>>
    tpu.enqueue_indirect_dma source(%dma_start3A_933 : memref<1048576x32xf32, #tpu.memory_space<hbm>>) target(%arg6 : memref<512x32xf32, #tpu.memory_space<vmem>>) offsets(%dma_start3A_930 : memref<512xi32, #tpu.memory_space<vmem>>) semaphore(%arg8 : memref<!tpu.dma_semaphore, #tpu.memory_space<semaphore_mem>>) {add = true}
    %dma_wait3A_934 = arith.constant 34 : i32
    %dma_wait3A_935 = arith.constant 17408 : i32
    %dma_wait3A_936 = tpu.memref_slice %arg5[%dma_wait3A_935] : memref<25600xi32, #tpu.memory_space<vmem>> -> memref<512xi32, #tpu.memory_space<vmem>>
    %dma_wait3A_937 = tpu.memref_slice %arg2[%dma_wait3A_934, %mul3A_2] : memref<50x16384xi32, #tpu.memory_space<hbm>> -> memref<1x512xi32, #tpu.memory_space<hbm>>
    %dma_wait3A_938 = tpu.memref_squeeze %dma_wait3A_937 : memref<1x512xi32, #tpu.memory_space<hbm>> -> memref<512xi32, #tpu.memory_space<hbm>>
    %dma_wait3A_939 = arith.constant 17408 : i32
    %dma_wait3A_940 = tpu.memref_slice %arg5[%dma_wait3A_939] : memref<25600xi32, #tpu.memory_space<vmem>> -> memref<512xi32, #tpu.memory_space<vmem>>
    %dma_wait3A_941 = tpu.memref_slice %arg2[%dma_wait3A_934, %mul3A_2] : memref<50x16384xi32, #tpu.memory_space<hbm>> -> memref<1x512xi32, #tpu.memory_space<hbm>>
    %dma_wait3A_942 = tpu.memref_squeeze %dma_wait3A_941 : memref<1x512xi32, #tpu.memory_space<hbm>> -> memref<512xi32, #tpu.memory_space<hbm>>
    tpu.wait_dma2 semaphore(%arg7 : memref<!tpu.dma_semaphore, #tpu.memory_space<semaphore_mem>>) src(%dma_wait3A_942 : memref<512xi32, #tpu.memory_space<hbm>>) dst(%dma_wait3A_940 : memref<512xi32, #tpu.memory_space<vmem>>)
    %dma_start3A_943 = arith.constant 17408 : i32
    %dma_start3A_944 = tpu.memref_slice %arg5[%dma_start3A_943] : memref<25600xi32, #tpu.memory_space<vmem>> -> memref<512xi32, #tpu.memory_space<vmem>>
    %dma_start3A_945 = arith.constant 0 : i32
    %dma_start3A_946 = arith.constant 0 : i32
    %dma_start3A_947 = tpu.memref_slice %arg3[%dma_start3A_945, %dma_start3A_946] : memref<1048576x32xf32, #tpu.memory_space<hbm>> -> memref<1048576x32xf32, #tpu.memory_space<hbm>>
    tpu.enqueue_indirect_dma source(%dma_start3A_947 : memref<1048576x32xf32, #tpu.memory_space<hbm>>) target(%arg6 : memref<512x32xf32, #tpu.memory_space<vmem>>) offsets(%dma_start3A_944 : memref<512xi32, #tpu.memory_space<vmem>>) semaphore(%arg8 : memref<!tpu.dma_semaphore, #tpu.memory_space<semaphore_mem>>) {add = true}
    %dma_wait3A_948 = arith.constant 35 : i32
    %dma_wait3A_949 = arith.constant 17920 : i32
    %dma_wait3A_950 = tpu.memref_slice %arg5[%dma_wait3A_949] : memref<25600xi32, #tpu.memory_space<vmem>> -> memref<512xi32, #tpu.memory_space<vmem>>
    %dma_wait3A_951 = tpu.memref_slice %arg2[%dma_wait3A_948, %mul3A_2] : memref<50x16384xi32, #tpu.memory_space<hbm>> -> memref<1x512xi32, #tpu.memory_space<hbm>>
    %dma_wait3A_952 = tpu.memref_squeeze %dma_wait3A_951 : memref<1x512xi32, #tpu.memory_space<hbm>> -> memref<512xi32, #tpu.memory_space<hbm>>
    %dma_wait3A_953 = arith.constant 17920 : i32
    %dma_wait3A_954 = tpu.memref_slice %arg5[%dma_wait3A_953] : memref<25600xi32, #tpu.memory_space<vmem>> -> memref<512xi32, #tpu.memory_space<vmem>>
    %dma_wait3A_955 = tpu.memref_slice %arg2[%dma_wait3A_948, %mul3A_2] : memref<50x16384xi32, #tpu.memory_space<hbm>> -> memref<1x512xi32, #tpu.memory_space<hbm>>
    %dma_wait3A_956 = tpu.memref_squeeze %dma_wait3A_955 : memref<1x512xi32, #tpu.memory_space<hbm>> -> memref<512xi32, #tpu.memory_space<hbm>>
    tpu.wait_dma2 semaphore(%arg7 : memref<!tpu.dma_semaphore, #tpu.memory_space<semaphore_mem>>) src(%dma_wait3A_956 : memref<512xi32, #tpu.memory_space<hbm>>) dst(%dma_wait3A_954 : memref<512xi32, #tpu.memory_space<vmem>>)
    %dma_start3A_957 = arith.constant 17920 : i32
    %dma_start3A_958 = tpu.memref_slice %arg5[%dma_start3A_957] : memref<25600xi32, #tpu.memory_space<vmem>> -> memref<512xi32, #tpu.memory_space<vmem>>
    %dma_start3A_959 = arith.constant 0 : i32
    %dma_start3A_960 = arith.constant 0 : i32
    %dma_start3A_961 = tpu.memref_slice %arg3[%dma_start3A_959, %dma_start3A_960] : memref<1048576x32xf32, #tpu.memory_space<hbm>> -> memref<1048576x32xf32, #tpu.memory_space<hbm>>
    tpu.enqueue_indirect_dma source(%dma_start3A_961 : memref<1048576x32xf32, #tpu.memory_space<hbm>>) target(%arg6 : memref<512x32xf32, #tpu.memory_space<vmem>>) offsets(%dma_start3A_958 : memref<512xi32, #tpu.memory_space<vmem>>) semaphore(%arg8 : memref<!tpu.dma_semaphore, #tpu.memory_space<semaphore_mem>>) {add = true}
    %dma_wait3A_962 = arith.constant 36 : i32
    %dma_wait3A_963 = arith.constant 18432 : i32
    %dma_wait3A_964 = tpu.memref_slice %arg5[%dma_wait3A_963] : memref<25600xi32, #tpu.memory_space<vmem>> -> memref<512xi32, #tpu.memory_space<vmem>>
    %dma_wait3A_965 = tpu.memref_slice %arg2[%dma_wait3A_962, %mul3A_2] : memref<50x16384xi32, #tpu.memory_space<hbm>> -> memref<1x512xi32, #tpu.memory_space<hbm>>
    %dma_wait3A_966 = tpu.memref_squeeze %dma_wait3A_965 : memref<1x512xi32, #tpu.memory_space<hbm>> -> memref<512xi32, #tpu.memory_space<hbm>>
    %dma_wait3A_967 = arith.constant 18432 : i32
    %dma_wait3A_968 = tpu.memref_slice %arg5[%dma_wait3A_967] : memref<25600xi32, #tpu.memory_space<vmem>> -> memref<512xi32, #tpu.memory_space<vmem>>
    %dma_wait3A_969 = tpu.memref_slice %arg2[%dma_wait3A_962, %mul3A_2] : memref<50x16384xi32, #tpu.memory_space<hbm>> -> memref<1x512xi32, #tpu.memory_space<hbm>>
    %dma_wait3A_970 = tpu.memref_squeeze %dma_wait3A_969 : memref<1x512xi32, #tpu.memory_space<hbm>> -> memref<512xi32, #tpu.memory_space<hbm>>
    tpu.wait_dma2 semaphore(%arg7 : memref<!tpu.dma_semaphore, #tpu.memory_space<semaphore_mem>>) src(%dma_wait3A_970 : memref<512xi32, #tpu.memory_space<hbm>>) dst(%dma_wait3A_968 : memref<512xi32, #tpu.memory_space<vmem>>)
    %dma_start3A_971 = arith.constant 18432 : i32
    %dma_start3A_972 = tpu.memref_slice %arg5[%dma_start3A_971] : memref<25600xi32, #tpu.memory_space<vmem>> -> memref<512xi32, #tpu.memory_space<vmem>>
    %dma_start3A_973 = arith.constant 0 : i32
    %dma_start3A_974 = arith.constant 0 : i32
    %dma_start3A_975 = tpu.memref_slice %arg3[%dma_start3A_973, %dma_start3A_974] : memref<1048576x32xf32, #tpu.memory_space<hbm>> -> memref<1048576x32xf32, #tpu.memory_space<hbm>>
    tpu.enqueue_indirect_dma source(%dma_start3A_975 : memref<1048576x32xf32, #tpu.memory_space<hbm>>) target(%arg6 : memref<512x32xf32, #tpu.memory_space<vmem>>) offsets(%dma_start3A_972 : memref<512xi32, #tpu.memory_space<vmem>>) semaphore(%arg8 : memref<!tpu.dma_semaphore, #tpu.memory_space<semaphore_mem>>) {add = true}
    %dma_wait3A_976 = arith.constant 37 : i32
    %dma_wait3A_977 = arith.constant 18944 : i32
    %dma_wait3A_978 = tpu.memref_slice %arg5[%dma_wait3A_977] : memref<25600xi32, #tpu.memory_space<vmem>> -> memref<512xi32, #tpu.memory_space<vmem>>
    %dma_wait3A_979 = tpu.memref_slice %arg2[%dma_wait3A_976, %mul3A_2] : memref<50x16384xi32, #tpu.memory_space<hbm>> -> memref<1x512xi32, #tpu.memory_space<hbm>>
    %dma_wait3A_980 = tpu.memref_squeeze %dma_wait3A_979 : memref<1x512xi32, #tpu.memory_space<hbm>> -> memref<512xi32, #tpu.memory_space<hbm>>
    %dma_wait3A_981 = arith.constant 18944 : i32
    %dma_wait3A_982 = tpu.memref_slice %arg5[%dma_wait3A_981] : memref<25600xi32, #tpu.memory_space<vmem>> -> memref<512xi32, #tpu.memory_space<vmem>>
    %dma_wait3A_983 = tpu.memref_slice %arg2[%dma_wait3A_976, %mul3A_2] : memref<50x16384xi32, #tpu.memory_space<hbm>> -> memref<1x512xi32, #tpu.memory_space<hbm>>
    %dma_wait3A_984 = tpu.memref_squeeze %dma_wait3A_983 : memref<1x512xi32, #tpu.memory_space<hbm>> -> memref<512xi32, #tpu.memory_space<hbm>>
    tpu.wait_dma2 semaphore(%arg7 : memref<!tpu.dma_semaphore, #tpu.memory_space<semaphore_mem>>) src(%dma_wait3A_984 : memref<512xi32, #tpu.memory_space<hbm>>) dst(%dma_wait3A_982 : memref<512xi32, #tpu.memory_space<vmem>>)
    %dma_start3A_985 = arith.constant 18944 : i32
    %dma_start3A_986 = tpu.memref_slice %arg5[%dma_start3A_985] : memref<25600xi32, #tpu.memory_space<vmem>> -> memref<512xi32, #tpu.memory_space<vmem>>
    %dma_start3A_987 = arith.constant 0 : i32
    %dma_start3A_988 = arith.constant 0 : i32
    %dma_start3A_989 = tpu.memref_slice %arg3[%dma_start3A_987, %dma_start3A_988] : memref<1048576x32xf32, #tpu.memory_space<hbm>> -> memref<1048576x32xf32, #tpu.memory_space<hbm>>
    tpu.enqueue_indirect_dma source(%dma_start3A_989 : memref<1048576x32xf32, #tpu.memory_space<hbm>>) target(%arg6 : memref<512x32xf32, #tpu.memory_space<vmem>>) offsets(%dma_start3A_986 : memref<512xi32, #tpu.memory_space<vmem>>) semaphore(%arg8 : memref<!tpu.dma_semaphore, #tpu.memory_space<semaphore_mem>>) {add = true}
    %dma_wait3A_990 = arith.constant 38 : i32
    %dma_wait3A_991 = arith.constant 19456 : i32
    %dma_wait3A_992 = tpu.memref_slice %arg5[%dma_wait3A_991] : memref<25600xi32, #tpu.memory_space<vmem>> -> memref<512xi32, #tpu.memory_space<vmem>>
    %dma_wait3A_993 = tpu.memref_slice %arg2[%dma_wait3A_990, %mul3A_2] : memref<50x16384xi32, #tpu.memory_space<hbm>> -> memref<1x512xi32, #tpu.memory_space<hbm>>
    %dma_wait3A_994 = tpu.memref_squeeze %dma_wait3A_993 : memref<1x512xi32, #tpu.memory_space<hbm>> -> memref<512xi32, #tpu.memory_space<hbm>>
    %dma_wait3A_995 = arith.constant 19456 : i32
    %dma_wait3A_996 = tpu.memref_slice %arg5[%dma_wait3A_995] : memref<25600xi32, #tpu.memory_space<vmem>> -> memref<512xi32, #tpu.memory_space<vmem>>
    %dma_wait3A_997 = tpu.memref_slice %arg2[%dma_wait3A_990, %mul3A_2] : memref<50x16384xi32, #tpu.memory_space<hbm>> -> memref<1x512xi32, #tpu.memory_space<hbm>>
    %dma_wait3A_998 = tpu.memref_squeeze %dma_wait3A_997 : memref<1x512xi32, #tpu.memory_space<hbm>> -> memref<512xi32, #tpu.memory_space<hbm>>
    tpu.wait_dma2 semaphore(%arg7 : memref<!tpu.dma_semaphore, #tpu.memory_space<semaphore_mem>>) src(%dma_wait3A_998 : memref<512xi32, #tpu.memory_space<hbm>>) dst(%dma_wait3A_996 : memref<512xi32, #tpu.memory_space<vmem>>)
    %dma_start3A_999 = arith.constant 19456 : i32
    %dma_start3A_1000 = tpu.memref_slice %arg5[%dma_start3A_999] : memref<25600xi32, #tpu.memory_space<vmem>> -> memref<512xi32, #tpu.memory_space<vmem>>
    %dma_start3A_1001 = arith.constant 0 : i32
    %dma_start3A_1002 = arith.constant 0 : i32
    %dma_start3A_1003 = tpu.memref_slice %arg3[%dma_start3A_1001, %dma_start3A_1002] : memref<1048576x32xf32, #tpu.memory_space<hbm>> -> memref<1048576x32xf32, #tpu.memory_space<hbm>>
    tpu.enqueue_indirect_dma source(%dma_start3A_1003 : memref<1048576x32xf32, #tpu.memory_space<hbm>>) target(%arg6 : memref<512x32xf32, #tpu.memory_space<vmem>>) offsets(%dma_start3A_1000 : memref<512xi32, #tpu.memory_space<vmem>>) semaphore(%arg8 : memref<!tpu.dma_semaphore, #tpu.memory_space<semaphore_mem>>) {add = true}
    %dma_wait3A_1004 = arith.constant 39 : i32
    %dma_wait3A_1005 = arith.constant 19968 : i32
    %dma_wait3A_1006 = tpu.memref_slice %arg5[%dma_wait3A_1005] : memref<25600xi32, #tpu.memory_space<vmem>> -> memref<512xi32, #tpu.memory_space<vmem>>
    %dma_wait3A_1007 = tpu.memref_slice %arg2[%dma_wait3A_1004, %mul3A_2] : memref<50x16384xi32, #tpu.memory_space<hbm>> -> memref<1x512xi32, #tpu.memory_space<hbm>>
    %dma_wait3A_1008 = tpu.memref_squeeze %dma_wait3A_1007 : memref<1x512xi32, #tpu.memory_space<hbm>> -> memref<512xi32, #tpu.memory_space<hbm>>
    %dma_wait3A_1009 = arith.constant 19968 : i32
    %dma_wait3A_1010 = tpu.memref_slice %arg5[%dma_wait3A_1009] : memref<25600xi32, #tpu.memory_space<vmem>> -> memref<512xi32, #tpu.memory_space<vmem>>
    %dma_wait3A_1011 = tpu.memref_slice %arg2[%dma_wait3A_1004, %mul3A_2] : memref<50x16384xi32, #tpu.memory_space<hbm>> -> memref<1x512xi32, #tpu.memory_space<hbm>>
    %dma_wait3A_1012 = tpu.memref_squeeze %dma_wait3A_1011 : memref<1x512xi32, #tpu.memory_space<hbm>> -> memref<512xi32, #tpu.memory_space<hbm>>
    tpu.wait_dma2 semaphore(%arg7 : memref<!tpu.dma_semaphore, #tpu.memory_space<semaphore_mem>>) src(%dma_wait3A_1012 : memref<512xi32, #tpu.memory_space<hbm>>) dst(%dma_wait3A_1010 : memref<512xi32, #tpu.memory_space<vmem>>)
    %dma_start3A_1013 = arith.constant 19968 : i32
    %dma_start3A_1014 = tpu.memref_slice %arg5[%dma_start3A_1013] : memref<25600xi32, #tpu.memory_space<vmem>> -> memref<512xi32, #tpu.memory_space<vmem>>
    %dma_start3A_1015 = arith.constant 0 : i32
    %dma_start3A_1016 = arith.constant 0 : i32
    %dma_start3A_1017 = tpu.memref_slice %arg3[%dma_start3A_1015, %dma_start3A_1016] : memref<1048576x32xf32, #tpu.memory_space<hbm>> -> memref<1048576x32xf32, #tpu.memory_space<hbm>>
    tpu.enqueue_indirect_dma source(%dma_start3A_1017 : memref<1048576x32xf32, #tpu.memory_space<hbm>>) target(%arg6 : memref<512x32xf32, #tpu.memory_space<vmem>>) offsets(%dma_start3A_1014 : memref<512xi32, #tpu.memory_space<vmem>>) semaphore(%arg8 : memref<!tpu.dma_semaphore, #tpu.memory_space<semaphore_mem>>) {add = true}
    %dma_wait3A_1018 = arith.constant 40 : i32
    %dma_wait3A_1019 = arith.constant 20480 : i32
    %dma_wait3A_1020 = tpu.memref_slice %arg5[%dma_wait3A_1019] : memref<25600xi32, #tpu.memory_space<vmem>> -> memref<512xi32, #tpu.memory_space<vmem>>
    %dma_wait3A_1021 = tpu.memref_slice %arg2[%dma_wait3A_1018, %mul3A_2] : memref<50x16384xi32, #tpu.memory_space<hbm>> -> memref<1x512xi32, #tpu.memory_space<hbm>>
    %dma_wait3A_1022 = tpu.memref_squeeze %dma_wait3A_1021 : memref<1x512xi32, #tpu.memory_space<hbm>> -> memref<512xi32, #tpu.memory_space<hbm>>
    %dma_wait3A_1023 = arith.constant 20480 : i32
    %dma_wait3A_1024 = tpu.memref_slice %arg5[%dma_wait3A_1023] : memref<25600xi32, #tpu.memory_space<vmem>> -> memref<512xi32, #tpu.memory_space<vmem>>
    %dma_wait3A_1025 = tpu.memref_slice %arg2[%dma_wait3A_1018, %mul3A_2] : memref<50x16384xi32, #tpu.memory_space<hbm>> -> memref<1x512xi32, #tpu.memory_space<hbm>>
    %dma_wait3A_1026 = tpu.memref_squeeze %dma_wait3A_1025 : memref<1x512xi32, #tpu.memory_space<hbm>> -> memref<512xi32, #tpu.memory_space<hbm>>
    tpu.wait_dma2 semaphore(%arg7 : memref<!tpu.dma_semaphore, #tpu.memory_space<semaphore_mem>>) src(%dma_wait3A_1026 : memref<512xi32, #tpu.memory_space<hbm>>) dst(%dma_wait3A_1024 : memref<512xi32, #tpu.memory_space<vmem>>)
    %dma_start3A_1027 = arith.constant 20480 : i32
    %dma_start3A_1028 = tpu.memref_slice %arg5[%dma_start3A_1027] : memref<25600xi32, #tpu.memory_space<vmem>> -> memref<512xi32, #tpu.memory_space<vmem>>
    %dma_start3A_1029 = arith.constant 0 : i32
    %dma_start3A_1030 = arith.constant 0 : i32
    %dma_start3A_1031 = tpu.memref_slice %arg3[%dma_start3A_1029, %dma_start3A_1030] : memref<1048576x32xf32, #tpu.memory_space<hbm>> -> memref<1048576x32xf32, #tpu.memory_space<hbm>>
    tpu.enqueue_indirect_dma source(%dma_start3A_1031 : memref<1048576x32xf32, #tpu.memory_space<hbm>>) target(%arg6 : memref<512x32xf32, #tpu.memory_space<vmem>>) offsets(%dma_start3A_1028 : memref<512xi32, #tpu.memory_space<vmem>>) semaphore(%arg8 : memref<!tpu.dma_semaphore, #tpu.memory_space<semaphore_mem>>) {add = true}
    %dma_wait3A_1032 = arith.constant 41 : i32
    %dma_wait3A_1033 = arith.constant 20992 : i32
    %dma_wait3A_1034 = tpu.memref_slice %arg5[%dma_wait3A_1033] : memref<25600xi32, #tpu.memory_space<vmem>> -> memref<512xi32, #tpu.memory_space<vmem>>
    %dma_wait3A_1035 = tpu.memref_slice %arg2[%dma_wait3A_1032, %mul3A_2] : memref<50x16384xi32, #tpu.memory_space<hbm>> -> memref<1x512xi32, #tpu.memory_space<hbm>>
    %dma_wait3A_1036 = tpu.memref_squeeze %dma_wait3A_1035 : memref<1x512xi32, #tpu.memory_space<hbm>> -> memref<512xi32, #tpu.memory_space<hbm>>
    %dma_wait3A_1037 = arith.constant 20992 : i32
    %dma_wait3A_1038 = tpu.memref_slice %arg5[%dma_wait3A_1037] : memref<25600xi32, #tpu.memory_space<vmem>> -> memref<512xi32, #tpu.memory_space<vmem>>
    %dma_wait3A_1039 = tpu.memref_slice %arg2[%dma_wait3A_1032, %mul3A_2] : memref<50x16384xi32, #tpu.memory_space<hbm>> -> memref<1x512xi32, #tpu.memory_space<hbm>>
    %dma_wait3A_1040 = tpu.memref_squeeze %dma_wait3A_1039 : memref<1x512xi32, #tpu.memory_space<hbm>> -> memref<512xi32, #tpu.memory_space<hbm>>
    tpu.wait_dma2 semaphore(%arg7 : memref<!tpu.dma_semaphore, #tpu.memory_space<semaphore_mem>>) src(%dma_wait3A_1040 : memref<512xi32, #tpu.memory_space<hbm>>) dst(%dma_wait3A_1038 : memref<512xi32, #tpu.memory_space<vmem>>)
    %dma_start3A_1041 = arith.constant 20992 : i32
    %dma_start3A_1042 = tpu.memref_slice %arg5[%dma_start3A_1041] : memref<25600xi32, #tpu.memory_space<vmem>> -> memref<512xi32, #tpu.memory_space<vmem>>
    %dma_start3A_1043 = arith.constant 0 : i32
    %dma_start3A_1044 = arith.constant 0 : i32
    %dma_start3A_1045 = tpu.memref_slice %arg3[%dma_start3A_1043, %dma_start3A_1044] : memref<1048576x32xf32, #tpu.memory_space<hbm>> -> memref<1048576x32xf32, #tpu.memory_space<hbm>>
    tpu.enqueue_indirect_dma source(%dma_start3A_1045 : memref<1048576x32xf32, #tpu.memory_space<hbm>>) target(%arg6 : memref<512x32xf32, #tpu.memory_space<vmem>>) offsets(%dma_start3A_1042 : memref<512xi32, #tpu.memory_space<vmem>>) semaphore(%arg8 : memref<!tpu.dma_semaphore, #tpu.memory_space<semaphore_mem>>) {add = true}
    %dma_wait3A_1046 = arith.constant 42 : i32
    %dma_wait3A_1047 = arith.constant 21504 : i32
    %dma_wait3A_1048 = tpu.memref_slice %arg5[%dma_wait3A_1047] : memref<25600xi32, #tpu.memory_space<vmem>> -> memref<512xi32, #tpu.memory_space<vmem>>
    %dma_wait3A_1049 = tpu.memref_slice %arg2[%dma_wait3A_1046, %mul3A_2] : memref<50x16384xi32, #tpu.memory_space<hbm>> -> memref<1x512xi32, #tpu.memory_space<hbm>>
    %dma_wait3A_1050 = tpu.memref_squeeze %dma_wait3A_1049 : memref<1x512xi32, #tpu.memory_space<hbm>> -> memref<512xi32, #tpu.memory_space<hbm>>
    %dma_wait3A_1051 = arith.constant 21504 : i32
    %dma_wait3A_1052 = tpu.memref_slice %arg5[%dma_wait3A_1051] : memref<25600xi32, #tpu.memory_space<vmem>> -> memref<512xi32, #tpu.memory_space<vmem>>
    %dma_wait3A_1053 = tpu.memref_slice %arg2[%dma_wait3A_1046, %mul3A_2] : memref<50x16384xi32, #tpu.memory_space<hbm>> -> memref<1x512xi32, #tpu.memory_space<hbm>>
    %dma_wait3A_1054 = tpu.memref_squeeze %dma_wait3A_1053 : memref<1x512xi32, #tpu.memory_space<hbm>> -> memref<512xi32, #tpu.memory_space<hbm>>
    tpu.wait_dma2 semaphore(%arg7 : memref<!tpu.dma_semaphore, #tpu.memory_space<semaphore_mem>>) src(%dma_wait3A_1054 : memref<512xi32, #tpu.memory_space<hbm>>) dst(%dma_wait3A_1052 : memref<512xi32, #tpu.memory_space<vmem>>)
    %dma_start3A_1055 = arith.constant 21504 : i32
    %dma_start3A_1056 = tpu.memref_slice %arg5[%dma_start3A_1055] : memref<25600xi32, #tpu.memory_space<vmem>> -> memref<512xi32, #tpu.memory_space<vmem>>
    %dma_start3A_1057 = arith.constant 0 : i32
    %dma_start3A_1058 = arith.constant 0 : i32
    %dma_start3A_1059 = tpu.memref_slice %arg3[%dma_start3A_1057, %dma_start3A_1058] : memref<1048576x32xf32, #tpu.memory_space<hbm>> -> memref<1048576x32xf32, #tpu.memory_space<hbm>>
    tpu.enqueue_indirect_dma source(%dma_start3A_1059 : memref<1048576x32xf32, #tpu.memory_space<hbm>>) target(%arg6 : memref<512x32xf32, #tpu.memory_space<vmem>>) offsets(%dma_start3A_1056 : memref<512xi32, #tpu.memory_space<vmem>>) semaphore(%arg8 : memref<!tpu.dma_semaphore, #tpu.memory_space<semaphore_mem>>) {add = true}
    %dma_wait3A_1060 = arith.constant 43 : i32
    %dma_wait3A_1061 = arith.constant 22016 : i32
    %dma_wait3A_1062 = tpu.memref_slice %arg5[%dma_wait3A_1061] : memref<25600xi32, #tpu.memory_space<vmem>> -> memref<512xi32, #tpu.memory_space<vmem>>
    %dma_wait3A_1063 = tpu.memref_slice %arg2[%dma_wait3A_1060, %mul3A_2] : memref<50x16384xi32, #tpu.memory_space<hbm>> -> memref<1x512xi32, #tpu.memory_space<hbm>>
    %dma_wait3A_1064 = tpu.memref_squeeze %dma_wait3A_1063 : memref<1x512xi32, #tpu.memory_space<hbm>> -> memref<512xi32, #tpu.memory_space<hbm>>
    %dma_wait3A_1065 = arith.constant 22016 : i32
    %dma_wait3A_1066 = tpu.memref_slice %arg5[%dma_wait3A_1065] : memref<25600xi32, #tpu.memory_space<vmem>> -> memref<512xi32, #tpu.memory_space<vmem>>
    %dma_wait3A_1067 = tpu.memref_slice %arg2[%dma_wait3A_1060, %mul3A_2] : memref<50x16384xi32, #tpu.memory_space<hbm>> -> memref<1x512xi32, #tpu.memory_space<hbm>>
    %dma_wait3A_1068 = tpu.memref_squeeze %dma_wait3A_1067 : memref<1x512xi32, #tpu.memory_space<hbm>> -> memref<512xi32, #tpu.memory_space<hbm>>
    tpu.wait_dma2 semaphore(%arg7 : memref<!tpu.dma_semaphore, #tpu.memory_space<semaphore_mem>>) src(%dma_wait3A_1068 : memref<512xi32, #tpu.memory_space<hbm>>) dst(%dma_wait3A_1066 : memref<512xi32, #tpu.memory_space<vmem>>)
    %dma_start3A_1069 = arith.constant 22016 : i32
    %dma_start3A_1070 = tpu.memref_slice %arg5[%dma_start3A_1069] : memref<25600xi32, #tpu.memory_space<vmem>> -> memref<512xi32, #tpu.memory_space<vmem>>
    %dma_start3A_1071 = arith.constant 0 : i32
    %dma_start3A_1072 = arith.constant 0 : i32
    %dma_start3A_1073 = tpu.memref_slice %arg3[%dma_start3A_1071, %dma_start3A_1072] : memref<1048576x32xf32, #tpu.memory_space<hbm>> -> memref<1048576x32xf32, #tpu.memory_space<hbm>>
    tpu.enqueue_indirect_dma source(%dma_start3A_1073 : memref<1048576x32xf32, #tpu.memory_space<hbm>>) target(%arg6 : memref<512x32xf32, #tpu.memory_space<vmem>>) offsets(%dma_start3A_1070 : memref<512xi32, #tpu.memory_space<vmem>>) semaphore(%arg8 : memref<!tpu.dma_semaphore, #tpu.memory_space<semaphore_mem>>) {add = true}
    %dma_wait3A_1074 = arith.constant 44 : i32
    %dma_wait3A_1075 = arith.constant 22528 : i32
    %dma_wait3A_1076 = tpu.memref_slice %arg5[%dma_wait3A_1075] : memref<25600xi32, #tpu.memory_space<vmem>> -> memref<512xi32, #tpu.memory_space<vmem>>
    %dma_wait3A_1077 = tpu.memref_slice %arg2[%dma_wait3A_1074, %mul3A_2] : memref<50x16384xi32, #tpu.memory_space<hbm>> -> memref<1x512xi32, #tpu.memory_space<hbm>>
    %dma_wait3A_1078 = tpu.memref_squeeze %dma_wait3A_1077 : memref<1x512xi32, #tpu.memory_space<hbm>> -> memref<512xi32, #tpu.memory_space<hbm>>
    %dma_wait3A_1079 = arith.constant 22528 : i32
    %dma_wait3A_1080 = tpu.memref_slice %arg5[%dma_wait3A_1079] : memref<25600xi32, #tpu.memory_space<vmem>> -> memref<512xi32, #tpu.memory_space<vmem>>
    %dma_wait3A_1081 = tpu.memref_slice %arg2[%dma_wait3A_1074, %mul3A_2] : memref<50x16384xi32, #tpu.memory_space<hbm>> -> memref<1x512xi32, #tpu.memory_space<hbm>>
    %dma_wait3A_1082 = tpu.memref_squeeze %dma_wait3A_1081 : memref<1x512xi32, #tpu.memory_space<hbm>> -> memref<512xi32, #tpu.memory_space<hbm>>
    tpu.wait_dma2 semaphore(%arg7 : memref<!tpu.dma_semaphore, #tpu.memory_space<semaphore_mem>>) src(%dma_wait3A_1082 : memref<512xi32, #tpu.memory_space<hbm>>) dst(%dma_wait3A_1080 : memref<512xi32, #tpu.memory_space<vmem>>)
    %dma_start3A_1083 = arith.constant 22528 : i32
    %dma_start3A_1084 = tpu.memref_slice %arg5[%dma_start3A_1083] : memref<25600xi32, #tpu.memory_space<vmem>> -> memref<512xi32, #tpu.memory_space<vmem>>
    %dma_start3A_1085 = arith.constant 0 : i32
    %dma_start3A_1086 = arith.constant 0 : i32
    %dma_start3A_1087 = tpu.memref_slice %arg3[%dma_start3A_1085, %dma_start3A_1086] : memref<1048576x32xf32, #tpu.memory_space<hbm>> -> memref<1048576x32xf32, #tpu.memory_space<hbm>>
    tpu.enqueue_indirect_dma source(%dma_start3A_1087 : memref<1048576x32xf32, #tpu.memory_space<hbm>>) target(%arg6 : memref<512x32xf32, #tpu.memory_space<vmem>>) offsets(%dma_start3A_1084 : memref<512xi32, #tpu.memory_space<vmem>>) semaphore(%arg8 : memref<!tpu.dma_semaphore, #tpu.memory_space<semaphore_mem>>) {add = true}
    %dma_wait3A_1088 = arith.constant 45 : i32
    %dma_wait3A_1089 = arith.constant 23040 : i32
    %dma_wait3A_1090 = tpu.memref_slice %arg5[%dma_wait3A_1089] : memref<25600xi32, #tpu.memory_space<vmem>> -> memref<512xi32, #tpu.memory_space<vmem>>
    %dma_wait3A_1091 = tpu.memref_slice %arg2[%dma_wait3A_1088, %mul3A_2] : memref<50x16384xi32, #tpu.memory_space<hbm>> -> memref<1x512xi32, #tpu.memory_space<hbm>>
    %dma_wait3A_1092 = tpu.memref_squeeze %dma_wait3A_1091 : memref<1x512xi32, #tpu.memory_space<hbm>> -> memref<512xi32, #tpu.memory_space<hbm>>
    %dma_wait3A_1093 = arith.constant 23040 : i32
    %dma_wait3A_1094 = tpu.memref_slice %arg5[%dma_wait3A_1093] : memref<25600xi32, #tpu.memory_space<vmem>> -> memref<512xi32, #tpu.memory_space<vmem>>
    %dma_wait3A_1095 = tpu.memref_slice %arg2[%dma_wait3A_1088, %mul3A_2] : memref<50x16384xi32, #tpu.memory_space<hbm>> -> memref<1x512xi32, #tpu.memory_space<hbm>>
    %dma_wait3A_1096 = tpu.memref_squeeze %dma_wait3A_1095 : memref<1x512xi32, #tpu.memory_space<hbm>> -> memref<512xi32, #tpu.memory_space<hbm>>
    tpu.wait_dma2 semaphore(%arg7 : memref<!tpu.dma_semaphore, #tpu.memory_space<semaphore_mem>>) src(%dma_wait3A_1096 : memref<512xi32, #tpu.memory_space<hbm>>) dst(%dma_wait3A_1094 : memref<512xi32, #tpu.memory_space<vmem>>)
    %dma_start3A_1097 = arith.constant 23040 : i32
    %dma_start3A_1098 = tpu.memref_slice %arg5[%dma_start3A_1097] : memref<25600xi32, #tpu.memory_space<vmem>> -> memref<512xi32, #tpu.memory_space<vmem>>
    %dma_start3A_1099 = arith.constant 0 : i32
    %dma_start3A_1100 = arith.constant 0 : i32
    %dma_start3A_1101 = tpu.memref_slice %arg3[%dma_start3A_1099, %dma_start3A_1100] : memref<1048576x32xf32, #tpu.memory_space<hbm>> -> memref<1048576x32xf32, #tpu.memory_space<hbm>>
    tpu.enqueue_indirect_dma source(%dma_start3A_1101 : memref<1048576x32xf32, #tpu.memory_space<hbm>>) target(%arg6 : memref<512x32xf32, #tpu.memory_space<vmem>>) offsets(%dma_start3A_1098 : memref<512xi32, #tpu.memory_space<vmem>>) semaphore(%arg8 : memref<!tpu.dma_semaphore, #tpu.memory_space<semaphore_mem>>) {add = true}
    %dma_wait3A_1102 = arith.constant 46 : i32
    %dma_wait3A_1103 = arith.constant 23552 : i32
    %dma_wait3A_1104 = tpu.memref_slice %arg5[%dma_wait3A_1103] : memref<25600xi32, #tpu.memory_space<vmem>> -> memref<512xi32, #tpu.memory_space<vmem>>
    %dma_wait3A_1105 = tpu.memref_slice %arg2[%dma_wait3A_1102, %mul3A_2] : memref<50x16384xi32, #tpu.memory_space<hbm>> -> memref<1x512xi32, #tpu.memory_space<hbm>>
    %dma_wait3A_1106 = tpu.memref_squeeze %dma_wait3A_1105 : memref<1x512xi32, #tpu.memory_space<hbm>> -> memref<512xi32, #tpu.memory_space<hbm>>
    %dma_wait3A_1107 = arith.constant 23552 : i32
    %dma_wait3A_1108 = tpu.memref_slice %arg5[%dma_wait3A_1107] : memref<25600xi32, #tpu.memory_space<vmem>> -> memref<512xi32, #tpu.memory_space<vmem>>
    %dma_wait3A_1109 = tpu.memref_slice %arg2[%dma_wait3A_1102, %mul3A_2] : memref<50x16384xi32, #tpu.memory_space<hbm>> -> memref<1x512xi32, #tpu.memory_space<hbm>>
    %dma_wait3A_1110 = tpu.memref_squeeze %dma_wait3A_1109 : memref<1x512xi32, #tpu.memory_space<hbm>> -> memref<512xi32, #tpu.memory_space<hbm>>
    tpu.wait_dma2 semaphore(%arg7 : memref<!tpu.dma_semaphore, #tpu.memory_space<semaphore_mem>>) src(%dma_wait3A_1110 : memref<512xi32, #tpu.memory_space<hbm>>) dst(%dma_wait3A_1108 : memref<512xi32, #tpu.memory_space<vmem>>)
    %dma_start3A_1111 = arith.constant 23552 : i32
    %dma_start3A_1112 = tpu.memref_slice %arg5[%dma_start3A_1111] : memref<25600xi32, #tpu.memory_space<vmem>> -> memref<512xi32, #tpu.memory_space<vmem>>
    %dma_start3A_1113 = arith.constant 0 : i32
    %dma_start3A_1114 = arith.constant 0 : i32
    %dma_start3A_1115 = tpu.memref_slice %arg3[%dma_start3A_1113, %dma_start3A_1114] : memref<1048576x32xf32, #tpu.memory_space<hbm>> -> memref<1048576x32xf32, #tpu.memory_space<hbm>>
    tpu.enqueue_indirect_dma source(%dma_start3A_1115 : memref<1048576x32xf32, #tpu.memory_space<hbm>>) target(%arg6 : memref<512x32xf32, #tpu.memory_space<vmem>>) offsets(%dma_start3A_1112 : memref<512xi32, #tpu.memory_space<vmem>>) semaphore(%arg8 : memref<!tpu.dma_semaphore, #tpu.memory_space<semaphore_mem>>) {add = true}
    %dma_wait3A_1116 = arith.constant 47 : i32
    %dma_wait3A_1117 = arith.constant 24064 : i32
    %dma_wait3A_1118 = tpu.memref_slice %arg5[%dma_wait3A_1117] : memref<25600xi32, #tpu.memory_space<vmem>> -> memref<512xi32, #tpu.memory_space<vmem>>
    %dma_wait3A_1119 = tpu.memref_slice %arg2[%dma_wait3A_1116, %mul3A_2] : memref<50x16384xi32, #tpu.memory_space<hbm>> -> memref<1x512xi32, #tpu.memory_space<hbm>>
    %dma_wait3A_1120 = tpu.memref_squeeze %dma_wait3A_1119 : memref<1x512xi32, #tpu.memory_space<hbm>> -> memref<512xi32, #tpu.memory_space<hbm>>
    %dma_wait3A_1121 = arith.constant 24064 : i32
    %dma_wait3A_1122 = tpu.memref_slice %arg5[%dma_wait3A_1121] : memref<25600xi32, #tpu.memory_space<vmem>> -> memref<512xi32, #tpu.memory_space<vmem>>
    %dma_wait3A_1123 = tpu.memref_slice %arg2[%dma_wait3A_1116, %mul3A_2] : memref<50x16384xi32, #tpu.memory_space<hbm>> -> memref<1x512xi32, #tpu.memory_space<hbm>>
    %dma_wait3A_1124 = tpu.memref_squeeze %dma_wait3A_1123 : memref<1x512xi32, #tpu.memory_space<hbm>> -> memref<512xi32, #tpu.memory_space<hbm>>
    tpu.wait_dma2 semaphore(%arg7 : memref<!tpu.dma_semaphore, #tpu.memory_space<semaphore_mem>>) src(%dma_wait3A_1124 : memref<512xi32, #tpu.memory_space<hbm>>) dst(%dma_wait3A_1122 : memref<512xi32, #tpu.memory_space<vmem>>)
    %dma_start3A_1125 = arith.constant 24064 : i32
    %dma_start3A_1126 = tpu.memref_slice %arg5[%dma_start3A_1125] : memref<25600xi32, #tpu.memory_space<vmem>> -> memref<512xi32, #tpu.memory_space<vmem>>
    %dma_start3A_1127 = arith.constant 0 : i32
    %dma_start3A_1128 = arith.constant 0 : i32
    %dma_start3A_1129 = tpu.memref_slice %arg3[%dma_start3A_1127, %dma_start3A_1128] : memref<1048576x32xf32, #tpu.memory_space<hbm>> -> memref<1048576x32xf32, #tpu.memory_space<hbm>>
    tpu.enqueue_indirect_dma source(%dma_start3A_1129 : memref<1048576x32xf32, #tpu.memory_space<hbm>>) target(%arg6 : memref<512x32xf32, #tpu.memory_space<vmem>>) offsets(%dma_start3A_1126 : memref<512xi32, #tpu.memory_space<vmem>>) semaphore(%arg8 : memref<!tpu.dma_semaphore, #tpu.memory_space<semaphore_mem>>) {add = true}
    %dma_wait3A_1130 = arith.constant 48 : i32
    %dma_wait3A_1131 = arith.constant 24576 : i32
    %dma_wait3A_1132 = tpu.memref_slice %arg5[%dma_wait3A_1131] : memref<25600xi32, #tpu.memory_space<vmem>> -> memref<512xi32, #tpu.memory_space<vmem>>
    %dma_wait3A_1133 = tpu.memref_slice %arg2[%dma_wait3A_1130, %mul3A_2] : memref<50x16384xi32, #tpu.memory_space<hbm>> -> memref<1x512xi32, #tpu.memory_space<hbm>>
    %dma_wait3A_1134 = tpu.memref_squeeze %dma_wait3A_1133 : memref<1x512xi32, #tpu.memory_space<hbm>> -> memref<512xi32, #tpu.memory_space<hbm>>
    %dma_wait3A_1135 = arith.constant 24576 : i32
    %dma_wait3A_1136 = tpu.memref_slice %arg5[%dma_wait3A_1135] : memref<25600xi32, #tpu.memory_space<vmem>> -> memref<512xi32, #tpu.memory_space<vmem>>
    %dma_wait3A_1137 = tpu.memref_slice %arg2[%dma_wait3A_1130, %mul3A_2] : memref<50x16384xi32, #tpu.memory_space<hbm>> -> memref<1x512xi32, #tpu.memory_space<hbm>>
    %dma_wait3A_1138 = tpu.memref_squeeze %dma_wait3A_1137 : memref<1x512xi32, #tpu.memory_space<hbm>> -> memref<512xi32, #tpu.memory_space<hbm>>
    tpu.wait_dma2 semaphore(%arg7 : memref<!tpu.dma_semaphore, #tpu.memory_space<semaphore_mem>>) src(%dma_wait3A_1138 : memref<512xi32, #tpu.memory_space<hbm>>) dst(%dma_wait3A_1136 : memref<512xi32, #tpu.memory_space<vmem>>)
    %dma_start3A_1139 = arith.constant 24576 : i32
    %dma_start3A_1140 = tpu.memref_slice %arg5[%dma_start3A_1139] : memref<25600xi32, #tpu.memory_space<vmem>> -> memref<512xi32, #tpu.memory_space<vmem>>
    %dma_start3A_1141 = arith.constant 0 : i32
    %dma_start3A_1142 = arith.constant 0 : i32
    %dma_start3A_1143 = tpu.memref_slice %arg3[%dma_start3A_1141, %dma_start3A_1142] : memref<1048576x32xf32, #tpu.memory_space<hbm>> -> memref<1048576x32xf32, #tpu.memory_space<hbm>>
    tpu.enqueue_indirect_dma source(%dma_start3A_1143 : memref<1048576x32xf32, #tpu.memory_space<hbm>>) target(%arg6 : memref<512x32xf32, #tpu.memory_space<vmem>>) offsets(%dma_start3A_1140 : memref<512xi32, #tpu.memory_space<vmem>>) semaphore(%arg8 : memref<!tpu.dma_semaphore, #tpu.memory_space<semaphore_mem>>) {add = true}
    %dma_wait3A_1144 = arith.constant 49 : i32
    %dma_wait3A_1145 = arith.constant 25088 : i32
    %dma_wait3A_1146 = tpu.memref_slice %arg5[%dma_wait3A_1145] : memref<25600xi32, #tpu.memory_space<vmem>> -> memref<512xi32, #tpu.memory_space<vmem>>
    %dma_wait3A_1147 = tpu.memref_slice %arg2[%dma_wait3A_1144, %mul3A_2] : memref<50x16384xi32, #tpu.memory_space<hbm>> -> memref<1x512xi32, #tpu.memory_space<hbm>>
    %dma_wait3A_1148 = tpu.memref_squeeze %dma_wait3A_1147 : memref<1x512xi32, #tpu.memory_space<hbm>> -> memref<512xi32, #tpu.memory_space<hbm>>
    %dma_wait3A_1149 = arith.constant 25088 : i32
    %dma_wait3A_1150 = tpu.memref_slice %arg5[%dma_wait3A_1149] : memref<25600xi32, #tpu.memory_space<vmem>> -> memref<512xi32, #tpu.memory_space<vmem>>
    %dma_wait3A_1151 = tpu.memref_slice %arg2[%dma_wait3A_1144, %mul3A_2] : memref<50x16384xi32, #tpu.memory_space<hbm>> -> memref<1x512xi32, #tpu.memory_space<hbm>>
    %dma_wait3A_1152 = tpu.memref_squeeze %dma_wait3A_1151 : memref<1x512xi32, #tpu.memory_space<hbm>> -> memref<512xi32, #tpu.memory_space<hbm>>
    tpu.wait_dma2 semaphore(%arg7 : memref<!tpu.dma_semaphore, #tpu.memory_space<semaphore_mem>>) src(%dma_wait3A_1152 : memref<512xi32, #tpu.memory_space<hbm>>) dst(%dma_wait3A_1150 : memref<512xi32, #tpu.memory_space<vmem>>)
    %dma_start3A_1153 = arith.constant 25088 : i32
    %dma_start3A_1154 = tpu.memref_slice %arg5[%dma_start3A_1153] : memref<25600xi32, #tpu.memory_space<vmem>> -> memref<512xi32, #tpu.memory_space<vmem>>
    %dma_start3A_1155 = arith.constant 0 : i32
    %dma_start3A_1156 = arith.constant 0 : i32
    %dma_start3A_1157 = tpu.memref_slice %arg3[%dma_start3A_1155, %dma_start3A_1156] : memref<1048576x32xf32, #tpu.memory_space<hbm>> -> memref<1048576x32xf32, #tpu.memory_space<hbm>>
    tpu.enqueue_indirect_dma source(%dma_start3A_1157 : memref<1048576x32xf32, #tpu.memory_space<hbm>>) target(%arg6 : memref<512x32xf32, #tpu.memory_space<vmem>>) offsets(%dma_start3A_1154 : memref<512xi32, #tpu.memory_space<vmem>>) semaphore(%arg8 : memref<!tpu.dma_semaphore, #tpu.memory_space<semaphore_mem>>) {add = true}
    %dma_wait3A_1158 = arith.constant 0 : i32
    %dma_wait3A_1159 = tpu.memref_slice %arg5[%dma_wait3A_1158] : memref<25600xi32, #tpu.memory_space<vmem>> -> memref<512xi32, #tpu.memory_space<vmem>>
    %dma_wait3A_1160 = arith.constant 0 : i32
    %dma_wait3A_1161 = arith.constant 0 : i32
    %dma_wait3A_1162 = tpu.memref_slice %arg3[%dma_wait3A_1160, %dma_wait3A_1161] : memref<1048576x32xf32, #tpu.memory_space<hbm>> -> memref<1048576x32xf32, #tpu.memory_space<hbm>>
    tpu.wait_indirect_dma semaphore(%arg8 : memref<!tpu.dma_semaphore, #tpu.memory_space<semaphore_mem>>) src(%dma_wait3A_1162 : memref<1048576x32xf32, #tpu.memory_space<hbm>>) dst(%arg6 : memref<512x32xf32, #tpu.memory_space<vmem>>)
    %dma_wait3A_1163 = arith.constant 512 : i32
    %dma_wait3A_1164 = tpu.memref_slice %arg5[%dma_wait3A_1163] : memref<25600xi32, #tpu.memory_space<vmem>> -> memref<512xi32, #tpu.memory_space<vmem>>
    %dma_wait3A_1165 = arith.constant 0 : i32
    %dma_wait3A_1166 = arith.constant 0 : i32
    %dma_wait3A_1167 = tpu.memref_slice %arg3[%dma_wait3A_1165, %dma_wait3A_1166] : memref<1048576x32xf32, #tpu.memory_space<hbm>> -> memref<1048576x32xf32, #tpu.memory_space<hbm>>
    tpu.wait_indirect_dma semaphore(%arg8 : memref<!tpu.dma_semaphore, #tpu.memory_space<semaphore_mem>>) src(%dma_wait3A_1167 : memref<1048576x32xf32, #tpu.memory_space<hbm>>) dst(%arg6 : memref<512x32xf32, #tpu.memory_space<vmem>>)
    %dma_wait3A_1168 = arith.constant 1024 : i32
    %dma_wait3A_1169 = tpu.memref_slice %arg5[%dma_wait3A_1168] : memref<25600xi32, #tpu.memory_space<vmem>> -> memref<512xi32, #tpu.memory_space<vmem>>
    %dma_wait3A_1170 = arith.constant 0 : i32
    %dma_wait3A_1171 = arith.constant 0 : i32
    %dma_wait3A_1172 = tpu.memref_slice %arg3[%dma_wait3A_1170, %dma_wait3A_1171] : memref<1048576x32xf32, #tpu.memory_space<hbm>> -> memref<1048576x32xf32, #tpu.memory_space<hbm>>
    tpu.wait_indirect_dma semaphore(%arg8 : memref<!tpu.dma_semaphore, #tpu.memory_space<semaphore_mem>>) src(%dma_wait3A_1172 : memref<1048576x32xf32, #tpu.memory_space<hbm>>) dst(%arg6 : memref<512x32xf32, #tpu.memory_space<vmem>>)
    %dma_wait3A_1173 = arith.constant 1536 : i32
    %dma_wait3A_1174 = tpu.memref_slice %arg5[%dma_wait3A_1173] : memref<25600xi32, #tpu.memory_space<vmem>> -> memref<512xi32, #tpu.memory_space<vmem>>
    %dma_wait3A_1175 = arith.constant 0 : i32
    %dma_wait3A_1176 = arith.constant 0 : i32
    %dma_wait3A_1177 = tpu.memref_slice %arg3[%dma_wait3A_1175, %dma_wait3A_1176] : memref<1048576x32xf32, #tpu.memory_space<hbm>> -> memref<1048576x32xf32, #tpu.memory_space<hbm>>
    tpu.wait_indirect_dma semaphore(%arg8 : memref<!tpu.dma_semaphore, #tpu.memory_space<semaphore_mem>>) src(%dma_wait3A_1177 : memref<1048576x32xf32, #tpu.memory_space<hbm>>) dst(%arg6 : memref<512x32xf32, #tpu.memory_space<vmem>>)
    %dma_wait3A_1178 = arith.constant 2048 : i32
    %dma_wait3A_1179 = tpu.memref_slice %arg5[%dma_wait3A_1178] : memref<25600xi32, #tpu.memory_space<vmem>> -> memref<512xi32, #tpu.memory_space<vmem>>
    %dma_wait3A_1180 = arith.constant 0 : i32
    %dma_wait3A_1181 = arith.constant 0 : i32
    %dma_wait3A_1182 = tpu.memref_slice %arg3[%dma_wait3A_1180, %dma_wait3A_1181] : memref<1048576x32xf32, #tpu.memory_space<hbm>> -> memref<1048576x32xf32, #tpu.memory_space<hbm>>
    tpu.wait_indirect_dma semaphore(%arg8 : memref<!tpu.dma_semaphore, #tpu.memory_space<semaphore_mem>>) src(%dma_wait3A_1182 : memref<1048576x32xf32, #tpu.memory_space<hbm>>) dst(%arg6 : memref<512x32xf32, #tpu.memory_space<vmem>>)
    %dma_wait3A_1183 = arith.constant 2560 : i32
    %dma_wait3A_1184 = tpu.memref_slice %arg5[%dma_wait3A_1183] : memref<25600xi32, #tpu.memory_space<vmem>> -> memref<512xi32, #tpu.memory_space<vmem>>
    %dma_wait3A_1185 = arith.constant 0 : i32
    %dma_wait3A_1186 = arith.constant 0 : i32
    %dma_wait3A_1187 = tpu.memref_slice %arg3[%dma_wait3A_1185, %dma_wait3A_1186] : memref<1048576x32xf32, #tpu.memory_space<hbm>> -> memref<1048576x32xf32, #tpu.memory_space<hbm>>
    tpu.wait_indirect_dma semaphore(%arg8 : memref<!tpu.dma_semaphore, #tpu.memory_space<semaphore_mem>>) src(%dma_wait3A_1187 : memref<1048576x32xf32, #tpu.memory_space<hbm>>) dst(%arg6 : memref<512x32xf32, #tpu.memory_space<vmem>>)
    %dma_wait3A_1188 = arith.constant 3072 : i32
    %dma_wait3A_1189 = tpu.memref_slice %arg5[%dma_wait3A_1188] : memref<25600xi32, #tpu.memory_space<vmem>> -> memref<512xi32, #tpu.memory_space<vmem>>
    %dma_wait3A_1190 = arith.constant 0 : i32
    %dma_wait3A_1191 = arith.constant 0 : i32
    %dma_wait3A_1192 = tpu.memref_slice %arg3[%dma_wait3A_1190, %dma_wait3A_1191] : memref<1048576x32xf32, #tpu.memory_space<hbm>> -> memref<1048576x32xf32, #tpu.memory_space<hbm>>
    tpu.wait_indirect_dma semaphore(%arg8 : memref<!tpu.dma_semaphore, #tpu.memory_space<semaphore_mem>>) src(%dma_wait3A_1192 : memref<1048576x32xf32, #tpu.memory_space<hbm>>) dst(%arg6 : memref<512x32xf32, #tpu.memory_space<vmem>>)
    %dma_wait3A_1193 = arith.constant 3584 : i32
    %dma_wait3A_1194 = tpu.memref_slice %arg5[%dma_wait3A_1193] : memref<25600xi32, #tpu.memory_space<vmem>> -> memref<512xi32, #tpu.memory_space<vmem>>
    %dma_wait3A_1195 = arith.constant 0 : i32
    %dma_wait3A_1196 = arith.constant 0 : i32
    %dma_wait3A_1197 = tpu.memref_slice %arg3[%dma_wait3A_1195, %dma_wait3A_1196] : memref<1048576x32xf32, #tpu.memory_space<hbm>> -> memref<1048576x32xf32, #tpu.memory_space<hbm>>
    tpu.wait_indirect_dma semaphore(%arg8 : memref<!tpu.dma_semaphore, #tpu.memory_space<semaphore_mem>>) src(%dma_wait3A_1197 : memref<1048576x32xf32, #tpu.memory_space<hbm>>) dst(%arg6 : memref<512x32xf32, #tpu.memory_space<vmem>>)
    %dma_wait3A_1198 = arith.constant 4096 : i32
    %dma_wait3A_1199 = tpu.memref_slice %arg5[%dma_wait3A_1198] : memref<25600xi32, #tpu.memory_space<vmem>> -> memref<512xi32, #tpu.memory_space<vmem>>
    %dma_wait3A_1200 = arith.constant 0 : i32
    %dma_wait3A_1201 = arith.constant 0 : i32
    %dma_wait3A_1202 = tpu.memref_slice %arg3[%dma_wait3A_1200, %dma_wait3A_1201] : memref<1048576x32xf32, #tpu.memory_space<hbm>> -> memref<1048576x32xf32, #tpu.memory_space<hbm>>
    tpu.wait_indirect_dma semaphore(%arg8 : memref<!tpu.dma_semaphore, #tpu.memory_space<semaphore_mem>>) src(%dma_wait3A_1202 : memref<1048576x32xf32, #tpu.memory_space<hbm>>) dst(%arg6 : memref<512x32xf32, #tpu.memory_space<vmem>>)
    %dma_wait3A_1203 = arith.constant 4608 : i32
    %dma_wait3A_1204 = tpu.memref_slice %arg5[%dma_wait3A_1203] : memref<25600xi32, #tpu.memory_space<vmem>> -> memref<512xi32, #tpu.memory_space<vmem>>
    %dma_wait3A_1205 = arith.constant 0 : i32
    %dma_wait3A_1206 = arith.constant 0 : i32
    %dma_wait3A_1207 = tpu.memref_slice %arg3[%dma_wait3A_1205, %dma_wait3A_1206] : memref<1048576x32xf32, #tpu.memory_space<hbm>> -> memref<1048576x32xf32, #tpu.memory_space<hbm>>
    tpu.wait_indirect_dma semaphore(%arg8 : memref<!tpu.dma_semaphore, #tpu.memory_space<semaphore_mem>>) src(%dma_wait3A_1207 : memref<1048576x32xf32, #tpu.memory_space<hbm>>) dst(%arg6 : memref<512x32xf32, #tpu.memory_space<vmem>>)
    %dma_wait3A_1208 = arith.constant 5120 : i32
    %dma_wait3A_1209 = tpu.memref_slice %arg5[%dma_wait3A_1208] : memref<25600xi32, #tpu.memory_space<vmem>> -> memref<512xi32, #tpu.memory_space<vmem>>
    %dma_wait3A_1210 = arith.constant 0 : i32
    %dma_wait3A_1211 = arith.constant 0 : i32
    %dma_wait3A_1212 = tpu.memref_slice %arg3[%dma_wait3A_1210, %dma_wait3A_1211] : memref<1048576x32xf32, #tpu.memory_space<hbm>> -> memref<1048576x32xf32, #tpu.memory_space<hbm>>
    tpu.wait_indirect_dma semaphore(%arg8 : memref<!tpu.dma_semaphore, #tpu.memory_space<semaphore_mem>>) src(%dma_wait3A_1212 : memref<1048576x32xf32, #tpu.memory_space<hbm>>) dst(%arg6 : memref<512x32xf32, #tpu.memory_space<vmem>>)
    %dma_wait3A_1213 = arith.constant 5632 : i32
    %dma_wait3A_1214 = tpu.memref_slice %arg5[%dma_wait3A_1213] : memref<25600xi32, #tpu.memory_space<vmem>> -> memref<512xi32, #tpu.memory_space<vmem>>
    %dma_wait3A_1215 = arith.constant 0 : i32
    %dma_wait3A_1216 = arith.constant 0 : i32
    %dma_wait3A_1217 = tpu.memref_slice %arg3[%dma_wait3A_1215, %dma_wait3A_1216] : memref<1048576x32xf32, #tpu.memory_space<hbm>> -> memref<1048576x32xf32, #tpu.memory_space<hbm>>
    tpu.wait_indirect_dma semaphore(%arg8 : memref<!tpu.dma_semaphore, #tpu.memory_space<semaphore_mem>>) src(%dma_wait3A_1217 : memref<1048576x32xf32, #tpu.memory_space<hbm>>) dst(%arg6 : memref<512x32xf32, #tpu.memory_space<vmem>>)
    %dma_wait3A_1218 = arith.constant 6144 : i32
    %dma_wait3A_1219 = tpu.memref_slice %arg5[%dma_wait3A_1218] : memref<25600xi32, #tpu.memory_space<vmem>> -> memref<512xi32, #tpu.memory_space<vmem>>
    %dma_wait3A_1220 = arith.constant 0 : i32
    %dma_wait3A_1221 = arith.constant 0 : i32
    %dma_wait3A_1222 = tpu.memref_slice %arg3[%dma_wait3A_1220, %dma_wait3A_1221] : memref<1048576x32xf32, #tpu.memory_space<hbm>> -> memref<1048576x32xf32, #tpu.memory_space<hbm>>
    tpu.wait_indirect_dma semaphore(%arg8 : memref<!tpu.dma_semaphore, #tpu.memory_space<semaphore_mem>>) src(%dma_wait3A_1222 : memref<1048576x32xf32, #tpu.memory_space<hbm>>) dst(%arg6 : memref<512x32xf32, #tpu.memory_space<vmem>>)
    %dma_wait3A_1223 = arith.constant 6656 : i32
    %dma_wait3A_1224 = tpu.memref_slice %arg5[%dma_wait3A_1223] : memref<25600xi32, #tpu.memory_space<vmem>> -> memref<512xi32, #tpu.memory_space<vmem>>
    %dma_wait3A_1225 = arith.constant 0 : i32
    %dma_wait3A_1226 = arith.constant 0 : i32
    %dma_wait3A_1227 = tpu.memref_slice %arg3[%dma_wait3A_1225, %dma_wait3A_1226] : memref<1048576x32xf32, #tpu.memory_space<hbm>> -> memref<1048576x32xf32, #tpu.memory_space<hbm>>
    tpu.wait_indirect_dma semaphore(%arg8 : memref<!tpu.dma_semaphore, #tpu.memory_space<semaphore_mem>>) src(%dma_wait3A_1227 : memref<1048576x32xf32, #tpu.memory_space<hbm>>) dst(%arg6 : memref<512x32xf32, #tpu.memory_space<vmem>>)
    %dma_wait3A_1228 = arith.constant 7168 : i32
    %dma_wait3A_1229 = tpu.memref_slice %arg5[%dma_wait3A_1228] : memref<25600xi32, #tpu.memory_space<vmem>> -> memref<512xi32, #tpu.memory_space<vmem>>
    %dma_wait3A_1230 = arith.constant 0 : i32
    %dma_wait3A_1231 = arith.constant 0 : i32
    %dma_wait3A_1232 = tpu.memref_slice %arg3[%dma_wait3A_1230, %dma_wait3A_1231] : memref<1048576x32xf32, #tpu.memory_space<hbm>> -> memref<1048576x32xf32, #tpu.memory_space<hbm>>
    tpu.wait_indirect_dma semaphore(%arg8 : memref<!tpu.dma_semaphore, #tpu.memory_space<semaphore_mem>>) src(%dma_wait3A_1232 : memref<1048576x32xf32, #tpu.memory_space<hbm>>) dst(%arg6 : memref<512x32xf32, #tpu.memory_space<vmem>>)
    %dma_wait3A_1233 = arith.constant 7680 : i32
    %dma_wait3A_1234 = tpu.memref_slice %arg5[%dma_wait3A_1233] : memref<25600xi32, #tpu.memory_space<vmem>> -> memref<512xi32, #tpu.memory_space<vmem>>
    %dma_wait3A_1235 = arith.constant 0 : i32
    %dma_wait3A_1236 = arith.constant 0 : i32
    %dma_wait3A_1237 = tpu.memref_slice %arg3[%dma_wait3A_1235, %dma_wait3A_1236] : memref<1048576x32xf32, #tpu.memory_space<hbm>> -> memref<1048576x32xf32, #tpu.memory_space<hbm>>
    tpu.wait_indirect_dma semaphore(%arg8 : memref<!tpu.dma_semaphore, #tpu.memory_space<semaphore_mem>>) src(%dma_wait3A_1237 : memref<1048576x32xf32, #tpu.memory_space<hbm>>) dst(%arg6 : memref<512x32xf32, #tpu.memory_space<vmem>>)
    %dma_wait3A_1238 = arith.constant 8192 : i32
    %dma_wait3A_1239 = tpu.memref_slice %arg5[%dma_wait3A_1238] : memref<25600xi32, #tpu.memory_space<vmem>> -> memref<512xi32, #tpu.memory_space<vmem>>
    %dma_wait3A_1240 = arith.constant 0 : i32
    %dma_wait3A_1241 = arith.constant 0 : i32
    %dma_wait3A_1242 = tpu.memref_slice %arg3[%dma_wait3A_1240, %dma_wait3A_1241] : memref<1048576x32xf32, #tpu.memory_space<hbm>> -> memref<1048576x32xf32, #tpu.memory_space<hbm>>
    tpu.wait_indirect_dma semaphore(%arg8 : memref<!tpu.dma_semaphore, #tpu.memory_space<semaphore_mem>>) src(%dma_wait3A_1242 : memref<1048576x32xf32, #tpu.memory_space<hbm>>) dst(%arg6 : memref<512x32xf32, #tpu.memory_space<vmem>>)
    %dma_wait3A_1243 = arith.constant 8704 : i32
    %dma_wait3A_1244 = tpu.memref_slice %arg5[%dma_wait3A_1243] : memref<25600xi32, #tpu.memory_space<vmem>> -> memref<512xi32, #tpu.memory_space<vmem>>
    %dma_wait3A_1245 = arith.constant 0 : i32
    %dma_wait3A_1246 = arith.constant 0 : i32
    %dma_wait3A_1247 = tpu.memref_slice %arg3[%dma_wait3A_1245, %dma_wait3A_1246] : memref<1048576x32xf32, #tpu.memory_space<hbm>> -> memref<1048576x32xf32, #tpu.memory_space<hbm>>
    tpu.wait_indirect_dma semaphore(%arg8 : memref<!tpu.dma_semaphore, #tpu.memory_space<semaphore_mem>>) src(%dma_wait3A_1247 : memref<1048576x32xf32, #tpu.memory_space<hbm>>) dst(%arg6 : memref<512x32xf32, #tpu.memory_space<vmem>>)
    %dma_wait3A_1248 = arith.constant 9216 : i32
    %dma_wait3A_1249 = tpu.memref_slice %arg5[%dma_wait3A_1248] : memref<25600xi32, #tpu.memory_space<vmem>> -> memref<512xi32, #tpu.memory_space<vmem>>
    %dma_wait3A_1250 = arith.constant 0 : i32
    %dma_wait3A_1251 = arith.constant 0 : i32
    %dma_wait3A_1252 = tpu.memref_slice %arg3[%dma_wait3A_1250, %dma_wait3A_1251] : memref<1048576x32xf32, #tpu.memory_space<hbm>> -> memref<1048576x32xf32, #tpu.memory_space<hbm>>
    tpu.wait_indirect_dma semaphore(%arg8 : memref<!tpu.dma_semaphore, #tpu.memory_space<semaphore_mem>>) src(%dma_wait3A_1252 : memref<1048576x32xf32, #tpu.memory_space<hbm>>) dst(%arg6 : memref<512x32xf32, #tpu.memory_space<vmem>>)
    %dma_wait3A_1253 = arith.constant 9728 : i32
    %dma_wait3A_1254 = tpu.memref_slice %arg5[%dma_wait3A_1253] : memref<25600xi32, #tpu.memory_space<vmem>> -> memref<512xi32, #tpu.memory_space<vmem>>
    %dma_wait3A_1255 = arith.constant 0 : i32
    %dma_wait3A_1256 = arith.constant 0 : i32
    %dma_wait3A_1257 = tpu.memref_slice %arg3[%dma_wait3A_1255, %dma_wait3A_1256] : memref<1048576x32xf32, #tpu.memory_space<hbm>> -> memref<1048576x32xf32, #tpu.memory_space<hbm>>
    tpu.wait_indirect_dma semaphore(%arg8 : memref<!tpu.dma_semaphore, #tpu.memory_space<semaphore_mem>>) src(%dma_wait3A_1257 : memref<1048576x32xf32, #tpu.memory_space<hbm>>) dst(%arg6 : memref<512x32xf32, #tpu.memory_space<vmem>>)
    %dma_wait3A_1258 = arith.constant 10240 : i32
    %dma_wait3A_1259 = tpu.memref_slice %arg5[%dma_wait3A_1258] : memref<25600xi32, #tpu.memory_space<vmem>> -> memref<512xi32, #tpu.memory_space<vmem>>
    %dma_wait3A_1260 = arith.constant 0 : i32
    %dma_wait3A_1261 = arith.constant 0 : i32
    %dma_wait3A_1262 = tpu.memref_slice %arg3[%dma_wait3A_1260, %dma_wait3A_1261] : memref<1048576x32xf32, #tpu.memory_space<hbm>> -> memref<1048576x32xf32, #tpu.memory_space<hbm>>
    tpu.wait_indirect_dma semaphore(%arg8 : memref<!tpu.dma_semaphore, #tpu.memory_space<semaphore_mem>>) src(%dma_wait3A_1262 : memref<1048576x32xf32, #tpu.memory_space<hbm>>) dst(%arg6 : memref<512x32xf32, #tpu.memory_space<vmem>>)
    %dma_wait3A_1263 = arith.constant 10752 : i32
    %dma_wait3A_1264 = tpu.memref_slice %arg5[%dma_wait3A_1263] : memref<25600xi32, #tpu.memory_space<vmem>> -> memref<512xi32, #tpu.memory_space<vmem>>
    %dma_wait3A_1265 = arith.constant 0 : i32
    %dma_wait3A_1266 = arith.constant 0 : i32
    %dma_wait3A_1267 = tpu.memref_slice %arg3[%dma_wait3A_1265, %dma_wait3A_1266] : memref<1048576x32xf32, #tpu.memory_space<hbm>> -> memref<1048576x32xf32, #tpu.memory_space<hbm>>
    tpu.wait_indirect_dma semaphore(%arg8 : memref<!tpu.dma_semaphore, #tpu.memory_space<semaphore_mem>>) src(%dma_wait3A_1267 : memref<1048576x32xf32, #tpu.memory_space<hbm>>) dst(%arg6 : memref<512x32xf32, #tpu.memory_space<vmem>>)
    %dma_wait3A_1268 = arith.constant 11264 : i32
    %dma_wait3A_1269 = tpu.memref_slice %arg5[%dma_wait3A_1268] : memref<25600xi32, #tpu.memory_space<vmem>> -> memref<512xi32, #tpu.memory_space<vmem>>
    %dma_wait3A_1270 = arith.constant 0 : i32
    %dma_wait3A_1271 = arith.constant 0 : i32
    %dma_wait3A_1272 = tpu.memref_slice %arg3[%dma_wait3A_1270, %dma_wait3A_1271] : memref<1048576x32xf32, #tpu.memory_space<hbm>> -> memref<1048576x32xf32, #tpu.memory_space<hbm>>
    tpu.wait_indirect_dma semaphore(%arg8 : memref<!tpu.dma_semaphore, #tpu.memory_space<semaphore_mem>>) src(%dma_wait3A_1272 : memref<1048576x32xf32, #tpu.memory_space<hbm>>) dst(%arg6 : memref<512x32xf32, #tpu.memory_space<vmem>>)
    %dma_wait3A_1273 = arith.constant 11776 : i32
    %dma_wait3A_1274 = tpu.memref_slice %arg5[%dma_wait3A_1273] : memref<25600xi32, #tpu.memory_space<vmem>> -> memref<512xi32, #tpu.memory_space<vmem>>
    %dma_wait3A_1275 = arith.constant 0 : i32
    %dma_wait3A_1276 = arith.constant 0 : i32
    %dma_wait3A_1277 = tpu.memref_slice %arg3[%dma_wait3A_1275, %dma_wait3A_1276] : memref<1048576x32xf32, #tpu.memory_space<hbm>> -> memref<1048576x32xf32, #tpu.memory_space<hbm>>
    tpu.wait_indirect_dma semaphore(%arg8 : memref<!tpu.dma_semaphore, #tpu.memory_space<semaphore_mem>>) src(%dma_wait3A_1277 : memref<1048576x32xf32, #tpu.memory_space<hbm>>) dst(%arg6 : memref<512x32xf32, #tpu.memory_space<vmem>>)
    %dma_wait3A_1278 = arith.constant 12288 : i32
    %dma_wait3A_1279 = tpu.memref_slice %arg5[%dma_wait3A_1278] : memref<25600xi32, #tpu.memory_space<vmem>> -> memref<512xi32, #tpu.memory_space<vmem>>
    %dma_wait3A_1280 = arith.constant 0 : i32
    %dma_wait3A_1281 = arith.constant 0 : i32
    %dma_wait3A_1282 = tpu.memref_slice %arg3[%dma_wait3A_1280, %dma_wait3A_1281] : memref<1048576x32xf32, #tpu.memory_space<hbm>> -> memref<1048576x32xf32, #tpu.memory_space<hbm>>
    tpu.wait_indirect_dma semaphore(%arg8 : memref<!tpu.dma_semaphore, #tpu.memory_space<semaphore_mem>>) src(%dma_wait3A_1282 : memref<1048576x32xf32, #tpu.memory_space<hbm>>) dst(%arg6 : memref<512x32xf32, #tpu.memory_space<vmem>>)
    %dma_wait3A_1283 = arith.constant 12800 : i32
    %dma_wait3A_1284 = tpu.memref_slice %arg5[%dma_wait3A_1283] : memref<25600xi32, #tpu.memory_space<vmem>> -> memref<512xi32, #tpu.memory_space<vmem>>
    %dma_wait3A_1285 = arith.constant 0 : i32
    %dma_wait3A_1286 = arith.constant 0 : i32
    %dma_wait3A_1287 = tpu.memref_slice %arg3[%dma_wait3A_1285, %dma_wait3A_1286] : memref<1048576x32xf32, #tpu.memory_space<hbm>> -> memref<1048576x32xf32, #tpu.memory_space<hbm>>
    tpu.wait_indirect_dma semaphore(%arg8 : memref<!tpu.dma_semaphore, #tpu.memory_space<semaphore_mem>>) src(%dma_wait3A_1287 : memref<1048576x32xf32, #tpu.memory_space<hbm>>) dst(%arg6 : memref<512x32xf32, #tpu.memory_space<vmem>>)
    %dma_wait3A_1288 = arith.constant 13312 : i32
    %dma_wait3A_1289 = tpu.memref_slice %arg5[%dma_wait3A_1288] : memref<25600xi32, #tpu.memory_space<vmem>> -> memref<512xi32, #tpu.memory_space<vmem>>
    %dma_wait3A_1290 = arith.constant 0 : i32
    %dma_wait3A_1291 = arith.constant 0 : i32
    %dma_wait3A_1292 = tpu.memref_slice %arg3[%dma_wait3A_1290, %dma_wait3A_1291] : memref<1048576x32xf32, #tpu.memory_space<hbm>> -> memref<1048576x32xf32, #tpu.memory_space<hbm>>
    tpu.wait_indirect_dma semaphore(%arg8 : memref<!tpu.dma_semaphore, #tpu.memory_space<semaphore_mem>>) src(%dma_wait3A_1292 : memref<1048576x32xf32, #tpu.memory_space<hbm>>) dst(%arg6 : memref<512x32xf32, #tpu.memory_space<vmem>>)
    %dma_wait3A_1293 = arith.constant 13824 : i32
    %dma_wait3A_1294 = tpu.memref_slice %arg5[%dma_wait3A_1293] : memref<25600xi32, #tpu.memory_space<vmem>> -> memref<512xi32, #tpu.memory_space<vmem>>
    %dma_wait3A_1295 = arith.constant 0 : i32
    %dma_wait3A_1296 = arith.constant 0 : i32
    %dma_wait3A_1297 = tpu.memref_slice %arg3[%dma_wait3A_1295, %dma_wait3A_1296] : memref<1048576x32xf32, #tpu.memory_space<hbm>> -> memref<1048576x32xf32, #tpu.memory_space<hbm>>
    tpu.wait_indirect_dma semaphore(%arg8 : memref<!tpu.dma_semaphore, #tpu.memory_space<semaphore_mem>>) src(%dma_wait3A_1297 : memref<1048576x32xf32, #tpu.memory_space<hbm>>) dst(%arg6 : memref<512x32xf32, #tpu.memory_space<vmem>>)
    %dma_wait3A_1298 = arith.constant 14336 : i32
    %dma_wait3A_1299 = tpu.memref_slice %arg5[%dma_wait3A_1298] : memref<25600xi32, #tpu.memory_space<vmem>> -> memref<512xi32, #tpu.memory_space<vmem>>
    %dma_wait3A_1300 = arith.constant 0 : i32
    %dma_wait3A_1301 = arith.constant 0 : i32
    %dma_wait3A_1302 = tpu.memref_slice %arg3[%dma_wait3A_1300, %dma_wait3A_1301] : memref<1048576x32xf32, #tpu.memory_space<hbm>> -> memref<1048576x32xf32, #tpu.memory_space<hbm>>
    tpu.wait_indirect_dma semaphore(%arg8 : memref<!tpu.dma_semaphore, #tpu.memory_space<semaphore_mem>>) src(%dma_wait3A_1302 : memref<1048576x32xf32, #tpu.memory_space<hbm>>) dst(%arg6 : memref<512x32xf32, #tpu.memory_space<vmem>>)
    %dma_wait3A_1303 = arith.constant 14848 : i32
    %dma_wait3A_1304 = tpu.memref_slice %arg5[%dma_wait3A_1303] : memref<25600xi32, #tpu.memory_space<vmem>> -> memref<512xi32, #tpu.memory_space<vmem>>
    %dma_wait3A_1305 = arith.constant 0 : i32
    %dma_wait3A_1306 = arith.constant 0 : i32
    %dma_wait3A_1307 = tpu.memref_slice %arg3[%dma_wait3A_1305, %dma_wait3A_1306] : memref<1048576x32xf32, #tpu.memory_space<hbm>> -> memref<1048576x32xf32, #tpu.memory_space<hbm>>
    tpu.wait_indirect_dma semaphore(%arg8 : memref<!tpu.dma_semaphore, #tpu.memory_space<semaphore_mem>>) src(%dma_wait3A_1307 : memref<1048576x32xf32, #tpu.memory_space<hbm>>) dst(%arg6 : memref<512x32xf32, #tpu.memory_space<vmem>>)
    %dma_wait3A_1308 = arith.constant 15360 : i32
    %dma_wait3A_1309 = tpu.memref_slice %arg5[%dma_wait3A_1308] : memref<25600xi32, #tpu.memory_space<vmem>> -> memref<512xi32, #tpu.memory_space<vmem>>
    %dma_wait3A_1310 = arith.constant 0 : i32
    %dma_wait3A_1311 = arith.constant 0 : i32
    %dma_wait3A_1312 = tpu.memref_slice %arg3[%dma_wait3A_1310, %dma_wait3A_1311] : memref<1048576x32xf32, #tpu.memory_space<hbm>> -> memref<1048576x32xf32, #tpu.memory_space<hbm>>
    tpu.wait_indirect_dma semaphore(%arg8 : memref<!tpu.dma_semaphore, #tpu.memory_space<semaphore_mem>>) src(%dma_wait3A_1312 : memref<1048576x32xf32, #tpu.memory_space<hbm>>) dst(%arg6 : memref<512x32xf32, #tpu.memory_space<vmem>>)
    %dma_wait3A_1313 = arith.constant 15872 : i32
    %dma_wait3A_1314 = tpu.memref_slice %arg5[%dma_wait3A_1313] : memref<25600xi32, #tpu.memory_space<vmem>> -> memref<512xi32, #tpu.memory_space<vmem>>
    %dma_wait3A_1315 = arith.constant 0 : i32
    %dma_wait3A_1316 = arith.constant 0 : i32
    %dma_wait3A_1317 = tpu.memref_slice %arg3[%dma_wait3A_1315, %dma_wait3A_1316] : memref<1048576x32xf32, #tpu.memory_space<hbm>> -> memref<1048576x32xf32, #tpu.memory_space<hbm>>
    tpu.wait_indirect_dma semaphore(%arg8 : memref<!tpu.dma_semaphore, #tpu.memory_space<semaphore_mem>>) src(%dma_wait3A_1317 : memref<1048576x32xf32, #tpu.memory_space<hbm>>) dst(%arg6 : memref<512x32xf32, #tpu.memory_space<vmem>>)
    %dma_wait3A_1318 = arith.constant 16384 : i32
    %dma_wait3A_1319 = tpu.memref_slice %arg5[%dma_wait3A_1318] : memref<25600xi32, #tpu.memory_space<vmem>> -> memref<512xi32, #tpu.memory_space<vmem>>
    %dma_wait3A_1320 = arith.constant 0 : i32
    %dma_wait3A_1321 = arith.constant 0 : i32
    %dma_wait3A_1322 = tpu.memref_slice %arg3[%dma_wait3A_1320, %dma_wait3A_1321] : memref<1048576x32xf32, #tpu.memory_space<hbm>> -> memref<1048576x32xf32, #tpu.memory_space<hbm>>
    tpu.wait_indirect_dma semaphore(%arg8 : memref<!tpu.dma_semaphore, #tpu.memory_space<semaphore_mem>>) src(%dma_wait3A_1322 : memref<1048576x32xf32, #tpu.memory_space<hbm>>) dst(%arg6 : memref<512x32xf32, #tpu.memory_space<vmem>>)
    %dma_wait3A_1323 = arith.constant 16896 : i32
    %dma_wait3A_1324 = tpu.memref_slice %arg5[%dma_wait3A_1323] : memref<25600xi32, #tpu.memory_space<vmem>> -> memref<512xi32, #tpu.memory_space<vmem>>
    %dma_wait3A_1325 = arith.constant 0 : i32
    %dma_wait3A_1326 = arith.constant 0 : i32
    %dma_wait3A_1327 = tpu.memref_slice %arg3[%dma_wait3A_1325, %dma_wait3A_1326] : memref<1048576x32xf32, #tpu.memory_space<hbm>> -> memref<1048576x32xf32, #tpu.memory_space<hbm>>
    tpu.wait_indirect_dma semaphore(%arg8 : memref<!tpu.dma_semaphore, #tpu.memory_space<semaphore_mem>>) src(%dma_wait3A_1327 : memref<1048576x32xf32, #tpu.memory_space<hbm>>) dst(%arg6 : memref<512x32xf32, #tpu.memory_space<vmem>>)
    %dma_wait3A_1328 = arith.constant 17408 : i32
    %dma_wait3A_1329 = tpu.memref_slice %arg5[%dma_wait3A_1328] : memref<25600xi32, #tpu.memory_space<vmem>> -> memref<512xi32, #tpu.memory_space<vmem>>
    %dma_wait3A_1330 = arith.constant 0 : i32
    %dma_wait3A_1331 = arith.constant 0 : i32
    %dma_wait3A_1332 = tpu.memref_slice %arg3[%dma_wait3A_1330, %dma_wait3A_1331] : memref<1048576x32xf32, #tpu.memory_space<hbm>> -> memref<1048576x32xf32, #tpu.memory_space<hbm>>
    tpu.wait_indirect_dma semaphore(%arg8 : memref<!tpu.dma_semaphore, #tpu.memory_space<semaphore_mem>>) src(%dma_wait3A_1332 : memref<1048576x32xf32, #tpu.memory_space<hbm>>) dst(%arg6 : memref<512x32xf32, #tpu.memory_space<vmem>>)
    %dma_wait3A_1333 = arith.constant 17920 : i32
    %dma_wait3A_1334 = tpu.memref_slice %arg5[%dma_wait3A_1333] : memref<25600xi32, #tpu.memory_space<vmem>> -> memref<512xi32, #tpu.memory_space<vmem>>
    %dma_wait3A_1335 = arith.constant 0 : i32
    %dma_wait3A_1336 = arith.constant 0 : i32
    %dma_wait3A_1337 = tpu.memref_slice %arg3[%dma_wait3A_1335, %dma_wait3A_1336] : memref<1048576x32xf32, #tpu.memory_space<hbm>> -> memref<1048576x32xf32, #tpu.memory_space<hbm>>
    tpu.wait_indirect_dma semaphore(%arg8 : memref<!tpu.dma_semaphore, #tpu.memory_space<semaphore_mem>>) src(%dma_wait3A_1337 : memref<1048576x32xf32, #tpu.memory_space<hbm>>) dst(%arg6 : memref<512x32xf32, #tpu.memory_space<vmem>>)
    %dma_wait3A_1338 = arith.constant 18432 : i32
    %dma_wait3A_1339 = tpu.memref_slice %arg5[%dma_wait3A_1338] : memref<25600xi32, #tpu.memory_space<vmem>> -> memref<512xi32, #tpu.memory_space<vmem>>
    %dma_wait3A_1340 = arith.constant 0 : i32
    %dma_wait3A_1341 = arith.constant 0 : i32
    %dma_wait3A_1342 = tpu.memref_slice %arg3[%dma_wait3A_1340, %dma_wait3A_1341] : memref<1048576x32xf32, #tpu.memory_space<hbm>> -> memref<1048576x32xf32, #tpu.memory_space<hbm>>
    tpu.wait_indirect_dma semaphore(%arg8 : memref<!tpu.dma_semaphore, #tpu.memory_space<semaphore_mem>>) src(%dma_wait3A_1342 : memref<1048576x32xf32, #tpu.memory_space<hbm>>) dst(%arg6 : memref<512x32xf32, #tpu.memory_space<vmem>>)
    %dma_wait3A_1343 = arith.constant 18944 : i32
    %dma_wait3A_1344 = tpu.memref_slice %arg5[%dma_wait3A_1343] : memref<25600xi32, #tpu.memory_space<vmem>> -> memref<512xi32, #tpu.memory_space<vmem>>
    %dma_wait3A_1345 = arith.constant 0 : i32
    %dma_wait3A_1346 = arith.constant 0 : i32
    %dma_wait3A_1347 = tpu.memref_slice %arg3[%dma_wait3A_1345, %dma_wait3A_1346] : memref<1048576x32xf32, #tpu.memory_space<hbm>> -> memref<1048576x32xf32, #tpu.memory_space<hbm>>
    tpu.wait_indirect_dma semaphore(%arg8 : memref<!tpu.dma_semaphore, #tpu.memory_space<semaphore_mem>>) src(%dma_wait3A_1347 : memref<1048576x32xf32, #tpu.memory_space<hbm>>) dst(%arg6 : memref<512x32xf32, #tpu.memory_space<vmem>>)
    %dma_wait3A_1348 = arith.constant 19456 : i32
    %dma_wait3A_1349 = tpu.memref_slice %arg5[%dma_wait3A_1348] : memref<25600xi32, #tpu.memory_space<vmem>> -> memref<512xi32, #tpu.memory_space<vmem>>
    %dma_wait3A_1350 = arith.constant 0 : i32
    %dma_wait3A_1351 = arith.constant 0 : i32
    %dma_wait3A_1352 = tpu.memref_slice %arg3[%dma_wait3A_1350, %dma_wait3A_1351] : memref<1048576x32xf32, #tpu.memory_space<hbm>> -> memref<1048576x32xf32, #tpu.memory_space<hbm>>
    tpu.wait_indirect_dma semaphore(%arg8 : memref<!tpu.dma_semaphore, #tpu.memory_space<semaphore_mem>>) src(%dma_wait3A_1352 : memref<1048576x32xf32, #tpu.memory_space<hbm>>) dst(%arg6 : memref<512x32xf32, #tpu.memory_space<vmem>>)
    %dma_wait3A_1353 = arith.constant 19968 : i32
    %dma_wait3A_1354 = tpu.memref_slice %arg5[%dma_wait3A_1353] : memref<25600xi32, #tpu.memory_space<vmem>> -> memref<512xi32, #tpu.memory_space<vmem>>
    %dma_wait3A_1355 = arith.constant 0 : i32
    %dma_wait3A_1356 = arith.constant 0 : i32
    %dma_wait3A_1357 = tpu.memref_slice %arg3[%dma_wait3A_1355, %dma_wait3A_1356] : memref<1048576x32xf32, #tpu.memory_space<hbm>> -> memref<1048576x32xf32, #tpu.memory_space<hbm>>
    tpu.wait_indirect_dma semaphore(%arg8 : memref<!tpu.dma_semaphore, #tpu.memory_space<semaphore_mem>>) src(%dma_wait3A_1357 : memref<1048576x32xf32, #tpu.memory_space<hbm>>) dst(%arg6 : memref<512x32xf32, #tpu.memory_space<vmem>>)
    %dma_wait3A_1358 = arith.constant 20480 : i32
    %dma_wait3A_1359 = tpu.memref_slice %arg5[%dma_wait3A_1358] : memref<25600xi32, #tpu.memory_space<vmem>> -> memref<512xi32, #tpu.memory_space<vmem>>
    %dma_wait3A_1360 = arith.constant 0 : i32
    %dma_wait3A_1361 = arith.constant 0 : i32
    %dma_wait3A_1362 = tpu.memref_slice %arg3[%dma_wait3A_1360, %dma_wait3A_1361] : memref<1048576x32xf32, #tpu.memory_space<hbm>> -> memref<1048576x32xf32, #tpu.memory_space<hbm>>
    tpu.wait_indirect_dma semaphore(%arg8 : memref<!tpu.dma_semaphore, #tpu.memory_space<semaphore_mem>>) src(%dma_wait3A_1362 : memref<1048576x32xf32, #tpu.memory_space<hbm>>) dst(%arg6 : memref<512x32xf32, #tpu.memory_space<vmem>>)
    %dma_wait3A_1363 = arith.constant 20992 : i32
    %dma_wait3A_1364 = tpu.memref_slice %arg5[%dma_wait3A_1363] : memref<25600xi32, #tpu.memory_space<vmem>> -> memref<512xi32, #tpu.memory_space<vmem>>
    %dma_wait3A_1365 = arith.constant 0 : i32
    %dma_wait3A_1366 = arith.constant 0 : i32
    %dma_wait3A_1367 = tpu.memref_slice %arg3[%dma_wait3A_1365, %dma_wait3A_1366] : memref<1048576x32xf32, #tpu.memory_space<hbm>> -> memref<1048576x32xf32, #tpu.memory_space<hbm>>
    tpu.wait_indirect_dma semaphore(%arg8 : memref<!tpu.dma_semaphore, #tpu.memory_space<semaphore_mem>>) src(%dma_wait3A_1367 : memref<1048576x32xf32, #tpu.memory_space<hbm>>) dst(%arg6 : memref<512x32xf32, #tpu.memory_space<vmem>>)
    %dma_wait3A_1368 = arith.constant 21504 : i32
    %dma_wait3A_1369 = tpu.memref_slice %arg5[%dma_wait3A_1368] : memref<25600xi32, #tpu.memory_space<vmem>> -> memref<512xi32, #tpu.memory_space<vmem>>
    %dma_wait3A_1370 = arith.constant 0 : i32
    %dma_wait3A_1371 = arith.constant 0 : i32
    %dma_wait3A_1372 = tpu.memref_slice %arg3[%dma_wait3A_1370, %dma_wait3A_1371] : memref<1048576x32xf32, #tpu.memory_space<hbm>> -> memref<1048576x32xf32, #tpu.memory_space<hbm>>
    tpu.wait_indirect_dma semaphore(%arg8 : memref<!tpu.dma_semaphore, #tpu.memory_space<semaphore_mem>>) src(%dma_wait3A_1372 : memref<1048576x32xf32, #tpu.memory_space<hbm>>) dst(%arg6 : memref<512x32xf32, #tpu.memory_space<vmem>>)
    %dma_wait3A_1373 = arith.constant 22016 : i32
    %dma_wait3A_1374 = tpu.memref_slice %arg5[%dma_wait3A_1373] : memref<25600xi32, #tpu.memory_space<vmem>> -> memref<512xi32, #tpu.memory_space<vmem>>
    %dma_wait3A_1375 = arith.constant 0 : i32
    %dma_wait3A_1376 = arith.constant 0 : i32
    %dma_wait3A_1377 = tpu.memref_slice %arg3[%dma_wait3A_1375, %dma_wait3A_1376] : memref<1048576x32xf32, #tpu.memory_space<hbm>> -> memref<1048576x32xf32, #tpu.memory_space<hbm>>
    tpu.wait_indirect_dma semaphore(%arg8 : memref<!tpu.dma_semaphore, #tpu.memory_space<semaphore_mem>>) src(%dma_wait3A_1377 : memref<1048576x32xf32, #tpu.memory_space<hbm>>) dst(%arg6 : memref<512x32xf32, #tpu.memory_space<vmem>>)
    %dma_wait3A_1378 = arith.constant 22528 : i32
    %dma_wait3A_1379 = tpu.memref_slice %arg5[%dma_wait3A_1378] : memref<25600xi32, #tpu.memory_space<vmem>> -> memref<512xi32, #tpu.memory_space<vmem>>
    %dma_wait3A_1380 = arith.constant 0 : i32
    %dma_wait3A_1381 = arith.constant 0 : i32
    %dma_wait3A_1382 = tpu.memref_slice %arg3[%dma_wait3A_1380, %dma_wait3A_1381] : memref<1048576x32xf32, #tpu.memory_space<hbm>> -> memref<1048576x32xf32, #tpu.memory_space<hbm>>
    tpu.wait_indirect_dma semaphore(%arg8 : memref<!tpu.dma_semaphore, #tpu.memory_space<semaphore_mem>>) src(%dma_wait3A_1382 : memref<1048576x32xf32, #tpu.memory_space<hbm>>) dst(%arg6 : memref<512x32xf32, #tpu.memory_space<vmem>>)
    %dma_wait3A_1383 = arith.constant 23040 : i32
    %dma_wait3A_1384 = tpu.memref_slice %arg5[%dma_wait3A_1383] : memref<25600xi32, #tpu.memory_space<vmem>> -> memref<512xi32, #tpu.memory_space<vmem>>
    %dma_wait3A_1385 = arith.constant 0 : i32
    %dma_wait3A_1386 = arith.constant 0 : i32
    %dma_wait3A_1387 = tpu.memref_slice %arg3[%dma_wait3A_1385, %dma_wait3A_1386] : memref<1048576x32xf32, #tpu.memory_space<hbm>> -> memref<1048576x32xf32, #tpu.memory_space<hbm>>
    tpu.wait_indirect_dma semaphore(%arg8 : memref<!tpu.dma_semaphore, #tpu.memory_space<semaphore_mem>>) src(%dma_wait3A_1387 : memref<1048576x32xf32, #tpu.memory_space<hbm>>) dst(%arg6 : memref<512x32xf32, #tpu.memory_space<vmem>>)
    %dma_wait3A_1388 = arith.constant 23552 : i32
    %dma_wait3A_1389 = tpu.memref_slice %arg5[%dma_wait3A_1388] : memref<25600xi32, #tpu.memory_space<vmem>> -> memref<512xi32, #tpu.memory_space<vmem>>
    %dma_wait3A_1390 = arith.constant 0 : i32
    %dma_wait3A_1391 = arith.constant 0 : i32
    %dma_wait3A_1392 = tpu.memref_slice %arg3[%dma_wait3A_1390, %dma_wait3A_1391] : memref<1048576x32xf32, #tpu.memory_space<hbm>> -> memref<1048576x32xf32, #tpu.memory_space<hbm>>
    tpu.wait_indirect_dma semaphore(%arg8 : memref<!tpu.dma_semaphore, #tpu.memory_space<semaphore_mem>>) src(%dma_wait3A_1392 : memref<1048576x32xf32, #tpu.memory_space<hbm>>) dst(%arg6 : memref<512x32xf32, #tpu.memory_space<vmem>>)
    %dma_wait3A_1393 = arith.constant 24064 : i32
    %dma_wait3A_1394 = tpu.memref_slice %arg5[%dma_wait3A_1393] : memref<25600xi32, #tpu.memory_space<vmem>> -> memref<512xi32, #tpu.memory_space<vmem>>
    %dma_wait3A_1395 = arith.constant 0 : i32
    %dma_wait3A_1396 = arith.constant 0 : i32
    %dma_wait3A_1397 = tpu.memref_slice %arg3[%dma_wait3A_1395, %dma_wait3A_1396] : memref<1048576x32xf32, #tpu.memory_space<hbm>> -> memref<1048576x32xf32, #tpu.memory_space<hbm>>
    tpu.wait_indirect_dma semaphore(%arg8 : memref<!tpu.dma_semaphore, #tpu.memory_space<semaphore_mem>>) src(%dma_wait3A_1397 : memref<1048576x32xf32, #tpu.memory_space<hbm>>) dst(%arg6 : memref<512x32xf32, #tpu.memory_space<vmem>>)
    %dma_wait3A_1398 = arith.constant 24576 : i32
    %dma_wait3A_1399 = tpu.memref_slice %arg5[%dma_wait3A_1398] : memref<25600xi32, #tpu.memory_space<vmem>> -> memref<512xi32, #tpu.memory_space<vmem>>
    %dma_wait3A_1400 = arith.constant 0 : i32
    %dma_wait3A_1401 = arith.constant 0 : i32
    %dma_wait3A_1402 = tpu.memref_slice %arg3[%dma_wait3A_1400, %dma_wait3A_1401] : memref<1048576x32xf32, #tpu.memory_space<hbm>> -> memref<1048576x32xf32, #tpu.memory_space<hbm>>
    tpu.wait_indirect_dma semaphore(%arg8 : memref<!tpu.dma_semaphore, #tpu.memory_space<semaphore_mem>>) src(%dma_wait3A_1402 : memref<1048576x32xf32, #tpu.memory_space<hbm>>) dst(%arg6 : memref<512x32xf32, #tpu.memory_space<vmem>>)
    %dma_wait3A_1403 = arith.constant 25088 : i32
    %dma_wait3A_1404 = tpu.memref_slice %arg5[%dma_wait3A_1403] : memref<25600xi32, #tpu.memory_space<vmem>> -> memref<512xi32, #tpu.memory_space<vmem>>
    %dma_wait3A_1405 = arith.constant 0 : i32
    %dma_wait3A_1406 = arith.constant 0 : i32
    %dma_wait3A_1407 = tpu.memref_slice %arg3[%dma_wait3A_1405, %dma_wait3A_1406] : memref<1048576x32xf32, #tpu.memory_space<hbm>> -> memref<1048576x32xf32, #tpu.memory_space<hbm>>
    tpu.wait_indirect_dma semaphore(%arg8 : memref<!tpu.dma_semaphore, #tpu.memory_space<semaphore_mem>>) src(%dma_wait3A_1407 : memref<1048576x32xf32, #tpu.memory_space<hbm>>) dst(%arg6 : memref<512x32xf32, #tpu.memory_space<vmem>>)
    "tpu.region"() ({
      %run_scoped3A = tpu.sem_alloc : memref<!tpu.dma_semaphore, #tpu.memory_space<semaphore_mem>>
      %dma_start3A_1408 = arith.constant 0 : i32
      %dma_start3A_1409 = tpu.memref_slice %arg4[%mul3A_2, %dma_start3A_1408] : memref<16384x32xf32, #tpu.memory_space<hbm>> -> memref<512x32xf32, #tpu.memory_space<hbm>>
      %dma_start3A_1410 = arith.constant 0 : i32
      %dma_start3A_1411 = tpu.memref_slice %arg4[%mul3A_2, %dma_start3A_1410] : memref<16384x32xf32, #tpu.memory_space<hbm>> -> memref<512x32xf32, #tpu.memory_space<hbm>>
      tpu.enqueue_dma source(%arg6 : memref<512x32xf32, #tpu.memory_space<vmem>>) target(%dma_start3A_1411 : memref<512x32xf32, #tpu.memory_space<hbm>>) target_semaphore(%run_scoped3A : memref<!tpu.dma_semaphore, #tpu.memory_space<semaphore_mem>>)
      %dma_wait3A_1412 = arith.constant 0 : i32
      %dma_wait3A_1413 = tpu.memref_slice %arg4[%mul3A_2, %dma_wait3A_1412] : memref<16384x32xf32, #tpu.memory_space<hbm>> -> memref<512x32xf32, #tpu.memory_space<hbm>>
      %dma_wait3A_1414 = arith.constant 0 : i32
      %dma_wait3A_1415 = tpu.memref_slice %arg4[%mul3A_2, %dma_wait3A_1414] : memref<16384x32xf32, #tpu.memory_space<hbm>> -> memref<512x32xf32, #tpu.memory_space<hbm>>
      tpu.wait_dma2 semaphore(%run_scoped3A : memref<!tpu.dma_semaphore, #tpu.memory_space<semaphore_mem>>) src(%arg6 : memref<512x32xf32, #tpu.memory_space<vmem>>) dst(%dma_wait3A_1415 : memref<512x32xf32, #tpu.memory_space<hbm>>)
      tpu.yield
    }) : () -> ()
    return
  }
}

module attributes {stable_mosaic.version = 14 : i64} {
  func.func @_t_body(%arg0: i32, %arg1: memref<32x65536xf32, #tpu.memory_space<vmem>>, %arg2: memref<16384x128xf32, #tpu.memory_space<vmem>>) attributes {dimension_semantics = [#tpu.dimension_semantics<arbitrary>], iteration_bounds = array<i64: 16>, scalar_prefetch = 0 : i64, scratch_operands = 0 : i64, tpu.core_type = #tpu.core_type<tc>, window_params = [{transform_indices = @transform_0, window_bounds = array<i64: 32, 65536>}, {transform_indices = @transform_1, window_bounds = array<i64: 16384, 128>}]} {
    %get3A = arith.constant 0 : index
    %get3A_0 = arith.constant 0 : index
    %get3A_1 = vector.load %arg1[%get3A, %get3A_0] : memref<32x65536xf32, #tpu.memory_space<vmem>>, vector<32x65536xf32>
    %slice3A = vector.extract_strided_slice %get3A_1 {offsets = [0, 0], sizes = [32, 512], strides = [1, 1]} : vector<32x65536xf32> to vector<32x512xf32>
    %slice3A_2 = vector.extract_strided_slice %slice3A {offsets = [0, 0], sizes = [32, 128], strides = [1, 1]} : vector<32x512xf32> to vector<32x128xf32>
    %slice3A_3 = vector.extract_strided_slice %slice3A {offsets = [0, 128], sizes = [32, 128], strides = [1, 1]} : vector<32x512xf32> to vector<32x128xf32>
    %slice3A_4 = vector.extract_strided_slice %slice3A {offsets = [0, 256], sizes = [32, 128], strides = [1, 1]} : vector<32x512xf32> to vector<32x128xf32>
    %slice3A_5 = vector.extract_strided_slice %slice3A {offsets = [0, 384], sizes = [32, 128], strides = [1, 1]} : vector<32x512xf32> to vector<32x128xf32>
    %concatenate3A = tpu.concatenate %slice3A_2, %slice3A_3, %slice3A_4, %slice3A_5 in 0 : vector<32x128xf32>, vector<32x128xf32>, vector<32x128xf32>, vector<32x128xf32> -> vector<128x128xf32>
    %transpose3A = tpu.transpose %concatenate3A, [1, 0] : vector<128x128xf32> -> vector<128x128xf32>
    %swap3A = arith.constant 0 : index
    %swap3A_6 = arith.constant 0 : index
    %swap3A_7 = vector.load %arg2[%swap3A, %swap3A_6] : memref<16384x128xf32, #tpu.memory_space<vmem>>, vector<128x128xf32>
    tpu.vector_store %arg2[%swap3A, %swap3A_6], %transpose3A {strides = array<i32>} : memref<16384x128xf32, #tpu.memory_space<vmem>>, vector<128x128xf32>,
    %slice3A_8 = vector.extract_strided_slice %get3A_1 {offsets = [0, 512], sizes = [32, 512], strides = [1, 1]} : vector<32x65536xf32> to vector<32x512xf32>
    %slice3A_9 = vector.extract_strided_slice %slice3A_8 {offsets = [0, 0], sizes = [32, 128], strides = [1, 1]} : vector<32x512xf32> to vector<32x128xf32>
    %slice3A_10 = vector.extract_strided_slice %slice3A_8 {offsets = [0, 128], sizes = [32, 128], strides = [1, 1]} : vector<32x512xf32> to vector<32x128xf32>
    %slice3A_11 = vector.extract_strided_slice %slice3A_8 {offsets = [0, 256], sizes = [32, 128], strides = [1, 1]} : vector<32x512xf32> to vector<32x128xf32>
    %slice3A_12 = vector.extract_strided_slice %slice3A_8 {offsets = [0, 384], sizes = [32, 128], strides = [1, 1]} : vector<32x512xf32> to vector<32x128xf32>
    %concatenate3A_13 = tpu.concatenate %slice3A_9, %slice3A_10, %slice3A_11, %slice3A_12 in 0 : vector<32x128xf32>, vector<32x128xf32>, vector<32x128xf32>, vector<32x128xf32> -> vector<128x128xf32>
    %transpose3A_14 = tpu.transpose %concatenate3A_13, [1, 0] : vector<128x128xf32> -> vector<128x128xf32>
    %swap3A_15 = arith.constant 128 : index
    %swap3A_16 = arith.constant 0 : index
    %swap3A_17 = vector.load %arg2[%swap3A_15, %swap3A_16] : memref<16384x128xf32, #tpu.memory_space<vmem>>, vector<128x128xf32>
    tpu.vector_store %arg2[%swap3A_15, %swap3A_16], %transpose3A_14 {strides = array<i32>} : memref<16384x128xf32, #tpu.memory_space<vmem>>, vector<128x128xf32>,
    %slice3A_18 = vector.extract_strided_slice %get3A_1 {offsets = [0, 1024], sizes = [32, 512], strides = [1, 1]} : vector<32x65536xf32> to vector<32x512xf32>
    %slice3A_19 = vector.extract_strided_slice %slice3A_18 {offsets = [0, 0], sizes = [32, 128], strides = [1, 1]} : vector<32x512xf32> to vector<32x128xf32>
    %slice3A_20 = vector.extract_strided_slice %slice3A_18 {offsets = [0, 128], sizes = [32, 128], strides = [1, 1]} : vector<32x512xf32> to vector<32x128xf32>
    %slice3A_21 = vector.extract_strided_slice %slice3A_18 {offsets = [0, 256], sizes = [32, 128], strides = [1, 1]} : vector<32x512xf32> to vector<32x128xf32>
    %slice3A_22 = vector.extract_strided_slice %slice3A_18 {offsets = [0, 384], sizes = [32, 128], strides = [1, 1]} : vector<32x512xf32> to vector<32x128xf32>
    %concatenate3A_23 = tpu.concatenate %slice3A_19, %slice3A_20, %slice3A_21, %slice3A_22 in 0 : vector<32x128xf32>, vector<32x128xf32>, vector<32x128xf32>, vector<32x128xf32> -> vector<128x128xf32>
    %transpose3A_24 = tpu.transpose %concatenate3A_23, [1, 0] : vector<128x128xf32> -> vector<128x128xf32>
    %swap3A_25 = arith.constant 256 : index
    %swap3A_26 = arith.constant 0 : index
    %swap3A_27 = vector.load %arg2[%swap3A_25, %swap3A_26] : memref<16384x128xf32, #tpu.memory_space<vmem>>, vector<128x128xf32>
    tpu.vector_store %arg2[%swap3A_25, %swap3A_26], %transpose3A_24 {strides = array<i32>} : memref<16384x128xf32, #tpu.memory_space<vmem>>, vector<128x128xf32>,
    %slice3A_28 = vector.extract_strided_slice %get3A_1 {offsets = [0, 1536], sizes = [32, 512], strides = [1, 1]} : vector<32x65536xf32> to vector<32x512xf32>
    %slice3A_29 = vector.extract_strided_slice %slice3A_28 {offsets = [0, 0], sizes = [32, 128], strides = [1, 1]} : vector<32x512xf32> to vector<32x128xf32>
    %slice3A_30 = vector.extract_strided_slice %slice3A_28 {offsets = [0, 128], sizes = [32, 128], strides = [1, 1]} : vector<32x512xf32> to vector<32x128xf32>
    %slice3A_31 = vector.extract_strided_slice %slice3A_28 {offsets = [0, 256], sizes = [32, 128], strides = [1, 1]} : vector<32x512xf32> to vector<32x128xf32>
    %slice3A_32 = vector.extract_strided_slice %slice3A_28 {offsets = [0, 384], sizes = [32, 128], strides = [1, 1]} : vector<32x512xf32> to vector<32x128xf32>
    %concatenate3A_33 = tpu.concatenate %slice3A_29, %slice3A_30, %slice3A_31, %slice3A_32 in 0 : vector<32x128xf32>, vector<32x128xf32>, vector<32x128xf32>, vector<32x128xf32> -> vector<128x128xf32>
    %transpose3A_34 = tpu.transpose %concatenate3A_33, [1, 0] : vector<128x128xf32> -> vector<128x128xf32>
    %swap3A_35 = arith.constant 384 : index
    %swap3A_36 = arith.constant 0 : index
    %swap3A_37 = vector.load %arg2[%swap3A_35, %swap3A_36] : memref<16384x128xf32, #tpu.memory_space<vmem>>, vector<128x128xf32>
    tpu.vector_store %arg2[%swap3A_35, %swap3A_36], %transpose3A_34 {strides = array<i32>} : memref<16384x128xf32, #tpu.memory_space<vmem>>, vector<128x128xf32>,
    %slice3A_38 = vector.extract_strided_slice %get3A_1 {offsets = [0, 2048], sizes = [32, 512], strides = [1, 1]} : vector<32x65536xf32> to vector<32x512xf32>
    %slice3A_39 = vector.extract_strided_slice %slice3A_38 {offsets = [0, 0], sizes = [32, 128], strides = [1, 1]} : vector<32x512xf32> to vector<32x128xf32>
    %slice3A_40 = vector.extract_strided_slice %slice3A_38 {offsets = [0, 128], sizes = [32, 128], strides = [1, 1]} : vector<32x512xf32> to vector<32x128xf32>
    %slice3A_41 = vector.extract_strided_slice %slice3A_38 {offsets = [0, 256], sizes = [32, 128], strides = [1, 1]} : vector<32x512xf32> to vector<32x128xf32>
    %slice3A_42 = vector.extract_strided_slice %slice3A_38 {offsets = [0, 384], sizes = [32, 128], strides = [1, 1]} : vector<32x512xf32> to vector<32x128xf32>
    %concatenate3A_43 = tpu.concatenate %slice3A_39, %slice3A_40, %slice3A_41, %slice3A_42 in 0 : vector<32x128xf32>, vector<32x128xf32>, vector<32x128xf32>, vector<32x128xf32> -> vector<128x128xf32>
    %transpose3A_44 = tpu.transpose %concatenate3A_43, [1, 0] : vector<128x128xf32> -> vector<128x128xf32>
    %swap3A_45 = arith.constant 512 : index
    %swap3A_46 = arith.constant 0 : index
    %swap3A_47 = vector.load %arg2[%swap3A_45, %swap3A_46] : memref<16384x128xf32, #tpu.memory_space<vmem>>, vector<128x128xf32>
    tpu.vector_store %arg2[%swap3A_45, %swap3A_46], %transpose3A_44 {strides = array<i32>} : memref<16384x128xf32, #tpu.memory_space<vmem>>, vector<128x128xf32>,
    %slice3A_48 = vector.extract_strided_slice %get3A_1 {offsets = [0, 2560], sizes = [32, 512], strides = [1, 1]} : vector<32x65536xf32> to vector<32x512xf32>
    %slice3A_49 = vector.extract_strided_slice %slice3A_48 {offsets = [0, 0], sizes = [32, 128], strides = [1, 1]} : vector<32x512xf32> to vector<32x128xf32>
    %slice3A_50 = vector.extract_strided_slice %slice3A_48 {offsets = [0, 128], sizes = [32, 128], strides = [1, 1]} : vector<32x512xf32> to vector<32x128xf32>
    %slice3A_51 = vector.extract_strided_slice %slice3A_48 {offsets = [0, 256], sizes = [32, 128], strides = [1, 1]} : vector<32x512xf32> to vector<32x128xf32>
    %slice3A_52 = vector.extract_strided_slice %slice3A_48 {offsets = [0, 384], sizes = [32, 128], strides = [1, 1]} : vector<32x512xf32> to vector<32x128xf32>
    %concatenate3A_53 = tpu.concatenate %slice3A_49, %slice3A_50, %slice3A_51, %slice3A_52 in 0 : vector<32x128xf32>, vector<32x128xf32>, vector<32x128xf32>, vector<32x128xf32> -> vector<128x128xf32>
    %transpose3A_54 = tpu.transpose %concatenate3A_53, [1, 0] : vector<128x128xf32> -> vector<128x128xf32>
    %swap3A_55 = arith.constant 640 : index
    %swap3A_56 = arith.constant 0 : index
    %swap3A_57 = vector.load %arg2[%swap3A_55, %swap3A_56] : memref<16384x128xf32, #tpu.memory_space<vmem>>, vector<128x128xf32>
    tpu.vector_store %arg2[%swap3A_55, %swap3A_56], %transpose3A_54 {strides = array<i32>} : memref<16384x128xf32, #tpu.memory_space<vmem>>, vector<128x128xf32>,
    %slice3A_58 = vector.extract_strided_slice %get3A_1 {offsets = [0, 3072], sizes = [32, 512], strides = [1, 1]} : vector<32x65536xf32> to vector<32x512xf32>
    %slice3A_59 = vector.extract_strided_slice %slice3A_58 {offsets = [0, 0], sizes = [32, 128], strides = [1, 1]} : vector<32x512xf32> to vector<32x128xf32>
    %slice3A_60 = vector.extract_strided_slice %slice3A_58 {offsets = [0, 128], sizes = [32, 128], strides = [1, 1]} : vector<32x512xf32> to vector<32x128xf32>
    %slice3A_61 = vector.extract_strided_slice %slice3A_58 {offsets = [0, 256], sizes = [32, 128], strides = [1, 1]} : vector<32x512xf32> to vector<32x128xf32>
    %slice3A_62 = vector.extract_strided_slice %slice3A_58 {offsets = [0, 384], sizes = [32, 128], strides = [1, 1]} : vector<32x512xf32> to vector<32x128xf32>
    %concatenate3A_63 = tpu.concatenate %slice3A_59, %slice3A_60, %slice3A_61, %slice3A_62 in 0 : vector<32x128xf32>, vector<32x128xf32>, vector<32x128xf32>, vector<32x128xf32> -> vector<128x128xf32>
    %transpose3A_64 = tpu.transpose %concatenate3A_63, [1, 0] : vector<128x128xf32> -> vector<128x128xf32>
    %swap3A_65 = arith.constant 768 : index
    %swap3A_66 = arith.constant 0 : index
    %swap3A_67 = vector.load %arg2[%swap3A_65, %swap3A_66] : memref<16384x128xf32, #tpu.memory_space<vmem>>, vector<128x128xf32>
    tpu.vector_store %arg2[%swap3A_65, %swap3A_66], %transpose3A_64 {strides = array<i32>} : memref<16384x128xf32, #tpu.memory_space<vmem>>, vector<128x128xf32>,
    %slice3A_68 = vector.extract_strided_slice %get3A_1 {offsets = [0, 3584], sizes = [32, 512], strides = [1, 1]} : vector<32x65536xf32> to vector<32x512xf32>
    %slice3A_69 = vector.extract_strided_slice %slice3A_68 {offsets = [0, 0], sizes = [32, 128], strides = [1, 1]} : vector<32x512xf32> to vector<32x128xf32>
    %slice3A_70 = vector.extract_strided_slice %slice3A_68 {offsets = [0, 128], sizes = [32, 128], strides = [1, 1]} : vector<32x512xf32> to vector<32x128xf32>
    %slice3A_71 = vector.extract_strided_slice %slice3A_68 {offsets = [0, 256], sizes = [32, 128], strides = [1, 1]} : vector<32x512xf32> to vector<32x128xf32>
    %slice3A_72 = vector.extract_strided_slice %slice3A_68 {offsets = [0, 384], sizes = [32, 128], strides = [1, 1]} : vector<32x512xf32> to vector<32x128xf32>
    %concatenate3A_73 = tpu.concatenate %slice3A_69, %slice3A_70, %slice3A_71, %slice3A_72 in 0 : vector<32x128xf32>, vector<32x128xf32>, vector<32x128xf32>, vector<32x128xf32> -> vector<128x128xf32>
    %transpose3A_74 = tpu.transpose %concatenate3A_73, [1, 0] : vector<128x128xf32> -> vector<128x128xf32>
    %swap3A_75 = arith.constant 896 : index
    %swap3A_76 = arith.constant 0 : index
    %swap3A_77 = vector.load %arg2[%swap3A_75, %swap3A_76] : memref<16384x128xf32, #tpu.memory_space<vmem>>, vector<128x128xf32>
    tpu.vector_store %arg2[%swap3A_75, %swap3A_76], %transpose3A_74 {strides = array<i32>} : memref<16384x128xf32, #tpu.memory_space<vmem>>, vector<128x128xf32>,
    %slice3A_78 = vector.extract_strided_slice %get3A_1 {offsets = [0, 4096], sizes = [32, 512], strides = [1, 1]} : vector<32x65536xf32> to vector<32x512xf32>
    %slice3A_79 = vector.extract_strided_slice %slice3A_78 {offsets = [0, 0], sizes = [32, 128], strides = [1, 1]} : vector<32x512xf32> to vector<32x128xf32>
    %slice3A_80 = vector.extract_strided_slice %slice3A_78 {offsets = [0, 128], sizes = [32, 128], strides = [1, 1]} : vector<32x512xf32> to vector<32x128xf32>
    %slice3A_81 = vector.extract_strided_slice %slice3A_78 {offsets = [0, 256], sizes = [32, 128], strides = [1, 1]} : vector<32x512xf32> to vector<32x128xf32>
    %slice3A_82 = vector.extract_strided_slice %slice3A_78 {offsets = [0, 384], sizes = [32, 128], strides = [1, 1]} : vector<32x512xf32> to vector<32x128xf32>
    %concatenate3A_83 = tpu.concatenate %slice3A_79, %slice3A_80, %slice3A_81, %slice3A_82 in 0 : vector<32x128xf32>, vector<32x128xf32>, vector<32x128xf32>, vector<32x128xf32> -> vector<128x128xf32>
    %transpose3A_84 = tpu.transpose %concatenate3A_83, [1, 0] : vector<128x128xf32> -> vector<128x128xf32>
    %swap3A_85 = arith.constant 1024 : index
    %swap3A_86 = arith.constant 0 : index
    %swap3A_87 = vector.load %arg2[%swap3A_85, %swap3A_86] : memref<16384x128xf32, #tpu.memory_space<vmem>>, vector<128x128xf32>
    tpu.vector_store %arg2[%swap3A_85, %swap3A_86], %transpose3A_84 {strides = array<i32>} : memref<16384x128xf32, #tpu.memory_space<vmem>>, vector<128x128xf32>,
    %slice3A_88 = vector.extract_strided_slice %get3A_1 {offsets = [0, 4608], sizes = [32, 512], strides = [1, 1]} : vector<32x65536xf32> to vector<32x512xf32>
    %slice3A_89 = vector.extract_strided_slice %slice3A_88 {offsets = [0, 0], sizes = [32, 128], strides = [1, 1]} : vector<32x512xf32> to vector<32x128xf32>
    %slice3A_90 = vector.extract_strided_slice %slice3A_88 {offsets = [0, 128], sizes = [32, 128], strides = [1, 1]} : vector<32x512xf32> to vector<32x128xf32>
    %slice3A_91 = vector.extract_strided_slice %slice3A_88 {offsets = [0, 256], sizes = [32, 128], strides = [1, 1]} : vector<32x512xf32> to vector<32x128xf32>
    %slice3A_92 = vector.extract_strided_slice %slice3A_88 {offsets = [0, 384], sizes = [32, 128], strides = [1, 1]} : vector<32x512xf32> to vector<32x128xf32>
    %concatenate3A_93 = tpu.concatenate %slice3A_89, %slice3A_90, %slice3A_91, %slice3A_92 in 0 : vector<32x128xf32>, vector<32x128xf32>, vector<32x128xf32>, vector<32x128xf32> -> vector<128x128xf32>
    %transpose3A_94 = tpu.transpose %concatenate3A_93, [1, 0] : vector<128x128xf32> -> vector<128x128xf32>
    %swap3A_95 = arith.constant 1152 : index
    %swap3A_96 = arith.constant 0 : index
    %swap3A_97 = vector.load %arg2[%swap3A_95, %swap3A_96] : memref<16384x128xf32, #tpu.memory_space<vmem>>, vector<128x128xf32>
    tpu.vector_store %arg2[%swap3A_95, %swap3A_96], %transpose3A_94 {strides = array<i32>} : memref<16384x128xf32, #tpu.memory_space<vmem>>, vector<128x128xf32>,
    %slice3A_98 = vector.extract_strided_slice %get3A_1 {offsets = [0, 5120], sizes = [32, 512], strides = [1, 1]} : vector<32x65536xf32> to vector<32x512xf32>
    %slice3A_99 = vector.extract_strided_slice %slice3A_98 {offsets = [0, 0], sizes = [32, 128], strides = [1, 1]} : vector<32x512xf32> to vector<32x128xf32>
    %slice3A_100 = vector.extract_strided_slice %slice3A_98 {offsets = [0, 128], sizes = [32, 128], strides = [1, 1]} : vector<32x512xf32> to vector<32x128xf32>
    %slice3A_101 = vector.extract_strided_slice %slice3A_98 {offsets = [0, 256], sizes = [32, 128], strides = [1, 1]} : vector<32x512xf32> to vector<32x128xf32>
    %slice3A_102 = vector.extract_strided_slice %slice3A_98 {offsets = [0, 384], sizes = [32, 128], strides = [1, 1]} : vector<32x512xf32> to vector<32x128xf32>
    %concatenate3A_103 = tpu.concatenate %slice3A_99, %slice3A_100, %slice3A_101, %slice3A_102 in 0 : vector<32x128xf32>, vector<32x128xf32>, vector<32x128xf32>, vector<32x128xf32> -> vector<128x128xf32>
    %transpose3A_104 = tpu.transpose %concatenate3A_103, [1, 0] : vector<128x128xf32> -> vector<128x128xf32>
    %swap3A_105 = arith.constant 1280 : index
    %swap3A_106 = arith.constant 0 : index
    %swap3A_107 = vector.load %arg2[%swap3A_105, %swap3A_106] : memref<16384x128xf32, #tpu.memory_space<vmem>>, vector<128x128xf32>
    tpu.vector_store %arg2[%swap3A_105, %swap3A_106], %transpose3A_104 {strides = array<i32>} : memref<16384x128xf32, #tpu.memory_space<vmem>>, vector<128x128xf32>,
    %slice3A_108 = vector.extract_strided_slice %get3A_1 {offsets = [0, 5632], sizes = [32, 512], strides = [1, 1]} : vector<32x65536xf32> to vector<32x512xf32>
    %slice3A_109 = vector.extract_strided_slice %slice3A_108 {offsets = [0, 0], sizes = [32, 128], strides = [1, 1]} : vector<32x512xf32> to vector<32x128xf32>
    %slice3A_110 = vector.extract_strided_slice %slice3A_108 {offsets = [0, 128], sizes = [32, 128], strides = [1, 1]} : vector<32x512xf32> to vector<32x128xf32>
    %slice3A_111 = vector.extract_strided_slice %slice3A_108 {offsets = [0, 256], sizes = [32, 128], strides = [1, 1]} : vector<32x512xf32> to vector<32x128xf32>
    %slice3A_112 = vector.extract_strided_slice %slice3A_108 {offsets = [0, 384], sizes = [32, 128], strides = [1, 1]} : vector<32x512xf32> to vector<32x128xf32>
    %concatenate3A_113 = tpu.concatenate %slice3A_109, %slice3A_110, %slice3A_111, %slice3A_112 in 0 : vector<32x128xf32>, vector<32x128xf32>, vector<32x128xf32>, vector<32x128xf32> -> vector<128x128xf32>
    %transpose3A_114 = tpu.transpose %concatenate3A_113, [1, 0] : vector<128x128xf32> -> vector<128x128xf32>
    %swap3A_115 = arith.constant 1408 : index
    %swap3A_116 = arith.constant 0 : index
    %swap3A_117 = vector.load %arg2[%swap3A_115, %swap3A_116] : memref<16384x128xf32, #tpu.memory_space<vmem>>, vector<128x128xf32>
    tpu.vector_store %arg2[%swap3A_115, %swap3A_116], %transpose3A_114 {strides = array<i32>} : memref<16384x128xf32, #tpu.memory_space<vmem>>, vector<128x128xf32>,
    %slice3A_118 = vector.extract_strided_slice %get3A_1 {offsets = [0, 6144], sizes = [32, 512], strides = [1, 1]} : vector<32x65536xf32> to vector<32x512xf32>
    %slice3A_119 = vector.extract_strided_slice %slice3A_118 {offsets = [0, 0], sizes = [32, 128], strides = [1, 1]} : vector<32x512xf32> to vector<32x128xf32>
    %slice3A_120 = vector.extract_strided_slice %slice3A_118 {offsets = [0, 128], sizes = [32, 128], strides = [1, 1]} : vector<32x512xf32> to vector<32x128xf32>
    %slice3A_121 = vector.extract_strided_slice %slice3A_118 {offsets = [0, 256], sizes = [32, 128], strides = [1, 1]} : vector<32x512xf32> to vector<32x128xf32>
    %slice3A_122 = vector.extract_strided_slice %slice3A_118 {offsets = [0, 384], sizes = [32, 128], strides = [1, 1]} : vector<32x512xf32> to vector<32x128xf32>
    %concatenate3A_123 = tpu.concatenate %slice3A_119, %slice3A_120, %slice3A_121, %slice3A_122 in 0 : vector<32x128xf32>, vector<32x128xf32>, vector<32x128xf32>, vector<32x128xf32> -> vector<128x128xf32>
    %transpose3A_124 = tpu.transpose %concatenate3A_123, [1, 0] : vector<128x128xf32> -> vector<128x128xf32>
    %swap3A_125 = arith.constant 1536 : index
    %swap3A_126 = arith.constant 0 : index
    %swap3A_127 = vector.load %arg2[%swap3A_125, %swap3A_126] : memref<16384x128xf32, #tpu.memory_space<vmem>>, vector<128x128xf32>
    tpu.vector_store %arg2[%swap3A_125, %swap3A_126], %transpose3A_124 {strides = array<i32>} : memref<16384x128xf32, #tpu.memory_space<vmem>>, vector<128x128xf32>,
    %slice3A_128 = vector.extract_strided_slice %get3A_1 {offsets = [0, 6656], sizes = [32, 512], strides = [1, 1]} : vector<32x65536xf32> to vector<32x512xf32>
    %slice3A_129 = vector.extract_strided_slice %slice3A_128 {offsets = [0, 0], sizes = [32, 128], strides = [1, 1]} : vector<32x512xf32> to vector<32x128xf32>
    %slice3A_130 = vector.extract_strided_slice %slice3A_128 {offsets = [0, 128], sizes = [32, 128], strides = [1, 1]} : vector<32x512xf32> to vector<32x128xf32>
    %slice3A_131 = vector.extract_strided_slice %slice3A_128 {offsets = [0, 256], sizes = [32, 128], strides = [1, 1]} : vector<32x512xf32> to vector<32x128xf32>
    %slice3A_132 = vector.extract_strided_slice %slice3A_128 {offsets = [0, 384], sizes = [32, 128], strides = [1, 1]} : vector<32x512xf32> to vector<32x128xf32>
    %concatenate3A_133 = tpu.concatenate %slice3A_129, %slice3A_130, %slice3A_131, %slice3A_132 in 0 : vector<32x128xf32>, vector<32x128xf32>, vector<32x128xf32>, vector<32x128xf32> -> vector<128x128xf32>
    %transpose3A_134 = tpu.transpose %concatenate3A_133, [1, 0] : vector<128x128xf32> -> vector<128x128xf32>
    %swap3A_135 = arith.constant 1664 : index
    %swap3A_136 = arith.constant 0 : index
    %swap3A_137 = vector.load %arg2[%swap3A_135, %swap3A_136] : memref<16384x128xf32, #tpu.memory_space<vmem>>, vector<128x128xf32>
    tpu.vector_store %arg2[%swap3A_135, %swap3A_136], %transpose3A_134 {strides = array<i32>} : memref<16384x128xf32, #tpu.memory_space<vmem>>, vector<128x128xf32>,
    %slice3A_138 = vector.extract_strided_slice %get3A_1 {offsets = [0, 7168], sizes = [32, 512], strides = [1, 1]} : vector<32x65536xf32> to vector<32x512xf32>
    %slice3A_139 = vector.extract_strided_slice %slice3A_138 {offsets = [0, 0], sizes = [32, 128], strides = [1, 1]} : vector<32x512xf32> to vector<32x128xf32>
    %slice3A_140 = vector.extract_strided_slice %slice3A_138 {offsets = [0, 128], sizes = [32, 128], strides = [1, 1]} : vector<32x512xf32> to vector<32x128xf32>
    %slice3A_141 = vector.extract_strided_slice %slice3A_138 {offsets = [0, 256], sizes = [32, 128], strides = [1, 1]} : vector<32x512xf32> to vector<32x128xf32>
    %slice3A_142 = vector.extract_strided_slice %slice3A_138 {offsets = [0, 384], sizes = [32, 128], strides = [1, 1]} : vector<32x512xf32> to vector<32x128xf32>
    %concatenate3A_143 = tpu.concatenate %slice3A_139, %slice3A_140, %slice3A_141, %slice3A_142 in 0 : vector<32x128xf32>, vector<32x128xf32>, vector<32x128xf32>, vector<32x128xf32> -> vector<128x128xf32>
    %transpose3A_144 = tpu.transpose %concatenate3A_143, [1, 0] : vector<128x128xf32> -> vector<128x128xf32>
    %swap3A_145 = arith.constant 1792 : index
    %swap3A_146 = arith.constant 0 : index
    %swap3A_147 = vector.load %arg2[%swap3A_145, %swap3A_146] : memref<16384x128xf32, #tpu.memory_space<vmem>>, vector<128x128xf32>
    tpu.vector_store %arg2[%swap3A_145, %swap3A_146], %transpose3A_144 {strides = array<i32>} : memref<16384x128xf32, #tpu.memory_space<vmem>>, vector<128x128xf32>,
    %slice3A_148 = vector.extract_strided_slice %get3A_1 {offsets = [0, 7680], sizes = [32, 512], strides = [1, 1]} : vector<32x65536xf32> to vector<32x512xf32>
    %slice3A_149 = vector.extract_strided_slice %slice3A_148 {offsets = [0, 0], sizes = [32, 128], strides = [1, 1]} : vector<32x512xf32> to vector<32x128xf32>
    %slice3A_150 = vector.extract_strided_slice %slice3A_148 {offsets = [0, 128], sizes = [32, 128], strides = [1, 1]} : vector<32x512xf32> to vector<32x128xf32>
    %slice3A_151 = vector.extract_strided_slice %slice3A_148 {offsets = [0, 256], sizes = [32, 128], strides = [1, 1]} : vector<32x512xf32> to vector<32x128xf32>
    %slice3A_152 = vector.extract_strided_slice %slice3A_148 {offsets = [0, 384], sizes = [32, 128], strides = [1, 1]} : vector<32x512xf32> to vector<32x128xf32>
    %concatenate3A_153 = tpu.concatenate %slice3A_149, %slice3A_150, %slice3A_151, %slice3A_152 in 0 : vector<32x128xf32>, vector<32x128xf32>, vector<32x128xf32>, vector<32x128xf32> -> vector<128x128xf32>
    %transpose3A_154 = tpu.transpose %concatenate3A_153, [1, 0] : vector<128x128xf32> -> vector<128x128xf32>
    %swap3A_155 = arith.constant 1920 : index
    %swap3A_156 = arith.constant 0 : index
    %swap3A_157 = vector.load %arg2[%swap3A_155, %swap3A_156] : memref<16384x128xf32, #tpu.memory_space<vmem>>, vector<128x128xf32>
    tpu.vector_store %arg2[%swap3A_155, %swap3A_156], %transpose3A_154 {strides = array<i32>} : memref<16384x128xf32, #tpu.memory_space<vmem>>, vector<128x128xf32>,
    %slice3A_158 = vector.extract_strided_slice %get3A_1 {offsets = [0, 8192], sizes = [32, 512], strides = [1, 1]} : vector<32x65536xf32> to vector<32x512xf32>
    %slice3A_159 = vector.extract_strided_slice %slice3A_158 {offsets = [0, 0], sizes = [32, 128], strides = [1, 1]} : vector<32x512xf32> to vector<32x128xf32>
    %slice3A_160 = vector.extract_strided_slice %slice3A_158 {offsets = [0, 128], sizes = [32, 128], strides = [1, 1]} : vector<32x512xf32> to vector<32x128xf32>
    %slice3A_161 = vector.extract_strided_slice %slice3A_158 {offsets = [0, 256], sizes = [32, 128], strides = [1, 1]} : vector<32x512xf32> to vector<32x128xf32>
    %slice3A_162 = vector.extract_strided_slice %slice3A_158 {offsets = [0, 384], sizes = [32, 128], strides = [1, 1]} : vector<32x512xf32> to vector<32x128xf32>
    %concatenate3A_163 = tpu.concatenate %slice3A_159, %slice3A_160, %slice3A_161, %slice3A_162 in 0 : vector<32x128xf32>, vector<32x128xf32>, vector<32x128xf32>, vector<32x128xf32> -> vector<128x128xf32>
    %transpose3A_164 = tpu.transpose %concatenate3A_163, [1, 0] : vector<128x128xf32> -> vector<128x128xf32>
    %swap3A_165 = arith.constant 2048 : index
    %swap3A_166 = arith.constant 0 : index
    %swap3A_167 = vector.load %arg2[%swap3A_165, %swap3A_166] : memref<16384x128xf32, #tpu.memory_space<vmem>>, vector<128x128xf32>
    tpu.vector_store %arg2[%swap3A_165, %swap3A_166], %transpose3A_164 {strides = array<i32>} : memref<16384x128xf32, #tpu.memory_space<vmem>>, vector<128x128xf32>,
    %slice3A_168 = vector.extract_strided_slice %get3A_1 {offsets = [0, 8704], sizes = [32, 512], strides = [1, 1]} : vector<32x65536xf32> to vector<32x512xf32>
    %slice3A_169 = vector.extract_strided_slice %slice3A_168 {offsets = [0, 0], sizes = [32, 128], strides = [1, 1]} : vector<32x512xf32> to vector<32x128xf32>
    %slice3A_170 = vector.extract_strided_slice %slice3A_168 {offsets = [0, 128], sizes = [32, 128], strides = [1, 1]} : vector<32x512xf32> to vector<32x128xf32>
    %slice3A_171 = vector.extract_strided_slice %slice3A_168 {offsets = [0, 256], sizes = [32, 128], strides = [1, 1]} : vector<32x512xf32> to vector<32x128xf32>
    %slice3A_172 = vector.extract_strided_slice %slice3A_168 {offsets = [0, 384], sizes = [32, 128], strides = [1, 1]} : vector<32x512xf32> to vector<32x128xf32>
    %concatenate3A_173 = tpu.concatenate %slice3A_169, %slice3A_170, %slice3A_171, %slice3A_172 in 0 : vector<32x128xf32>, vector<32x128xf32>, vector<32x128xf32>, vector<32x128xf32> -> vector<128x128xf32>
    %transpose3A_174 = tpu.transpose %concatenate3A_173, [1, 0] : vector<128x128xf32> -> vector<128x128xf32>
    %swap3A_175 = arith.constant 2176 : index
    %swap3A_176 = arith.constant 0 : index
    %swap3A_177 = vector.load %arg2[%swap3A_175, %swap3A_176] : memref<16384x128xf32, #tpu.memory_space<vmem>>, vector<128x128xf32>
    tpu.vector_store %arg2[%swap3A_175, %swap3A_176], %transpose3A_174 {strides = array<i32>} : memref<16384x128xf32, #tpu.memory_space<vmem>>, vector<128x128xf32>,
    %slice3A_178 = vector.extract_strided_slice %get3A_1 {offsets = [0, 9216], sizes = [32, 512], strides = [1, 1]} : vector<32x65536xf32> to vector<32x512xf32>
    %slice3A_179 = vector.extract_strided_slice %slice3A_178 {offsets = [0, 0], sizes = [32, 128], strides = [1, 1]} : vector<32x512xf32> to vector<32x128xf32>
    %slice3A_180 = vector.extract_strided_slice %slice3A_178 {offsets = [0, 128], sizes = [32, 128], strides = [1, 1]} : vector<32x512xf32> to vector<32x128xf32>
    %slice3A_181 = vector.extract_strided_slice %slice3A_178 {offsets = [0, 256], sizes = [32, 128], strides = [1, 1]} : vector<32x512xf32> to vector<32x128xf32>
    %slice3A_182 = vector.extract_strided_slice %slice3A_178 {offsets = [0, 384], sizes = [32, 128], strides = [1, 1]} : vector<32x512xf32> to vector<32x128xf32>
    %concatenate3A_183 = tpu.concatenate %slice3A_179, %slice3A_180, %slice3A_181, %slice3A_182 in 0 : vector<32x128xf32>, vector<32x128xf32>, vector<32x128xf32>, vector<32x128xf32> -> vector<128x128xf32>
    %transpose3A_184 = tpu.transpose %concatenate3A_183, [1, 0] : vector<128x128xf32> -> vector<128x128xf32>
    %swap3A_185 = arith.constant 2304 : index
    %swap3A_186 = arith.constant 0 : index
    %swap3A_187 = vector.load %arg2[%swap3A_185, %swap3A_186] : memref<16384x128xf32, #tpu.memory_space<vmem>>, vector<128x128xf32>
    tpu.vector_store %arg2[%swap3A_185, %swap3A_186], %transpose3A_184 {strides = array<i32>} : memref<16384x128xf32, #tpu.memory_space<vmem>>, vector<128x128xf32>,
    %slice3A_188 = vector.extract_strided_slice %get3A_1 {offsets = [0, 9728], sizes = [32, 512], strides = [1, 1]} : vector<32x65536xf32> to vector<32x512xf32>
    %slice3A_189 = vector.extract_strided_slice %slice3A_188 {offsets = [0, 0], sizes = [32, 128], strides = [1, 1]} : vector<32x512xf32> to vector<32x128xf32>
    %slice3A_190 = vector.extract_strided_slice %slice3A_188 {offsets = [0, 128], sizes = [32, 128], strides = [1, 1]} : vector<32x512xf32> to vector<32x128xf32>
    %slice3A_191 = vector.extract_strided_slice %slice3A_188 {offsets = [0, 256], sizes = [32, 128], strides = [1, 1]} : vector<32x512xf32> to vector<32x128xf32>
    %slice3A_192 = vector.extract_strided_slice %slice3A_188 {offsets = [0, 384], sizes = [32, 128], strides = [1, 1]} : vector<32x512xf32> to vector<32x128xf32>
    %concatenate3A_193 = tpu.concatenate %slice3A_189, %slice3A_190, %slice3A_191, %slice3A_192 in 0 : vector<32x128xf32>, vector<32x128xf32>, vector<32x128xf32>, vector<32x128xf32> -> vector<128x128xf32>
    %transpose3A_194 = tpu.transpose %concatenate3A_193, [1, 0] : vector<128x128xf32> -> vector<128x128xf32>
    %swap3A_195 = arith.constant 2432 : index
    %swap3A_196 = arith.constant 0 : index
    %swap3A_197 = vector.load %arg2[%swap3A_195, %swap3A_196] : memref<16384x128xf32, #tpu.memory_space<vmem>>, vector<128x128xf32>
    tpu.vector_store %arg2[%swap3A_195, %swap3A_196], %transpose3A_194 {strides = array<i32>} : memref<16384x128xf32, #tpu.memory_space<vmem>>, vector<128x128xf32>,
    %slice3A_198 = vector.extract_strided_slice %get3A_1 {offsets = [0, 10240], sizes = [32, 512], strides = [1, 1]} : vector<32x65536xf32> to vector<32x512xf32>
    %slice3A_199 = vector.extract_strided_slice %slice3A_198 {offsets = [0, 0], sizes = [32, 128], strides = [1, 1]} : vector<32x512xf32> to vector<32x128xf32>
    %slice3A_200 = vector.extract_strided_slice %slice3A_198 {offsets = [0, 128], sizes = [32, 128], strides = [1, 1]} : vector<32x512xf32> to vector<32x128xf32>
    %slice3A_201 = vector.extract_strided_slice %slice3A_198 {offsets = [0, 256], sizes = [32, 128], strides = [1, 1]} : vector<32x512xf32> to vector<32x128xf32>
    %slice3A_202 = vector.extract_strided_slice %slice3A_198 {offsets = [0, 384], sizes = [32, 128], strides = [1, 1]} : vector<32x512xf32> to vector<32x128xf32>
    %concatenate3A_203 = tpu.concatenate %slice3A_199, %slice3A_200, %slice3A_201, %slice3A_202 in 0 : vector<32x128xf32>, vector<32x128xf32>, vector<32x128xf32>, vector<32x128xf32> -> vector<128x128xf32>
    %transpose3A_204 = tpu.transpose %concatenate3A_203, [1, 0] : vector<128x128xf32> -> vector<128x128xf32>
    %swap3A_205 = arith.constant 2560 : index
    %swap3A_206 = arith.constant 0 : index
    %swap3A_207 = vector.load %arg2[%swap3A_205, %swap3A_206] : memref<16384x128xf32, #tpu.memory_space<vmem>>, vector<128x128xf32>
    tpu.vector_store %arg2[%swap3A_205, %swap3A_206], %transpose3A_204 {strides = array<i32>} : memref<16384x128xf32, #tpu.memory_space<vmem>>, vector<128x128xf32>,
    %slice3A_208 = vector.extract_strided_slice %get3A_1 {offsets = [0, 10752], sizes = [32, 512], strides = [1, 1]} : vector<32x65536xf32> to vector<32x512xf32>
    %slice3A_209 = vector.extract_strided_slice %slice3A_208 {offsets = [0, 0], sizes = [32, 128], strides = [1, 1]} : vector<32x512xf32> to vector<32x128xf32>
    %slice3A_210 = vector.extract_strided_slice %slice3A_208 {offsets = [0, 128], sizes = [32, 128], strides = [1, 1]} : vector<32x512xf32> to vector<32x128xf32>
    %slice3A_211 = vector.extract_strided_slice %slice3A_208 {offsets = [0, 256], sizes = [32, 128], strides = [1, 1]} : vector<32x512xf32> to vector<32x128xf32>
    %slice3A_212 = vector.extract_strided_slice %slice3A_208 {offsets = [0, 384], sizes = [32, 128], strides = [1, 1]} : vector<32x512xf32> to vector<32x128xf32>
    %concatenate3A_213 = tpu.concatenate %slice3A_209, %slice3A_210, %slice3A_211, %slice3A_212 in 0 : vector<32x128xf32>, vector<32x128xf32>, vector<32x128xf32>, vector<32x128xf32> -> vector<128x128xf32>
    %transpose3A_214 = tpu.transpose %concatenate3A_213, [1, 0] : vector<128x128xf32> -> vector<128x128xf32>
    %swap3A_215 = arith.constant 2688 : index
    %swap3A_216 = arith.constant 0 : index
    %swap3A_217 = vector.load %arg2[%swap3A_215, %swap3A_216] : memref<16384x128xf32, #tpu.memory_space<vmem>>, vector<128x128xf32>
    tpu.vector_store %arg2[%swap3A_215, %swap3A_216], %transpose3A_214 {strides = array<i32>} : memref<16384x128xf32, #tpu.memory_space<vmem>>, vector<128x128xf32>,
    %slice3A_218 = vector.extract_strided_slice %get3A_1 {offsets = [0, 11264], sizes = [32, 512], strides = [1, 1]} : vector<32x65536xf32> to vector<32x512xf32>
    %slice3A_219 = vector.extract_strided_slice %slice3A_218 {offsets = [0, 0], sizes = [32, 128], strides = [1, 1]} : vector<32x512xf32> to vector<32x128xf32>
    %slice3A_220 = vector.extract_strided_slice %slice3A_218 {offsets = [0, 128], sizes = [32, 128], strides = [1, 1]} : vector<32x512xf32> to vector<32x128xf32>
    %slice3A_221 = vector.extract_strided_slice %slice3A_218 {offsets = [0, 256], sizes = [32, 128], strides = [1, 1]} : vector<32x512xf32> to vector<32x128xf32>
    %slice3A_222 = vector.extract_strided_slice %slice3A_218 {offsets = [0, 384], sizes = [32, 128], strides = [1, 1]} : vector<32x512xf32> to vector<32x128xf32>
    %concatenate3A_223 = tpu.concatenate %slice3A_219, %slice3A_220, %slice3A_221, %slice3A_222 in 0 : vector<32x128xf32>, vector<32x128xf32>, vector<32x128xf32>, vector<32x128xf32> -> vector<128x128xf32>
    %transpose3A_224 = tpu.transpose %concatenate3A_223, [1, 0] : vector<128x128xf32> -> vector<128x128xf32>
    %swap3A_225 = arith.constant 2816 : index
    %swap3A_226 = arith.constant 0 : index
    %swap3A_227 = vector.load %arg2[%swap3A_225, %swap3A_226] : memref<16384x128xf32, #tpu.memory_space<vmem>>, vector<128x128xf32>
    tpu.vector_store %arg2[%swap3A_225, %swap3A_226], %transpose3A_224 {strides = array<i32>} : memref<16384x128xf32, #tpu.memory_space<vmem>>, vector<128x128xf32>,
    %slice3A_228 = vector.extract_strided_slice %get3A_1 {offsets = [0, 11776], sizes = [32, 512], strides = [1, 1]} : vector<32x65536xf32> to vector<32x512xf32>
    %slice3A_229 = vector.extract_strided_slice %slice3A_228 {offsets = [0, 0], sizes = [32, 128], strides = [1, 1]} : vector<32x512xf32> to vector<32x128xf32>
    %slice3A_230 = vector.extract_strided_slice %slice3A_228 {offsets = [0, 128], sizes = [32, 128], strides = [1, 1]} : vector<32x512xf32> to vector<32x128xf32>
    %slice3A_231 = vector.extract_strided_slice %slice3A_228 {offsets = [0, 256], sizes = [32, 128], strides = [1, 1]} : vector<32x512xf32> to vector<32x128xf32>
    %slice3A_232 = vector.extract_strided_slice %slice3A_228 {offsets = [0, 384], sizes = [32, 128], strides = [1, 1]} : vector<32x512xf32> to vector<32x128xf32>
    %concatenate3A_233 = tpu.concatenate %slice3A_229, %slice3A_230, %slice3A_231, %slice3A_232 in 0 : vector<32x128xf32>, vector<32x128xf32>, vector<32x128xf32>, vector<32x128xf32> -> vector<128x128xf32>
    %transpose3A_234 = tpu.transpose %concatenate3A_233, [1, 0] : vector<128x128xf32> -> vector<128x128xf32>
    %swap3A_235 = arith.constant 2944 : index
    %swap3A_236 = arith.constant 0 : index
    %swap3A_237 = vector.load %arg2[%swap3A_235, %swap3A_236] : memref<16384x128xf32, #tpu.memory_space<vmem>>, vector<128x128xf32>
    tpu.vector_store %arg2[%swap3A_235, %swap3A_236], %transpose3A_234 {strides = array<i32>} : memref<16384x128xf32, #tpu.memory_space<vmem>>, vector<128x128xf32>,
    %slice3A_238 = vector.extract_strided_slice %get3A_1 {offsets = [0, 12288], sizes = [32, 512], strides = [1, 1]} : vector<32x65536xf32> to vector<32x512xf32>
    %slice3A_239 = vector.extract_strided_slice %slice3A_238 {offsets = [0, 0], sizes = [32, 128], strides = [1, 1]} : vector<32x512xf32> to vector<32x128xf32>
    %slice3A_240 = vector.extract_strided_slice %slice3A_238 {offsets = [0, 128], sizes = [32, 128], strides = [1, 1]} : vector<32x512xf32> to vector<32x128xf32>
    %slice3A_241 = vector.extract_strided_slice %slice3A_238 {offsets = [0, 256], sizes = [32, 128], strides = [1, 1]} : vector<32x512xf32> to vector<32x128xf32>
    %slice3A_242 = vector.extract_strided_slice %slice3A_238 {offsets = [0, 384], sizes = [32, 128], strides = [1, 1]} : vector<32x512xf32> to vector<32x128xf32>
    %concatenate3A_243 = tpu.concatenate %slice3A_239, %slice3A_240, %slice3A_241, %slice3A_242 in 0 : vector<32x128xf32>, vector<32x128xf32>, vector<32x128xf32>, vector<32x128xf32> -> vector<128x128xf32>
    %transpose3A_244 = tpu.transpose %concatenate3A_243, [1, 0] : vector<128x128xf32> -> vector<128x128xf32>
    %swap3A_245 = arith.constant 3072 : index
    %swap3A_246 = arith.constant 0 : index
    %swap3A_247 = vector.load %arg2[%swap3A_245, %swap3A_246] : memref<16384x128xf32, #tpu.memory_space<vmem>>, vector<128x128xf32>
    tpu.vector_store %arg2[%swap3A_245, %swap3A_246], %transpose3A_244 {strides = array<i32>} : memref<16384x128xf32, #tpu.memory_space<vmem>>, vector<128x128xf32>,
    %slice3A_248 = vector.extract_strided_slice %get3A_1 {offsets = [0, 12800], sizes = [32, 512], strides = [1, 1]} : vector<32x65536xf32> to vector<32x512xf32>
    %slice3A_249 = vector.extract_strided_slice %slice3A_248 {offsets = [0, 0], sizes = [32, 128], strides = [1, 1]} : vector<32x512xf32> to vector<32x128xf32>
    %slice3A_250 = vector.extract_strided_slice %slice3A_248 {offsets = [0, 128], sizes = [32, 128], strides = [1, 1]} : vector<32x512xf32> to vector<32x128xf32>
    %slice3A_251 = vector.extract_strided_slice %slice3A_248 {offsets = [0, 256], sizes = [32, 128], strides = [1, 1]} : vector<32x512xf32> to vector<32x128xf32>
    %slice3A_252 = vector.extract_strided_slice %slice3A_248 {offsets = [0, 384], sizes = [32, 128], strides = [1, 1]} : vector<32x512xf32> to vector<32x128xf32>
    %concatenate3A_253 = tpu.concatenate %slice3A_249, %slice3A_250, %slice3A_251, %slice3A_252 in 0 : vector<32x128xf32>, vector<32x128xf32>, vector<32x128xf32>, vector<32x128xf32> -> vector<128x128xf32>
    %transpose3A_254 = tpu.transpose %concatenate3A_253, [1, 0] : vector<128x128xf32> -> vector<128x128xf32>
    %swap3A_255 = arith.constant 3200 : index
    %swap3A_256 = arith.constant 0 : index
    %swap3A_257 = vector.load %arg2[%swap3A_255, %swap3A_256] : memref<16384x128xf32, #tpu.memory_space<vmem>>, vector<128x128xf32>
    tpu.vector_store %arg2[%swap3A_255, %swap3A_256], %transpose3A_254 {strides = array<i32>} : memref<16384x128xf32, #tpu.memory_space<vmem>>, vector<128x128xf32>,
    %slice3A_258 = vector.extract_strided_slice %get3A_1 {offsets = [0, 13312], sizes = [32, 512], strides = [1, 1]} : vector<32x65536xf32> to vector<32x512xf32>
    %slice3A_259 = vector.extract_strided_slice %slice3A_258 {offsets = [0, 0], sizes = [32, 128], strides = [1, 1]} : vector<32x512xf32> to vector<32x128xf32>
    %slice3A_260 = vector.extract_strided_slice %slice3A_258 {offsets = [0, 128], sizes = [32, 128], strides = [1, 1]} : vector<32x512xf32> to vector<32x128xf32>
    %slice3A_261 = vector.extract_strided_slice %slice3A_258 {offsets = [0, 256], sizes = [32, 128], strides = [1, 1]} : vector<32x512xf32> to vector<32x128xf32>
    %slice3A_262 = vector.extract_strided_slice %slice3A_258 {offsets = [0, 384], sizes = [32, 128], strides = [1, 1]} : vector<32x512xf32> to vector<32x128xf32>
    %concatenate3A_263 = tpu.concatenate %slice3A_259, %slice3A_260, %slice3A_261, %slice3A_262 in 0 : vector<32x128xf32>, vector<32x128xf32>, vector<32x128xf32>, vector<32x128xf32> -> vector<128x128xf32>
    %transpose3A_264 = tpu.transpose %concatenate3A_263, [1, 0] : vector<128x128xf32> -> vector<128x128xf32>
    %swap3A_265 = arith.constant 3328 : index
    %swap3A_266 = arith.constant 0 : index
    %swap3A_267 = vector.load %arg2[%swap3A_265, %swap3A_266] : memref<16384x128xf32, #tpu.memory_space<vmem>>, vector<128x128xf32>
    tpu.vector_store %arg2[%swap3A_265, %swap3A_266], %transpose3A_264 {strides = array<i32>} : memref<16384x128xf32, #tpu.memory_space<vmem>>, vector<128x128xf32>,
    %slice3A_268 = vector.extract_strided_slice %get3A_1 {offsets = [0, 13824], sizes = [32, 512], strides = [1, 1]} : vector<32x65536xf32> to vector<32x512xf32>
    %slice3A_269 = vector.extract_strided_slice %slice3A_268 {offsets = [0, 0], sizes = [32, 128], strides = [1, 1]} : vector<32x512xf32> to vector<32x128xf32>
    %slice3A_270 = vector.extract_strided_slice %slice3A_268 {offsets = [0, 128], sizes = [32, 128], strides = [1, 1]} : vector<32x512xf32> to vector<32x128xf32>
    %slice3A_271 = vector.extract_strided_slice %slice3A_268 {offsets = [0, 256], sizes = [32, 128], strides = [1, 1]} : vector<32x512xf32> to vector<32x128xf32>
    %slice3A_272 = vector.extract_strided_slice %slice3A_268 {offsets = [0, 384], sizes = [32, 128], strides = [1, 1]} : vector<32x512xf32> to vector<32x128xf32>
    %concatenate3A_273 = tpu.concatenate %slice3A_269, %slice3A_270, %slice3A_271, %slice3A_272 in 0 : vector<32x128xf32>, vector<32x128xf32>, vector<32x128xf32>, vector<32x128xf32> -> vector<128x128xf32>
    %transpose3A_274 = tpu.transpose %concatenate3A_273, [1, 0] : vector<128x128xf32> -> vector<128x128xf32>
    %swap3A_275 = arith.constant 3456 : index
    %swap3A_276 = arith.constant 0 : index
    %swap3A_277 = vector.load %arg2[%swap3A_275, %swap3A_276] : memref<16384x128xf32, #tpu.memory_space<vmem>>, vector<128x128xf32>
    tpu.vector_store %arg2[%swap3A_275, %swap3A_276], %transpose3A_274 {strides = array<i32>} : memref<16384x128xf32, #tpu.memory_space<vmem>>, vector<128x128xf32>,
    %slice3A_278 = vector.extract_strided_slice %get3A_1 {offsets = [0, 14336], sizes = [32, 512], strides = [1, 1]} : vector<32x65536xf32> to vector<32x512xf32>
    %slice3A_279 = vector.extract_strided_slice %slice3A_278 {offsets = [0, 0], sizes = [32, 128], strides = [1, 1]} : vector<32x512xf32> to vector<32x128xf32>
    %slice3A_280 = vector.extract_strided_slice %slice3A_278 {offsets = [0, 128], sizes = [32, 128], strides = [1, 1]} : vector<32x512xf32> to vector<32x128xf32>
    %slice3A_281 = vector.extract_strided_slice %slice3A_278 {offsets = [0, 256], sizes = [32, 128], strides = [1, 1]} : vector<32x512xf32> to vector<32x128xf32>
    %slice3A_282 = vector.extract_strided_slice %slice3A_278 {offsets = [0, 384], sizes = [32, 128], strides = [1, 1]} : vector<32x512xf32> to vector<32x128xf32>
    %concatenate3A_283 = tpu.concatenate %slice3A_279, %slice3A_280, %slice3A_281, %slice3A_282 in 0 : vector<32x128xf32>, vector<32x128xf32>, vector<32x128xf32>, vector<32x128xf32> -> vector<128x128xf32>
    %transpose3A_284 = tpu.transpose %concatenate3A_283, [1, 0] : vector<128x128xf32> -> vector<128x128xf32>
    %swap3A_285 = arith.constant 3584 : index
    %swap3A_286 = arith.constant 0 : index
    %swap3A_287 = vector.load %arg2[%swap3A_285, %swap3A_286] : memref<16384x128xf32, #tpu.memory_space<vmem>>, vector<128x128xf32>
    tpu.vector_store %arg2[%swap3A_285, %swap3A_286], %transpose3A_284 {strides = array<i32>} : memref<16384x128xf32, #tpu.memory_space<vmem>>, vector<128x128xf32>,
    %slice3A_288 = vector.extract_strided_slice %get3A_1 {offsets = [0, 14848], sizes = [32, 512], strides = [1, 1]} : vector<32x65536xf32> to vector<32x512xf32>
    %slice3A_289 = vector.extract_strided_slice %slice3A_288 {offsets = [0, 0], sizes = [32, 128], strides = [1, 1]} : vector<32x512xf32> to vector<32x128xf32>
    %slice3A_290 = vector.extract_strided_slice %slice3A_288 {offsets = [0, 128], sizes = [32, 128], strides = [1, 1]} : vector<32x512xf32> to vector<32x128xf32>
    %slice3A_291 = vector.extract_strided_slice %slice3A_288 {offsets = [0, 256], sizes = [32, 128], strides = [1, 1]} : vector<32x512xf32> to vector<32x128xf32>
    %slice3A_292 = vector.extract_strided_slice %slice3A_288 {offsets = [0, 384], sizes = [32, 128], strides = [1, 1]} : vector<32x512xf32> to vector<32x128xf32>
    %concatenate3A_293 = tpu.concatenate %slice3A_289, %slice3A_290, %slice3A_291, %slice3A_292 in 0 : vector<32x128xf32>, vector<32x128xf32>, vector<32x128xf32>, vector<32x128xf32> -> vector<128x128xf32>
    %transpose3A_294 = tpu.transpose %concatenate3A_293, [1, 0] : vector<128x128xf32> -> vector<128x128xf32>
    %swap3A_295 = arith.constant 3712 : index
    %swap3A_296 = arith.constant 0 : index
    %swap3A_297 = vector.load %arg2[%swap3A_295, %swap3A_296] : memref<16384x128xf32, #tpu.memory_space<vmem>>, vector<128x128xf32>
    tpu.vector_store %arg2[%swap3A_295, %swap3A_296], %transpose3A_294 {strides = array<i32>} : memref<16384x128xf32, #tpu.memory_space<vmem>>, vector<128x128xf32>,
    %slice3A_298 = vector.extract_strided_slice %get3A_1 {offsets = [0, 15360], sizes = [32, 512], strides = [1, 1]} : vector<32x65536xf32> to vector<32x512xf32>
    %slice3A_299 = vector.extract_strided_slice %slice3A_298 {offsets = [0, 0], sizes = [32, 128], strides = [1, 1]} : vector<32x512xf32> to vector<32x128xf32>
    %slice3A_300 = vector.extract_strided_slice %slice3A_298 {offsets = [0, 128], sizes = [32, 128], strides = [1, 1]} : vector<32x512xf32> to vector<32x128xf32>
    %slice3A_301 = vector.extract_strided_slice %slice3A_298 {offsets = [0, 256], sizes = [32, 128], strides = [1, 1]} : vector<32x512xf32> to vector<32x128xf32>
    %slice3A_302 = vector.extract_strided_slice %slice3A_298 {offsets = [0, 384], sizes = [32, 128], strides = [1, 1]} : vector<32x512xf32> to vector<32x128xf32>
    %concatenate3A_303 = tpu.concatenate %slice3A_299, %slice3A_300, %slice3A_301, %slice3A_302 in 0 : vector<32x128xf32>, vector<32x128xf32>, vector<32x128xf32>, vector<32x128xf32> -> vector<128x128xf32>
    %transpose3A_304 = tpu.transpose %concatenate3A_303, [1, 0] : vector<128x128xf32> -> vector<128x128xf32>
    %swap3A_305 = arith.constant 3840 : index
    %swap3A_306 = arith.constant 0 : index
    %swap3A_307 = vector.load %arg2[%swap3A_305, %swap3A_306] : memref<16384x128xf32, #tpu.memory_space<vmem>>, vector<128x128xf32>
    tpu.vector_store %arg2[%swap3A_305, %swap3A_306], %transpose3A_304 {strides = array<i32>} : memref<16384x128xf32, #tpu.memory_space<vmem>>, vector<128x128xf32>,
    %slice3A_308 = vector.extract_strided_slice %get3A_1 {offsets = [0, 15872], sizes = [32, 512], strides = [1, 1]} : vector<32x65536xf32> to vector<32x512xf32>
    %slice3A_309 = vector.extract_strided_slice %slice3A_308 {offsets = [0, 0], sizes = [32, 128], strides = [1, 1]} : vector<32x512xf32> to vector<32x128xf32>
    %slice3A_310 = vector.extract_strided_slice %slice3A_308 {offsets = [0, 128], sizes = [32, 128], strides = [1, 1]} : vector<32x512xf32> to vector<32x128xf32>
    %slice3A_311 = vector.extract_strided_slice %slice3A_308 {offsets = [0, 256], sizes = [32, 128], strides = [1, 1]} : vector<32x512xf32> to vector<32x128xf32>
    %slice3A_312 = vector.extract_strided_slice %slice3A_308 {offsets = [0, 384], sizes = [32, 128], strides = [1, 1]} : vector<32x512xf32> to vector<32x128xf32>
    %concatenate3A_313 = tpu.concatenate %slice3A_309, %slice3A_310, %slice3A_311, %slice3A_312 in 0 : vector<32x128xf32>, vector<32x128xf32>, vector<32x128xf32>, vector<32x128xf32> -> vector<128x128xf32>
    %transpose3A_314 = tpu.transpose %concatenate3A_313, [1, 0] : vector<128x128xf32> -> vector<128x128xf32>
    %swap3A_315 = arith.constant 3968 : index
    %swap3A_316 = arith.constant 0 : index
    %swap3A_317 = vector.load %arg2[%swap3A_315, %swap3A_316] : memref<16384x128xf32, #tpu.memory_space<vmem>>, vector<128x128xf32>
    tpu.vector_store %arg2[%swap3A_315, %swap3A_316], %transpose3A_314 {strides = array<i32>} : memref<16384x128xf32, #tpu.memory_space<vmem>>, vector<128x128xf32>,
    %slice3A_318 = vector.extract_strided_slice %get3A_1 {offsets = [0, 16384], sizes = [32, 512], strides = [1, 1]} : vector<32x65536xf32> to vector<32x512xf32>
    %slice3A_319 = vector.extract_strided_slice %slice3A_318 {offsets = [0, 0], sizes = [32, 128], strides = [1, 1]} : vector<32x512xf32> to vector<32x128xf32>
    %slice3A_320 = vector.extract_strided_slice %slice3A_318 {offsets = [0, 128], sizes = [32, 128], strides = [1, 1]} : vector<32x512xf32> to vector<32x128xf32>
    %slice3A_321 = vector.extract_strided_slice %slice3A_318 {offsets = [0, 256], sizes = [32, 128], strides = [1, 1]} : vector<32x512xf32> to vector<32x128xf32>
    %slice3A_322 = vector.extract_strided_slice %slice3A_318 {offsets = [0, 384], sizes = [32, 128], strides = [1, 1]} : vector<32x512xf32> to vector<32x128xf32>
    %concatenate3A_323 = tpu.concatenate %slice3A_319, %slice3A_320, %slice3A_321, %slice3A_322 in 0 : vector<32x128xf32>, vector<32x128xf32>, vector<32x128xf32>, vector<32x128xf32> -> vector<128x128xf32>
    %transpose3A_324 = tpu.transpose %concatenate3A_323, [1, 0] : vector<128x128xf32> -> vector<128x128xf32>
    %swap3A_325 = arith.constant 4096 : index
    %swap3A_326 = arith.constant 0 : index
    %swap3A_327 = vector.load %arg2[%swap3A_325, %swap3A_326] : memref<16384x128xf32, #tpu.memory_space<vmem>>, vector<128x128xf32>
    tpu.vector_store %arg2[%swap3A_325, %swap3A_326], %transpose3A_324 {strides = array<i32>} : memref<16384x128xf32, #tpu.memory_space<vmem>>, vector<128x128xf32>,
    %slice3A_328 = vector.extract_strided_slice %get3A_1 {offsets = [0, 16896], sizes = [32, 512], strides = [1, 1]} : vector<32x65536xf32> to vector<32x512xf32>
    %slice3A_329 = vector.extract_strided_slice %slice3A_328 {offsets = [0, 0], sizes = [32, 128], strides = [1, 1]} : vector<32x512xf32> to vector<32x128xf32>
    %slice3A_330 = vector.extract_strided_slice %slice3A_328 {offsets = [0, 128], sizes = [32, 128], strides = [1, 1]} : vector<32x512xf32> to vector<32x128xf32>
    %slice3A_331 = vector.extract_strided_slice %slice3A_328 {offsets = [0, 256], sizes = [32, 128], strides = [1, 1]} : vector<32x512xf32> to vector<32x128xf32>
    %slice3A_332 = vector.extract_strided_slice %slice3A_328 {offsets = [0, 384], sizes = [32, 128], strides = [1, 1]} : vector<32x512xf32> to vector<32x128xf32>
    %concatenate3A_333 = tpu.concatenate %slice3A_329, %slice3A_330, %slice3A_331, %slice3A_332 in 0 : vector<32x128xf32>, vector<32x128xf32>, vector<32x128xf32>, vector<32x128xf32> -> vector<128x128xf32>
    %transpose3A_334 = tpu.transpose %concatenate3A_333, [1, 0] : vector<128x128xf32> -> vector<128x128xf32>
    %swap3A_335 = arith.constant 4224 : index
    %swap3A_336 = arith.constant 0 : index
    %swap3A_337 = vector.load %arg2[%swap3A_335, %swap3A_336] : memref<16384x128xf32, #tpu.memory_space<vmem>>, vector<128x128xf32>
    tpu.vector_store %arg2[%swap3A_335, %swap3A_336], %transpose3A_334 {strides = array<i32>} : memref<16384x128xf32, #tpu.memory_space<vmem>>, vector<128x128xf32>,
    %slice3A_338 = vector.extract_strided_slice %get3A_1 {offsets = [0, 17408], sizes = [32, 512], strides = [1, 1]} : vector<32x65536xf32> to vector<32x512xf32>
    %slice3A_339 = vector.extract_strided_slice %slice3A_338 {offsets = [0, 0], sizes = [32, 128], strides = [1, 1]} : vector<32x512xf32> to vector<32x128xf32>
    %slice3A_340 = vector.extract_strided_slice %slice3A_338 {offsets = [0, 128], sizes = [32, 128], strides = [1, 1]} : vector<32x512xf32> to vector<32x128xf32>
    %slice3A_341 = vector.extract_strided_slice %slice3A_338 {offsets = [0, 256], sizes = [32, 128], strides = [1, 1]} : vector<32x512xf32> to vector<32x128xf32>
    %slice3A_342 = vector.extract_strided_slice %slice3A_338 {offsets = [0, 384], sizes = [32, 128], strides = [1, 1]} : vector<32x512xf32> to vector<32x128xf32>
    %concatenate3A_343 = tpu.concatenate %slice3A_339, %slice3A_340, %slice3A_341, %slice3A_342 in 0 : vector<32x128xf32>, vector<32x128xf32>, vector<32x128xf32>, vector<32x128xf32> -> vector<128x128xf32>
    %transpose3A_344 = tpu.transpose %concatenate3A_343, [1, 0] : vector<128x128xf32> -> vector<128x128xf32>
    %swap3A_345 = arith.constant 4352 : index
    %swap3A_346 = arith.constant 0 : index
    %swap3A_347 = vector.load %arg2[%swap3A_345, %swap3A_346] : memref<16384x128xf32, #tpu.memory_space<vmem>>, vector<128x128xf32>
    tpu.vector_store %arg2[%swap3A_345, %swap3A_346], %transpose3A_344 {strides = array<i32>} : memref<16384x128xf32, #tpu.memory_space<vmem>>, vector<128x128xf32>,
    %slice3A_348 = vector.extract_strided_slice %get3A_1 {offsets = [0, 17920], sizes = [32, 512], strides = [1, 1]} : vector<32x65536xf32> to vector<32x512xf32>
    %slice3A_349 = vector.extract_strided_slice %slice3A_348 {offsets = [0, 0], sizes = [32, 128], strides = [1, 1]} : vector<32x512xf32> to vector<32x128xf32>
    %slice3A_350 = vector.extract_strided_slice %slice3A_348 {offsets = [0, 128], sizes = [32, 128], strides = [1, 1]} : vector<32x512xf32> to vector<32x128xf32>
    %slice3A_351 = vector.extract_strided_slice %slice3A_348 {offsets = [0, 256], sizes = [32, 128], strides = [1, 1]} : vector<32x512xf32> to vector<32x128xf32>
    %slice3A_352 = vector.extract_strided_slice %slice3A_348 {offsets = [0, 384], sizes = [32, 128], strides = [1, 1]} : vector<32x512xf32> to vector<32x128xf32>
    %concatenate3A_353 = tpu.concatenate %slice3A_349, %slice3A_350, %slice3A_351, %slice3A_352 in 0 : vector<32x128xf32>, vector<32x128xf32>, vector<32x128xf32>, vector<32x128xf32> -> vector<128x128xf32>
    %transpose3A_354 = tpu.transpose %concatenate3A_353, [1, 0] : vector<128x128xf32> -> vector<128x128xf32>
    %swap3A_355 = arith.constant 4480 : index
    %swap3A_356 = arith.constant 0 : index
    %swap3A_357 = vector.load %arg2[%swap3A_355, %swap3A_356] : memref<16384x128xf32, #tpu.memory_space<vmem>>, vector<128x128xf32>
    tpu.vector_store %arg2[%swap3A_355, %swap3A_356], %transpose3A_354 {strides = array<i32>} : memref<16384x128xf32, #tpu.memory_space<vmem>>, vector<128x128xf32>,
    %slice3A_358 = vector.extract_strided_slice %get3A_1 {offsets = [0, 18432], sizes = [32, 512], strides = [1, 1]} : vector<32x65536xf32> to vector<32x512xf32>
    %slice3A_359 = vector.extract_strided_slice %slice3A_358 {offsets = [0, 0], sizes = [32, 128], strides = [1, 1]} : vector<32x512xf32> to vector<32x128xf32>
    %slice3A_360 = vector.extract_strided_slice %slice3A_358 {offsets = [0, 128], sizes = [32, 128], strides = [1, 1]} : vector<32x512xf32> to vector<32x128xf32>
    %slice3A_361 = vector.extract_strided_slice %slice3A_358 {offsets = [0, 256], sizes = [32, 128], strides = [1, 1]} : vector<32x512xf32> to vector<32x128xf32>
    %slice3A_362 = vector.extract_strided_slice %slice3A_358 {offsets = [0, 384], sizes = [32, 128], strides = [1, 1]} : vector<32x512xf32> to vector<32x128xf32>
    %concatenate3A_363 = tpu.concatenate %slice3A_359, %slice3A_360, %slice3A_361, %slice3A_362 in 0 : vector<32x128xf32>, vector<32x128xf32>, vector<32x128xf32>, vector<32x128xf32> -> vector<128x128xf32>
    %transpose3A_364 = tpu.transpose %concatenate3A_363, [1, 0] : vector<128x128xf32> -> vector<128x128xf32>
    %swap3A_365 = arith.constant 4608 : index
    %swap3A_366 = arith.constant 0 : index
    %swap3A_367 = vector.load %arg2[%swap3A_365, %swap3A_366] : memref<16384x128xf32, #tpu.memory_space<vmem>>, vector<128x128xf32>
    tpu.vector_store %arg2[%swap3A_365, %swap3A_366], %transpose3A_364 {strides = array<i32>} : memref<16384x128xf32, #tpu.memory_space<vmem>>, vector<128x128xf32>,
    %slice3A_368 = vector.extract_strided_slice %get3A_1 {offsets = [0, 18944], sizes = [32, 512], strides = [1, 1]} : vector<32x65536xf32> to vector<32x512xf32>
    %slice3A_369 = vector.extract_strided_slice %slice3A_368 {offsets = [0, 0], sizes = [32, 128], strides = [1, 1]} : vector<32x512xf32> to vector<32x128xf32>
    %slice3A_370 = vector.extract_strided_slice %slice3A_368 {offsets = [0, 128], sizes = [32, 128], strides = [1, 1]} : vector<32x512xf32> to vector<32x128xf32>
    %slice3A_371 = vector.extract_strided_slice %slice3A_368 {offsets = [0, 256], sizes = [32, 128], strides = [1, 1]} : vector<32x512xf32> to vector<32x128xf32>
    %slice3A_372 = vector.extract_strided_slice %slice3A_368 {offsets = [0, 384], sizes = [32, 128], strides = [1, 1]} : vector<32x512xf32> to vector<32x128xf32>
    %concatenate3A_373 = tpu.concatenate %slice3A_369, %slice3A_370, %slice3A_371, %slice3A_372 in 0 : vector<32x128xf32>, vector<32x128xf32>, vector<32x128xf32>, vector<32x128xf32> -> vector<128x128xf32>
    %transpose3A_374 = tpu.transpose %concatenate3A_373, [1, 0] : vector<128x128xf32> -> vector<128x128xf32>
    %swap3A_375 = arith.constant 4736 : index
    %swap3A_376 = arith.constant 0 : index
    %swap3A_377 = vector.load %arg2[%swap3A_375, %swap3A_376] : memref<16384x128xf32, #tpu.memory_space<vmem>>, vector<128x128xf32>
    tpu.vector_store %arg2[%swap3A_375, %swap3A_376], %transpose3A_374 {strides = array<i32>} : memref<16384x128xf32, #tpu.memory_space<vmem>>, vector<128x128xf32>,
    %slice3A_378 = vector.extract_strided_slice %get3A_1 {offsets = [0, 19456], sizes = [32, 512], strides = [1, 1]} : vector<32x65536xf32> to vector<32x512xf32>
    %slice3A_379 = vector.extract_strided_slice %slice3A_378 {offsets = [0, 0], sizes = [32, 128], strides = [1, 1]} : vector<32x512xf32> to vector<32x128xf32>
    %slice3A_380 = vector.extract_strided_slice %slice3A_378 {offsets = [0, 128], sizes = [32, 128], strides = [1, 1]} : vector<32x512xf32> to vector<32x128xf32>
    %slice3A_381 = vector.extract_strided_slice %slice3A_378 {offsets = [0, 256], sizes = [32, 128], strides = [1, 1]} : vector<32x512xf32> to vector<32x128xf32>
    %slice3A_382 = vector.extract_strided_slice %slice3A_378 {offsets = [0, 384], sizes = [32, 128], strides = [1, 1]} : vector<32x512xf32> to vector<32x128xf32>
    %concatenate3A_383 = tpu.concatenate %slice3A_379, %slice3A_380, %slice3A_381, %slice3A_382 in 0 : vector<32x128xf32>, vector<32x128xf32>, vector<32x128xf32>, vector<32x128xf32> -> vector<128x128xf32>
    %transpose3A_384 = tpu.transpose %concatenate3A_383, [1, 0] : vector<128x128xf32> -> vector<128x128xf32>
    %swap3A_385 = arith.constant 4864 : index
    %swap3A_386 = arith.constant 0 : index
    %swap3A_387 = vector.load %arg2[%swap3A_385, %swap3A_386] : memref<16384x128xf32, #tpu.memory_space<vmem>>, vector<128x128xf32>
    tpu.vector_store %arg2[%swap3A_385, %swap3A_386], %transpose3A_384 {strides = array<i32>} : memref<16384x128xf32, #tpu.memory_space<vmem>>, vector<128x128xf32>,
    %slice3A_388 = vector.extract_strided_slice %get3A_1 {offsets = [0, 19968], sizes = [32, 512], strides = [1, 1]} : vector<32x65536xf32> to vector<32x512xf32>
    %slice3A_389 = vector.extract_strided_slice %slice3A_388 {offsets = [0, 0], sizes = [32, 128], strides = [1, 1]} : vector<32x512xf32> to vector<32x128xf32>
    %slice3A_390 = vector.extract_strided_slice %slice3A_388 {offsets = [0, 128], sizes = [32, 128], strides = [1, 1]} : vector<32x512xf32> to vector<32x128xf32>
    %slice3A_391 = vector.extract_strided_slice %slice3A_388 {offsets = [0, 256], sizes = [32, 128], strides = [1, 1]} : vector<32x512xf32> to vector<32x128xf32>
    %slice3A_392 = vector.extract_strided_slice %slice3A_388 {offsets = [0, 384], sizes = [32, 128], strides = [1, 1]} : vector<32x512xf32> to vector<32x128xf32>
    %concatenate3A_393 = tpu.concatenate %slice3A_389, %slice3A_390, %slice3A_391, %slice3A_392 in 0 : vector<32x128xf32>, vector<32x128xf32>, vector<32x128xf32>, vector<32x128xf32> -> vector<128x128xf32>
    %transpose3A_394 = tpu.transpose %concatenate3A_393, [1, 0] : vector<128x128xf32> -> vector<128x128xf32>
    %swap3A_395 = arith.constant 4992 : index
    %swap3A_396 = arith.constant 0 : index
    %swap3A_397 = vector.load %arg2[%swap3A_395, %swap3A_396] : memref<16384x128xf32, #tpu.memory_space<vmem>>, vector<128x128xf32>
    tpu.vector_store %arg2[%swap3A_395, %swap3A_396], %transpose3A_394 {strides = array<i32>} : memref<16384x128xf32, #tpu.memory_space<vmem>>, vector<128x128xf32>,
    %slice3A_398 = vector.extract_strided_slice %get3A_1 {offsets = [0, 20480], sizes = [32, 512], strides = [1, 1]} : vector<32x65536xf32> to vector<32x512xf32>
    %slice3A_399 = vector.extract_strided_slice %slice3A_398 {offsets = [0, 0], sizes = [32, 128], strides = [1, 1]} : vector<32x512xf32> to vector<32x128xf32>
    %slice3A_400 = vector.extract_strided_slice %slice3A_398 {offsets = [0, 128], sizes = [32, 128], strides = [1, 1]} : vector<32x512xf32> to vector<32x128xf32>
    %slice3A_401 = vector.extract_strided_slice %slice3A_398 {offsets = [0, 256], sizes = [32, 128], strides = [1, 1]} : vector<32x512xf32> to vector<32x128xf32>
    %slice3A_402 = vector.extract_strided_slice %slice3A_398 {offsets = [0, 384], sizes = [32, 128], strides = [1, 1]} : vector<32x512xf32> to vector<32x128xf32>
    %concatenate3A_403 = tpu.concatenate %slice3A_399, %slice3A_400, %slice3A_401, %slice3A_402 in 0 : vector<32x128xf32>, vector<32x128xf32>, vector<32x128xf32>, vector<32x128xf32> -> vector<128x128xf32>
    %transpose3A_404 = tpu.transpose %concatenate3A_403, [1, 0] : vector<128x128xf32> -> vector<128x128xf32>
    %swap3A_405 = arith.constant 5120 : index
    %swap3A_406 = arith.constant 0 : index
    %swap3A_407 = vector.load %arg2[%swap3A_405, %swap3A_406] : memref<16384x128xf32, #tpu.memory_space<vmem>>, vector<128x128xf32>
    tpu.vector_store %arg2[%swap3A_405, %swap3A_406], %transpose3A_404 {strides = array<i32>} : memref<16384x128xf32, #tpu.memory_space<vmem>>, vector<128x128xf32>,
    %slice3A_408 = vector.extract_strided_slice %get3A_1 {offsets = [0, 20992], sizes = [32, 512], strides = [1, 1]} : vector<32x65536xf32> to vector<32x512xf32>
    %slice3A_409 = vector.extract_strided_slice %slice3A_408 {offsets = [0, 0], sizes = [32, 128], strides = [1, 1]} : vector<32x512xf32> to vector<32x128xf32>
    %slice3A_410 = vector.extract_strided_slice %slice3A_408 {offsets = [0, 128], sizes = [32, 128], strides = [1, 1]} : vector<32x512xf32> to vector<32x128xf32>
    %slice3A_411 = vector.extract_strided_slice %slice3A_408 {offsets = [0, 256], sizes = [32, 128], strides = [1, 1]} : vector<32x512xf32> to vector<32x128xf32>
    %slice3A_412 = vector.extract_strided_slice %slice3A_408 {offsets = [0, 384], sizes = [32, 128], strides = [1, 1]} : vector<32x512xf32> to vector<32x128xf32>
    %concatenate3A_413 = tpu.concatenate %slice3A_409, %slice3A_410, %slice3A_411, %slice3A_412 in 0 : vector<32x128xf32>, vector<32x128xf32>, vector<32x128xf32>, vector<32x128xf32> -> vector<128x128xf32>
    %transpose3A_414 = tpu.transpose %concatenate3A_413, [1, 0] : vector<128x128xf32> -> vector<128x128xf32>
    %swap3A_415 = arith.constant 5248 : index
    %swap3A_416 = arith.constant 0 : index
    %swap3A_417 = vector.load %arg2[%swap3A_415, %swap3A_416] : memref<16384x128xf32, #tpu.memory_space<vmem>>, vector<128x128xf32>
    tpu.vector_store %arg2[%swap3A_415, %swap3A_416], %transpose3A_414 {strides = array<i32>} : memref<16384x128xf32, #tpu.memory_space<vmem>>, vector<128x128xf32>,
    %slice3A_418 = vector.extract_strided_slice %get3A_1 {offsets = [0, 21504], sizes = [32, 512], strides = [1, 1]} : vector<32x65536xf32> to vector<32x512xf32>
    %slice3A_419 = vector.extract_strided_slice %slice3A_418 {offsets = [0, 0], sizes = [32, 128], strides = [1, 1]} : vector<32x512xf32> to vector<32x128xf32>
    %slice3A_420 = vector.extract_strided_slice %slice3A_418 {offsets = [0, 128], sizes = [32, 128], strides = [1, 1]} : vector<32x512xf32> to vector<32x128xf32>
    %slice3A_421 = vector.extract_strided_slice %slice3A_418 {offsets = [0, 256], sizes = [32, 128], strides = [1, 1]} : vector<32x512xf32> to vector<32x128xf32>
    %slice3A_422 = vector.extract_strided_slice %slice3A_418 {offsets = [0, 384], sizes = [32, 128], strides = [1, 1]} : vector<32x512xf32> to vector<32x128xf32>
    %concatenate3A_423 = tpu.concatenate %slice3A_419, %slice3A_420, %slice3A_421, %slice3A_422 in 0 : vector<32x128xf32>, vector<32x128xf32>, vector<32x128xf32>, vector<32x128xf32> -> vector<128x128xf32>
    %transpose3A_424 = tpu.transpose %concatenate3A_423, [1, 0] : vector<128x128xf32> -> vector<128x128xf32>
    %swap3A_425 = arith.constant 5376 : index
    %swap3A_426 = arith.constant 0 : index
    %swap3A_427 = vector.load %arg2[%swap3A_425, %swap3A_426] : memref<16384x128xf32, #tpu.memory_space<vmem>>, vector<128x128xf32>
    tpu.vector_store %arg2[%swap3A_425, %swap3A_426], %transpose3A_424 {strides = array<i32>} : memref<16384x128xf32, #tpu.memory_space<vmem>>, vector<128x128xf32>,
    %slice3A_428 = vector.extract_strided_slice %get3A_1 {offsets = [0, 22016], sizes = [32, 512], strides = [1, 1]} : vector<32x65536xf32> to vector<32x512xf32>
    %slice3A_429 = vector.extract_strided_slice %slice3A_428 {offsets = [0, 0], sizes = [32, 128], strides = [1, 1]} : vector<32x512xf32> to vector<32x128xf32>
    %slice3A_430 = vector.extract_strided_slice %slice3A_428 {offsets = [0, 128], sizes = [32, 128], strides = [1, 1]} : vector<32x512xf32> to vector<32x128xf32>
    %slice3A_431 = vector.extract_strided_slice %slice3A_428 {offsets = [0, 256], sizes = [32, 128], strides = [1, 1]} : vector<32x512xf32> to vector<32x128xf32>
    %slice3A_432 = vector.extract_strided_slice %slice3A_428 {offsets = [0, 384], sizes = [32, 128], strides = [1, 1]} : vector<32x512xf32> to vector<32x128xf32>
    %concatenate3A_433 = tpu.concatenate %slice3A_429, %slice3A_430, %slice3A_431, %slice3A_432 in 0 : vector<32x128xf32>, vector<32x128xf32>, vector<32x128xf32>, vector<32x128xf32> -> vector<128x128xf32>
    %transpose3A_434 = tpu.transpose %concatenate3A_433, [1, 0] : vector<128x128xf32> -> vector<128x128xf32>
    %swap3A_435 = arith.constant 5504 : index
    %swap3A_436 = arith.constant 0 : index
    %swap3A_437 = vector.load %arg2[%swap3A_435, %swap3A_436] : memref<16384x128xf32, #tpu.memory_space<vmem>>, vector<128x128xf32>
    tpu.vector_store %arg2[%swap3A_435, %swap3A_436], %transpose3A_434 {strides = array<i32>} : memref<16384x128xf32, #tpu.memory_space<vmem>>, vector<128x128xf32>,
    %slice3A_438 = vector.extract_strided_slice %get3A_1 {offsets = [0, 22528], sizes = [32, 512], strides = [1, 1]} : vector<32x65536xf32> to vector<32x512xf32>
    %slice3A_439 = vector.extract_strided_slice %slice3A_438 {offsets = [0, 0], sizes = [32, 128], strides = [1, 1]} : vector<32x512xf32> to vector<32x128xf32>
    %slice3A_440 = vector.extract_strided_slice %slice3A_438 {offsets = [0, 128], sizes = [32, 128], strides = [1, 1]} : vector<32x512xf32> to vector<32x128xf32>
    %slice3A_441 = vector.extract_strided_slice %slice3A_438 {offsets = [0, 256], sizes = [32, 128], strides = [1, 1]} : vector<32x512xf32> to vector<32x128xf32>
    %slice3A_442 = vector.extract_strided_slice %slice3A_438 {offsets = [0, 384], sizes = [32, 128], strides = [1, 1]} : vector<32x512xf32> to vector<32x128xf32>
    %concatenate3A_443 = tpu.concatenate %slice3A_439, %slice3A_440, %slice3A_441, %slice3A_442 in 0 : vector<32x128xf32>, vector<32x128xf32>, vector<32x128xf32>, vector<32x128xf32> -> vector<128x128xf32>
    %transpose3A_444 = tpu.transpose %concatenate3A_443, [1, 0] : vector<128x128xf32> -> vector<128x128xf32>
    %swap3A_445 = arith.constant 5632 : index
    %swap3A_446 = arith.constant 0 : index
    %swap3A_447 = vector.load %arg2[%swap3A_445, %swap3A_446] : memref<16384x128xf32, #tpu.memory_space<vmem>>, vector<128x128xf32>
    tpu.vector_store %arg2[%swap3A_445, %swap3A_446], %transpose3A_444 {strides = array<i32>} : memref<16384x128xf32, #tpu.memory_space<vmem>>, vector<128x128xf32>,
    %slice3A_448 = vector.extract_strided_slice %get3A_1 {offsets = [0, 23040], sizes = [32, 512], strides = [1, 1]} : vector<32x65536xf32> to vector<32x512xf32>
    %slice3A_449 = vector.extract_strided_slice %slice3A_448 {offsets = [0, 0], sizes = [32, 128], strides = [1, 1]} : vector<32x512xf32> to vector<32x128xf32>
    %slice3A_450 = vector.extract_strided_slice %slice3A_448 {offsets = [0, 128], sizes = [32, 128], strides = [1, 1]} : vector<32x512xf32> to vector<32x128xf32>
    %slice3A_451 = vector.extract_strided_slice %slice3A_448 {offsets = [0, 256], sizes = [32, 128], strides = [1, 1]} : vector<32x512xf32> to vector<32x128xf32>
    %slice3A_452 = vector.extract_strided_slice %slice3A_448 {offsets = [0, 384], sizes = [32, 128], strides = [1, 1]} : vector<32x512xf32> to vector<32x128xf32>
    %concatenate3A_453 = tpu.concatenate %slice3A_449, %slice3A_450, %slice3A_451, %slice3A_452 in 0 : vector<32x128xf32>, vector<32x128xf32>, vector<32x128xf32>, vector<32x128xf32> -> vector<128x128xf32>
    %transpose3A_454 = tpu.transpose %concatenate3A_453, [1, 0] : vector<128x128xf32> -> vector<128x128xf32>
    %swap3A_455 = arith.constant 5760 : index
    %swap3A_456 = arith.constant 0 : index
    %swap3A_457 = vector.load %arg2[%swap3A_455, %swap3A_456] : memref<16384x128xf32, #tpu.memory_space<vmem>>, vector<128x128xf32>
    tpu.vector_store %arg2[%swap3A_455, %swap3A_456], %transpose3A_454 {strides = array<i32>} : memref<16384x128xf32, #tpu.memory_space<vmem>>, vector<128x128xf32>,
    %slice3A_458 = vector.extract_strided_slice %get3A_1 {offsets = [0, 23552], sizes = [32, 512], strides = [1, 1]} : vector<32x65536xf32> to vector<32x512xf32>
    %slice3A_459 = vector.extract_strided_slice %slice3A_458 {offsets = [0, 0], sizes = [32, 128], strides = [1, 1]} : vector<32x512xf32> to vector<32x128xf32>
    %slice3A_460 = vector.extract_strided_slice %slice3A_458 {offsets = [0, 128], sizes = [32, 128], strides = [1, 1]} : vector<32x512xf32> to vector<32x128xf32>
    %slice3A_461 = vector.extract_strided_slice %slice3A_458 {offsets = [0, 256], sizes = [32, 128], strides = [1, 1]} : vector<32x512xf32> to vector<32x128xf32>
    %slice3A_462 = vector.extract_strided_slice %slice3A_458 {offsets = [0, 384], sizes = [32, 128], strides = [1, 1]} : vector<32x512xf32> to vector<32x128xf32>
    %concatenate3A_463 = tpu.concatenate %slice3A_459, %slice3A_460, %slice3A_461, %slice3A_462 in 0 : vector<32x128xf32>, vector<32x128xf32>, vector<32x128xf32>, vector<32x128xf32> -> vector<128x128xf32>
    %transpose3A_464 = tpu.transpose %concatenate3A_463, [1, 0] : vector<128x128xf32> -> vector<128x128xf32>
    %swap3A_465 = arith.constant 5888 : index
    %swap3A_466 = arith.constant 0 : index
    %swap3A_467 = vector.load %arg2[%swap3A_465, %swap3A_466] : memref<16384x128xf32, #tpu.memory_space<vmem>>, vector<128x128xf32>
    tpu.vector_store %arg2[%swap3A_465, %swap3A_466], %transpose3A_464 {strides = array<i32>} : memref<16384x128xf32, #tpu.memory_space<vmem>>, vector<128x128xf32>,
    %slice3A_468 = vector.extract_strided_slice %get3A_1 {offsets = [0, 24064], sizes = [32, 512], strides = [1, 1]} : vector<32x65536xf32> to vector<32x512xf32>
    %slice3A_469 = vector.extract_strided_slice %slice3A_468 {offsets = [0, 0], sizes = [32, 128], strides = [1, 1]} : vector<32x512xf32> to vector<32x128xf32>
    %slice3A_470 = vector.extract_strided_slice %slice3A_468 {offsets = [0, 128], sizes = [32, 128], strides = [1, 1]} : vector<32x512xf32> to vector<32x128xf32>
    %slice3A_471 = vector.extract_strided_slice %slice3A_468 {offsets = [0, 256], sizes = [32, 128], strides = [1, 1]} : vector<32x512xf32> to vector<32x128xf32>
    %slice3A_472 = vector.extract_strided_slice %slice3A_468 {offsets = [0, 384], sizes = [32, 128], strides = [1, 1]} : vector<32x512xf32> to vector<32x128xf32>
    %concatenate3A_473 = tpu.concatenate %slice3A_469, %slice3A_470, %slice3A_471, %slice3A_472 in 0 : vector<32x128xf32>, vector<32x128xf32>, vector<32x128xf32>, vector<32x128xf32> -> vector<128x128xf32>
    %transpose3A_474 = tpu.transpose %concatenate3A_473, [1, 0] : vector<128x128xf32> -> vector<128x128xf32>
    %swap3A_475 = arith.constant 6016 : index
    %swap3A_476 = arith.constant 0 : index
    %swap3A_477 = vector.load %arg2[%swap3A_475, %swap3A_476] : memref<16384x128xf32, #tpu.memory_space<vmem>>, vector<128x128xf32>
    tpu.vector_store %arg2[%swap3A_475, %swap3A_476], %transpose3A_474 {strides = array<i32>} : memref<16384x128xf32, #tpu.memory_space<vmem>>, vector<128x128xf32>,
    %slice3A_478 = vector.extract_strided_slice %get3A_1 {offsets = [0, 24576], sizes = [32, 512], strides = [1, 1]} : vector<32x65536xf32> to vector<32x512xf32>
    %slice3A_479 = vector.extract_strided_slice %slice3A_478 {offsets = [0, 0], sizes = [32, 128], strides = [1, 1]} : vector<32x512xf32> to vector<32x128xf32>
    %slice3A_480 = vector.extract_strided_slice %slice3A_478 {offsets = [0, 128], sizes = [32, 128], strides = [1, 1]} : vector<32x512xf32> to vector<32x128xf32>
    %slice3A_481 = vector.extract_strided_slice %slice3A_478 {offsets = [0, 256], sizes = [32, 128], strides = [1, 1]} : vector<32x512xf32> to vector<32x128xf32>
    %slice3A_482 = vector.extract_strided_slice %slice3A_478 {offsets = [0, 384], sizes = [32, 128], strides = [1, 1]} : vector<32x512xf32> to vector<32x128xf32>
    %concatenate3A_483 = tpu.concatenate %slice3A_479, %slice3A_480, %slice3A_481, %slice3A_482 in 0 : vector<32x128xf32>, vector<32x128xf32>, vector<32x128xf32>, vector<32x128xf32> -> vector<128x128xf32>
    %transpose3A_484 = tpu.transpose %concatenate3A_483, [1, 0] : vector<128x128xf32> -> vector<128x128xf32>
    %swap3A_485 = arith.constant 6144 : index
    %swap3A_486 = arith.constant 0 : index
    %swap3A_487 = vector.load %arg2[%swap3A_485, %swap3A_486] : memref<16384x128xf32, #tpu.memory_space<vmem>>, vector<128x128xf32>
    tpu.vector_store %arg2[%swap3A_485, %swap3A_486], %transpose3A_484 {strides = array<i32>} : memref<16384x128xf32, #tpu.memory_space<vmem>>, vector<128x128xf32>,
    %slice3A_488 = vector.extract_strided_slice %get3A_1 {offsets = [0, 25088], sizes = [32, 512], strides = [1, 1]} : vector<32x65536xf32> to vector<32x512xf32>
    %slice3A_489 = vector.extract_strided_slice %slice3A_488 {offsets = [0, 0], sizes = [32, 128], strides = [1, 1]} : vector<32x512xf32> to vector<32x128xf32>
    %slice3A_490 = vector.extract_strided_slice %slice3A_488 {offsets = [0, 128], sizes = [32, 128], strides = [1, 1]} : vector<32x512xf32> to vector<32x128xf32>
    %slice3A_491 = vector.extract_strided_slice %slice3A_488 {offsets = [0, 256], sizes = [32, 128], strides = [1, 1]} : vector<32x512xf32> to vector<32x128xf32>
    %slice3A_492 = vector.extract_strided_slice %slice3A_488 {offsets = [0, 384], sizes = [32, 128], strides = [1, 1]} : vector<32x512xf32> to vector<32x128xf32>
    %concatenate3A_493 = tpu.concatenate %slice3A_489, %slice3A_490, %slice3A_491, %slice3A_492 in 0 : vector<32x128xf32>, vector<32x128xf32>, vector<32x128xf32>, vector<32x128xf32> -> vector<128x128xf32>
    %transpose3A_494 = tpu.transpose %concatenate3A_493, [1, 0] : vector<128x128xf32> -> vector<128x128xf32>
    %swap3A_495 = arith.constant 6272 : index
    %swap3A_496 = arith.constant 0 : index
    %swap3A_497 = vector.load %arg2[%swap3A_495, %swap3A_496] : memref<16384x128xf32, #tpu.memory_space<vmem>>, vector<128x128xf32>
    tpu.vector_store %arg2[%swap3A_495, %swap3A_496], %transpose3A_494 {strides = array<i32>} : memref<16384x128xf32, #tpu.memory_space<vmem>>, vector<128x128xf32>,
    %slice3A_498 = vector.extract_strided_slice %get3A_1 {offsets = [0, 25600], sizes = [32, 512], strides = [1, 1]} : vector<32x65536xf32> to vector<32x512xf32>
    %slice3A_499 = vector.extract_strided_slice %slice3A_498 {offsets = [0, 0], sizes = [32, 128], strides = [1, 1]} : vector<32x512xf32> to vector<32x128xf32>
    %slice3A_500 = vector.extract_strided_slice %slice3A_498 {offsets = [0, 128], sizes = [32, 128], strides = [1, 1]} : vector<32x512xf32> to vector<32x128xf32>
    %slice3A_501 = vector.extract_strided_slice %slice3A_498 {offsets = [0, 256], sizes = [32, 128], strides = [1, 1]} : vector<32x512xf32> to vector<32x128xf32>
    %slice3A_502 = vector.extract_strided_slice %slice3A_498 {offsets = [0, 384], sizes = [32, 128], strides = [1, 1]} : vector<32x512xf32> to vector<32x128xf32>
    %concatenate3A_503 = tpu.concatenate %slice3A_499, %slice3A_500, %slice3A_501, %slice3A_502 in 0 : vector<32x128xf32>, vector<32x128xf32>, vector<32x128xf32>, vector<32x128xf32> -> vector<128x128xf32>
    %transpose3A_504 = tpu.transpose %concatenate3A_503, [1, 0] : vector<128x128xf32> -> vector<128x128xf32>
    %swap3A_505 = arith.constant 6400 : index
    %swap3A_506 = arith.constant 0 : index
    %swap3A_507 = vector.load %arg2[%swap3A_505, %swap3A_506] : memref<16384x128xf32, #tpu.memory_space<vmem>>, vector<128x128xf32>
    tpu.vector_store %arg2[%swap3A_505, %swap3A_506], %transpose3A_504 {strides = array<i32>} : memref<16384x128xf32, #tpu.memory_space<vmem>>, vector<128x128xf32>,
    %slice3A_508 = vector.extract_strided_slice %get3A_1 {offsets = [0, 26112], sizes = [32, 512], strides = [1, 1]} : vector<32x65536xf32> to vector<32x512xf32>
    %slice3A_509 = vector.extract_strided_slice %slice3A_508 {offsets = [0, 0], sizes = [32, 128], strides = [1, 1]} : vector<32x512xf32> to vector<32x128xf32>
    %slice3A_510 = vector.extract_strided_slice %slice3A_508 {offsets = [0, 128], sizes = [32, 128], strides = [1, 1]} : vector<32x512xf32> to vector<32x128xf32>
    %slice3A_511 = vector.extract_strided_slice %slice3A_508 {offsets = [0, 256], sizes = [32, 128], strides = [1, 1]} : vector<32x512xf32> to vector<32x128xf32>
    %slice3A_512 = vector.extract_strided_slice %slice3A_508 {offsets = [0, 384], sizes = [32, 128], strides = [1, 1]} : vector<32x512xf32> to vector<32x128xf32>
    %concatenate3A_513 = tpu.concatenate %slice3A_509, %slice3A_510, %slice3A_511, %slice3A_512 in 0 : vector<32x128xf32>, vector<32x128xf32>, vector<32x128xf32>, vector<32x128xf32> -> vector<128x128xf32>
    %transpose3A_514 = tpu.transpose %concatenate3A_513, [1, 0] : vector<128x128xf32> -> vector<128x128xf32>
    %swap3A_515 = arith.constant 6528 : index
    %swap3A_516 = arith.constant 0 : index
    %swap3A_517 = vector.load %arg2[%swap3A_515, %swap3A_516] : memref<16384x128xf32, #tpu.memory_space<vmem>>, vector<128x128xf32>
    tpu.vector_store %arg2[%swap3A_515, %swap3A_516], %transpose3A_514 {strides = array<i32>} : memref<16384x128xf32, #tpu.memory_space<vmem>>, vector<128x128xf32>,
    %slice3A_518 = vector.extract_strided_slice %get3A_1 {offsets = [0, 26624], sizes = [32, 512], strides = [1, 1]} : vector<32x65536xf32> to vector<32x512xf32>
    %slice3A_519 = vector.extract_strided_slice %slice3A_518 {offsets = [0, 0], sizes = [32, 128], strides = [1, 1]} : vector<32x512xf32> to vector<32x128xf32>
    %slice3A_520 = vector.extract_strided_slice %slice3A_518 {offsets = [0, 128], sizes = [32, 128], strides = [1, 1]} : vector<32x512xf32> to vector<32x128xf32>
    %slice3A_521 = vector.extract_strided_slice %slice3A_518 {offsets = [0, 256], sizes = [32, 128], strides = [1, 1]} : vector<32x512xf32> to vector<32x128xf32>
    %slice3A_522 = vector.extract_strided_slice %slice3A_518 {offsets = [0, 384], sizes = [32, 128], strides = [1, 1]} : vector<32x512xf32> to vector<32x128xf32>
    %concatenate3A_523 = tpu.concatenate %slice3A_519, %slice3A_520, %slice3A_521, %slice3A_522 in 0 : vector<32x128xf32>, vector<32x128xf32>, vector<32x128xf32>, vector<32x128xf32> -> vector<128x128xf32>
    %transpose3A_524 = tpu.transpose %concatenate3A_523, [1, 0] : vector<128x128xf32> -> vector<128x128xf32>
    %swap3A_525 = arith.constant 6656 : index
    %swap3A_526 = arith.constant 0 : index
    %swap3A_527 = vector.load %arg2[%swap3A_525, %swap3A_526] : memref<16384x128xf32, #tpu.memory_space<vmem>>, vector<128x128xf32>
    tpu.vector_store %arg2[%swap3A_525, %swap3A_526], %transpose3A_524 {strides = array<i32>} : memref<16384x128xf32, #tpu.memory_space<vmem>>, vector<128x128xf32>,
    %slice3A_528 = vector.extract_strided_slice %get3A_1 {offsets = [0, 27136], sizes = [32, 512], strides = [1, 1]} : vector<32x65536xf32> to vector<32x512xf32>
    %slice3A_529 = vector.extract_strided_slice %slice3A_528 {offsets = [0, 0], sizes = [32, 128], strides = [1, 1]} : vector<32x512xf32> to vector<32x128xf32>
    %slice3A_530 = vector.extract_strided_slice %slice3A_528 {offsets = [0, 128], sizes = [32, 128], strides = [1, 1]} : vector<32x512xf32> to vector<32x128xf32>
    %slice3A_531 = vector.extract_strided_slice %slice3A_528 {offsets = [0, 256], sizes = [32, 128], strides = [1, 1]} : vector<32x512xf32> to vector<32x128xf32>
    %slice3A_532 = vector.extract_strided_slice %slice3A_528 {offsets = [0, 384], sizes = [32, 128], strides = [1, 1]} : vector<32x512xf32> to vector<32x128xf32>
    %concatenate3A_533 = tpu.concatenate %slice3A_529, %slice3A_530, %slice3A_531, %slice3A_532 in 0 : vector<32x128xf32>, vector<32x128xf32>, vector<32x128xf32>, vector<32x128xf32> -> vector<128x128xf32>
    %transpose3A_534 = tpu.transpose %concatenate3A_533, [1, 0] : vector<128x128xf32> -> vector<128x128xf32>
    %swap3A_535 = arith.constant 6784 : index
    %swap3A_536 = arith.constant 0 : index
    %swap3A_537 = vector.load %arg2[%swap3A_535, %swap3A_536] : memref<16384x128xf32, #tpu.memory_space<vmem>>, vector<128x128xf32>
    tpu.vector_store %arg2[%swap3A_535, %swap3A_536], %transpose3A_534 {strides = array<i32>} : memref<16384x128xf32, #tpu.memory_space<vmem>>, vector<128x128xf32>,
    %slice3A_538 = vector.extract_strided_slice %get3A_1 {offsets = [0, 27648], sizes = [32, 512], strides = [1, 1]} : vector<32x65536xf32> to vector<32x512xf32>
    %slice3A_539 = vector.extract_strided_slice %slice3A_538 {offsets = [0, 0], sizes = [32, 128], strides = [1, 1]} : vector<32x512xf32> to vector<32x128xf32>
    %slice3A_540 = vector.extract_strided_slice %slice3A_538 {offsets = [0, 128], sizes = [32, 128], strides = [1, 1]} : vector<32x512xf32> to vector<32x128xf32>
    %slice3A_541 = vector.extract_strided_slice %slice3A_538 {offsets = [0, 256], sizes = [32, 128], strides = [1, 1]} : vector<32x512xf32> to vector<32x128xf32>
    %slice3A_542 = vector.extract_strided_slice %slice3A_538 {offsets = [0, 384], sizes = [32, 128], strides = [1, 1]} : vector<32x512xf32> to vector<32x128xf32>
    %concatenate3A_543 = tpu.concatenate %slice3A_539, %slice3A_540, %slice3A_541, %slice3A_542 in 0 : vector<32x128xf32>, vector<32x128xf32>, vector<32x128xf32>, vector<32x128xf32> -> vector<128x128xf32>
    %transpose3A_544 = tpu.transpose %concatenate3A_543, [1, 0] : vector<128x128xf32> -> vector<128x128xf32>
    %swap3A_545 = arith.constant 6912 : index
    %swap3A_546 = arith.constant 0 : index
    %swap3A_547 = vector.load %arg2[%swap3A_545, %swap3A_546] : memref<16384x128xf32, #tpu.memory_space<vmem>>, vector<128x128xf32>
    tpu.vector_store %arg2[%swap3A_545, %swap3A_546], %transpose3A_544 {strides = array<i32>} : memref<16384x128xf32, #tpu.memory_space<vmem>>, vector<128x128xf32>,
    %slice3A_548 = vector.extract_strided_slice %get3A_1 {offsets = [0, 28160], sizes = [32, 512], strides = [1, 1]} : vector<32x65536xf32> to vector<32x512xf32>
    %slice3A_549 = vector.extract_strided_slice %slice3A_548 {offsets = [0, 0], sizes = [32, 128], strides = [1, 1]} : vector<32x512xf32> to vector<32x128xf32>
    %slice3A_550 = vector.extract_strided_slice %slice3A_548 {offsets = [0, 128], sizes = [32, 128], strides = [1, 1]} : vector<32x512xf32> to vector<32x128xf32>
    %slice3A_551 = vector.extract_strided_slice %slice3A_548 {offsets = [0, 256], sizes = [32, 128], strides = [1, 1]} : vector<32x512xf32> to vector<32x128xf32>
    %slice3A_552 = vector.extract_strided_slice %slice3A_548 {offsets = [0, 384], sizes = [32, 128], strides = [1, 1]} : vector<32x512xf32> to vector<32x128xf32>
    %concatenate3A_553 = tpu.concatenate %slice3A_549, %slice3A_550, %slice3A_551, %slice3A_552 in 0 : vector<32x128xf32>, vector<32x128xf32>, vector<32x128xf32>, vector<32x128xf32> -> vector<128x128xf32>
    %transpose3A_554 = tpu.transpose %concatenate3A_553, [1, 0] : vector<128x128xf32> -> vector<128x128xf32>
    %swap3A_555 = arith.constant 7040 : index
    %swap3A_556 = arith.constant 0 : index
    %swap3A_557 = vector.load %arg2[%swap3A_555, %swap3A_556] : memref<16384x128xf32, #tpu.memory_space<vmem>>, vector<128x128xf32>
    tpu.vector_store %arg2[%swap3A_555, %swap3A_556], %transpose3A_554 {strides = array<i32>} : memref<16384x128xf32, #tpu.memory_space<vmem>>, vector<128x128xf32>,
    %slice3A_558 = vector.extract_strided_slice %get3A_1 {offsets = [0, 28672], sizes = [32, 512], strides = [1, 1]} : vector<32x65536xf32> to vector<32x512xf32>
    %slice3A_559 = vector.extract_strided_slice %slice3A_558 {offsets = [0, 0], sizes = [32, 128], strides = [1, 1]} : vector<32x512xf32> to vector<32x128xf32>
    %slice3A_560 = vector.extract_strided_slice %slice3A_558 {offsets = [0, 128], sizes = [32, 128], strides = [1, 1]} : vector<32x512xf32> to vector<32x128xf32>
    %slice3A_561 = vector.extract_strided_slice %slice3A_558 {offsets = [0, 256], sizes = [32, 128], strides = [1, 1]} : vector<32x512xf32> to vector<32x128xf32>
    %slice3A_562 = vector.extract_strided_slice %slice3A_558 {offsets = [0, 384], sizes = [32, 128], strides = [1, 1]} : vector<32x512xf32> to vector<32x128xf32>
    %concatenate3A_563 = tpu.concatenate %slice3A_559, %slice3A_560, %slice3A_561, %slice3A_562 in 0 : vector<32x128xf32>, vector<32x128xf32>, vector<32x128xf32>, vector<32x128xf32> -> vector<128x128xf32>
    %transpose3A_564 = tpu.transpose %concatenate3A_563, [1, 0] : vector<128x128xf32> -> vector<128x128xf32>
    %swap3A_565 = arith.constant 7168 : index
    %swap3A_566 = arith.constant 0 : index
    %swap3A_567 = vector.load %arg2[%swap3A_565, %swap3A_566] : memref<16384x128xf32, #tpu.memory_space<vmem>>, vector<128x128xf32>
    tpu.vector_store %arg2[%swap3A_565, %swap3A_566], %transpose3A_564 {strides = array<i32>} : memref<16384x128xf32, #tpu.memory_space<vmem>>, vector<128x128xf32>,
    %slice3A_568 = vector.extract_strided_slice %get3A_1 {offsets = [0, 29184], sizes = [32, 512], strides = [1, 1]} : vector<32x65536xf32> to vector<32x512xf32>
    %slice3A_569 = vector.extract_strided_slice %slice3A_568 {offsets = [0, 0], sizes = [32, 128], strides = [1, 1]} : vector<32x512xf32> to vector<32x128xf32>
    %slice3A_570 = vector.extract_strided_slice %slice3A_568 {offsets = [0, 128], sizes = [32, 128], strides = [1, 1]} : vector<32x512xf32> to vector<32x128xf32>
    %slice3A_571 = vector.extract_strided_slice %slice3A_568 {offsets = [0, 256], sizes = [32, 128], strides = [1, 1]} : vector<32x512xf32> to vector<32x128xf32>
    %slice3A_572 = vector.extract_strided_slice %slice3A_568 {offsets = [0, 384], sizes = [32, 128], strides = [1, 1]} : vector<32x512xf32> to vector<32x128xf32>
    %concatenate3A_573 = tpu.concatenate %slice3A_569, %slice3A_570, %slice3A_571, %slice3A_572 in 0 : vector<32x128xf32>, vector<32x128xf32>, vector<32x128xf32>, vector<32x128xf32> -> vector<128x128xf32>
    %transpose3A_574 = tpu.transpose %concatenate3A_573, [1, 0] : vector<128x128xf32> -> vector<128x128xf32>
    %swap3A_575 = arith.constant 7296 : index
    %swap3A_576 = arith.constant 0 : index
    %swap3A_577 = vector.load %arg2[%swap3A_575, %swap3A_576] : memref<16384x128xf32, #tpu.memory_space<vmem>>, vector<128x128xf32>
    tpu.vector_store %arg2[%swap3A_575, %swap3A_576], %transpose3A_574 {strides = array<i32>} : memref<16384x128xf32, #tpu.memory_space<vmem>>, vector<128x128xf32>,
    %slice3A_578 = vector.extract_strided_slice %get3A_1 {offsets = [0, 29696], sizes = [32, 512], strides = [1, 1]} : vector<32x65536xf32> to vector<32x512xf32>
    %slice3A_579 = vector.extract_strided_slice %slice3A_578 {offsets = [0, 0], sizes = [32, 128], strides = [1, 1]} : vector<32x512xf32> to vector<32x128xf32>
    %slice3A_580 = vector.extract_strided_slice %slice3A_578 {offsets = [0, 128], sizes = [32, 128], strides = [1, 1]} : vector<32x512xf32> to vector<32x128xf32>
    %slice3A_581 = vector.extract_strided_slice %slice3A_578 {offsets = [0, 256], sizes = [32, 128], strides = [1, 1]} : vector<32x512xf32> to vector<32x128xf32>
    %slice3A_582 = vector.extract_strided_slice %slice3A_578 {offsets = [0, 384], sizes = [32, 128], strides = [1, 1]} : vector<32x512xf32> to vector<32x128xf32>
    %concatenate3A_583 = tpu.concatenate %slice3A_579, %slice3A_580, %slice3A_581, %slice3A_582 in 0 : vector<32x128xf32>, vector<32x128xf32>, vector<32x128xf32>, vector<32x128xf32> -> vector<128x128xf32>
    %transpose3A_584 = tpu.transpose %concatenate3A_583, [1, 0] : vector<128x128xf32> -> vector<128x128xf32>
    %swap3A_585 = arith.constant 7424 : index
    %swap3A_586 = arith.constant 0 : index
    %swap3A_587 = vector.load %arg2[%swap3A_585, %swap3A_586] : memref<16384x128xf32, #tpu.memory_space<vmem>>, vector<128x128xf32>
    tpu.vector_store %arg2[%swap3A_585, %swap3A_586], %transpose3A_584 {strides = array<i32>} : memref<16384x128xf32, #tpu.memory_space<vmem>>, vector<128x128xf32>,
    %slice3A_588 = vector.extract_strided_slice %get3A_1 {offsets = [0, 30208], sizes = [32, 512], strides = [1, 1]} : vector<32x65536xf32> to vector<32x512xf32>
    %slice3A_589 = vector.extract_strided_slice %slice3A_588 {offsets = [0, 0], sizes = [32, 128], strides = [1, 1]} : vector<32x512xf32> to vector<32x128xf32>
    %slice3A_590 = vector.extract_strided_slice %slice3A_588 {offsets = [0, 128], sizes = [32, 128], strides = [1, 1]} : vector<32x512xf32> to vector<32x128xf32>
    %slice3A_591 = vector.extract_strided_slice %slice3A_588 {offsets = [0, 256], sizes = [32, 128], strides = [1, 1]} : vector<32x512xf32> to vector<32x128xf32>
    %slice3A_592 = vector.extract_strided_slice %slice3A_588 {offsets = [0, 384], sizes = [32, 128], strides = [1, 1]} : vector<32x512xf32> to vector<32x128xf32>
    %concatenate3A_593 = tpu.concatenate %slice3A_589, %slice3A_590, %slice3A_591, %slice3A_592 in 0 : vector<32x128xf32>, vector<32x128xf32>, vector<32x128xf32>, vector<32x128xf32> -> vector<128x128xf32>
    %transpose3A_594 = tpu.transpose %concatenate3A_593, [1, 0] : vector<128x128xf32> -> vector<128x128xf32>
    %swap3A_595 = arith.constant 7552 : index
    %swap3A_596 = arith.constant 0 : index
    %swap3A_597 = vector.load %arg2[%swap3A_595, %swap3A_596] : memref<16384x128xf32, #tpu.memory_space<vmem>>, vector<128x128xf32>
    tpu.vector_store %arg2[%swap3A_595, %swap3A_596], %transpose3A_594 {strides = array<i32>} : memref<16384x128xf32, #tpu.memory_space<vmem>>, vector<128x128xf32>,
    %slice3A_598 = vector.extract_strided_slice %get3A_1 {offsets = [0, 30720], sizes = [32, 512], strides = [1, 1]} : vector<32x65536xf32> to vector<32x512xf32>
    %slice3A_599 = vector.extract_strided_slice %slice3A_598 {offsets = [0, 0], sizes = [32, 128], strides = [1, 1]} : vector<32x512xf32> to vector<32x128xf32>
    %slice3A_600 = vector.extract_strided_slice %slice3A_598 {offsets = [0, 128], sizes = [32, 128], strides = [1, 1]} : vector<32x512xf32> to vector<32x128xf32>
    %slice3A_601 = vector.extract_strided_slice %slice3A_598 {offsets = [0, 256], sizes = [32, 128], strides = [1, 1]} : vector<32x512xf32> to vector<32x128xf32>
    %slice3A_602 = vector.extract_strided_slice %slice3A_598 {offsets = [0, 384], sizes = [32, 128], strides = [1, 1]} : vector<32x512xf32> to vector<32x128xf32>
    %concatenate3A_603 = tpu.concatenate %slice3A_599, %slice3A_600, %slice3A_601, %slice3A_602 in 0 : vector<32x128xf32>, vector<32x128xf32>, vector<32x128xf32>, vector<32x128xf32> -> vector<128x128xf32>
    %transpose3A_604 = tpu.transpose %concatenate3A_603, [1, 0] : vector<128x128xf32> -> vector<128x128xf32>
    %swap3A_605 = arith.constant 7680 : index
    %swap3A_606 = arith.constant 0 : index
    %swap3A_607 = vector.load %arg2[%swap3A_605, %swap3A_606] : memref<16384x128xf32, #tpu.memory_space<vmem>>, vector<128x128xf32>
    tpu.vector_store %arg2[%swap3A_605, %swap3A_606], %transpose3A_604 {strides = array<i32>} : memref<16384x128xf32, #tpu.memory_space<vmem>>, vector<128x128xf32>,
    %slice3A_608 = vector.extract_strided_slice %get3A_1 {offsets = [0, 31232], sizes = [32, 512], strides = [1, 1]} : vector<32x65536xf32> to vector<32x512xf32>
    %slice3A_609 = vector.extract_strided_slice %slice3A_608 {offsets = [0, 0], sizes = [32, 128], strides = [1, 1]} : vector<32x512xf32> to vector<32x128xf32>
    %slice3A_610 = vector.extract_strided_slice %slice3A_608 {offsets = [0, 128], sizes = [32, 128], strides = [1, 1]} : vector<32x512xf32> to vector<32x128xf32>
    %slice3A_611 = vector.extract_strided_slice %slice3A_608 {offsets = [0, 256], sizes = [32, 128], strides = [1, 1]} : vector<32x512xf32> to vector<32x128xf32>
    %slice3A_612 = vector.extract_strided_slice %slice3A_608 {offsets = [0, 384], sizes = [32, 128], strides = [1, 1]} : vector<32x512xf32> to vector<32x128xf32>
    %concatenate3A_613 = tpu.concatenate %slice3A_609, %slice3A_610, %slice3A_611, %slice3A_612 in 0 : vector<32x128xf32>, vector<32x128xf32>, vector<32x128xf32>, vector<32x128xf32> -> vector<128x128xf32>
    %transpose3A_614 = tpu.transpose %concatenate3A_613, [1, 0] : vector<128x128xf32> -> vector<128x128xf32>
    %swap3A_615 = arith.constant 7808 : index
    %swap3A_616 = arith.constant 0 : index
    %swap3A_617 = vector.load %arg2[%swap3A_615, %swap3A_616] : memref<16384x128xf32, #tpu.memory_space<vmem>>, vector<128x128xf32>
    tpu.vector_store %arg2[%swap3A_615, %swap3A_616], %transpose3A_614 {strides = array<i32>} : memref<16384x128xf32, #tpu.memory_space<vmem>>, vector<128x128xf32>,
    %slice3A_618 = vector.extract_strided_slice %get3A_1 {offsets = [0, 31744], sizes = [32, 512], strides = [1, 1]} : vector<32x65536xf32> to vector<32x512xf32>
    %slice3A_619 = vector.extract_strided_slice %slice3A_618 {offsets = [0, 0], sizes = [32, 128], strides = [1, 1]} : vector<32x512xf32> to vector<32x128xf32>
    %slice3A_620 = vector.extract_strided_slice %slice3A_618 {offsets = [0, 128], sizes = [32, 128], strides = [1, 1]} : vector<32x512xf32> to vector<32x128xf32>
    %slice3A_621 = vector.extract_strided_slice %slice3A_618 {offsets = [0, 256], sizes = [32, 128], strides = [1, 1]} : vector<32x512xf32> to vector<32x128xf32>
    %slice3A_622 = vector.extract_strided_slice %slice3A_618 {offsets = [0, 384], sizes = [32, 128], strides = [1, 1]} : vector<32x512xf32> to vector<32x128xf32>
    %concatenate3A_623 = tpu.concatenate %slice3A_619, %slice3A_620, %slice3A_621, %slice3A_622 in 0 : vector<32x128xf32>, vector<32x128xf32>, vector<32x128xf32>, vector<32x128xf32> -> vector<128x128xf32>
    %transpose3A_624 = tpu.transpose %concatenate3A_623, [1, 0] : vector<128x128xf32> -> vector<128x128xf32>
    %swap3A_625 = arith.constant 7936 : index
    %swap3A_626 = arith.constant 0 : index
    %swap3A_627 = vector.load %arg2[%swap3A_625, %swap3A_626] : memref<16384x128xf32, #tpu.memory_space<vmem>>, vector<128x128xf32>
    tpu.vector_store %arg2[%swap3A_625, %swap3A_626], %transpose3A_624 {strides = array<i32>} : memref<16384x128xf32, #tpu.memory_space<vmem>>, vector<128x128xf32>,
    %slice3A_628 = vector.extract_strided_slice %get3A_1 {offsets = [0, 32256], sizes = [32, 512], strides = [1, 1]} : vector<32x65536xf32> to vector<32x512xf32>
    %slice3A_629 = vector.extract_strided_slice %slice3A_628 {offsets = [0, 0], sizes = [32, 128], strides = [1, 1]} : vector<32x512xf32> to vector<32x128xf32>
    %slice3A_630 = vector.extract_strided_slice %slice3A_628 {offsets = [0, 128], sizes = [32, 128], strides = [1, 1]} : vector<32x512xf32> to vector<32x128xf32>
    %slice3A_631 = vector.extract_strided_slice %slice3A_628 {offsets = [0, 256], sizes = [32, 128], strides = [1, 1]} : vector<32x512xf32> to vector<32x128xf32>
    %slice3A_632 = vector.extract_strided_slice %slice3A_628 {offsets = [0, 384], sizes = [32, 128], strides = [1, 1]} : vector<32x512xf32> to vector<32x128xf32>
    %concatenate3A_633 = tpu.concatenate %slice3A_629, %slice3A_630, %slice3A_631, %slice3A_632 in 0 : vector<32x128xf32>, vector<32x128xf32>, vector<32x128xf32>, vector<32x128xf32> -> vector<128x128xf32>
    %transpose3A_634 = tpu.transpose %concatenate3A_633, [1, 0] : vector<128x128xf32> -> vector<128x128xf32>
    %swap3A_635 = arith.constant 8064 : index
    %swap3A_636 = arith.constant 0 : index
    %swap3A_637 = vector.load %arg2[%swap3A_635, %swap3A_636] : memref<16384x128xf32, #tpu.memory_space<vmem>>, vector<128x128xf32>
    tpu.vector_store %arg2[%swap3A_635, %swap3A_636], %transpose3A_634 {strides = array<i32>} : memref<16384x128xf32, #tpu.memory_space<vmem>>, vector<128x128xf32>,
    %slice3A_638 = vector.extract_strided_slice %get3A_1 {offsets = [0, 32768], sizes = [32, 512], strides = [1, 1]} : vector<32x65536xf32> to vector<32x512xf32>
    %slice3A_639 = vector.extract_strided_slice %slice3A_638 {offsets = [0, 0], sizes = [32, 128], strides = [1, 1]} : vector<32x512xf32> to vector<32x128xf32>
    %slice3A_640 = vector.extract_strided_slice %slice3A_638 {offsets = [0, 128], sizes = [32, 128], strides = [1, 1]} : vector<32x512xf32> to vector<32x128xf32>
    %slice3A_641 = vector.extract_strided_slice %slice3A_638 {offsets = [0, 256], sizes = [32, 128], strides = [1, 1]} : vector<32x512xf32> to vector<32x128xf32>
    %slice3A_642 = vector.extract_strided_slice %slice3A_638 {offsets = [0, 384], sizes = [32, 128], strides = [1, 1]} : vector<32x512xf32> to vector<32x128xf32>
    %concatenate3A_643 = tpu.concatenate %slice3A_639, %slice3A_640, %slice3A_641, %slice3A_642 in 0 : vector<32x128xf32>, vector<32x128xf32>, vector<32x128xf32>, vector<32x128xf32> -> vector<128x128xf32>
    %transpose3A_644 = tpu.transpose %concatenate3A_643, [1, 0] : vector<128x128xf32> -> vector<128x128xf32>
    %swap3A_645 = arith.constant 8192 : index
    %swap3A_646 = arith.constant 0 : index
    %swap3A_647 = vector.load %arg2[%swap3A_645, %swap3A_646] : memref<16384x128xf32, #tpu.memory_space<vmem>>, vector<128x128xf32>
    tpu.vector_store %arg2[%swap3A_645, %swap3A_646], %transpose3A_644 {strides = array<i32>} : memref<16384x128xf32, #tpu.memory_space<vmem>>, vector<128x128xf32>,
    %slice3A_648 = vector.extract_strided_slice %get3A_1 {offsets = [0, 33280], sizes = [32, 512], strides = [1, 1]} : vector<32x65536xf32> to vector<32x512xf32>
    %slice3A_649 = vector.extract_strided_slice %slice3A_648 {offsets = [0, 0], sizes = [32, 128], strides = [1, 1]} : vector<32x512xf32> to vector<32x128xf32>
    %slice3A_650 = vector.extract_strided_slice %slice3A_648 {offsets = [0, 128], sizes = [32, 128], strides = [1, 1]} : vector<32x512xf32> to vector<32x128xf32>
    %slice3A_651 = vector.extract_strided_slice %slice3A_648 {offsets = [0, 256], sizes = [32, 128], strides = [1, 1]} : vector<32x512xf32> to vector<32x128xf32>
    %slice3A_652 = vector.extract_strided_slice %slice3A_648 {offsets = [0, 384], sizes = [32, 128], strides = [1, 1]} : vector<32x512xf32> to vector<32x128xf32>
    %concatenate3A_653 = tpu.concatenate %slice3A_649, %slice3A_650, %slice3A_651, %slice3A_652 in 0 : vector<32x128xf32>, vector<32x128xf32>, vector<32x128xf32>, vector<32x128xf32> -> vector<128x128xf32>
    %transpose3A_654 = tpu.transpose %concatenate3A_653, [1, 0] : vector<128x128xf32> -> vector<128x128xf32>
    %swap3A_655 = arith.constant 8320 : index
    %swap3A_656 = arith.constant 0 : index
    %swap3A_657 = vector.load %arg2[%swap3A_655, %swap3A_656] : memref<16384x128xf32, #tpu.memory_space<vmem>>, vector<128x128xf32>
    tpu.vector_store %arg2[%swap3A_655, %swap3A_656], %transpose3A_654 {strides = array<i32>} : memref<16384x128xf32, #tpu.memory_space<vmem>>, vector<128x128xf32>,
    %slice3A_658 = vector.extract_strided_slice %get3A_1 {offsets = [0, 33792], sizes = [32, 512], strides = [1, 1]} : vector<32x65536xf32> to vector<32x512xf32>
    %slice3A_659 = vector.extract_strided_slice %slice3A_658 {offsets = [0, 0], sizes = [32, 128], strides = [1, 1]} : vector<32x512xf32> to vector<32x128xf32>
    %slice3A_660 = vector.extract_strided_slice %slice3A_658 {offsets = [0, 128], sizes = [32, 128], strides = [1, 1]} : vector<32x512xf32> to vector<32x128xf32>
    %slice3A_661 = vector.extract_strided_slice %slice3A_658 {offsets = [0, 256], sizes = [32, 128], strides = [1, 1]} : vector<32x512xf32> to vector<32x128xf32>
    %slice3A_662 = vector.extract_strided_slice %slice3A_658 {offsets = [0, 384], sizes = [32, 128], strides = [1, 1]} : vector<32x512xf32> to vector<32x128xf32>
    %concatenate3A_663 = tpu.concatenate %slice3A_659, %slice3A_660, %slice3A_661, %slice3A_662 in 0 : vector<32x128xf32>, vector<32x128xf32>, vector<32x128xf32>, vector<32x128xf32> -> vector<128x128xf32>
    %transpose3A_664 = tpu.transpose %concatenate3A_663, [1, 0] : vector<128x128xf32> -> vector<128x128xf32>
    %swap3A_665 = arith.constant 8448 : index
    %swap3A_666 = arith.constant 0 : index
    %swap3A_667 = vector.load %arg2[%swap3A_665, %swap3A_666] : memref<16384x128xf32, #tpu.memory_space<vmem>>, vector<128x128xf32>
    tpu.vector_store %arg2[%swap3A_665, %swap3A_666], %transpose3A_664 {strides = array<i32>} : memref<16384x128xf32, #tpu.memory_space<vmem>>, vector<128x128xf32>,
    %slice3A_668 = vector.extract_strided_slice %get3A_1 {offsets = [0, 34304], sizes = [32, 512], strides = [1, 1]} : vector<32x65536xf32> to vector<32x512xf32>
    %slice3A_669 = vector.extract_strided_slice %slice3A_668 {offsets = [0, 0], sizes = [32, 128], strides = [1, 1]} : vector<32x512xf32> to vector<32x128xf32>
    %slice3A_670 = vector.extract_strided_slice %slice3A_668 {offsets = [0, 128], sizes = [32, 128], strides = [1, 1]} : vector<32x512xf32> to vector<32x128xf32>
    %slice3A_671 = vector.extract_strided_slice %slice3A_668 {offsets = [0, 256], sizes = [32, 128], strides = [1, 1]} : vector<32x512xf32> to vector<32x128xf32>
    %slice3A_672 = vector.extract_strided_slice %slice3A_668 {offsets = [0, 384], sizes = [32, 128], strides = [1, 1]} : vector<32x512xf32> to vector<32x128xf32>
    %concatenate3A_673 = tpu.concatenate %slice3A_669, %slice3A_670, %slice3A_671, %slice3A_672 in 0 : vector<32x128xf32>, vector<32x128xf32>, vector<32x128xf32>, vector<32x128xf32> -> vector<128x128xf32>
    %transpose3A_674 = tpu.transpose %concatenate3A_673, [1, 0] : vector<128x128xf32> -> vector<128x128xf32>
    %swap3A_675 = arith.constant 8576 : index
    %swap3A_676 = arith.constant 0 : index
    %swap3A_677 = vector.load %arg2[%swap3A_675, %swap3A_676] : memref<16384x128xf32, #tpu.memory_space<vmem>>, vector<128x128xf32>
    tpu.vector_store %arg2[%swap3A_675, %swap3A_676], %transpose3A_674 {strides = array<i32>} : memref<16384x128xf32, #tpu.memory_space<vmem>>, vector<128x128xf32>,
    %slice3A_678 = vector.extract_strided_slice %get3A_1 {offsets = [0, 34816], sizes = [32, 512], strides = [1, 1]} : vector<32x65536xf32> to vector<32x512xf32>
    %slice3A_679 = vector.extract_strided_slice %slice3A_678 {offsets = [0, 0], sizes = [32, 128], strides = [1, 1]} : vector<32x512xf32> to vector<32x128xf32>
    %slice3A_680 = vector.extract_strided_slice %slice3A_678 {offsets = [0, 128], sizes = [32, 128], strides = [1, 1]} : vector<32x512xf32> to vector<32x128xf32>
    %slice3A_681 = vector.extract_strided_slice %slice3A_678 {offsets = [0, 256], sizes = [32, 128], strides = [1, 1]} : vector<32x512xf32> to vector<32x128xf32>
    %slice3A_682 = vector.extract_strided_slice %slice3A_678 {offsets = [0, 384], sizes = [32, 128], strides = [1, 1]} : vector<32x512xf32> to vector<32x128xf32>
    %concatenate3A_683 = tpu.concatenate %slice3A_679, %slice3A_680, %slice3A_681, %slice3A_682 in 0 : vector<32x128xf32>, vector<32x128xf32>, vector<32x128xf32>, vector<32x128xf32> -> vector<128x128xf32>
    %transpose3A_684 = tpu.transpose %concatenate3A_683, [1, 0] : vector<128x128xf32> -> vector<128x128xf32>
    %swap3A_685 = arith.constant 8704 : index
    %swap3A_686 = arith.constant 0 : index
    %swap3A_687 = vector.load %arg2[%swap3A_685, %swap3A_686] : memref<16384x128xf32, #tpu.memory_space<vmem>>, vector<128x128xf32>
    tpu.vector_store %arg2[%swap3A_685, %swap3A_686], %transpose3A_684 {strides = array<i32>} : memref<16384x128xf32, #tpu.memory_space<vmem>>, vector<128x128xf32>,
    %slice3A_688 = vector.extract_strided_slice %get3A_1 {offsets = [0, 35328], sizes = [32, 512], strides = [1, 1]} : vector<32x65536xf32> to vector<32x512xf32>
    %slice3A_689 = vector.extract_strided_slice %slice3A_688 {offsets = [0, 0], sizes = [32, 128], strides = [1, 1]} : vector<32x512xf32> to vector<32x128xf32>
    %slice3A_690 = vector.extract_strided_slice %slice3A_688 {offsets = [0, 128], sizes = [32, 128], strides = [1, 1]} : vector<32x512xf32> to vector<32x128xf32>
    %slice3A_691 = vector.extract_strided_slice %slice3A_688 {offsets = [0, 256], sizes = [32, 128], strides = [1, 1]} : vector<32x512xf32> to vector<32x128xf32>
    %slice3A_692 = vector.extract_strided_slice %slice3A_688 {offsets = [0, 384], sizes = [32, 128], strides = [1, 1]} : vector<32x512xf32> to vector<32x128xf32>
    %concatenate3A_693 = tpu.concatenate %slice3A_689, %slice3A_690, %slice3A_691, %slice3A_692 in 0 : vector<32x128xf32>, vector<32x128xf32>, vector<32x128xf32>, vector<32x128xf32> -> vector<128x128xf32>
    %transpose3A_694 = tpu.transpose %concatenate3A_693, [1, 0] : vector<128x128xf32> -> vector<128x128xf32>
    %swap3A_695 = arith.constant 8832 : index
    %swap3A_696 = arith.constant 0 : index
    %swap3A_697 = vector.load %arg2[%swap3A_695, %swap3A_696] : memref<16384x128xf32, #tpu.memory_space<vmem>>, vector<128x128xf32>
    tpu.vector_store %arg2[%swap3A_695, %swap3A_696], %transpose3A_694 {strides = array<i32>} : memref<16384x128xf32, #tpu.memory_space<vmem>>, vector<128x128xf32>,
    %slice3A_698 = vector.extract_strided_slice %get3A_1 {offsets = [0, 35840], sizes = [32, 512], strides = [1, 1]} : vector<32x65536xf32> to vector<32x512xf32>
    %slice3A_699 = vector.extract_strided_slice %slice3A_698 {offsets = [0, 0], sizes = [32, 128], strides = [1, 1]} : vector<32x512xf32> to vector<32x128xf32>
    %slice3A_700 = vector.extract_strided_slice %slice3A_698 {offsets = [0, 128], sizes = [32, 128], strides = [1, 1]} : vector<32x512xf32> to vector<32x128xf32>
    %slice3A_701 = vector.extract_strided_slice %slice3A_698 {offsets = [0, 256], sizes = [32, 128], strides = [1, 1]} : vector<32x512xf32> to vector<32x128xf32>
    %slice3A_702 = vector.extract_strided_slice %slice3A_698 {offsets = [0, 384], sizes = [32, 128], strides = [1, 1]} : vector<32x512xf32> to vector<32x128xf32>
    %concatenate3A_703 = tpu.concatenate %slice3A_699, %slice3A_700, %slice3A_701, %slice3A_702 in 0 : vector<32x128xf32>, vector<32x128xf32>, vector<32x128xf32>, vector<32x128xf32> -> vector<128x128xf32>
    %transpose3A_704 = tpu.transpose %concatenate3A_703, [1, 0] : vector<128x128xf32> -> vector<128x128xf32>
    %swap3A_705 = arith.constant 8960 : index
    %swap3A_706 = arith.constant 0 : index
    %swap3A_707 = vector.load %arg2[%swap3A_705, %swap3A_706] : memref<16384x128xf32, #tpu.memory_space<vmem>>, vector<128x128xf32>
    tpu.vector_store %arg2[%swap3A_705, %swap3A_706], %transpose3A_704 {strides = array<i32>} : memref<16384x128xf32, #tpu.memory_space<vmem>>, vector<128x128xf32>,
    %slice3A_708 = vector.extract_strided_slice %get3A_1 {offsets = [0, 36352], sizes = [32, 512], strides = [1, 1]} : vector<32x65536xf32> to vector<32x512xf32>
    %slice3A_709 = vector.extract_strided_slice %slice3A_708 {offsets = [0, 0], sizes = [32, 128], strides = [1, 1]} : vector<32x512xf32> to vector<32x128xf32>
    %slice3A_710 = vector.extract_strided_slice %slice3A_708 {offsets = [0, 128], sizes = [32, 128], strides = [1, 1]} : vector<32x512xf32> to vector<32x128xf32>
    %slice3A_711 = vector.extract_strided_slice %slice3A_708 {offsets = [0, 256], sizes = [32, 128], strides = [1, 1]} : vector<32x512xf32> to vector<32x128xf32>
    %slice3A_712 = vector.extract_strided_slice %slice3A_708 {offsets = [0, 384], sizes = [32, 128], strides = [1, 1]} : vector<32x512xf32> to vector<32x128xf32>
    %concatenate3A_713 = tpu.concatenate %slice3A_709, %slice3A_710, %slice3A_711, %slice3A_712 in 0 : vector<32x128xf32>, vector<32x128xf32>, vector<32x128xf32>, vector<32x128xf32> -> vector<128x128xf32>
    %transpose3A_714 = tpu.transpose %concatenate3A_713, [1, 0] : vector<128x128xf32> -> vector<128x128xf32>
    %swap3A_715 = arith.constant 9088 : index
    %swap3A_716 = arith.constant 0 : index
    %swap3A_717 = vector.load %arg2[%swap3A_715, %swap3A_716] : memref<16384x128xf32, #tpu.memory_space<vmem>>, vector<128x128xf32>
    tpu.vector_store %arg2[%swap3A_715, %swap3A_716], %transpose3A_714 {strides = array<i32>} : memref<16384x128xf32, #tpu.memory_space<vmem>>, vector<128x128xf32>,
    %slice3A_718 = vector.extract_strided_slice %get3A_1 {offsets = [0, 36864], sizes = [32, 512], strides = [1, 1]} : vector<32x65536xf32> to vector<32x512xf32>
    %slice3A_719 = vector.extract_strided_slice %slice3A_718 {offsets = [0, 0], sizes = [32, 128], strides = [1, 1]} : vector<32x512xf32> to vector<32x128xf32>
    %slice3A_720 = vector.extract_strided_slice %slice3A_718 {offsets = [0, 128], sizes = [32, 128], strides = [1, 1]} : vector<32x512xf32> to vector<32x128xf32>
    %slice3A_721 = vector.extract_strided_slice %slice3A_718 {offsets = [0, 256], sizes = [32, 128], strides = [1, 1]} : vector<32x512xf32> to vector<32x128xf32>
    %slice3A_722 = vector.extract_strided_slice %slice3A_718 {offsets = [0, 384], sizes = [32, 128], strides = [1, 1]} : vector<32x512xf32> to vector<32x128xf32>
    %concatenate3A_723 = tpu.concatenate %slice3A_719, %slice3A_720, %slice3A_721, %slice3A_722 in 0 : vector<32x128xf32>, vector<32x128xf32>, vector<32x128xf32>, vector<32x128xf32> -> vector<128x128xf32>
    %transpose3A_724 = tpu.transpose %concatenate3A_723, [1, 0] : vector<128x128xf32> -> vector<128x128xf32>
    %swap3A_725 = arith.constant 9216 : index
    %swap3A_726 = arith.constant 0 : index
    %swap3A_727 = vector.load %arg2[%swap3A_725, %swap3A_726] : memref<16384x128xf32, #tpu.memory_space<vmem>>, vector<128x128xf32>
    tpu.vector_store %arg2[%swap3A_725, %swap3A_726], %transpose3A_724 {strides = array<i32>} : memref<16384x128xf32, #tpu.memory_space<vmem>>, vector<128x128xf32>,
    %slice3A_728 = vector.extract_strided_slice %get3A_1 {offsets = [0, 37376], sizes = [32, 512], strides = [1, 1]} : vector<32x65536xf32> to vector<32x512xf32>
    %slice3A_729 = vector.extract_strided_slice %slice3A_728 {offsets = [0, 0], sizes = [32, 128], strides = [1, 1]} : vector<32x512xf32> to vector<32x128xf32>
    %slice3A_730 = vector.extract_strided_slice %slice3A_728 {offsets = [0, 128], sizes = [32, 128], strides = [1, 1]} : vector<32x512xf32> to vector<32x128xf32>
    %slice3A_731 = vector.extract_strided_slice %slice3A_728 {offsets = [0, 256], sizes = [32, 128], strides = [1, 1]} : vector<32x512xf32> to vector<32x128xf32>
    %slice3A_732 = vector.extract_strided_slice %slice3A_728 {offsets = [0, 384], sizes = [32, 128], strides = [1, 1]} : vector<32x512xf32> to vector<32x128xf32>
    %concatenate3A_733 = tpu.concatenate %slice3A_729, %slice3A_730, %slice3A_731, %slice3A_732 in 0 : vector<32x128xf32>, vector<32x128xf32>, vector<32x128xf32>, vector<32x128xf32> -> vector<128x128xf32>
    %transpose3A_734 = tpu.transpose %concatenate3A_733, [1, 0] : vector<128x128xf32> -> vector<128x128xf32>
    %swap3A_735 = arith.constant 9344 : index
    %swap3A_736 = arith.constant 0 : index
    %swap3A_737 = vector.load %arg2[%swap3A_735, %swap3A_736] : memref<16384x128xf32, #tpu.memory_space<vmem>>, vector<128x128xf32>
    tpu.vector_store %arg2[%swap3A_735, %swap3A_736], %transpose3A_734 {strides = array<i32>} : memref<16384x128xf32, #tpu.memory_space<vmem>>, vector<128x128xf32>,
    %slice3A_738 = vector.extract_strided_slice %get3A_1 {offsets = [0, 37888], sizes = [32, 512], strides = [1, 1]} : vector<32x65536xf32> to vector<32x512xf32>
    %slice3A_739 = vector.extract_strided_slice %slice3A_738 {offsets = [0, 0], sizes = [32, 128], strides = [1, 1]} : vector<32x512xf32> to vector<32x128xf32>
    %slice3A_740 = vector.extract_strided_slice %slice3A_738 {offsets = [0, 128], sizes = [32, 128], strides = [1, 1]} : vector<32x512xf32> to vector<32x128xf32>
    %slice3A_741 = vector.extract_strided_slice %slice3A_738 {offsets = [0, 256], sizes = [32, 128], strides = [1, 1]} : vector<32x512xf32> to vector<32x128xf32>
    %slice3A_742 = vector.extract_strided_slice %slice3A_738 {offsets = [0, 384], sizes = [32, 128], strides = [1, 1]} : vector<32x512xf32> to vector<32x128xf32>
    %concatenate3A_743 = tpu.concatenate %slice3A_739, %slice3A_740, %slice3A_741, %slice3A_742 in 0 : vector<32x128xf32>, vector<32x128xf32>, vector<32x128xf32>, vector<32x128xf32> -> vector<128x128xf32>
    %transpose3A_744 = tpu.transpose %concatenate3A_743, [1, 0] : vector<128x128xf32> -> vector<128x128xf32>
    %swap3A_745 = arith.constant 9472 : index
    %swap3A_746 = arith.constant 0 : index
    %swap3A_747 = vector.load %arg2[%swap3A_745, %swap3A_746] : memref<16384x128xf32, #tpu.memory_space<vmem>>, vector<128x128xf32>
    tpu.vector_store %arg2[%swap3A_745, %swap3A_746], %transpose3A_744 {strides = array<i32>} : memref<16384x128xf32, #tpu.memory_space<vmem>>, vector<128x128xf32>,
    %slice3A_748 = vector.extract_strided_slice %get3A_1 {offsets = [0, 38400], sizes = [32, 512], strides = [1, 1]} : vector<32x65536xf32> to vector<32x512xf32>
    %slice3A_749 = vector.extract_strided_slice %slice3A_748 {offsets = [0, 0], sizes = [32, 128], strides = [1, 1]} : vector<32x512xf32> to vector<32x128xf32>
    %slice3A_750 = vector.extract_strided_slice %slice3A_748 {offsets = [0, 128], sizes = [32, 128], strides = [1, 1]} : vector<32x512xf32> to vector<32x128xf32>
    %slice3A_751 = vector.extract_strided_slice %slice3A_748 {offsets = [0, 256], sizes = [32, 128], strides = [1, 1]} : vector<32x512xf32> to vector<32x128xf32>
    %slice3A_752 = vector.extract_strided_slice %slice3A_748 {offsets = [0, 384], sizes = [32, 128], strides = [1, 1]} : vector<32x512xf32> to vector<32x128xf32>
    %concatenate3A_753 = tpu.concatenate %slice3A_749, %slice3A_750, %slice3A_751, %slice3A_752 in 0 : vector<32x128xf32>, vector<32x128xf32>, vector<32x128xf32>, vector<32x128xf32> -> vector<128x128xf32>
    %transpose3A_754 = tpu.transpose %concatenate3A_753, [1, 0] : vector<128x128xf32> -> vector<128x128xf32>
    %swap3A_755 = arith.constant 9600 : index
    %swap3A_756 = arith.constant 0 : index
    %swap3A_757 = vector.load %arg2[%swap3A_755, %swap3A_756] : memref<16384x128xf32, #tpu.memory_space<vmem>>, vector<128x128xf32>
    tpu.vector_store %arg2[%swap3A_755, %swap3A_756], %transpose3A_754 {strides = array<i32>} : memref<16384x128xf32, #tpu.memory_space<vmem>>, vector<128x128xf32>,
    %slice3A_758 = vector.extract_strided_slice %get3A_1 {offsets = [0, 38912], sizes = [32, 512], strides = [1, 1]} : vector<32x65536xf32> to vector<32x512xf32>
    %slice3A_759 = vector.extract_strided_slice %slice3A_758 {offsets = [0, 0], sizes = [32, 128], strides = [1, 1]} : vector<32x512xf32> to vector<32x128xf32>
    %slice3A_760 = vector.extract_strided_slice %slice3A_758 {offsets = [0, 128], sizes = [32, 128], strides = [1, 1]} : vector<32x512xf32> to vector<32x128xf32>
    %slice3A_761 = vector.extract_strided_slice %slice3A_758 {offsets = [0, 256], sizes = [32, 128], strides = [1, 1]} : vector<32x512xf32> to vector<32x128xf32>
    %slice3A_762 = vector.extract_strided_slice %slice3A_758 {offsets = [0, 384], sizes = [32, 128], strides = [1, 1]} : vector<32x512xf32> to vector<32x128xf32>
    %concatenate3A_763 = tpu.concatenate %slice3A_759, %slice3A_760, %slice3A_761, %slice3A_762 in 0 : vector<32x128xf32>, vector<32x128xf32>, vector<32x128xf32>, vector<32x128xf32> -> vector<128x128xf32>
    %transpose3A_764 = tpu.transpose %concatenate3A_763, [1, 0] : vector<128x128xf32> -> vector<128x128xf32>
    %swap3A_765 = arith.constant 9728 : index
    %swap3A_766 = arith.constant 0 : index
    %swap3A_767 = vector.load %arg2[%swap3A_765, %swap3A_766] : memref<16384x128xf32, #tpu.memory_space<vmem>>, vector<128x128xf32>
    tpu.vector_store %arg2[%swap3A_765, %swap3A_766], %transpose3A_764 {strides = array<i32>} : memref<16384x128xf32, #tpu.memory_space<vmem>>, vector<128x128xf32>,
    %slice3A_768 = vector.extract_strided_slice %get3A_1 {offsets = [0, 39424], sizes = [32, 512], strides = [1, 1]} : vector<32x65536xf32> to vector<32x512xf32>
    %slice3A_769 = vector.extract_strided_slice %slice3A_768 {offsets = [0, 0], sizes = [32, 128], strides = [1, 1]} : vector<32x512xf32> to vector<32x128xf32>
    %slice3A_770 = vector.extract_strided_slice %slice3A_768 {offsets = [0, 128], sizes = [32, 128], strides = [1, 1]} : vector<32x512xf32> to vector<32x128xf32>
    %slice3A_771 = vector.extract_strided_slice %slice3A_768 {offsets = [0, 256], sizes = [32, 128], strides = [1, 1]} : vector<32x512xf32> to vector<32x128xf32>
    %slice3A_772 = vector.extract_strided_slice %slice3A_768 {offsets = [0, 384], sizes = [32, 128], strides = [1, 1]} : vector<32x512xf32> to vector<32x128xf32>
    %concatenate3A_773 = tpu.concatenate %slice3A_769, %slice3A_770, %slice3A_771, %slice3A_772 in 0 : vector<32x128xf32>, vector<32x128xf32>, vector<32x128xf32>, vector<32x128xf32> -> vector<128x128xf32>
    %transpose3A_774 = tpu.transpose %concatenate3A_773, [1, 0] : vector<128x128xf32> -> vector<128x128xf32>
    %swap3A_775 = arith.constant 9856 : index
    %swap3A_776 = arith.constant 0 : index
    %swap3A_777 = vector.load %arg2[%swap3A_775, %swap3A_776] : memref<16384x128xf32, #tpu.memory_space<vmem>>, vector<128x128xf32>
    tpu.vector_store %arg2[%swap3A_775, %swap3A_776], %transpose3A_774 {strides = array<i32>} : memref<16384x128xf32, #tpu.memory_space<vmem>>, vector<128x128xf32>,
    %slice3A_778 = vector.extract_strided_slice %get3A_1 {offsets = [0, 39936], sizes = [32, 512], strides = [1, 1]} : vector<32x65536xf32> to vector<32x512xf32>
    %slice3A_779 = vector.extract_strided_slice %slice3A_778 {offsets = [0, 0], sizes = [32, 128], strides = [1, 1]} : vector<32x512xf32> to vector<32x128xf32>
    %slice3A_780 = vector.extract_strided_slice %slice3A_778 {offsets = [0, 128], sizes = [32, 128], strides = [1, 1]} : vector<32x512xf32> to vector<32x128xf32>
    %slice3A_781 = vector.extract_strided_slice %slice3A_778 {offsets = [0, 256], sizes = [32, 128], strides = [1, 1]} : vector<32x512xf32> to vector<32x128xf32>
    %slice3A_782 = vector.extract_strided_slice %slice3A_778 {offsets = [0, 384], sizes = [32, 128], strides = [1, 1]} : vector<32x512xf32> to vector<32x128xf32>
    %concatenate3A_783 = tpu.concatenate %slice3A_779, %slice3A_780, %slice3A_781, %slice3A_782 in 0 : vector<32x128xf32>, vector<32x128xf32>, vector<32x128xf32>, vector<32x128xf32> -> vector<128x128xf32>
    %transpose3A_784 = tpu.transpose %concatenate3A_783, [1, 0] : vector<128x128xf32> -> vector<128x128xf32>
    %swap3A_785 = arith.constant 9984 : index
    %swap3A_786 = arith.constant 0 : index
    %swap3A_787 = vector.load %arg2[%swap3A_785, %swap3A_786] : memref<16384x128xf32, #tpu.memory_space<vmem>>, vector<128x128xf32>
    tpu.vector_store %arg2[%swap3A_785, %swap3A_786], %transpose3A_784 {strides = array<i32>} : memref<16384x128xf32, #tpu.memory_space<vmem>>, vector<128x128xf32>,
    %slice3A_788 = vector.extract_strided_slice %get3A_1 {offsets = [0, 40448], sizes = [32, 512], strides = [1, 1]} : vector<32x65536xf32> to vector<32x512xf32>
    %slice3A_789 = vector.extract_strided_slice %slice3A_788 {offsets = [0, 0], sizes = [32, 128], strides = [1, 1]} : vector<32x512xf32> to vector<32x128xf32>
    %slice3A_790 = vector.extract_strided_slice %slice3A_788 {offsets = [0, 128], sizes = [32, 128], strides = [1, 1]} : vector<32x512xf32> to vector<32x128xf32>
    %slice3A_791 = vector.extract_strided_slice %slice3A_788 {offsets = [0, 256], sizes = [32, 128], strides = [1, 1]} : vector<32x512xf32> to vector<32x128xf32>
    %slice3A_792 = vector.extract_strided_slice %slice3A_788 {offsets = [0, 384], sizes = [32, 128], strides = [1, 1]} : vector<32x512xf32> to vector<32x128xf32>
    %concatenate3A_793 = tpu.concatenate %slice3A_789, %slice3A_790, %slice3A_791, %slice3A_792 in 0 : vector<32x128xf32>, vector<32x128xf32>, vector<32x128xf32>, vector<32x128xf32> -> vector<128x128xf32>
    %transpose3A_794 = tpu.transpose %concatenate3A_793, [1, 0] : vector<128x128xf32> -> vector<128x128xf32>
    %swap3A_795 = arith.constant 10112 : index
    %swap3A_796 = arith.constant 0 : index
    %swap3A_797 = vector.load %arg2[%swap3A_795, %swap3A_796] : memref<16384x128xf32, #tpu.memory_space<vmem>>, vector<128x128xf32>
    tpu.vector_store %arg2[%swap3A_795, %swap3A_796], %transpose3A_794 {strides = array<i32>} : memref<16384x128xf32, #tpu.memory_space<vmem>>, vector<128x128xf32>,
    %slice3A_798 = vector.extract_strided_slice %get3A_1 {offsets = [0, 40960], sizes = [32, 512], strides = [1, 1]} : vector<32x65536xf32> to vector<32x512xf32>
    %slice3A_799 = vector.extract_strided_slice %slice3A_798 {offsets = [0, 0], sizes = [32, 128], strides = [1, 1]} : vector<32x512xf32> to vector<32x128xf32>
    %slice3A_800 = vector.extract_strided_slice %slice3A_798 {offsets = [0, 128], sizes = [32, 128], strides = [1, 1]} : vector<32x512xf32> to vector<32x128xf32>
    %slice3A_801 = vector.extract_strided_slice %slice3A_798 {offsets = [0, 256], sizes = [32, 128], strides = [1, 1]} : vector<32x512xf32> to vector<32x128xf32>
    %slice3A_802 = vector.extract_strided_slice %slice3A_798 {offsets = [0, 384], sizes = [32, 128], strides = [1, 1]} : vector<32x512xf32> to vector<32x128xf32>
    %concatenate3A_803 = tpu.concatenate %slice3A_799, %slice3A_800, %slice3A_801, %slice3A_802 in 0 : vector<32x128xf32>, vector<32x128xf32>, vector<32x128xf32>, vector<32x128xf32> -> vector<128x128xf32>
    %transpose3A_804 = tpu.transpose %concatenate3A_803, [1, 0] : vector<128x128xf32> -> vector<128x128xf32>
    %swap3A_805 = arith.constant 10240 : index
    %swap3A_806 = arith.constant 0 : index
    %swap3A_807 = vector.load %arg2[%swap3A_805, %swap3A_806] : memref<16384x128xf32, #tpu.memory_space<vmem>>, vector<128x128xf32>
    tpu.vector_store %arg2[%swap3A_805, %swap3A_806], %transpose3A_804 {strides = array<i32>} : memref<16384x128xf32, #tpu.memory_space<vmem>>, vector<128x128xf32>,
    %slice3A_808 = vector.extract_strided_slice %get3A_1 {offsets = [0, 41472], sizes = [32, 512], strides = [1, 1]} : vector<32x65536xf32> to vector<32x512xf32>
    %slice3A_809 = vector.extract_strided_slice %slice3A_808 {offsets = [0, 0], sizes = [32, 128], strides = [1, 1]} : vector<32x512xf32> to vector<32x128xf32>
    %slice3A_810 = vector.extract_strided_slice %slice3A_808 {offsets = [0, 128], sizes = [32, 128], strides = [1, 1]} : vector<32x512xf32> to vector<32x128xf32>
    %slice3A_811 = vector.extract_strided_slice %slice3A_808 {offsets = [0, 256], sizes = [32, 128], strides = [1, 1]} : vector<32x512xf32> to vector<32x128xf32>
    %slice3A_812 = vector.extract_strided_slice %slice3A_808 {offsets = [0, 384], sizes = [32, 128], strides = [1, 1]} : vector<32x512xf32> to vector<32x128xf32>
    %concatenate3A_813 = tpu.concatenate %slice3A_809, %slice3A_810, %slice3A_811, %slice3A_812 in 0 : vector<32x128xf32>, vector<32x128xf32>, vector<32x128xf32>, vector<32x128xf32> -> vector<128x128xf32>
    %transpose3A_814 = tpu.transpose %concatenate3A_813, [1, 0] : vector<128x128xf32> -> vector<128x128xf32>
    %swap3A_815 = arith.constant 10368 : index
    %swap3A_816 = arith.constant 0 : index
    %swap3A_817 = vector.load %arg2[%swap3A_815, %swap3A_816] : memref<16384x128xf32, #tpu.memory_space<vmem>>, vector<128x128xf32>
    tpu.vector_store %arg2[%swap3A_815, %swap3A_816], %transpose3A_814 {strides = array<i32>} : memref<16384x128xf32, #tpu.memory_space<vmem>>, vector<128x128xf32>,
    %slice3A_818 = vector.extract_strided_slice %get3A_1 {offsets = [0, 41984], sizes = [32, 512], strides = [1, 1]} : vector<32x65536xf32> to vector<32x512xf32>
    %slice3A_819 = vector.extract_strided_slice %slice3A_818 {offsets = [0, 0], sizes = [32, 128], strides = [1, 1]} : vector<32x512xf32> to vector<32x128xf32>
    %slice3A_820 = vector.extract_strided_slice %slice3A_818 {offsets = [0, 128], sizes = [32, 128], strides = [1, 1]} : vector<32x512xf32> to vector<32x128xf32>
    %slice3A_821 = vector.extract_strided_slice %slice3A_818 {offsets = [0, 256], sizes = [32, 128], strides = [1, 1]} : vector<32x512xf32> to vector<32x128xf32>
    %slice3A_822 = vector.extract_strided_slice %slice3A_818 {offsets = [0, 384], sizes = [32, 128], strides = [1, 1]} : vector<32x512xf32> to vector<32x128xf32>
    %concatenate3A_823 = tpu.concatenate %slice3A_819, %slice3A_820, %slice3A_821, %slice3A_822 in 0 : vector<32x128xf32>, vector<32x128xf32>, vector<32x128xf32>, vector<32x128xf32> -> vector<128x128xf32>
    %transpose3A_824 = tpu.transpose %concatenate3A_823, [1, 0] : vector<128x128xf32> -> vector<128x128xf32>
    %swap3A_825 = arith.constant 10496 : index
    %swap3A_826 = arith.constant 0 : index
    %swap3A_827 = vector.load %arg2[%swap3A_825, %swap3A_826] : memref<16384x128xf32, #tpu.memory_space<vmem>>, vector<128x128xf32>
    tpu.vector_store %arg2[%swap3A_825, %swap3A_826], %transpose3A_824 {strides = array<i32>} : memref<16384x128xf32, #tpu.memory_space<vmem>>, vector<128x128xf32>,
    %slice3A_828 = vector.extract_strided_slice %get3A_1 {offsets = [0, 42496], sizes = [32, 512], strides = [1, 1]} : vector<32x65536xf32> to vector<32x512xf32>
    %slice3A_829 = vector.extract_strided_slice %slice3A_828 {offsets = [0, 0], sizes = [32, 128], strides = [1, 1]} : vector<32x512xf32> to vector<32x128xf32>
    %slice3A_830 = vector.extract_strided_slice %slice3A_828 {offsets = [0, 128], sizes = [32, 128], strides = [1, 1]} : vector<32x512xf32> to vector<32x128xf32>
    %slice3A_831 = vector.extract_strided_slice %slice3A_828 {offsets = [0, 256], sizes = [32, 128], strides = [1, 1]} : vector<32x512xf32> to vector<32x128xf32>
    %slice3A_832 = vector.extract_strided_slice %slice3A_828 {offsets = [0, 384], sizes = [32, 128], strides = [1, 1]} : vector<32x512xf32> to vector<32x128xf32>
    %concatenate3A_833 = tpu.concatenate %slice3A_829, %slice3A_830, %slice3A_831, %slice3A_832 in 0 : vector<32x128xf32>, vector<32x128xf32>, vector<32x128xf32>, vector<32x128xf32> -> vector<128x128xf32>
    %transpose3A_834 = tpu.transpose %concatenate3A_833, [1, 0] : vector<128x128xf32> -> vector<128x128xf32>
    %swap3A_835 = arith.constant 10624 : index
    %swap3A_836 = arith.constant 0 : index
    %swap3A_837 = vector.load %arg2[%swap3A_835, %swap3A_836] : memref<16384x128xf32, #tpu.memory_space<vmem>>, vector<128x128xf32>
    tpu.vector_store %arg2[%swap3A_835, %swap3A_836], %transpose3A_834 {strides = array<i32>} : memref<16384x128xf32, #tpu.memory_space<vmem>>, vector<128x128xf32>,
    %slice3A_838 = vector.extract_strided_slice %get3A_1 {offsets = [0, 43008], sizes = [32, 512], strides = [1, 1]} : vector<32x65536xf32> to vector<32x512xf32>
    %slice3A_839 = vector.extract_strided_slice %slice3A_838 {offsets = [0, 0], sizes = [32, 128], strides = [1, 1]} : vector<32x512xf32> to vector<32x128xf32>
    %slice3A_840 = vector.extract_strided_slice %slice3A_838 {offsets = [0, 128], sizes = [32, 128], strides = [1, 1]} : vector<32x512xf32> to vector<32x128xf32>
    %slice3A_841 = vector.extract_strided_slice %slice3A_838 {offsets = [0, 256], sizes = [32, 128], strides = [1, 1]} : vector<32x512xf32> to vector<32x128xf32>
    %slice3A_842 = vector.extract_strided_slice %slice3A_838 {offsets = [0, 384], sizes = [32, 128], strides = [1, 1]} : vector<32x512xf32> to vector<32x128xf32>
    %concatenate3A_843 = tpu.concatenate %slice3A_839, %slice3A_840, %slice3A_841, %slice3A_842 in 0 : vector<32x128xf32>, vector<32x128xf32>, vector<32x128xf32>, vector<32x128xf32> -> vector<128x128xf32>
    %transpose3A_844 = tpu.transpose %concatenate3A_843, [1, 0] : vector<128x128xf32> -> vector<128x128xf32>
    %swap3A_845 = arith.constant 10752 : index
    %swap3A_846 = arith.constant 0 : index
    %swap3A_847 = vector.load %arg2[%swap3A_845, %swap3A_846] : memref<16384x128xf32, #tpu.memory_space<vmem>>, vector<128x128xf32>
    tpu.vector_store %arg2[%swap3A_845, %swap3A_846], %transpose3A_844 {strides = array<i32>} : memref<16384x128xf32, #tpu.memory_space<vmem>>, vector<128x128xf32>,
    %slice3A_848 = vector.extract_strided_slice %get3A_1 {offsets = [0, 43520], sizes = [32, 512], strides = [1, 1]} : vector<32x65536xf32> to vector<32x512xf32>
    %slice3A_849 = vector.extract_strided_slice %slice3A_848 {offsets = [0, 0], sizes = [32, 128], strides = [1, 1]} : vector<32x512xf32> to vector<32x128xf32>
    %slice3A_850 = vector.extract_strided_slice %slice3A_848 {offsets = [0, 128], sizes = [32, 128], strides = [1, 1]} : vector<32x512xf32> to vector<32x128xf32>
    %slice3A_851 = vector.extract_strided_slice %slice3A_848 {offsets = [0, 256], sizes = [32, 128], strides = [1, 1]} : vector<32x512xf32> to vector<32x128xf32>
    %slice3A_852 = vector.extract_strided_slice %slice3A_848 {offsets = [0, 384], sizes = [32, 128], strides = [1, 1]} : vector<32x512xf32> to vector<32x128xf32>
    %concatenate3A_853 = tpu.concatenate %slice3A_849, %slice3A_850, %slice3A_851, %slice3A_852 in 0 : vector<32x128xf32>, vector<32x128xf32>, vector<32x128xf32>, vector<32x128xf32> -> vector<128x128xf32>
    %transpose3A_854 = tpu.transpose %concatenate3A_853, [1, 0] : vector<128x128xf32> -> vector<128x128xf32>
    %swap3A_855 = arith.constant 10880 : index
    %swap3A_856 = arith.constant 0 : index
    %swap3A_857 = vector.load %arg2[%swap3A_855, %swap3A_856] : memref<16384x128xf32, #tpu.memory_space<vmem>>, vector<128x128xf32>
    tpu.vector_store %arg2[%swap3A_855, %swap3A_856], %transpose3A_854 {strides = array<i32>} : memref<16384x128xf32, #tpu.memory_space<vmem>>, vector<128x128xf32>,
    %slice3A_858 = vector.extract_strided_slice %get3A_1 {offsets = [0, 44032], sizes = [32, 512], strides = [1, 1]} : vector<32x65536xf32> to vector<32x512xf32>
    %slice3A_859 = vector.extract_strided_slice %slice3A_858 {offsets = [0, 0], sizes = [32, 128], strides = [1, 1]} : vector<32x512xf32> to vector<32x128xf32>
    %slice3A_860 = vector.extract_strided_slice %slice3A_858 {offsets = [0, 128], sizes = [32, 128], strides = [1, 1]} : vector<32x512xf32> to vector<32x128xf32>
    %slice3A_861 = vector.extract_strided_slice %slice3A_858 {offsets = [0, 256], sizes = [32, 128], strides = [1, 1]} : vector<32x512xf32> to vector<32x128xf32>
    %slice3A_862 = vector.extract_strided_slice %slice3A_858 {offsets = [0, 384], sizes = [32, 128], strides = [1, 1]} : vector<32x512xf32> to vector<32x128xf32>
    %concatenate3A_863 = tpu.concatenate %slice3A_859, %slice3A_860, %slice3A_861, %slice3A_862 in 0 : vector<32x128xf32>, vector<32x128xf32>, vector<32x128xf32>, vector<32x128xf32> -> vector<128x128xf32>
    %transpose3A_864 = tpu.transpose %concatenate3A_863, [1, 0] : vector<128x128xf32> -> vector<128x128xf32>
    %swap3A_865 = arith.constant 11008 : index
    %swap3A_866 = arith.constant 0 : index
    %swap3A_867 = vector.load %arg2[%swap3A_865, %swap3A_866] : memref<16384x128xf32, #tpu.memory_space<vmem>>, vector<128x128xf32>
    tpu.vector_store %arg2[%swap3A_865, %swap3A_866], %transpose3A_864 {strides = array<i32>} : memref<16384x128xf32, #tpu.memory_space<vmem>>, vector<128x128xf32>,
    %slice3A_868 = vector.extract_strided_slice %get3A_1 {offsets = [0, 44544], sizes = [32, 512], strides = [1, 1]} : vector<32x65536xf32> to vector<32x512xf32>
    %slice3A_869 = vector.extract_strided_slice %slice3A_868 {offsets = [0, 0], sizes = [32, 128], strides = [1, 1]} : vector<32x512xf32> to vector<32x128xf32>
    %slice3A_870 = vector.extract_strided_slice %slice3A_868 {offsets = [0, 128], sizes = [32, 128], strides = [1, 1]} : vector<32x512xf32> to vector<32x128xf32>
    %slice3A_871 = vector.extract_strided_slice %slice3A_868 {offsets = [0, 256], sizes = [32, 128], strides = [1, 1]} : vector<32x512xf32> to vector<32x128xf32>
    %slice3A_872 = vector.extract_strided_slice %slice3A_868 {offsets = [0, 384], sizes = [32, 128], strides = [1, 1]} : vector<32x512xf32> to vector<32x128xf32>
    %concatenate3A_873 = tpu.concatenate %slice3A_869, %slice3A_870, %slice3A_871, %slice3A_872 in 0 : vector<32x128xf32>, vector<32x128xf32>, vector<32x128xf32>, vector<32x128xf32> -> vector<128x128xf32>
    %transpose3A_874 = tpu.transpose %concatenate3A_873, [1, 0] : vector<128x128xf32> -> vector<128x128xf32>
    %swap3A_875 = arith.constant 11136 : index
    %swap3A_876 = arith.constant 0 : index
    %swap3A_877 = vector.load %arg2[%swap3A_875, %swap3A_876] : memref<16384x128xf32, #tpu.memory_space<vmem>>, vector<128x128xf32>
    tpu.vector_store %arg2[%swap3A_875, %swap3A_876], %transpose3A_874 {strides = array<i32>} : memref<16384x128xf32, #tpu.memory_space<vmem>>, vector<128x128xf32>,
    %slice3A_878 = vector.extract_strided_slice %get3A_1 {offsets = [0, 45056], sizes = [32, 512], strides = [1, 1]} : vector<32x65536xf32> to vector<32x512xf32>
    %slice3A_879 = vector.extract_strided_slice %slice3A_878 {offsets = [0, 0], sizes = [32, 128], strides = [1, 1]} : vector<32x512xf32> to vector<32x128xf32>
    %slice3A_880 = vector.extract_strided_slice %slice3A_878 {offsets = [0, 128], sizes = [32, 128], strides = [1, 1]} : vector<32x512xf32> to vector<32x128xf32>
    %slice3A_881 = vector.extract_strided_slice %slice3A_878 {offsets = [0, 256], sizes = [32, 128], strides = [1, 1]} : vector<32x512xf32> to vector<32x128xf32>
    %slice3A_882 = vector.extract_strided_slice %slice3A_878 {offsets = [0, 384], sizes = [32, 128], strides = [1, 1]} : vector<32x512xf32> to vector<32x128xf32>
    %concatenate3A_883 = tpu.concatenate %slice3A_879, %slice3A_880, %slice3A_881, %slice3A_882 in 0 : vector<32x128xf32>, vector<32x128xf32>, vector<32x128xf32>, vector<32x128xf32> -> vector<128x128xf32>
    %transpose3A_884 = tpu.transpose %concatenate3A_883, [1, 0] : vector<128x128xf32> -> vector<128x128xf32>
    %swap3A_885 = arith.constant 11264 : index
    %swap3A_886 = arith.constant 0 : index
    %swap3A_887 = vector.load %arg2[%swap3A_885, %swap3A_886] : memref<16384x128xf32, #tpu.memory_space<vmem>>, vector<128x128xf32>
    tpu.vector_store %arg2[%swap3A_885, %swap3A_886], %transpose3A_884 {strides = array<i32>} : memref<16384x128xf32, #tpu.memory_space<vmem>>, vector<128x128xf32>,
    %slice3A_888 = vector.extract_strided_slice %get3A_1 {offsets = [0, 45568], sizes = [32, 512], strides = [1, 1]} : vector<32x65536xf32> to vector<32x512xf32>
    %slice3A_889 = vector.extract_strided_slice %slice3A_888 {offsets = [0, 0], sizes = [32, 128], strides = [1, 1]} : vector<32x512xf32> to vector<32x128xf32>
    %slice3A_890 = vector.extract_strided_slice %slice3A_888 {offsets = [0, 128], sizes = [32, 128], strides = [1, 1]} : vector<32x512xf32> to vector<32x128xf32>
    %slice3A_891 = vector.extract_strided_slice %slice3A_888 {offsets = [0, 256], sizes = [32, 128], strides = [1, 1]} : vector<32x512xf32> to vector<32x128xf32>
    %slice3A_892 = vector.extract_strided_slice %slice3A_888 {offsets = [0, 384], sizes = [32, 128], strides = [1, 1]} : vector<32x512xf32> to vector<32x128xf32>
    %concatenate3A_893 = tpu.concatenate %slice3A_889, %slice3A_890, %slice3A_891, %slice3A_892 in 0 : vector<32x128xf32>, vector<32x128xf32>, vector<32x128xf32>, vector<32x128xf32> -> vector<128x128xf32>
    %transpose3A_894 = tpu.transpose %concatenate3A_893, [1, 0] : vector<128x128xf32> -> vector<128x128xf32>
    %swap3A_895 = arith.constant 11392 : index
    %swap3A_896 = arith.constant 0 : index
    %swap3A_897 = vector.load %arg2[%swap3A_895, %swap3A_896] : memref<16384x128xf32, #tpu.memory_space<vmem>>, vector<128x128xf32>
    tpu.vector_store %arg2[%swap3A_895, %swap3A_896], %transpose3A_894 {strides = array<i32>} : memref<16384x128xf32, #tpu.memory_space<vmem>>, vector<128x128xf32>,
    %slice3A_898 = vector.extract_strided_slice %get3A_1 {offsets = [0, 46080], sizes = [32, 512], strides = [1, 1]} : vector<32x65536xf32> to vector<32x512xf32>
    %slice3A_899 = vector.extract_strided_slice %slice3A_898 {offsets = [0, 0], sizes = [32, 128], strides = [1, 1]} : vector<32x512xf32> to vector<32x128xf32>
    %slice3A_900 = vector.extract_strided_slice %slice3A_898 {offsets = [0, 128], sizes = [32, 128], strides = [1, 1]} : vector<32x512xf32> to vector<32x128xf32>
    %slice3A_901 = vector.extract_strided_slice %slice3A_898 {offsets = [0, 256], sizes = [32, 128], strides = [1, 1]} : vector<32x512xf32> to vector<32x128xf32>
    %slice3A_902 = vector.extract_strided_slice %slice3A_898 {offsets = [0, 384], sizes = [32, 128], strides = [1, 1]} : vector<32x512xf32> to vector<32x128xf32>
    %concatenate3A_903 = tpu.concatenate %slice3A_899, %slice3A_900, %slice3A_901, %slice3A_902 in 0 : vector<32x128xf32>, vector<32x128xf32>, vector<32x128xf32>, vector<32x128xf32> -> vector<128x128xf32>
    %transpose3A_904 = tpu.transpose %concatenate3A_903, [1, 0] : vector<128x128xf32> -> vector<128x128xf32>
    %swap3A_905 = arith.constant 11520 : index
    %swap3A_906 = arith.constant 0 : index
    %swap3A_907 = vector.load %arg2[%swap3A_905, %swap3A_906] : memref<16384x128xf32, #tpu.memory_space<vmem>>, vector<128x128xf32>
    tpu.vector_store %arg2[%swap3A_905, %swap3A_906], %transpose3A_904 {strides = array<i32>} : memref<16384x128xf32, #tpu.memory_space<vmem>>, vector<128x128xf32>,
    %slice3A_908 = vector.extract_strided_slice %get3A_1 {offsets = [0, 46592], sizes = [32, 512], strides = [1, 1]} : vector<32x65536xf32> to vector<32x512xf32>
    %slice3A_909 = vector.extract_strided_slice %slice3A_908 {offsets = [0, 0], sizes = [32, 128], strides = [1, 1]} : vector<32x512xf32> to vector<32x128xf32>
    %slice3A_910 = vector.extract_strided_slice %slice3A_908 {offsets = [0, 128], sizes = [32, 128], strides = [1, 1]} : vector<32x512xf32> to vector<32x128xf32>
    %slice3A_911 = vector.extract_strided_slice %slice3A_908 {offsets = [0, 256], sizes = [32, 128], strides = [1, 1]} : vector<32x512xf32> to vector<32x128xf32>
    %slice3A_912 = vector.extract_strided_slice %slice3A_908 {offsets = [0, 384], sizes = [32, 128], strides = [1, 1]} : vector<32x512xf32> to vector<32x128xf32>
    %concatenate3A_913 = tpu.concatenate %slice3A_909, %slice3A_910, %slice3A_911, %slice3A_912 in 0 : vector<32x128xf32>, vector<32x128xf32>, vector<32x128xf32>, vector<32x128xf32> -> vector<128x128xf32>
    %transpose3A_914 = tpu.transpose %concatenate3A_913, [1, 0] : vector<128x128xf32> -> vector<128x128xf32>
    %swap3A_915 = arith.constant 11648 : index
    %swap3A_916 = arith.constant 0 : index
    %swap3A_917 = vector.load %arg2[%swap3A_915, %swap3A_916] : memref<16384x128xf32, #tpu.memory_space<vmem>>, vector<128x128xf32>
    tpu.vector_store %arg2[%swap3A_915, %swap3A_916], %transpose3A_914 {strides = array<i32>} : memref<16384x128xf32, #tpu.memory_space<vmem>>, vector<128x128xf32>,
    %slice3A_918 = vector.extract_strided_slice %get3A_1 {offsets = [0, 47104], sizes = [32, 512], strides = [1, 1]} : vector<32x65536xf32> to vector<32x512xf32>
    %slice3A_919 = vector.extract_strided_slice %slice3A_918 {offsets = [0, 0], sizes = [32, 128], strides = [1, 1]} : vector<32x512xf32> to vector<32x128xf32>
    %slice3A_920 = vector.extract_strided_slice %slice3A_918 {offsets = [0, 128], sizes = [32, 128], strides = [1, 1]} : vector<32x512xf32> to vector<32x128xf32>
    %slice3A_921 = vector.extract_strided_slice %slice3A_918 {offsets = [0, 256], sizes = [32, 128], strides = [1, 1]} : vector<32x512xf32> to vector<32x128xf32>
    %slice3A_922 = vector.extract_strided_slice %slice3A_918 {offsets = [0, 384], sizes = [32, 128], strides = [1, 1]} : vector<32x512xf32> to vector<32x128xf32>
    %concatenate3A_923 = tpu.concatenate %slice3A_919, %slice3A_920, %slice3A_921, %slice3A_922 in 0 : vector<32x128xf32>, vector<32x128xf32>, vector<32x128xf32>, vector<32x128xf32> -> vector<128x128xf32>
    %transpose3A_924 = tpu.transpose %concatenate3A_923, [1, 0] : vector<128x128xf32> -> vector<128x128xf32>
    %swap3A_925 = arith.constant 11776 : index
    %swap3A_926 = arith.constant 0 : index
    %swap3A_927 = vector.load %arg2[%swap3A_925, %swap3A_926] : memref<16384x128xf32, #tpu.memory_space<vmem>>, vector<128x128xf32>
    tpu.vector_store %arg2[%swap3A_925, %swap3A_926], %transpose3A_924 {strides = array<i32>} : memref<16384x128xf32, #tpu.memory_space<vmem>>, vector<128x128xf32>,
    %slice3A_928 = vector.extract_strided_slice %get3A_1 {offsets = [0, 47616], sizes = [32, 512], strides = [1, 1]} : vector<32x65536xf32> to vector<32x512xf32>
    %slice3A_929 = vector.extract_strided_slice %slice3A_928 {offsets = [0, 0], sizes = [32, 128], strides = [1, 1]} : vector<32x512xf32> to vector<32x128xf32>
    %slice3A_930 = vector.extract_strided_slice %slice3A_928 {offsets = [0, 128], sizes = [32, 128], strides = [1, 1]} : vector<32x512xf32> to vector<32x128xf32>
    %slice3A_931 = vector.extract_strided_slice %slice3A_928 {offsets = [0, 256], sizes = [32, 128], strides = [1, 1]} : vector<32x512xf32> to vector<32x128xf32>
    %slice3A_932 = vector.extract_strided_slice %slice3A_928 {offsets = [0, 384], sizes = [32, 128], strides = [1, 1]} : vector<32x512xf32> to vector<32x128xf32>
    %concatenate3A_933 = tpu.concatenate %slice3A_929, %slice3A_930, %slice3A_931, %slice3A_932 in 0 : vector<32x128xf32>, vector<32x128xf32>, vector<32x128xf32>, vector<32x128xf32> -> vector<128x128xf32>
    %transpose3A_934 = tpu.transpose %concatenate3A_933, [1, 0] : vector<128x128xf32> -> vector<128x128xf32>
    %swap3A_935 = arith.constant 11904 : index
    %swap3A_936 = arith.constant 0 : index
    %swap3A_937 = vector.load %arg2[%swap3A_935, %swap3A_936] : memref<16384x128xf32, #tpu.memory_space<vmem>>, vector<128x128xf32>
    tpu.vector_store %arg2[%swap3A_935, %swap3A_936], %transpose3A_934 {strides = array<i32>} : memref<16384x128xf32, #tpu.memory_space<vmem>>, vector<128x128xf32>,
    %slice3A_938 = vector.extract_strided_slice %get3A_1 {offsets = [0, 48128], sizes = [32, 512], strides = [1, 1]} : vector<32x65536xf32> to vector<32x512xf32>
    %slice3A_939 = vector.extract_strided_slice %slice3A_938 {offsets = [0, 0], sizes = [32, 128], strides = [1, 1]} : vector<32x512xf32> to vector<32x128xf32>
    %slice3A_940 = vector.extract_strided_slice %slice3A_938 {offsets = [0, 128], sizes = [32, 128], strides = [1, 1]} : vector<32x512xf32> to vector<32x128xf32>
    %slice3A_941 = vector.extract_strided_slice %slice3A_938 {offsets = [0, 256], sizes = [32, 128], strides = [1, 1]} : vector<32x512xf32> to vector<32x128xf32>
    %slice3A_942 = vector.extract_strided_slice %slice3A_938 {offsets = [0, 384], sizes = [32, 128], strides = [1, 1]} : vector<32x512xf32> to vector<32x128xf32>
    %concatenate3A_943 = tpu.concatenate %slice3A_939, %slice3A_940, %slice3A_941, %slice3A_942 in 0 : vector<32x128xf32>, vector<32x128xf32>, vector<32x128xf32>, vector<32x128xf32> -> vector<128x128xf32>
    %transpose3A_944 = tpu.transpose %concatenate3A_943, [1, 0] : vector<128x128xf32> -> vector<128x128xf32>
    %swap3A_945 = arith.constant 12032 : index
    %swap3A_946 = arith.constant 0 : index
    %swap3A_947 = vector.load %arg2[%swap3A_945, %swap3A_946] : memref<16384x128xf32, #tpu.memory_space<vmem>>, vector<128x128xf32>
    tpu.vector_store %arg2[%swap3A_945, %swap3A_946], %transpose3A_944 {strides = array<i32>} : memref<16384x128xf32, #tpu.memory_space<vmem>>, vector<128x128xf32>,
    %slice3A_948 = vector.extract_strided_slice %get3A_1 {offsets = [0, 48640], sizes = [32, 512], strides = [1, 1]} : vector<32x65536xf32> to vector<32x512xf32>
    %slice3A_949 = vector.extract_strided_slice %slice3A_948 {offsets = [0, 0], sizes = [32, 128], strides = [1, 1]} : vector<32x512xf32> to vector<32x128xf32>
    %slice3A_950 = vector.extract_strided_slice %slice3A_948 {offsets = [0, 128], sizes = [32, 128], strides = [1, 1]} : vector<32x512xf32> to vector<32x128xf32>
    %slice3A_951 = vector.extract_strided_slice %slice3A_948 {offsets = [0, 256], sizes = [32, 128], strides = [1, 1]} : vector<32x512xf32> to vector<32x128xf32>
    %slice3A_952 = vector.extract_strided_slice %slice3A_948 {offsets = [0, 384], sizes = [32, 128], strides = [1, 1]} : vector<32x512xf32> to vector<32x128xf32>
    %concatenate3A_953 = tpu.concatenate %slice3A_949, %slice3A_950, %slice3A_951, %slice3A_952 in 0 : vector<32x128xf32>, vector<32x128xf32>, vector<32x128xf32>, vector<32x128xf32> -> vector<128x128xf32>
    %transpose3A_954 = tpu.transpose %concatenate3A_953, [1, 0] : vector<128x128xf32> -> vector<128x128xf32>
    %swap3A_955 = arith.constant 12160 : index
    %swap3A_956 = arith.constant 0 : index
    %swap3A_957 = vector.load %arg2[%swap3A_955, %swap3A_956] : memref<16384x128xf32, #tpu.memory_space<vmem>>, vector<128x128xf32>
    tpu.vector_store %arg2[%swap3A_955, %swap3A_956], %transpose3A_954 {strides = array<i32>} : memref<16384x128xf32, #tpu.memory_space<vmem>>, vector<128x128xf32>,
    %slice3A_958 = vector.extract_strided_slice %get3A_1 {offsets = [0, 49152], sizes = [32, 512], strides = [1, 1]} : vector<32x65536xf32> to vector<32x512xf32>
    %slice3A_959 = vector.extract_strided_slice %slice3A_958 {offsets = [0, 0], sizes = [32, 128], strides = [1, 1]} : vector<32x512xf32> to vector<32x128xf32>
    %slice3A_960 = vector.extract_strided_slice %slice3A_958 {offsets = [0, 128], sizes = [32, 128], strides = [1, 1]} : vector<32x512xf32> to vector<32x128xf32>
    %slice3A_961 = vector.extract_strided_slice %slice3A_958 {offsets = [0, 256], sizes = [32, 128], strides = [1, 1]} : vector<32x512xf32> to vector<32x128xf32>
    %slice3A_962 = vector.extract_strided_slice %slice3A_958 {offsets = [0, 384], sizes = [32, 128], strides = [1, 1]} : vector<32x512xf32> to vector<32x128xf32>
    %concatenate3A_963 = tpu.concatenate %slice3A_959, %slice3A_960, %slice3A_961, %slice3A_962 in 0 : vector<32x128xf32>, vector<32x128xf32>, vector<32x128xf32>, vector<32x128xf32> -> vector<128x128xf32>
    %transpose3A_964 = tpu.transpose %concatenate3A_963, [1, 0] : vector<128x128xf32> -> vector<128x128xf32>
    %swap3A_965 = arith.constant 12288 : index
    %swap3A_966 = arith.constant 0 : index
    %swap3A_967 = vector.load %arg2[%swap3A_965, %swap3A_966] : memref<16384x128xf32, #tpu.memory_space<vmem>>, vector<128x128xf32>
    tpu.vector_store %arg2[%swap3A_965, %swap3A_966], %transpose3A_964 {strides = array<i32>} : memref<16384x128xf32, #tpu.memory_space<vmem>>, vector<128x128xf32>,
    %slice3A_968 = vector.extract_strided_slice %get3A_1 {offsets = [0, 49664], sizes = [32, 512], strides = [1, 1]} : vector<32x65536xf32> to vector<32x512xf32>
    %slice3A_969 = vector.extract_strided_slice %slice3A_968 {offsets = [0, 0], sizes = [32, 128], strides = [1, 1]} : vector<32x512xf32> to vector<32x128xf32>
    %slice3A_970 = vector.extract_strided_slice %slice3A_968 {offsets = [0, 128], sizes = [32, 128], strides = [1, 1]} : vector<32x512xf32> to vector<32x128xf32>
    %slice3A_971 = vector.extract_strided_slice %slice3A_968 {offsets = [0, 256], sizes = [32, 128], strides = [1, 1]} : vector<32x512xf32> to vector<32x128xf32>
    %slice3A_972 = vector.extract_strided_slice %slice3A_968 {offsets = [0, 384], sizes = [32, 128], strides = [1, 1]} : vector<32x512xf32> to vector<32x128xf32>
    %concatenate3A_973 = tpu.concatenate %slice3A_969, %slice3A_970, %slice3A_971, %slice3A_972 in 0 : vector<32x128xf32>, vector<32x128xf32>, vector<32x128xf32>, vector<32x128xf32> -> vector<128x128xf32>
    %transpose3A_974 = tpu.transpose %concatenate3A_973, [1, 0] : vector<128x128xf32> -> vector<128x128xf32>
    %swap3A_975 = arith.constant 12416 : index
    %swap3A_976 = arith.constant 0 : index
    %swap3A_977 = vector.load %arg2[%swap3A_975, %swap3A_976] : memref<16384x128xf32, #tpu.memory_space<vmem>>, vector<128x128xf32>
    tpu.vector_store %arg2[%swap3A_975, %swap3A_976], %transpose3A_974 {strides = array<i32>} : memref<16384x128xf32, #tpu.memory_space<vmem>>, vector<128x128xf32>,
    %slice3A_978 = vector.extract_strided_slice %get3A_1 {offsets = [0, 50176], sizes = [32, 512], strides = [1, 1]} : vector<32x65536xf32> to vector<32x512xf32>
    %slice3A_979 = vector.extract_strided_slice %slice3A_978 {offsets = [0, 0], sizes = [32, 128], strides = [1, 1]} : vector<32x512xf32> to vector<32x128xf32>
    %slice3A_980 = vector.extract_strided_slice %slice3A_978 {offsets = [0, 128], sizes = [32, 128], strides = [1, 1]} : vector<32x512xf32> to vector<32x128xf32>
    %slice3A_981 = vector.extract_strided_slice %slice3A_978 {offsets = [0, 256], sizes = [32, 128], strides = [1, 1]} : vector<32x512xf32> to vector<32x128xf32>
    %slice3A_982 = vector.extract_strided_slice %slice3A_978 {offsets = [0, 384], sizes = [32, 128], strides = [1, 1]} : vector<32x512xf32> to vector<32x128xf32>
    %concatenate3A_983 = tpu.concatenate %slice3A_979, %slice3A_980, %slice3A_981, %slice3A_982 in 0 : vector<32x128xf32>, vector<32x128xf32>, vector<32x128xf32>, vector<32x128xf32> -> vector<128x128xf32>
    %transpose3A_984 = tpu.transpose %concatenate3A_983, [1, 0] : vector<128x128xf32> -> vector<128x128xf32>
    %swap3A_985 = arith.constant 12544 : index
    %swap3A_986 = arith.constant 0 : index
    %swap3A_987 = vector.load %arg2[%swap3A_985, %swap3A_986] : memref<16384x128xf32, #tpu.memory_space<vmem>>, vector<128x128xf32>
    tpu.vector_store %arg2[%swap3A_985, %swap3A_986], %transpose3A_984 {strides = array<i32>} : memref<16384x128xf32, #tpu.memory_space<vmem>>, vector<128x128xf32>,
    %slice3A_988 = vector.extract_strided_slice %get3A_1 {offsets = [0, 50688], sizes = [32, 512], strides = [1, 1]} : vector<32x65536xf32> to vector<32x512xf32>
    %slice3A_989 = vector.extract_strided_slice %slice3A_988 {offsets = [0, 0], sizes = [32, 128], strides = [1, 1]} : vector<32x512xf32> to vector<32x128xf32>
    %slice3A_990 = vector.extract_strided_slice %slice3A_988 {offsets = [0, 128], sizes = [32, 128], strides = [1, 1]} : vector<32x512xf32> to vector<32x128xf32>
    %slice3A_991 = vector.extract_strided_slice %slice3A_988 {offsets = [0, 256], sizes = [32, 128], strides = [1, 1]} : vector<32x512xf32> to vector<32x128xf32>
    %slice3A_992 = vector.extract_strided_slice %slice3A_988 {offsets = [0, 384], sizes = [32, 128], strides = [1, 1]} : vector<32x512xf32> to vector<32x128xf32>
    %concatenate3A_993 = tpu.concatenate %slice3A_989, %slice3A_990, %slice3A_991, %slice3A_992 in 0 : vector<32x128xf32>, vector<32x128xf32>, vector<32x128xf32>, vector<32x128xf32> -> vector<128x128xf32>
    %transpose3A_994 = tpu.transpose %concatenate3A_993, [1, 0] : vector<128x128xf32> -> vector<128x128xf32>
    %swap3A_995 = arith.constant 12672 : index
    %swap3A_996 = arith.constant 0 : index
    %swap3A_997 = vector.load %arg2[%swap3A_995, %swap3A_996] : memref<16384x128xf32, #tpu.memory_space<vmem>>, vector<128x128xf32>
    tpu.vector_store %arg2[%swap3A_995, %swap3A_996], %transpose3A_994 {strides = array<i32>} : memref<16384x128xf32, #tpu.memory_space<vmem>>, vector<128x128xf32>,
    %slice3A_998 = vector.extract_strided_slice %get3A_1 {offsets = [0, 51200], sizes = [32, 512], strides = [1, 1]} : vector<32x65536xf32> to vector<32x512xf32>
    %slice3A_999 = vector.extract_strided_slice %slice3A_998 {offsets = [0, 0], sizes = [32, 128], strides = [1, 1]} : vector<32x512xf32> to vector<32x128xf32>
    %slice3A_1000 = vector.extract_strided_slice %slice3A_998 {offsets = [0, 128], sizes = [32, 128], strides = [1, 1]} : vector<32x512xf32> to vector<32x128xf32>
    %slice3A_1001 = vector.extract_strided_slice %slice3A_998 {offsets = [0, 256], sizes = [32, 128], strides = [1, 1]} : vector<32x512xf32> to vector<32x128xf32>
    %slice3A_1002 = vector.extract_strided_slice %slice3A_998 {offsets = [0, 384], sizes = [32, 128], strides = [1, 1]} : vector<32x512xf32> to vector<32x128xf32>
    %concatenate3A_1003 = tpu.concatenate %slice3A_999, %slice3A_1000, %slice3A_1001, %slice3A_1002 in 0 : vector<32x128xf32>, vector<32x128xf32>, vector<32x128xf32>, vector<32x128xf32> -> vector<128x128xf32>
    %transpose3A_1004 = tpu.transpose %concatenate3A_1003, [1, 0] : vector<128x128xf32> -> vector<128x128xf32>
    %swap3A_1005 = arith.constant 12800 : index
    %swap3A_1006 = arith.constant 0 : index
    %swap3A_1007 = vector.load %arg2[%swap3A_1005, %swap3A_1006] : memref<16384x128xf32, #tpu.memory_space<vmem>>, vector<128x128xf32>
    tpu.vector_store %arg2[%swap3A_1005, %swap3A_1006], %transpose3A_1004 {strides = array<i32>} : memref<16384x128xf32, #tpu.memory_space<vmem>>, vector<128x128xf32>,
    %slice3A_1008 = vector.extract_strided_slice %get3A_1 {offsets = [0, 51712], sizes = [32, 512], strides = [1, 1]} : vector<32x65536xf32> to vector<32x512xf32>
    %slice3A_1009 = vector.extract_strided_slice %slice3A_1008 {offsets = [0, 0], sizes = [32, 128], strides = [1, 1]} : vector<32x512xf32> to vector<32x128xf32>
    %slice3A_1010 = vector.extract_strided_slice %slice3A_1008 {offsets = [0, 128], sizes = [32, 128], strides = [1, 1]} : vector<32x512xf32> to vector<32x128xf32>
    %slice3A_1011 = vector.extract_strided_slice %slice3A_1008 {offsets = [0, 256], sizes = [32, 128], strides = [1, 1]} : vector<32x512xf32> to vector<32x128xf32>
    %slice3A_1012 = vector.extract_strided_slice %slice3A_1008 {offsets = [0, 384], sizes = [32, 128], strides = [1, 1]} : vector<32x512xf32> to vector<32x128xf32>
    %concatenate3A_1013 = tpu.concatenate %slice3A_1009, %slice3A_1010, %slice3A_1011, %slice3A_1012 in 0 : vector<32x128xf32>, vector<32x128xf32>, vector<32x128xf32>, vector<32x128xf32> -> vector<128x128xf32>
    %transpose3A_1014 = tpu.transpose %concatenate3A_1013, [1, 0] : vector<128x128xf32> -> vector<128x128xf32>
    %swap3A_1015 = arith.constant 12928 : index
    %swap3A_1016 = arith.constant 0 : index
    %swap3A_1017 = vector.load %arg2[%swap3A_1015, %swap3A_1016] : memref<16384x128xf32, #tpu.memory_space<vmem>>, vector<128x128xf32>
    tpu.vector_store %arg2[%swap3A_1015, %swap3A_1016], %transpose3A_1014 {strides = array<i32>} : memref<16384x128xf32, #tpu.memory_space<vmem>>, vector<128x128xf32>,
    %slice3A_1018 = vector.extract_strided_slice %get3A_1 {offsets = [0, 52224], sizes = [32, 512], strides = [1, 1]} : vector<32x65536xf32> to vector<32x512xf32>
    %slice3A_1019 = vector.extract_strided_slice %slice3A_1018 {offsets = [0, 0], sizes = [32, 128], strides = [1, 1]} : vector<32x512xf32> to vector<32x128xf32>
    %slice3A_1020 = vector.extract_strided_slice %slice3A_1018 {offsets = [0, 128], sizes = [32, 128], strides = [1, 1]} : vector<32x512xf32> to vector<32x128xf32>
    %slice3A_1021 = vector.extract_strided_slice %slice3A_1018 {offsets = [0, 256], sizes = [32, 128], strides = [1, 1]} : vector<32x512xf32> to vector<32x128xf32>
    %slice3A_1022 = vector.extract_strided_slice %slice3A_1018 {offsets = [0, 384], sizes = [32, 128], strides = [1, 1]} : vector<32x512xf32> to vector<32x128xf32>
    %concatenate3A_1023 = tpu.concatenate %slice3A_1019, %slice3A_1020, %slice3A_1021, %slice3A_1022 in 0 : vector<32x128xf32>, vector<32x128xf32>, vector<32x128xf32>, vector<32x128xf32> -> vector<128x128xf32>
    %transpose3A_1024 = tpu.transpose %concatenate3A_1023, [1, 0] : vector<128x128xf32> -> vector<128x128xf32>
    %swap3A_1025 = arith.constant 13056 : index
    %swap3A_1026 = arith.constant 0 : index
    %swap3A_1027 = vector.load %arg2[%swap3A_1025, %swap3A_1026] : memref<16384x128xf32, #tpu.memory_space<vmem>>, vector<128x128xf32>
    tpu.vector_store %arg2[%swap3A_1025, %swap3A_1026], %transpose3A_1024 {strides = array<i32>} : memref<16384x128xf32, #tpu.memory_space<vmem>>, vector<128x128xf32>,
    %slice3A_1028 = vector.extract_strided_slice %get3A_1 {offsets = [0, 52736], sizes = [32, 512], strides = [1, 1]} : vector<32x65536xf32> to vector<32x512xf32>
    %slice3A_1029 = vector.extract_strided_slice %slice3A_1028 {offsets = [0, 0], sizes = [32, 128], strides = [1, 1]} : vector<32x512xf32> to vector<32x128xf32>
    %slice3A_1030 = vector.extract_strided_slice %slice3A_1028 {offsets = [0, 128], sizes = [32, 128], strides = [1, 1]} : vector<32x512xf32> to vector<32x128xf32>
    %slice3A_1031 = vector.extract_strided_slice %slice3A_1028 {offsets = [0, 256], sizes = [32, 128], strides = [1, 1]} : vector<32x512xf32> to vector<32x128xf32>
    %slice3A_1032 = vector.extract_strided_slice %slice3A_1028 {offsets = [0, 384], sizes = [32, 128], strides = [1, 1]} : vector<32x512xf32> to vector<32x128xf32>
    %concatenate3A_1033 = tpu.concatenate %slice3A_1029, %slice3A_1030, %slice3A_1031, %slice3A_1032 in 0 : vector<32x128xf32>, vector<32x128xf32>, vector<32x128xf32>, vector<32x128xf32> -> vector<128x128xf32>
    %transpose3A_1034 = tpu.transpose %concatenate3A_1033, [1, 0] : vector<128x128xf32> -> vector<128x128xf32>
    %swap3A_1035 = arith.constant 13184 : index
    %swap3A_1036 = arith.constant 0 : index
    %swap3A_1037 = vector.load %arg2[%swap3A_1035, %swap3A_1036] : memref<16384x128xf32, #tpu.memory_space<vmem>>, vector<128x128xf32>
    tpu.vector_store %arg2[%swap3A_1035, %swap3A_1036], %transpose3A_1034 {strides = array<i32>} : memref<16384x128xf32, #tpu.memory_space<vmem>>, vector<128x128xf32>,
    %slice3A_1038 = vector.extract_strided_slice %get3A_1 {offsets = [0, 53248], sizes = [32, 512], strides = [1, 1]} : vector<32x65536xf32> to vector<32x512xf32>
    %slice3A_1039 = vector.extract_strided_slice %slice3A_1038 {offsets = [0, 0], sizes = [32, 128], strides = [1, 1]} : vector<32x512xf32> to vector<32x128xf32>
    %slice3A_1040 = vector.extract_strided_slice %slice3A_1038 {offsets = [0, 128], sizes = [32, 128], strides = [1, 1]} : vector<32x512xf32> to vector<32x128xf32>
    %slice3A_1041 = vector.extract_strided_slice %slice3A_1038 {offsets = [0, 256], sizes = [32, 128], strides = [1, 1]} : vector<32x512xf32> to vector<32x128xf32>
    %slice3A_1042 = vector.extract_strided_slice %slice3A_1038 {offsets = [0, 384], sizes = [32, 128], strides = [1, 1]} : vector<32x512xf32> to vector<32x128xf32>
    %concatenate3A_1043 = tpu.concatenate %slice3A_1039, %slice3A_1040, %slice3A_1041, %slice3A_1042 in 0 : vector<32x128xf32>, vector<32x128xf32>, vector<32x128xf32>, vector<32x128xf32> -> vector<128x128xf32>
    %transpose3A_1044 = tpu.transpose %concatenate3A_1043, [1, 0] : vector<128x128xf32> -> vector<128x128xf32>
    %swap3A_1045 = arith.constant 13312 : index
    %swap3A_1046 = arith.constant 0 : index
    %swap3A_1047 = vector.load %arg2[%swap3A_1045, %swap3A_1046] : memref<16384x128xf32, #tpu.memory_space<vmem>>, vector<128x128xf32>
    tpu.vector_store %arg2[%swap3A_1045, %swap3A_1046], %transpose3A_1044 {strides = array<i32>} : memref<16384x128xf32, #tpu.memory_space<vmem>>, vector<128x128xf32>,
    %slice3A_1048 = vector.extract_strided_slice %get3A_1 {offsets = [0, 53760], sizes = [32, 512], strides = [1, 1]} : vector<32x65536xf32> to vector<32x512xf32>
    %slice3A_1049 = vector.extract_strided_slice %slice3A_1048 {offsets = [0, 0], sizes = [32, 128], strides = [1, 1]} : vector<32x512xf32> to vector<32x128xf32>
    %slice3A_1050 = vector.extract_strided_slice %slice3A_1048 {offsets = [0, 128], sizes = [32, 128], strides = [1, 1]} : vector<32x512xf32> to vector<32x128xf32>
    %slice3A_1051 = vector.extract_strided_slice %slice3A_1048 {offsets = [0, 256], sizes = [32, 128], strides = [1, 1]} : vector<32x512xf32> to vector<32x128xf32>
    %slice3A_1052 = vector.extract_strided_slice %slice3A_1048 {offsets = [0, 384], sizes = [32, 128], strides = [1, 1]} : vector<32x512xf32> to vector<32x128xf32>
    %concatenate3A_1053 = tpu.concatenate %slice3A_1049, %slice3A_1050, %slice3A_1051, %slice3A_1052 in 0 : vector<32x128xf32>, vector<32x128xf32>, vector<32x128xf32>, vector<32x128xf32> -> vector<128x128xf32>
    %transpose3A_1054 = tpu.transpose %concatenate3A_1053, [1, 0] : vector<128x128xf32> -> vector<128x128xf32>
    %swap3A_1055 = arith.constant 13440 : index
    %swap3A_1056 = arith.constant 0 : index
    %swap3A_1057 = vector.load %arg2[%swap3A_1055, %swap3A_1056] : memref<16384x128xf32, #tpu.memory_space<vmem>>, vector<128x128xf32>
    tpu.vector_store %arg2[%swap3A_1055, %swap3A_1056], %transpose3A_1054 {strides = array<i32>} : memref<16384x128xf32, #tpu.memory_space<vmem>>, vector<128x128xf32>,
    %slice3A_1058 = vector.extract_strided_slice %get3A_1 {offsets = [0, 54272], sizes = [32, 512], strides = [1, 1]} : vector<32x65536xf32> to vector<32x512xf32>
    %slice3A_1059 = vector.extract_strided_slice %slice3A_1058 {offsets = [0, 0], sizes = [32, 128], strides = [1, 1]} : vector<32x512xf32> to vector<32x128xf32>
    %slice3A_1060 = vector.extract_strided_slice %slice3A_1058 {offsets = [0, 128], sizes = [32, 128], strides = [1, 1]} : vector<32x512xf32> to vector<32x128xf32>
    %slice3A_1061 = vector.extract_strided_slice %slice3A_1058 {offsets = [0, 256], sizes = [32, 128], strides = [1, 1]} : vector<32x512xf32> to vector<32x128xf32>
    %slice3A_1062 = vector.extract_strided_slice %slice3A_1058 {offsets = [0, 384], sizes = [32, 128], strides = [1, 1]} : vector<32x512xf32> to vector<32x128xf32>
    %concatenate3A_1063 = tpu.concatenate %slice3A_1059, %slice3A_1060, %slice3A_1061, %slice3A_1062 in 0 : vector<32x128xf32>, vector<32x128xf32>, vector<32x128xf32>, vector<32x128xf32> -> vector<128x128xf32>
    %transpose3A_1064 = tpu.transpose %concatenate3A_1063, [1, 0] : vector<128x128xf32> -> vector<128x128xf32>
    %swap3A_1065 = arith.constant 13568 : index
    %swap3A_1066 = arith.constant 0 : index
    %swap3A_1067 = vector.load %arg2[%swap3A_1065, %swap3A_1066] : memref<16384x128xf32, #tpu.memory_space<vmem>>, vector<128x128xf32>
    tpu.vector_store %arg2[%swap3A_1065, %swap3A_1066], %transpose3A_1064 {strides = array<i32>} : memref<16384x128xf32, #tpu.memory_space<vmem>>, vector<128x128xf32>,
    %slice3A_1068 = vector.extract_strided_slice %get3A_1 {offsets = [0, 54784], sizes = [32, 512], strides = [1, 1]} : vector<32x65536xf32> to vector<32x512xf32>
    %slice3A_1069 = vector.extract_strided_slice %slice3A_1068 {offsets = [0, 0], sizes = [32, 128], strides = [1, 1]} : vector<32x512xf32> to vector<32x128xf32>
    %slice3A_1070 = vector.extract_strided_slice %slice3A_1068 {offsets = [0, 128], sizes = [32, 128], strides = [1, 1]} : vector<32x512xf32> to vector<32x128xf32>
    %slice3A_1071 = vector.extract_strided_slice %slice3A_1068 {offsets = [0, 256], sizes = [32, 128], strides = [1, 1]} : vector<32x512xf32> to vector<32x128xf32>
    %slice3A_1072 = vector.extract_strided_slice %slice3A_1068 {offsets = [0, 384], sizes = [32, 128], strides = [1, 1]} : vector<32x512xf32> to vector<32x128xf32>
    %concatenate3A_1073 = tpu.concatenate %slice3A_1069, %slice3A_1070, %slice3A_1071, %slice3A_1072 in 0 : vector<32x128xf32>, vector<32x128xf32>, vector<32x128xf32>, vector<32x128xf32> -> vector<128x128xf32>
    %transpose3A_1074 = tpu.transpose %concatenate3A_1073, [1, 0] : vector<128x128xf32> -> vector<128x128xf32>
    %swap3A_1075 = arith.constant 13696 : index
    %swap3A_1076 = arith.constant 0 : index
    %swap3A_1077 = vector.load %arg2[%swap3A_1075, %swap3A_1076] : memref<16384x128xf32, #tpu.memory_space<vmem>>, vector<128x128xf32>
    tpu.vector_store %arg2[%swap3A_1075, %swap3A_1076], %transpose3A_1074 {strides = array<i32>} : memref<16384x128xf32, #tpu.memory_space<vmem>>, vector<128x128xf32>,
    %slice3A_1078 = vector.extract_strided_slice %get3A_1 {offsets = [0, 55296], sizes = [32, 512], strides = [1, 1]} : vector<32x65536xf32> to vector<32x512xf32>
    %slice3A_1079 = vector.extract_strided_slice %slice3A_1078 {offsets = [0, 0], sizes = [32, 128], strides = [1, 1]} : vector<32x512xf32> to vector<32x128xf32>
    %slice3A_1080 = vector.extract_strided_slice %slice3A_1078 {offsets = [0, 128], sizes = [32, 128], strides = [1, 1]} : vector<32x512xf32> to vector<32x128xf32>
    %slice3A_1081 = vector.extract_strided_slice %slice3A_1078 {offsets = [0, 256], sizes = [32, 128], strides = [1, 1]} : vector<32x512xf32> to vector<32x128xf32>
    %slice3A_1082 = vector.extract_strided_slice %slice3A_1078 {offsets = [0, 384], sizes = [32, 128], strides = [1, 1]} : vector<32x512xf32> to vector<32x128xf32>
    %concatenate3A_1083 = tpu.concatenate %slice3A_1079, %slice3A_1080, %slice3A_1081, %slice3A_1082 in 0 : vector<32x128xf32>, vector<32x128xf32>, vector<32x128xf32>, vector<32x128xf32> -> vector<128x128xf32>
    %transpose3A_1084 = tpu.transpose %concatenate3A_1083, [1, 0] : vector<128x128xf32> -> vector<128x128xf32>
    %swap3A_1085 = arith.constant 13824 : index
    %swap3A_1086 = arith.constant 0 : index
    %swap3A_1087 = vector.load %arg2[%swap3A_1085, %swap3A_1086] : memref<16384x128xf32, #tpu.memory_space<vmem>>, vector<128x128xf32>
    tpu.vector_store %arg2[%swap3A_1085, %swap3A_1086], %transpose3A_1084 {strides = array<i32>} : memref<16384x128xf32, #tpu.memory_space<vmem>>, vector<128x128xf32>,
    %slice3A_1088 = vector.extract_strided_slice %get3A_1 {offsets = [0, 55808], sizes = [32, 512], strides = [1, 1]} : vector<32x65536xf32> to vector<32x512xf32>
    %slice3A_1089 = vector.extract_strided_slice %slice3A_1088 {offsets = [0, 0], sizes = [32, 128], strides = [1, 1]} : vector<32x512xf32> to vector<32x128xf32>
    %slice3A_1090 = vector.extract_strided_slice %slice3A_1088 {offsets = [0, 128], sizes = [32, 128], strides = [1, 1]} : vector<32x512xf32> to vector<32x128xf32>
    %slice3A_1091 = vector.extract_strided_slice %slice3A_1088 {offsets = [0, 256], sizes = [32, 128], strides = [1, 1]} : vector<32x512xf32> to vector<32x128xf32>
    %slice3A_1092 = vector.extract_strided_slice %slice3A_1088 {offsets = [0, 384], sizes = [32, 128], strides = [1, 1]} : vector<32x512xf32> to vector<32x128xf32>
    %concatenate3A_1093 = tpu.concatenate %slice3A_1089, %slice3A_1090, %slice3A_1091, %slice3A_1092 in 0 : vector<32x128xf32>, vector<32x128xf32>, vector<32x128xf32>, vector<32x128xf32> -> vector<128x128xf32>
    %transpose3A_1094 = tpu.transpose %concatenate3A_1093, [1, 0] : vector<128x128xf32> -> vector<128x128xf32>
    %swap3A_1095 = arith.constant 13952 : index
    %swap3A_1096 = arith.constant 0 : index
    %swap3A_1097 = vector.load %arg2[%swap3A_1095, %swap3A_1096] : memref<16384x128xf32, #tpu.memory_space<vmem>>, vector<128x128xf32>
    tpu.vector_store %arg2[%swap3A_1095, %swap3A_1096], %transpose3A_1094 {strides = array<i32>} : memref<16384x128xf32, #tpu.memory_space<vmem>>, vector<128x128xf32>,
    %slice3A_1098 = vector.extract_strided_slice %get3A_1 {offsets = [0, 56320], sizes = [32, 512], strides = [1, 1]} : vector<32x65536xf32> to vector<32x512xf32>
    %slice3A_1099 = vector.extract_strided_slice %slice3A_1098 {offsets = [0, 0], sizes = [32, 128], strides = [1, 1]} : vector<32x512xf32> to vector<32x128xf32>
    %slice3A_1100 = vector.extract_strided_slice %slice3A_1098 {offsets = [0, 128], sizes = [32, 128], strides = [1, 1]} : vector<32x512xf32> to vector<32x128xf32>
    %slice3A_1101 = vector.extract_strided_slice %slice3A_1098 {offsets = [0, 256], sizes = [32, 128], strides = [1, 1]} : vector<32x512xf32> to vector<32x128xf32>
    %slice3A_1102 = vector.extract_strided_slice %slice3A_1098 {offsets = [0, 384], sizes = [32, 128], strides = [1, 1]} : vector<32x512xf32> to vector<32x128xf32>
    %concatenate3A_1103 = tpu.concatenate %slice3A_1099, %slice3A_1100, %slice3A_1101, %slice3A_1102 in 0 : vector<32x128xf32>, vector<32x128xf32>, vector<32x128xf32>, vector<32x128xf32> -> vector<128x128xf32>
    %transpose3A_1104 = tpu.transpose %concatenate3A_1103, [1, 0] : vector<128x128xf32> -> vector<128x128xf32>
    %swap3A_1105 = arith.constant 14080 : index
    %swap3A_1106 = arith.constant 0 : index
    %swap3A_1107 = vector.load %arg2[%swap3A_1105, %swap3A_1106] : memref<16384x128xf32, #tpu.memory_space<vmem>>, vector<128x128xf32>
    tpu.vector_store %arg2[%swap3A_1105, %swap3A_1106], %transpose3A_1104 {strides = array<i32>} : memref<16384x128xf32, #tpu.memory_space<vmem>>, vector<128x128xf32>,
    %slice3A_1108 = vector.extract_strided_slice %get3A_1 {offsets = [0, 56832], sizes = [32, 512], strides = [1, 1]} : vector<32x65536xf32> to vector<32x512xf32>
    %slice3A_1109 = vector.extract_strided_slice %slice3A_1108 {offsets = [0, 0], sizes = [32, 128], strides = [1, 1]} : vector<32x512xf32> to vector<32x128xf32>
    %slice3A_1110 = vector.extract_strided_slice %slice3A_1108 {offsets = [0, 128], sizes = [32, 128], strides = [1, 1]} : vector<32x512xf32> to vector<32x128xf32>
    %slice3A_1111 = vector.extract_strided_slice %slice3A_1108 {offsets = [0, 256], sizes = [32, 128], strides = [1, 1]} : vector<32x512xf32> to vector<32x128xf32>
    %slice3A_1112 = vector.extract_strided_slice %slice3A_1108 {offsets = [0, 384], sizes = [32, 128], strides = [1, 1]} : vector<32x512xf32> to vector<32x128xf32>
    %concatenate3A_1113 = tpu.concatenate %slice3A_1109, %slice3A_1110, %slice3A_1111, %slice3A_1112 in 0 : vector<32x128xf32>, vector<32x128xf32>, vector<32x128xf32>, vector<32x128xf32> -> vector<128x128xf32>
    %transpose3A_1114 = tpu.transpose %concatenate3A_1113, [1, 0] : vector<128x128xf32> -> vector<128x128xf32>
    %swap3A_1115 = arith.constant 14208 : index
    %swap3A_1116 = arith.constant 0 : index
    %swap3A_1117 = vector.load %arg2[%swap3A_1115, %swap3A_1116] : memref<16384x128xf32, #tpu.memory_space<vmem>>, vector<128x128xf32>
    tpu.vector_store %arg2[%swap3A_1115, %swap3A_1116], %transpose3A_1114 {strides = array<i32>} : memref<16384x128xf32, #tpu.memory_space<vmem>>, vector<128x128xf32>,
    %slice3A_1118 = vector.extract_strided_slice %get3A_1 {offsets = [0, 57344], sizes = [32, 512], strides = [1, 1]} : vector<32x65536xf32> to vector<32x512xf32>
    %slice3A_1119 = vector.extract_strided_slice %slice3A_1118 {offsets = [0, 0], sizes = [32, 128], strides = [1, 1]} : vector<32x512xf32> to vector<32x128xf32>
    %slice3A_1120 = vector.extract_strided_slice %slice3A_1118 {offsets = [0, 128], sizes = [32, 128], strides = [1, 1]} : vector<32x512xf32> to vector<32x128xf32>
    %slice3A_1121 = vector.extract_strided_slice %slice3A_1118 {offsets = [0, 256], sizes = [32, 128], strides = [1, 1]} : vector<32x512xf32> to vector<32x128xf32>
    %slice3A_1122 = vector.extract_strided_slice %slice3A_1118 {offsets = [0, 384], sizes = [32, 128], strides = [1, 1]} : vector<32x512xf32> to vector<32x128xf32>
    %concatenate3A_1123 = tpu.concatenate %slice3A_1119, %slice3A_1120, %slice3A_1121, %slice3A_1122 in 0 : vector<32x128xf32>, vector<32x128xf32>, vector<32x128xf32>, vector<32x128xf32> -> vector<128x128xf32>
    %transpose3A_1124 = tpu.transpose %concatenate3A_1123, [1, 0] : vector<128x128xf32> -> vector<128x128xf32>
    %swap3A_1125 = arith.constant 14336 : index
    %swap3A_1126 = arith.constant 0 : index
    %swap3A_1127 = vector.load %arg2[%swap3A_1125, %swap3A_1126] : memref<16384x128xf32, #tpu.memory_space<vmem>>, vector<128x128xf32>
    tpu.vector_store %arg2[%swap3A_1125, %swap3A_1126], %transpose3A_1124 {strides = array<i32>} : memref<16384x128xf32, #tpu.memory_space<vmem>>, vector<128x128xf32>,
    %slice3A_1128 = vector.extract_strided_slice %get3A_1 {offsets = [0, 57856], sizes = [32, 512], strides = [1, 1]} : vector<32x65536xf32> to vector<32x512xf32>
    %slice3A_1129 = vector.extract_strided_slice %slice3A_1128 {offsets = [0, 0], sizes = [32, 128], strides = [1, 1]} : vector<32x512xf32> to vector<32x128xf32>
    %slice3A_1130 = vector.extract_strided_slice %slice3A_1128 {offsets = [0, 128], sizes = [32, 128], strides = [1, 1]} : vector<32x512xf32> to vector<32x128xf32>
    %slice3A_1131 = vector.extract_strided_slice %slice3A_1128 {offsets = [0, 256], sizes = [32, 128], strides = [1, 1]} : vector<32x512xf32> to vector<32x128xf32>
    %slice3A_1132 = vector.extract_strided_slice %slice3A_1128 {offsets = [0, 384], sizes = [32, 128], strides = [1, 1]} : vector<32x512xf32> to vector<32x128xf32>
    %concatenate3A_1133 = tpu.concatenate %slice3A_1129, %slice3A_1130, %slice3A_1131, %slice3A_1132 in 0 : vector<32x128xf32>, vector<32x128xf32>, vector<32x128xf32>, vector<32x128xf32> -> vector<128x128xf32>
    %transpose3A_1134 = tpu.transpose %concatenate3A_1133, [1, 0] : vector<128x128xf32> -> vector<128x128xf32>
    %swap3A_1135 = arith.constant 14464 : index
    %swap3A_1136 = arith.constant 0 : index
    %swap3A_1137 = vector.load %arg2[%swap3A_1135, %swap3A_1136] : memref<16384x128xf32, #tpu.memory_space<vmem>>, vector<128x128xf32>
    tpu.vector_store %arg2[%swap3A_1135, %swap3A_1136], %transpose3A_1134 {strides = array<i32>} : memref<16384x128xf32, #tpu.memory_space<vmem>>, vector<128x128xf32>,
    %slice3A_1138 = vector.extract_strided_slice %get3A_1 {offsets = [0, 58368], sizes = [32, 512], strides = [1, 1]} : vector<32x65536xf32> to vector<32x512xf32>
    %slice3A_1139 = vector.extract_strided_slice %slice3A_1138 {offsets = [0, 0], sizes = [32, 128], strides = [1, 1]} : vector<32x512xf32> to vector<32x128xf32>
    %slice3A_1140 = vector.extract_strided_slice %slice3A_1138 {offsets = [0, 128], sizes = [32, 128], strides = [1, 1]} : vector<32x512xf32> to vector<32x128xf32>
    %slice3A_1141 = vector.extract_strided_slice %slice3A_1138 {offsets = [0, 256], sizes = [32, 128], strides = [1, 1]} : vector<32x512xf32> to vector<32x128xf32>
    %slice3A_1142 = vector.extract_strided_slice %slice3A_1138 {offsets = [0, 384], sizes = [32, 128], strides = [1, 1]} : vector<32x512xf32> to vector<32x128xf32>
    %concatenate3A_1143 = tpu.concatenate %slice3A_1139, %slice3A_1140, %slice3A_1141, %slice3A_1142 in 0 : vector<32x128xf32>, vector<32x128xf32>, vector<32x128xf32>, vector<32x128xf32> -> vector<128x128xf32>
    %transpose3A_1144 = tpu.transpose %concatenate3A_1143, [1, 0] : vector<128x128xf32> -> vector<128x128xf32>
    %swap3A_1145 = arith.constant 14592 : index
    %swap3A_1146 = arith.constant 0 : index
    %swap3A_1147 = vector.load %arg2[%swap3A_1145, %swap3A_1146] : memref<16384x128xf32, #tpu.memory_space<vmem>>, vector<128x128xf32>
    tpu.vector_store %arg2[%swap3A_1145, %swap3A_1146], %transpose3A_1144 {strides = array<i32>} : memref<16384x128xf32, #tpu.memory_space<vmem>>, vector<128x128xf32>,
    %slice3A_1148 = vector.extract_strided_slice %get3A_1 {offsets = [0, 58880], sizes = [32, 512], strides = [1, 1]} : vector<32x65536xf32> to vector<32x512xf32>
    %slice3A_1149 = vector.extract_strided_slice %slice3A_1148 {offsets = [0, 0], sizes = [32, 128], strides = [1, 1]} : vector<32x512xf32> to vector<32x128xf32>
    %slice3A_1150 = vector.extract_strided_slice %slice3A_1148 {offsets = [0, 128], sizes = [32, 128], strides = [1, 1]} : vector<32x512xf32> to vector<32x128xf32>
    %slice3A_1151 = vector.extract_strided_slice %slice3A_1148 {offsets = [0, 256], sizes = [32, 128], strides = [1, 1]} : vector<32x512xf32> to vector<32x128xf32>
    %slice3A_1152 = vector.extract_strided_slice %slice3A_1148 {offsets = [0, 384], sizes = [32, 128], strides = [1, 1]} : vector<32x512xf32> to vector<32x128xf32>
    %concatenate3A_1153 = tpu.concatenate %slice3A_1149, %slice3A_1150, %slice3A_1151, %slice3A_1152 in 0 : vector<32x128xf32>, vector<32x128xf32>, vector<32x128xf32>, vector<32x128xf32> -> vector<128x128xf32>
    %transpose3A_1154 = tpu.transpose %concatenate3A_1153, [1, 0] : vector<128x128xf32> -> vector<128x128xf32>
    %swap3A_1155 = arith.constant 14720 : index
    %swap3A_1156 = arith.constant 0 : index
    %swap3A_1157 = vector.load %arg2[%swap3A_1155, %swap3A_1156] : memref<16384x128xf32, #tpu.memory_space<vmem>>, vector<128x128xf32>
    tpu.vector_store %arg2[%swap3A_1155, %swap3A_1156], %transpose3A_1154 {strides = array<i32>} : memref<16384x128xf32, #tpu.memory_space<vmem>>, vector<128x128xf32>,
    %slice3A_1158 = vector.extract_strided_slice %get3A_1 {offsets = [0, 59392], sizes = [32, 512], strides = [1, 1]} : vector<32x65536xf32> to vector<32x512xf32>
    %slice3A_1159 = vector.extract_strided_slice %slice3A_1158 {offsets = [0, 0], sizes = [32, 128], strides = [1, 1]} : vector<32x512xf32> to vector<32x128xf32>
    %slice3A_1160 = vector.extract_strided_slice %slice3A_1158 {offsets = [0, 128], sizes = [32, 128], strides = [1, 1]} : vector<32x512xf32> to vector<32x128xf32>
    %slice3A_1161 = vector.extract_strided_slice %slice3A_1158 {offsets = [0, 256], sizes = [32, 128], strides = [1, 1]} : vector<32x512xf32> to vector<32x128xf32>
    %slice3A_1162 = vector.extract_strided_slice %slice3A_1158 {offsets = [0, 384], sizes = [32, 128], strides = [1, 1]} : vector<32x512xf32> to vector<32x128xf32>
    %concatenate3A_1163 = tpu.concatenate %slice3A_1159, %slice3A_1160, %slice3A_1161, %slice3A_1162 in 0 : vector<32x128xf32>, vector<32x128xf32>, vector<32x128xf32>, vector<32x128xf32> -> vector<128x128xf32>
    %transpose3A_1164 = tpu.transpose %concatenate3A_1163, [1, 0] : vector<128x128xf32> -> vector<128x128xf32>
    %swap3A_1165 = arith.constant 14848 : index
    %swap3A_1166 = arith.constant 0 : index
    %swap3A_1167 = vector.load %arg2[%swap3A_1165, %swap3A_1166] : memref<16384x128xf32, #tpu.memory_space<vmem>>, vector<128x128xf32>
    tpu.vector_store %arg2[%swap3A_1165, %swap3A_1166], %transpose3A_1164 {strides = array<i32>} : memref<16384x128xf32, #tpu.memory_space<vmem>>, vector<128x128xf32>,
    %slice3A_1168 = vector.extract_strided_slice %get3A_1 {offsets = [0, 59904], sizes = [32, 512], strides = [1, 1]} : vector<32x65536xf32> to vector<32x512xf32>
    %slice3A_1169 = vector.extract_strided_slice %slice3A_1168 {offsets = [0, 0], sizes = [32, 128], strides = [1, 1]} : vector<32x512xf32> to vector<32x128xf32>
    %slice3A_1170 = vector.extract_strided_slice %slice3A_1168 {offsets = [0, 128], sizes = [32, 128], strides = [1, 1]} : vector<32x512xf32> to vector<32x128xf32>
    %slice3A_1171 = vector.extract_strided_slice %slice3A_1168 {offsets = [0, 256], sizes = [32, 128], strides = [1, 1]} : vector<32x512xf32> to vector<32x128xf32>
    %slice3A_1172 = vector.extract_strided_slice %slice3A_1168 {offsets = [0, 384], sizes = [32, 128], strides = [1, 1]} : vector<32x512xf32> to vector<32x128xf32>
    %concatenate3A_1173 = tpu.concatenate %slice3A_1169, %slice3A_1170, %slice3A_1171, %slice3A_1172 in 0 : vector<32x128xf32>, vector<32x128xf32>, vector<32x128xf32>, vector<32x128xf32> -> vector<128x128xf32>
    %transpose3A_1174 = tpu.transpose %concatenate3A_1173, [1, 0] : vector<128x128xf32> -> vector<128x128xf32>
    %swap3A_1175 = arith.constant 14976 : index
    %swap3A_1176 = arith.constant 0 : index
    %swap3A_1177 = vector.load %arg2[%swap3A_1175, %swap3A_1176] : memref<16384x128xf32, #tpu.memory_space<vmem>>, vector<128x128xf32>
    tpu.vector_store %arg2[%swap3A_1175, %swap3A_1176], %transpose3A_1174 {strides = array<i32>} : memref<16384x128xf32, #tpu.memory_space<vmem>>, vector<128x128xf32>,
    %slice3A_1178 = vector.extract_strided_slice %get3A_1 {offsets = [0, 60416], sizes = [32, 512], strides = [1, 1]} : vector<32x65536xf32> to vector<32x512xf32>
    %slice3A_1179 = vector.extract_strided_slice %slice3A_1178 {offsets = [0, 0], sizes = [32, 128], strides = [1, 1]} : vector<32x512xf32> to vector<32x128xf32>
    %slice3A_1180 = vector.extract_strided_slice %slice3A_1178 {offsets = [0, 128], sizes = [32, 128], strides = [1, 1]} : vector<32x512xf32> to vector<32x128xf32>
    %slice3A_1181 = vector.extract_strided_slice %slice3A_1178 {offsets = [0, 256], sizes = [32, 128], strides = [1, 1]} : vector<32x512xf32> to vector<32x128xf32>
    %slice3A_1182 = vector.extract_strided_slice %slice3A_1178 {offsets = [0, 384], sizes = [32, 128], strides = [1, 1]} : vector<32x512xf32> to vector<32x128xf32>
    %concatenate3A_1183 = tpu.concatenate %slice3A_1179, %slice3A_1180, %slice3A_1181, %slice3A_1182 in 0 : vector<32x128xf32>, vector<32x128xf32>, vector<32x128xf32>, vector<32x128xf32> -> vector<128x128xf32>
    %transpose3A_1184 = tpu.transpose %concatenate3A_1183, [1, 0] : vector<128x128xf32> -> vector<128x128xf32>
    %swap3A_1185 = arith.constant 15104 : index
    %swap3A_1186 = arith.constant 0 : index
    %swap3A_1187 = vector.load %arg2[%swap3A_1185, %swap3A_1186] : memref<16384x128xf32, #tpu.memory_space<vmem>>, vector<128x128xf32>
    tpu.vector_store %arg2[%swap3A_1185, %swap3A_1186], %transpose3A_1184 {strides = array<i32>} : memref<16384x128xf32, #tpu.memory_space<vmem>>, vector<128x128xf32>,
    %slice3A_1188 = vector.extract_strided_slice %get3A_1 {offsets = [0, 60928], sizes = [32, 512], strides = [1, 1]} : vector<32x65536xf32> to vector<32x512xf32>
    %slice3A_1189 = vector.extract_strided_slice %slice3A_1188 {offsets = [0, 0], sizes = [32, 128], strides = [1, 1]} : vector<32x512xf32> to vector<32x128xf32>
    %slice3A_1190 = vector.extract_strided_slice %slice3A_1188 {offsets = [0, 128], sizes = [32, 128], strides = [1, 1]} : vector<32x512xf32> to vector<32x128xf32>
    %slice3A_1191 = vector.extract_strided_slice %slice3A_1188 {offsets = [0, 256], sizes = [32, 128], strides = [1, 1]} : vector<32x512xf32> to vector<32x128xf32>
    %slice3A_1192 = vector.extract_strided_slice %slice3A_1188 {offsets = [0, 384], sizes = [32, 128], strides = [1, 1]} : vector<32x512xf32> to vector<32x128xf32>
    %concatenate3A_1193 = tpu.concatenate %slice3A_1189, %slice3A_1190, %slice3A_1191, %slice3A_1192 in 0 : vector<32x128xf32>, vector<32x128xf32>, vector<32x128xf32>, vector<32x128xf32> -> vector<128x128xf32>
    %transpose3A_1194 = tpu.transpose %concatenate3A_1193, [1, 0] : vector<128x128xf32> -> vector<128x128xf32>
    %swap3A_1195 = arith.constant 15232 : index
    %swap3A_1196 = arith.constant 0 : index
    %swap3A_1197 = vector.load %arg2[%swap3A_1195, %swap3A_1196] : memref<16384x128xf32, #tpu.memory_space<vmem>>, vector<128x128xf32>
    tpu.vector_store %arg2[%swap3A_1195, %swap3A_1196], %transpose3A_1194 {strides = array<i32>} : memref<16384x128xf32, #tpu.memory_space<vmem>>, vector<128x128xf32>,
    %slice3A_1198 = vector.extract_strided_slice %get3A_1 {offsets = [0, 61440], sizes = [32, 512], strides = [1, 1]} : vector<32x65536xf32> to vector<32x512xf32>
    %slice3A_1199 = vector.extract_strided_slice %slice3A_1198 {offsets = [0, 0], sizes = [32, 128], strides = [1, 1]} : vector<32x512xf32> to vector<32x128xf32>
    %slice3A_1200 = vector.extract_strided_slice %slice3A_1198 {offsets = [0, 128], sizes = [32, 128], strides = [1, 1]} : vector<32x512xf32> to vector<32x128xf32>
    %slice3A_1201 = vector.extract_strided_slice %slice3A_1198 {offsets = [0, 256], sizes = [32, 128], strides = [1, 1]} : vector<32x512xf32> to vector<32x128xf32>
    %slice3A_1202 = vector.extract_strided_slice %slice3A_1198 {offsets = [0, 384], sizes = [32, 128], strides = [1, 1]} : vector<32x512xf32> to vector<32x128xf32>
    %concatenate3A_1203 = tpu.concatenate %slice3A_1199, %slice3A_1200, %slice3A_1201, %slice3A_1202 in 0 : vector<32x128xf32>, vector<32x128xf32>, vector<32x128xf32>, vector<32x128xf32> -> vector<128x128xf32>
    %transpose3A_1204 = tpu.transpose %concatenate3A_1203, [1, 0] : vector<128x128xf32> -> vector<128x128xf32>
    %swap3A_1205 = arith.constant 15360 : index
    %swap3A_1206 = arith.constant 0 : index
    %swap3A_1207 = vector.load %arg2[%swap3A_1205, %swap3A_1206] : memref<16384x128xf32, #tpu.memory_space<vmem>>, vector<128x128xf32>
    tpu.vector_store %arg2[%swap3A_1205, %swap3A_1206], %transpose3A_1204 {strides = array<i32>} : memref<16384x128xf32, #tpu.memory_space<vmem>>, vector<128x128xf32>,
    %slice3A_1208 = vector.extract_strided_slice %get3A_1 {offsets = [0, 61952], sizes = [32, 512], strides = [1, 1]} : vector<32x65536xf32> to vector<32x512xf32>
    %slice3A_1209 = vector.extract_strided_slice %slice3A_1208 {offsets = [0, 0], sizes = [32, 128], strides = [1, 1]} : vector<32x512xf32> to vector<32x128xf32>
    %slice3A_1210 = vector.extract_strided_slice %slice3A_1208 {offsets = [0, 128], sizes = [32, 128], strides = [1, 1]} : vector<32x512xf32> to vector<32x128xf32>
    %slice3A_1211 = vector.extract_strided_slice %slice3A_1208 {offsets = [0, 256], sizes = [32, 128], strides = [1, 1]} : vector<32x512xf32> to vector<32x128xf32>
    %slice3A_1212 = vector.extract_strided_slice %slice3A_1208 {offsets = [0, 384], sizes = [32, 128], strides = [1, 1]} : vector<32x512xf32> to vector<32x128xf32>
    %concatenate3A_1213 = tpu.concatenate %slice3A_1209, %slice3A_1210, %slice3A_1211, %slice3A_1212 in 0 : vector<32x128xf32>, vector<32x128xf32>, vector<32x128xf32>, vector<32x128xf32> -> vector<128x128xf32>
    %transpose3A_1214 = tpu.transpose %concatenate3A_1213, [1, 0] : vector<128x128xf32> -> vector<128x128xf32>
    %swap3A_1215 = arith.constant 15488 : index
    %swap3A_1216 = arith.constant 0 : index
    %swap3A_1217 = vector.load %arg2[%swap3A_1215, %swap3A_1216] : memref<16384x128xf32, #tpu.memory_space<vmem>>, vector<128x128xf32>
    tpu.vector_store %arg2[%swap3A_1215, %swap3A_1216], %transpose3A_1214 {strides = array<i32>} : memref<16384x128xf32, #tpu.memory_space<vmem>>, vector<128x128xf32>,
    %slice3A_1218 = vector.extract_strided_slice %get3A_1 {offsets = [0, 62464], sizes = [32, 512], strides = [1, 1]} : vector<32x65536xf32> to vector<32x512xf32>
    %slice3A_1219 = vector.extract_strided_slice %slice3A_1218 {offsets = [0, 0], sizes = [32, 128], strides = [1, 1]} : vector<32x512xf32> to vector<32x128xf32>
    %slice3A_1220 = vector.extract_strided_slice %slice3A_1218 {offsets = [0, 128], sizes = [32, 128], strides = [1, 1]} : vector<32x512xf32> to vector<32x128xf32>
    %slice3A_1221 = vector.extract_strided_slice %slice3A_1218 {offsets = [0, 256], sizes = [32, 128], strides = [1, 1]} : vector<32x512xf32> to vector<32x128xf32>
    %slice3A_1222 = vector.extract_strided_slice %slice3A_1218 {offsets = [0, 384], sizes = [32, 128], strides = [1, 1]} : vector<32x512xf32> to vector<32x128xf32>
    %concatenate3A_1223 = tpu.concatenate %slice3A_1219, %slice3A_1220, %slice3A_1221, %slice3A_1222 in 0 : vector<32x128xf32>, vector<32x128xf32>, vector<32x128xf32>, vector<32x128xf32> -> vector<128x128xf32>
    %transpose3A_1224 = tpu.transpose %concatenate3A_1223, [1, 0] : vector<128x128xf32> -> vector<128x128xf32>
    %swap3A_1225 = arith.constant 15616 : index
    %swap3A_1226 = arith.constant 0 : index
    %swap3A_1227 = vector.load %arg2[%swap3A_1225, %swap3A_1226] : memref<16384x128xf32, #tpu.memory_space<vmem>>, vector<128x128xf32>
    tpu.vector_store %arg2[%swap3A_1225, %swap3A_1226], %transpose3A_1224 {strides = array<i32>} : memref<16384x128xf32, #tpu.memory_space<vmem>>, vector<128x128xf32>,
    %slice3A_1228 = vector.extract_strided_slice %get3A_1 {offsets = [0, 62976], sizes = [32, 512], strides = [1, 1]} : vector<32x65536xf32> to vector<32x512xf32>
    %slice3A_1229 = vector.extract_strided_slice %slice3A_1228 {offsets = [0, 0], sizes = [32, 128], strides = [1, 1]} : vector<32x512xf32> to vector<32x128xf32>
    %slice3A_1230 = vector.extract_strided_slice %slice3A_1228 {offsets = [0, 128], sizes = [32, 128], strides = [1, 1]} : vector<32x512xf32> to vector<32x128xf32>
    %slice3A_1231 = vector.extract_strided_slice %slice3A_1228 {offsets = [0, 256], sizes = [32, 128], strides = [1, 1]} : vector<32x512xf32> to vector<32x128xf32>
    %slice3A_1232 = vector.extract_strided_slice %slice3A_1228 {offsets = [0, 384], sizes = [32, 128], strides = [1, 1]} : vector<32x512xf32> to vector<32x128xf32>
    %concatenate3A_1233 = tpu.concatenate %slice3A_1229, %slice3A_1230, %slice3A_1231, %slice3A_1232 in 0 : vector<32x128xf32>, vector<32x128xf32>, vector<32x128xf32>, vector<32x128xf32> -> vector<128x128xf32>
    %transpose3A_1234 = tpu.transpose %concatenate3A_1233, [1, 0] : vector<128x128xf32> -> vector<128x128xf32>
    %swap3A_1235 = arith.constant 15744 : index
    %swap3A_1236 = arith.constant 0 : index
    %swap3A_1237 = vector.load %arg2[%swap3A_1235, %swap3A_1236] : memref<16384x128xf32, #tpu.memory_space<vmem>>, vector<128x128xf32>
    tpu.vector_store %arg2[%swap3A_1235, %swap3A_1236], %transpose3A_1234 {strides = array<i32>} : memref<16384x128xf32, #tpu.memory_space<vmem>>, vector<128x128xf32>,
    %slice3A_1238 = vector.extract_strided_slice %get3A_1 {offsets = [0, 63488], sizes = [32, 512], strides = [1, 1]} : vector<32x65536xf32> to vector<32x512xf32>
    %slice3A_1239 = vector.extract_strided_slice %slice3A_1238 {offsets = [0, 0], sizes = [32, 128], strides = [1, 1]} : vector<32x512xf32> to vector<32x128xf32>
    %slice3A_1240 = vector.extract_strided_slice %slice3A_1238 {offsets = [0, 128], sizes = [32, 128], strides = [1, 1]} : vector<32x512xf32> to vector<32x128xf32>
    %slice3A_1241 = vector.extract_strided_slice %slice3A_1238 {offsets = [0, 256], sizes = [32, 128], strides = [1, 1]} : vector<32x512xf32> to vector<32x128xf32>
    %slice3A_1242 = vector.extract_strided_slice %slice3A_1238 {offsets = [0, 384], sizes = [32, 128], strides = [1, 1]} : vector<32x512xf32> to vector<32x128xf32>
    %concatenate3A_1243 = tpu.concatenate %slice3A_1239, %slice3A_1240, %slice3A_1241, %slice3A_1242 in 0 : vector<32x128xf32>, vector<32x128xf32>, vector<32x128xf32>, vector<32x128xf32> -> vector<128x128xf32>
    %transpose3A_1244 = tpu.transpose %concatenate3A_1243, [1, 0] : vector<128x128xf32> -> vector<128x128xf32>
    %swap3A_1245 = arith.constant 15872 : index
    %swap3A_1246 = arith.constant 0 : index
    %swap3A_1247 = vector.load %arg2[%swap3A_1245, %swap3A_1246] : memref<16384x128xf32, #tpu.memory_space<vmem>>, vector<128x128xf32>
    tpu.vector_store %arg2[%swap3A_1245, %swap3A_1246], %transpose3A_1244 {strides = array<i32>} : memref<16384x128xf32, #tpu.memory_space<vmem>>, vector<128x128xf32>,
    %slice3A_1248 = vector.extract_strided_slice %get3A_1 {offsets = [0, 64000], sizes = [32, 512], strides = [1, 1]} : vector<32x65536xf32> to vector<32x512xf32>
    %slice3A_1249 = vector.extract_strided_slice %slice3A_1248 {offsets = [0, 0], sizes = [32, 128], strides = [1, 1]} : vector<32x512xf32> to vector<32x128xf32>
    %slice3A_1250 = vector.extract_strided_slice %slice3A_1248 {offsets = [0, 128], sizes = [32, 128], strides = [1, 1]} : vector<32x512xf32> to vector<32x128xf32>
    %slice3A_1251 = vector.extract_strided_slice %slice3A_1248 {offsets = [0, 256], sizes = [32, 128], strides = [1, 1]} : vector<32x512xf32> to vector<32x128xf32>
    %slice3A_1252 = vector.extract_strided_slice %slice3A_1248 {offsets = [0, 384], sizes = [32, 128], strides = [1, 1]} : vector<32x512xf32> to vector<32x128xf32>
    %concatenate3A_1253 = tpu.concatenate %slice3A_1249, %slice3A_1250, %slice3A_1251, %slice3A_1252 in 0 : vector<32x128xf32>, vector<32x128xf32>, vector<32x128xf32>, vector<32x128xf32> -> vector<128x128xf32>
    %transpose3A_1254 = tpu.transpose %concatenate3A_1253, [1, 0] : vector<128x128xf32> -> vector<128x128xf32>
    %swap3A_1255 = arith.constant 16000 : index
    %swap3A_1256 = arith.constant 0 : index
    %swap3A_1257 = vector.load %arg2[%swap3A_1255, %swap3A_1256] : memref<16384x128xf32, #tpu.memory_space<vmem>>, vector<128x128xf32>
    tpu.vector_store %arg2[%swap3A_1255, %swap3A_1256], %transpose3A_1254 {strides = array<i32>} : memref<16384x128xf32, #tpu.memory_space<vmem>>, vector<128x128xf32>,
    %slice3A_1258 = vector.extract_strided_slice %get3A_1 {offsets = [0, 64512], sizes = [32, 512], strides = [1, 1]} : vector<32x65536xf32> to vector<32x512xf32>
    %slice3A_1259 = vector.extract_strided_slice %slice3A_1258 {offsets = [0, 0], sizes = [32, 128], strides = [1, 1]} : vector<32x512xf32> to vector<32x128xf32>
    %slice3A_1260 = vector.extract_strided_slice %slice3A_1258 {offsets = [0, 128], sizes = [32, 128], strides = [1, 1]} : vector<32x512xf32> to vector<32x128xf32>
    %slice3A_1261 = vector.extract_strided_slice %slice3A_1258 {offsets = [0, 256], sizes = [32, 128], strides = [1, 1]} : vector<32x512xf32> to vector<32x128xf32>
    %slice3A_1262 = vector.extract_strided_slice %slice3A_1258 {offsets = [0, 384], sizes = [32, 128], strides = [1, 1]} : vector<32x512xf32> to vector<32x128xf32>
    %concatenate3A_1263 = tpu.concatenate %slice3A_1259, %slice3A_1260, %slice3A_1261, %slice3A_1262 in 0 : vector<32x128xf32>, vector<32x128xf32>, vector<32x128xf32>, vector<32x128xf32> -> vector<128x128xf32>
    %transpose3A_1264 = tpu.transpose %concatenate3A_1263, [1, 0] : vector<128x128xf32> -> vector<128x128xf32>
    %swap3A_1265 = arith.constant 16128 : index
    %swap3A_1266 = arith.constant 0 : index
    %swap3A_1267 = vector.load %arg2[%swap3A_1265, %swap3A_1266] : memref<16384x128xf32, #tpu.memory_space<vmem>>, vector<128x128xf32>
    tpu.vector_store %arg2[%swap3A_1265, %swap3A_1266], %transpose3A_1264 {strides = array<i32>} : memref<16384x128xf32, #tpu.memory_space<vmem>>, vector<128x128xf32>,
    %slice3A_1268 = vector.extract_strided_slice %get3A_1 {offsets = [0, 65024], sizes = [32, 512], strides = [1, 1]} : vector<32x65536xf32> to vector<32x512xf32>
    %slice3A_1269 = vector.extract_strided_slice %slice3A_1268 {offsets = [0, 0], sizes = [32, 128], strides = [1, 1]} : vector<32x512xf32> to vector<32x128xf32>
    %slice3A_1270 = vector.extract_strided_slice %slice3A_1268 {offsets = [0, 128], sizes = [32, 128], strides = [1, 1]} : vector<32x512xf32> to vector<32x128xf32>
    %slice3A_1271 = vector.extract_strided_slice %slice3A_1268 {offsets = [0, 256], sizes = [32, 128], strides = [1, 1]} : vector<32x512xf32> to vector<32x128xf32>
    %slice3A_1272 = vector.extract_strided_slice %slice3A_1268 {offsets = [0, 384], sizes = [32, 128], strides = [1, 1]} : vector<32x512xf32> to vector<32x128xf32>
    %concatenate3A_1273 = tpu.concatenate %slice3A_1269, %slice3A_1270, %slice3A_1271, %slice3A_1272 in 0 : vector<32x128xf32>, vector<32x128xf32>, vector<32x128xf32>, vector<32x128xf32> -> vector<128x128xf32>
    %transpose3A_1274 = tpu.transpose %concatenate3A_1273, [1, 0] : vector<128x128xf32> -> vector<128x128xf32>
    %swap3A_1275 = arith.constant 16256 : index
    %swap3A_1276 = arith.constant 0 : index
    %swap3A_1277 = vector.load %arg2[%swap3A_1275, %swap3A_1276] : memref<16384x128xf32, #tpu.memory_space<vmem>>, vector<128x128xf32>
    tpu.vector_store %arg2[%swap3A_1275, %swap3A_1276], %transpose3A_1274 {strides = array<i32>} : memref<16384x128xf32, #tpu.memory_space<vmem>>, vector<128x128xf32>,
    return
  }
  func.func @transform_0(%arg0: i32) -> (i32, i32) {
    %c0_i32 = arith.constant 0 : i32
    %c0_i32_0 = arith.constant 0 : i32
    return %c0_i32, %arg0 : i32, i32
  }
  func.func @transform_1(%arg0: i32) -> (i32, i32) {
    %c0_i32 = arith.constant 0 : i32
    %c0_i32_0 = arith.constant 0 : i32
    return %arg0, %c0_i32 : i32, i32
  }
}

</mosaic_0001>

<sc_bundles>
// kernel: kernel.4.cloned.1.call-start
scs
__scs_entry_jumppad:
0x0: {  	(pc) =	sbr.rel $0x88, $3  }
0x1: {  	(tag) =	ssettag $0x0;
	lr =	simm.s32 $0x1  }
0x2: {  	[smem:$0x3F9F] =	sst lr;
	_ =	strace $0xD0000000  }
0x3: {  	_ = 	snop  }
0x4: {  	_ = 	snop  }
0x5: {  	_ = 	snop  }
0x6: {  	_ = 	snop  }
0x7: {  	_ = 	snop  }
__scs_overlays_trampoline_lowered:
0x8: {  	[smem:$0x3FAE] =	sst s0  }
0x9: {  	[smem:$0x3FAF] =	sst s1  }
0xa: {  	[smem:$0x3FB0] =	sst s2  }
0xb: {  	[smem:$0x3FB1] =	sst s3  }
0xc: {  	[smem:$0x3FB2] =	sst s4  }
0xd: {  	[smem:$0x3FB3] =	sst s5  }
0xe: {  	[smem:$0x3FB4] =	sst s6  }
0xf: {  	[smem:$0x3FB5] =	sst s7  }
0x10: {  	[smem:$0x3FB6] =	sst s8  }
0x11: {  	[smem:$0x3FB7] =	sst s9;
	s0 =	simm.s32 @!p0 $0x0  }
0x12: {  	s1 =	sld [smem:$0x3F9D];
	s0 =	simm.s32 @p0 $0x1  }
0x13: {  	[smem:$0x3FB8] =	sst s0;
	s0 =	simm.s32 @!p1 $0x0  }
0x14: {  	s2 =	sld [smem:$0x3F9C];
	s0 =	simm.s32 @p1 $0x1  }
0x15: {  	[smem:$0x3FB9] =	sst s0;
	s0 =	simm.s32 @!p2 $0x0  }
0x16: {  	s3 =	sld [smem:$0x3FDB];
	s0 =	simm.s32 @p2 $0x1  }
0x17: {  	s4 =	simm.s32 $0x1BF5;
	[smem:$0x3FBB] =	sst s0  }
0x18: {  	s0 =	sld [smem:$0x3F9E];
	_ =	swait.ge [sflag:s4], $0x0  }
0x19: {  	s7 =	sld [smem:$0x3F9F]  }
0x1a: {  	s8 =	sadd.s32 $0xFFFFE003, lr  }
0x1b: {  	s9 =	sadd.s32 $0xFFFFFEF7, lr;
	s5 =	simm.s32 $0xFFFFFFFF;
	p2 =	slt.u32 s8, $0xFFFFF086  }
0x1c: {  	p1 =	slt.u32 s9, $0xF7A;
	s5 =	simm.s32 @!p2 $0x0  }
0x1d: {  	s5 =	simm.s32 @p1 $0x1;
	p0 =	seq.s32 s7, s2  }
0x1e: {  	s7 =	smul.u32 @!p0 $0xF7A, s2;
	p2 =	seq.s32 @!p0 s5, $0x0  }
0x1f: {  	s9 =	smul.u32 $0xF7A, s1;
	s8 =	simm.s32 @!p0 $0x1BF5;
	p2 =	por !p2, p0  }
0x20: {  	[sflag:s8] =	ssyncset.s32 @!p0 $0xFFFFF086;
	s6 =	sadd.s32 @!p0 s3, s7;
	s7 =	simm.s32 @!p0 $0x108  }
0x21: {  	s3 =	sadd.s32 s3, s9;
	s6 =	sadd.s32 @!p0 $0x88, s6;
	s7 =	simm.s32 @p2 $0x1082  }
0x22: {  	[simem:s7], [sflag:s8] =	dma.local @!p0 [hbm:s6], $0xF7A  }
0x23: {  	s9 =	sor.u32 $0xD0000000, s2;
	s6 =	simm.s32 $0x108;
	_ =	swait.ge @!p0 [sflag:s8], $0x0  }
0x24: {  	s3 =	sadd.s32 $0x88, s3;
	s6 =	simm.s32 @!p1 $0x1082;
	[sflag:s4] =	ssyncset.s32 $0xFFFFF086  }
0x25: {  	[simem:s6], [sflag:s4] =	dma.local [hbm:s3], $0xF7A  }
0x26: {  	[smem:$0x3F9F] =	sst s1;
	(tag) =	ssettag s2;
	_ =	strace s9  }
0x27: {  	s1 =	sld [smem:$0x3FAF]  }
0x28: {  	s2 =	sld [smem:$0x3FB0]  }
0x29: {  	s4 =	sld [smem:$0x3FB2]  }
0x2a: {  	p0 =	seq.s32 s5, $0x0;
	s5 =	sld [smem:$0x3FB3]  }
0x2b: {  	s6 =	sld [smem:$0x3FB4]  }
0x2c: {  	s7 =	sld [smem:$0x3FB5]  }
0x2d: {  	s3 =	simm.s32 $0x108;
	s8 =	sld [smem:$0x3FB6]  }
0x2e: {  	s3 =	simm.s32 @!p0 $0x1082;
	s9 =	sld [smem:$0x3FB7]  }
0x2f: {  	lr =	sadd.s32 s0, s3;
	s0 =	sld [smem:$0x3FAE]  }
0x30: {  	s3 =	sld [smem:$0x3FB1]  }
0x31: {  	[smem:$0x3FBA] =	sst s10  }
0x32: {  	s10 =	sld [smem:$0x3FB8];
	_ =	sdelay $0x3  }
0x33: {  	p0 =	seq.s32 s10, $0x1;
	s10 =	sld [smem:$0x3FBA];
	_ =	sdelay $0x3  }
0x34: {  	[smem:$0x3FBA] =	sst s10  }
0x35: {  	s10 =	sld [smem:$0x3FB9];
	_ =	sdelay $0x3  }
0x36: {  	p1 =	seq.s32 s10, $0x1;
	s10 =	sld [smem:$0x3FBA];
	_ =	sdelay $0x3  }
0x37: {  	[smem:$0x3FBA] =	sst s10  }
0x38: {  	s10 =	sld [smem:$0x3FBB]  }
0x39: {  	_ = 	snop;
	(pc) =	sbr.ind lr, $3  }
0x3a: {  	_ = 	snop  }
0x3b: {  	_ = 	snop  }
0x3c: {  	p2 =	seq.s32 s10, $0x1;
	s10 =	sld [smem:$0x3FBA]  }
0x3d: {  	_ =	shalt  }
0x3e: {  	_ =	shalt  }
0x3f: {  	_ =	shalt  }
0x40: {  	_ =	shalt  }
0x41: {  	_ =	shalt  }
0x42: {  	_ =	shalt  }
0x43: {  	_ =	shalt  }
0x44: {  	_ =	shalt  }
0x45: {  	_ =	shalt  }
0x46: {  	_ =	shalt  }
0x47: {  	_ =	shalt  }
0x48: {  	_ =	shalt  }
0x49: {  	_ =	shalt  }
0x4a: {  	_ =	shalt  }
0x4b: {  	_ =	shalt  }
0x4c: {  	_ =	shalt  }
0x4d: {  	_ =	shalt  }
0x4e: {  	_ =	shalt  }
0x4f: {  	_ =	shalt  }
0x50: {  	_ =	shalt  }
0x51: {  	_ =	shalt  }
0x52: {  	_ =	shalt  }
0x53: {  	_ =	shalt  }
0x54: {  	_ =	shalt  }
0x55: {  	_ =	shalt  }
0x56: {  	_ =	shalt  }
0x57: {  	_ =	shalt  }
0x58: {  	_ =	shalt  }
0x59: {  	_ =	shalt  }
0x5a: {  	_ =	shalt  }
0x5b: {  	_ =	shalt  }
0x5c: {  	_ =	shalt  }
0x5d: {  	_ =	shalt  }
0x5e: {  	_ =	shalt  }
0x5f: {  	_ =	shalt  }
0x60: {  	_ =	shalt  }
0x61: {  	_ =	shalt  }
0x62: {  	_ =	shalt  }
0x63: {  	_ =	shalt  }
0x64: {  	_ =	shalt  }
0x65: {  	_ =	shalt  }
0x66: {  	_ =	shalt  }
0x67: {  	_ =	shalt  }
0x68: {  	_ =	shalt  }
0x69: {  	_ =	shalt  }
0x6a: {  	_ =	shalt  }
0x6b: {  	_ =	shalt  }
0x6c: {  	_ =	shalt  }
0x6d: {  	_ =	shalt  }
0x6e: {  	_ =	shalt  }
0x6f: {  	_ =	shalt  }
0x70: {  	_ =	shalt  }
0x71: {  	_ =	shalt  }
0x72: {  	_ =	shalt  }
0x73: {  	_ =	shalt  }
0x74: {  	_ =	shalt  }
0x75: {  	_ =	shalt  }
0x76: {  	_ =	shalt  }
0x77: {  	_ =	shalt  }
0x78: {  	_ =	shalt  }
0x79: {  	_ =	shalt  }
0x7a: {  	_ =	shalt  }
0x7b: {  	_ =	shalt  }
0x7c: {  	_ =	shalt  }
0x7d: {  	_ =	shalt  }
0x7e: {  	_ =	shalt  }
0x7f: {  	_ =	shalt  }
0x80: {  	_ =	shalt  }
0x81: {  	_ =	shalt  }
0x82: {  	_ =	shalt  }
0x83: {  	_ =	shalt  }
0x84: {  	_ =	shalt  }
0x85: {  	_ =	shalt  }
0x86: {  	_ =	shalt  }
0x87: {  	_ =	shalt  }
.Lfunc_end0:
.L_simem_size_0:
called_computation_lowered:
.L_overlay_start_0:
0x88: {  	s2 =	sld [smem:$0x3FD9]  }
0x89: {  	s3 =	sld [smem:$0x3FFE];
	_ =	sdelay $0x1  }
0x8a: {  	s1 =	srdreg.scid  }
0x8b: {  	s0 =	sand.u32 $0x1, s1  }
0x8c: {  	s17 =	sshll.u32 s0, $0xA;
	s2 =	sadd.s32 s3, s2  }
0x8d: {  	s2 =	sadd.s32 s2, s17  }
0x8e: {  	[smem:$0x3FC6] =	sst s2  }
0x8f: {  	_ = 	snop  }
0x90: {  	s2 =	sld [smem:$0x3FD0];
	(tm) =	ssettm $0x1  }
0x91: {  	s18 =	sld [smem:$0x3FFB];
	_ =	sdelay $0x3  }
0x92: {  	_ =	strace s18  }
0x93: {  	s3 =	sld [smem:$0x3FFC];
	_ =	sdelay $0x3  }
0x94: {  	_ =	strace s3  }
0x95: {  	s3 =	sld [smem:$0x3FFD];
	_ =	sdelay $0x3  }
0x96: {  	_ =	strace s3  }
0x97: {  	_ =	strace $0x8FFFFFFF  }
0x98: {  	s19 =	sld [smem:$0x3FDB];
	_ =	sdelay $0x1  }
0x99: {  	s4 =	simm.s32 $_scs_section_size  }
0x9a: {  	s5 =	simm.s32 $_size__tile_overlayer_lowered;
	s6 =	simm.s32 $_tile_overlayer_lowered  }
0x9b: {  	s22 =	simm.s32 $0x1BFF;
	s21 =	sshll.u32 s6, $0x1;
	s3 =	sadd.s32 s4, s19  }
0x9c: {  	s7 =	simm.s32 $0x0;
	s20 =	sshll.u32 s5, $0x1;
	s5 =	sadd.s32 s21, s3  }
0x9d: {  	[timem:s7], [sflag:s22] =	dma.local [hbm:s5], s20  }
0x9e: {  	_ =	swait.ge [sflag:s22], s20  }
0x9f: {  	s4 =	ssub.s32 $0x0, s20;
	[sflag:s22] =	ssyncset.done $0x0  }
0xa0: {  	[sflag:s22] =	ssyncadd.s32 s4;
	_ =	sdelay $0x1  }
0xa1: {  	s23 =	simm.s32 $0x1B8B  }
0xa2: {  	_ =	swait.ge [sflag:s23], $0x1  }
0xa3: {  	[sflag:s23] =	ssyncset.done $0x0  }
0xa4: {  	s25 =	simm.s32 $0x1B8E;
	s24 =	sld [smem:$0x3FFE];
	[sflag:s23] =	ssyncadd.s32 $0xFFFFFFFF  }
0xa5: {  	s26 =	simm.s32 $execute0_lowered;
	[smem:$0x3FD2] =	sst s25  }
0xa6: {  	s5 =	sshll.u32 s26, $0x1;
	_ =	strace $0x80000046;
	[dreg:$0x1] =	wrdreg $0xFFFFFFFF  }
0xa7: {  	s28 =	simm.s32 $_size_execute0_lowered;
	s3 =	sadd.s32 s3, s5;
	[dreg:$0x0] =	wrdreg $0x0  }
0xa8: {  	s5 =	sshll.u32 s28, $0x1;
	[dreg:$0x2] =	wrdreg s3  }
0xa9: {  	[dreg:$0x3] =	wrdreg s5  }
0xaa: {  	[dreg:$0x4] =	wrdreg $0xC0  }
0xab: {  	_ =	task [dreg:s7], $0x5FFFF  }
0xac: {  	[dreg:$0x1] =	wrdreg $0xFFFFFFFF  }
0xad: {  	[dreg:$0x0] =	wrdreg $0x60  }
0xae: {  	[dreg:$0x2] =	wrdreg s24  }
0xaf: {  	[dreg:$0x3] =	wrdreg s2  }
0xb0: {  	[dreg:$0x4] =	wrdreg $0x9  }
0xb1: {  	_ =	task.clear_ibuf [dreg:s7], $0x5FFFF;
	_ =	strace $0x90000046  }
0xb2: {  	s29 =	simm.s32 $0x9;
	_ =	strace $0x80000048  }
0xb3: {  	_ =	swait.ge [sflag:s29], $0x1  }
0xb4: {  	[sflag:s29] =	ssyncadd.s32 $0xFFFFFFFF  }
0xb5: {  	_ =	strace $0x90000048  }
0xb6: {  	_ =	sfence  }
0xb7: {  	s30 =	sld [smem:$0x0];
	_ =	sdelay $0x2  }
0xb8: {  	s31 =	sshll.u32 s1, $0xD;
	s1 =	sshrl.u32 s1, $0x2  }
0xb9: {  	s3 =	sand.u32 $0x4000, s31;
	s1 =	sadd.s32 s1, s30  }
0xba: {  	s0 =	sor.u32 s3, s0;
	s1 =	sshll.u32 s1, $0x11  }
0xbb: {  	s0 =	sor.u32 s1, s0  }
0xbc: {  	s0 =	sadd.s32 $0x8F2B, s0  }
0xbd: {  	[sflag:s0] =	ssyncadd.remote.s32 $0x1  }
0xbe: {  	_ =	sfence.sel $0xFFFF  }
0xbf: {  	[dreg:$0x0] =	wrdreg $0xFFFFFFFF;
	(pc) =	sbr.abs _section_cstart, $3  }
0xc0: {  	[dreg:$0x1] =	wrdreg $0xFFFFFFFF  }
0xc1: {  	_ =	task.clear_ibuf [dreg:s7], $0x2FFFF;
	_ =	strace $0x9FFFFFFF  }
0xc2: {  	(tm) =	ssettm $0x7FFFFFFF  }
0xc3: {  	_ =	shalt  }
tec
execute0_lowered:
.L_overlay_start_1:
0x0: {  	(tag) =	ssettag $0x1  }
0x1: {  	s2 =	srdreg.scid  }
0x2: {  	s4 =	stileid.u32;
	s3 =	sand.u32 $0x1, s2  }
0x3: {  	s0 =	rddreg [dreg:$0x0];
	s4 =	sshll.u32 s4, $0xA;
	s5 =	sshll.u32 s3, $0x9  }
0x4: {  	s1 =	rddreg [dreg:$0x1];
	s4 =	sor.u32 s5, s4  }
0x5: {  	s2 =	simm.s32 $0x0;
	s5 =	sshrl.u32 s4, $0x3;
	s4 =	sshll.u32 s4, $0x2  }
0x6: {  	[smem:$0x7FF] =	sst s2;
	s5 =	sadd.s32 s5, s0;
	s1 =	sadd.s32 s1, s4  }
0x7: {  	_ =	strace $0x80000047;
	s14 =	sadd.s32 $0x400, s5;
	[dreg:$0x15] =	wrdreg s1  }
0x8: {  	s15 =	sadd.s32 $0xC00, s5;
	[dreg:$0x3] =	wrdreg s14  }
0x9: {  	s16 =	sadd.s32 $0x1400, s5;
	[dreg:$0x4] =	wrdreg s15  }
0xa: {  	s17 =	sadd.s32 $0x1C00, s5;
	[dreg:$0x5] =	wrdreg s16  }
0xb: {  	s18 =	sadd.s32 $0x2400, s5;
	[dreg:$0x6] =	wrdreg s17  }
0xc: {  	s19 =	sadd.s32 $0x2C00, s5;
	[dreg:$0x7] =	wrdreg s18  }
0xd: {  	s20 =	sadd.s32 $0x3400, s5;
	[dreg:$0x8] =	wrdreg s19  }
0xe: {  	s21 =	sadd.s32 $0x3C00, s5;
	[dreg:$0x9] =	wrdreg s20  }
0xf: {  	s22 =	sadd.s32 $0x4400, s5;
	[dreg:$0xa] =	wrdreg s21  }
0x10: {  	s23 =	sadd.s32 $0x4C00, s5;
	[dreg:$0xb] =	wrdreg s22  }
0x11: {  	s24 =	sadd.s32 $0x5400, s5;
	[dreg:$0xc] =	wrdreg s23  }
0x12: {  	s25 =	sadd.s32 $0x5C00, s5;
	[dreg:$0xd] =	wrdreg s24  }
0x13: {  	s26 =	sadd.s32 $0x6400, s5;
	[dreg:$0xe] =	wrdreg s25  }
0x14: {  	s7 =	sadd.s32 $0x6C00, s5;
	[dreg:$0xf] =	wrdreg s26  }
0x15: {  	s8 =	sadd.s32 $0x7400, s5;
	[dreg:$0x10] =	wrdreg s7  }
0x16: {  	s9 =	sadd.s32 $0x7C00, s5;
	[dreg:$0x11] =	wrdreg s8  }
0x17: {  	s6 =	ssub.s32 $0x2, s3;
	s10 =	sadd.s32 $0x8400, s5;
	[dreg:$0x12] =	wrdreg s9  }
0x18: {  	s3 =	sadd.s32 $0x19400, s0;
	s11 =	sadd.s32 $0x8C00, s5;
	[dreg:$0x13] =	wrdreg s10  }
0x19: {  	s13 =	sshrl.u32 s6, $0x1;
	s12 =	sadd.s32 $0x9400, s5;
	[dreg:$0x14] =	wrdreg s11  }
0x1a: {  	s0 =	ssub.s32 s6, s13;
	s13 =	sadd.s32 $0x9C00, s5;
	[dreg:$0x16] =	wrdreg s12  }
0x1b: {  	s4 =	sadd.s32 $0x10C00, s5;
	[dreg:$0x17] =	wrdreg s13  }
0x1c: {  	s6 =	sadd.s32 $0x11400, s5;
	[smem:$0x7EB] =	sst s4  }
0x1d: {  	s0 =	smax.u32 s0, $0x1;
	[smem:$0x7EC] =	sst s6  }
0x1e: {  	s14 =	sadd.s32 $0xA400, s5;
	[smem:$0x7FC] =	sst s0  }
0x1f: {  	s15 =	sadd.s32 $0xAC00, s5;
	[dreg:$0x18] =	wrdreg s14  }
0x20: {  	s16 =	sadd.s32 $0xB400, s5;
	[dreg:$0x19] =	wrdreg s15  }
0x21: {  	s17 =	sadd.s32 $0xBC00, s5;
	[dreg:$0x1a] =	wrdreg s16  }
0x22: {  	s18 =	sadd.s32 $0xC400, s5;
	[dreg:$0x1b] =	wrdreg s17  }
0x23: {  	s19 =	sadd.s32 $0xCC00, s5;
	[dreg:$0x1c] =	wrdreg s18  }
0x24: {  	s20 =	sadd.s32 $0xD400, s5;
	[dreg:$0x1d] =	wrdreg s19  }
0x25: {  	s21 =	sadd.s32 $0xDC00, s5;
	[dreg:$0x1e] =	wrdreg s20  }
0x26: {  	s22 =	sadd.s32 $0xE400, s5;
	[dreg:$0x1f] =	wrdreg s21  }
0x27: {  	s23 =	sadd.s32 $0xEC00, s5;
	[smem:$0x7E6] =	sst s22  }
0x28: {  	s24 =	sadd.s32 $0xF400, s5;
	[smem:$0x7E7] =	sst s23  }
0x29: {  	s25 =	sadd.s32 $0xFC00, s5;
	[smem:$0x7E8] =	sst s24  }
0x2a: {  	s26 =	sadd.s32 $0x10400, s5;
	[smem:$0x7E9] =	sst s25  }
0x2b: {  	s28 =	simm.s32 $0x200;
	s7 =	sadd.s32 $0x11C00, s5;
	[smem:$0x7EA] =	sst s26  }
0x2c: {  	s30 =	simm.s32 $0x6000;
	s8 =	sadd.s32 $0x12400, s5;
	[smem:$0x7ED] =	sst s7  }
0x2d: {  	s31 =	simm.s32 $0x6200;
	s9 =	sadd.s32 $0x12C00, s5;
	[smem:$0x7EE] =	sst s8  }
0x2e: {  	s29 =	simm.s32 $0x6400;
	s10 =	sadd.s32 $0x13400, s5;
	[smem:$0x7EF] =	sst s9  }
0x2f: {  	s1 =	simm.s32 $0x3800;
	s11 =	sadd.s32 $0x13C00, s5;
	[smem:$0x7F0] =	sst s10  }
0x30: {  	s12 =	sadd.s32 $0x14400, s5;
	s13 =	sadd.s32 $0x14C00, s5;
	[smem:$0x7F1] =	sst s11  }
0x31: {  	s4 =	simm.s32 $0x3C00;
	s6 =	simm.s32 $0x4400;
	[smem:$0x7F2] =	sst s12  }
0x32: {  	[smem:$0x7F3] =	sst s13;
	s14 =	sadd.s32 $0x15400, s5;
	s15 =	sadd.s32 $0x15C00, s5  }
0x33: {  	s16 =	sadd.s32 $0x16400, s5;
	s17 =	sadd.s32 $0x16C00, s5;
	s18 =	sadd.s32 $0x17400, s5  }
0x34: {  	s19 =	sadd.s32 $0x17C00, s5;
	s20 =	sadd.s32 $0x18400, s5;
	[smem:$0x7F4] =	sst s14  }
0x35: {  	s21 =	sadd.s32 $0x18C00, s5;
	s23 =	simm.s32 $0x400;
	[smem:$0x7F5] =	sst s15  }
0x36: {  	s24 =	simm.s32 $0x3A00;
	s25 =	simm.s32 $0x3E00;
	[smem:$0x7F6] =	sst s16  }
0x37: {  	s5 =	simm.s32 $0x4000;
	s26 =	simm.s32 $0x4200;
	[smem:$0x7F7] =	sst s17  }
0x38: {  	s7 =	simm.s32 $0x4600;
	s8 =	simm.s32 $0x4800;
	[smem:$0x7F8] =	sst s18  }
0x39: {  	s9 =	simm.s32 $0x4A00;
	s10 =	simm.s32 $0x4C00;
	[smem:$0x7F9] =	sst s19  }
0x3a: {  	s11 =	simm.s32 $0x4E00;
	s12 =	simm.s32 $0x5000;
	[smem:$0x7FA] =	sst s20  }
0x3b: {  	s13 =	simm.s32 $0x5200;
	s22 =	simm.s32 $0x0;
	[smem:$0x7FB] =	sst s21  }
0x3c: {  	s14 =	simm.s32 $0x5400;
	s15 =	simm.s32 $0x5600;
	s16 =	simm.s32 $0x5800  }
0x3d: {  	s21 =	simm.s32 $0x5A00;
	s17 =	simm.s32 $0x5C00;
	s18 =	simm.s32 $0x5E00  }
0x3e: {  	v0 =	vimm.f32 $0.0e+00;
	s19 =	simm.s32 $0x1;
	s20 =	simm.s32 $0x2;
	[smem:$0x7FD] =	sst s22  }
.LBB2_1:
0x3f: {  	s22 =	rddreg [dreg:$0x3]  }
0x40: {  	[tilespmem:s2], [sflag:$0x1] =	stream.linear.gather [hbm4b:s22+s2], $0x200, $0x38;
	[tilespmem:$0xA400] =	vst v63  }
0x41: {  	s0 =	rddreg [dreg:$0x4]  }
0x42: {  	[tilespmem:s28], [sflag:$0x1] =	stream.linear.gather [hbm4b:s0+s2], $0x200, $0x38;
	[tilespmem:$0xA400] =	vst v63  }
0x43: {  	s0 =	rddreg [dreg:$0x5]  }
0x44: {  	[tilespmem:s23], [sflag:$0x1] =	stream.linear.gather [hbm4b:s0+s2], $0x200, $0x38;
	[tilespmem:$0xA400] =	vst v63  }
0x45: {  	s23 =	rddreg [dreg:$0x6];
	s0 =	simm.s32 $0x600  }
0x46: {  	[tilespmem:s0], [sflag:$0x1] =	stream.linear.gather [hbm4b:s23+s2], $0x200, $0x38;
	[tilespmem:$0xA400] =	vst v63  }
0x47: {  	s0 =	rddreg [dreg:$0x7];
	s23 =	simm.s32 $0x800  }
0x48: {  	[tilespmem:s23], [sflag:$0x1] =	stream.linear.gather [hbm4b:s0+s2], $0x200, $0x38;
	[tilespmem:$0xA400] =	vst v63  }
0x49: {  	s0 =	rddreg [dreg:$0x8];
	s23 =	simm.s32 $0xA00  }
0x4a: {  	[tilespmem:s23], [sflag:$0x1] =	stream.linear.gather [hbm4b:s0+s2], $0x200, $0x38;
	[tilespmem:$0xA400] =	vst v63  }
0x4b: {  	s0 =	rddreg [dreg:$0x9];
	s23 =	simm.s32 $0xC00  }
0x4c: {  	[tilespmem:s23], [sflag:$0x1] =	stream.linear.gather [hbm4b:s0+s2], $0x200, $0x38;
	[tilespmem:$0xA400] =	vst v63  }
0x4d: {  	s0 =	rddreg [dreg:$0xa];
	s23 =	simm.s32 $0xE00  }
0x4e: {  	[tilespmem:s23], [sflag:$0x1] =	stream.linear.gather [hbm4b:s0+s2], $0x200, $0x38;
	[tilespmem:$0xA400] =	vst v63  }
0x4f: {  	s0 =	rddreg [dreg:$0xb];
	s23 =	simm.s32 $0x1000  }
0x50: {  	[tilespmem:s23], [sflag:$0x1] =	stream.linear.gather [hbm4b:s0+s2], $0x200, $0x38;
	[tilespmem:$0xA400] =	vst v63  }
0x51: {  	s0 =	rddreg [dreg:$0xc];
	s23 =	simm.s32 $0x1200  }
0x52: {  	[tilespmem:s23], [sflag:$0x1] =	stream.linear.gather [hbm4b:s0+s2], $0x200, $0x38;
	[tilespmem:$0xA400] =	vst v63  }
0x53: {  	s0 =	rddreg [dreg:$0xd];
	s23 =	simm.s32 $0x1400  }
0x54: {  	[tilespmem:s23], [sflag:$0x1] =	stream.linear.gather [hbm4b:s0+s2], $0x200, $0x38;
	[tilespmem:$0xA400] =	vst v63  }
0x55: {  	s0 =	rddreg [dreg:$0xe];
	s23 =	simm.s32 $0x1600  }
0x56: {  	[tilespmem:s23], [sflag:$0x1] =	stream.linear.gather [hbm4b:s0+s2], $0x200, $0x38;
	[tilespmem:$0xA400] =	vst v63  }
0x57: {  	s0 =	rddreg [dreg:$0xf];
	s23 =	simm.s32 $0x1800  }
0x58: {  	[tilespmem:s23], [sflag:$0x1] =	stream.linear.gather [hbm4b:s0+s2], $0x200, $0x38;
	[tilespmem:$0xA400] =	vst v63  }
0x59: {  	s0 =	rddreg [dreg:$0x10];
	s23 =	simm.s32 $0x1A00  }
0x5a: {  	[tilespmem:s23], [sflag:$0x1] =	stream.linear.gather [hbm4b:s0+s2], $0x200, $0x38;
	[tilespmem:$0xA400] =	vst v63  }
0x5b: {  	s0 =	rddreg [dreg:$0x11];
	s23 =	simm.s32 $0x1C00  }
0x5c: {  	[tilespmem:s23], [sflag:$0x1] =	stream.linear.gather [hbm4b:s0+s2], $0x200, $0x38;
	[tilespmem:$0xA400] =	vst v63  }
0x5d: {  	s0 =	rddreg [dreg:$0x12];
	s23 =	simm.s32 $0x1E00  }
0x5e: {  	[tilespmem:s23], [sflag:$0x1] =	stream.linear.gather [hbm4b:s0+s2], $0x200, $0x38;
	[tilespmem:$0xA400] =	vst v63  }
0x5f: {  	s0 =	rddreg [dreg:$0x13];
	s23 =	simm.s32 $0x2000  }
0x60: {  	[tilespmem:s23], [sflag:$0x1] =	stream.linear.gather [hbm4b:s0+s2], $0x200, $0x38;
	[tilespmem:$0xA400] =	vst v63  }
0x61: {  	s0 =	rddreg [dreg:$0x14];
	s23 =	simm.s32 $0x2200  }
0x62: {  	[tilespmem:s23], [sflag:$0x1] =	stream.linear.gather [hbm4b:s0+s2], $0x200, $0x38;
	[tilespmem:$0xA400] =	vst v63  }
0x63: {  	s0 =	rddreg [dreg:$0x16];
	s23 =	simm.s32 $0x2400  }
0x64: {  	[tilespmem:s23], [sflag:$0x1] =	stream.linear.gather [hbm4b:s0+s2], $0x200, $0x38;
	[tilespmem:$0xA400] =	vst v63  }
0x65: {  	s0 =	rddreg [dreg:$0x17];
	s23 =	simm.s32 $0x2600  }
0x66: {  	[tilespmem:s23], [sflag:$0x1] =	stream.linear.gather [hbm4b:s0+s2], $0x200, $0x38;
	[tilespmem:$0xA400] =	vst v63  }
0x67: {  	s0 =	rddreg [dreg:$0x18];
	s23 =	simm.s32 $0x2800  }
0x68: {  	[tilespmem:s23], [sflag:$0x1] =	stream.linear.gather [hbm4b:s0+s2], $0x200, $0x38;
	[tilespmem:$0xA400] =	vst v63  }
0x69: {  	s0 =	rddreg [dreg:$0x19];
	s23 =	simm.s32 $0x2A00  }
0x6a: {  	[tilespmem:s23], [sflag:$0x1] =	stream.linear.gather [hbm4b:s0+s2], $0x200, $0x38;
	[tilespmem:$0xA400] =	vst v63  }
0x6b: {  	s0 =	rddreg [dreg:$0x1a];
	s23 =	simm.s32 $0x2C00  }
0x6c: {  	[tilespmem:s23], [sflag:$0x1] =	stream.linear.gather [hbm4b:s0+s2], $0x200, $0x38;
	[tilespmem:$0xA400] =	vst v63  }
0x6d: {  	s0 =	rddreg [dreg:$0x1b];
	s23 =	simm.s32 $0x2E00  }
0x6e: {  	[tilespmem:s23], [sflag:$0x1] =	stream.linear.gather [hbm4b:s0+s2], $0x200, $0x38;
	[tilespmem:$0xA400] =	vst v63  }
0x6f: {  	s0 =	rddreg [dreg:$0x1c];
	s23 =	simm.s32 $0x3000  }
0x70: {  	[tilespmem:s23], [sflag:$0x1] =	stream.linear.gather [hbm4b:s0+s2], $0x200, $0x38;
	[tilespmem:$0xA400] =	vst v63  }
0x71: {  	s0 =	rddreg [dreg:$0x1d];
	s23 =	simm.s32 $0x3200  }
0x72: {  	[tilespmem:s23], [sflag:$0x1] =	stream.linear.gather [hbm4b:s0+s2], $0x200, $0x38;
	[tilespmem:$0xA400] =	vst v63  }
0x73: {  	s0 =	rddreg [dreg:$0x1e];
	s23 =	simm.s32 $0x3400  }
0x74: {  	[tilespmem:s23], [sflag:$0x1] =	stream.linear.gather [hbm4b:s0+s2], $0x200, $0x38;
	[tilespmem:$0xA400] =	vst v63  }
0x75: {  	s0 =	rddreg [dreg:$0x1f];
	s23 =	simm.s32 $0x3600  }
0x76: {  	[tilespmem:s23], [sflag:$0x1] =	stream.linear.gather [hbm4b:s0+s2], $0x200, $0x38;
	[tilespmem:$0xA400] =	vst v63  }
0x77: {  	s0 =	sld [smem:$0x7E6];
	_ =	sdelay $0x1  }
0x78: {  	s23 =	sld [smem:$0x7E7]  }
0x79: {  	[tilespmem:s1], [sflag:$0x1] =	stream.linear.gather [hbm4b:s0+s2], $0x200, $0x38;
	[tilespmem:$0xA400] =	vst v63  }
0x7a: {  	_ = 	snop  }
0x7b: {  	[tilespmem:s24], [sflag:$0x1] =	stream.linear.gather [hbm4b:s23+s2], $0x200, $0x38;
	[tilespmem:$0xA400] =	vst v63  }
0x7c: {  	s24 =	sld [smem:$0x7E8];
	_ =	sdelay $0x1  }
0x7d: {  	s0 =	sld [smem:$0x7E9]  }
0x7e: {  	[tilespmem:s4], [sflag:$0x1] =	stream.linear.gather [hbm4b:s24+s2], $0x200, $0x38;
	[tilespmem:$0xA400] =	vst v63  }
0x7f: {  	s1 =	sld [smem:$0x7EA]  }
0x80: {  	[tilespmem:s25], [sflag:$0x1] =	stream.linear.gather [hbm4b:s0+s2], $0x200, $0x38;
	[tilespmem:$0xA400] =	vst v63  }
0x81: {  	s4 =	sld [smem:$0x7EB]  }
0x82: {  	[tilespmem:s5], [sflag:$0x1] =	stream.linear.gather [hbm4b:s1+s2], $0x200, $0x38;
	[tilespmem:$0xA400] =	vst v63  }
0x83: {  	s5 =	sld [smem:$0x7EC]  }
0x84: {  	[tilespmem:s26], [sflag:$0x1] =	stream.linear.gather [hbm4b:s4+s2], $0x200, $0x38;
	[tilespmem:$0xA400] =	vst v63  }
0x85: {  	_ = 	snop  }
0x86: {  	[tilespmem:s6], [sflag:$0x1] =	stream.linear.gather [hbm4b:s5+s2], $0x200, $0x38;
	[tilespmem:$0xA400] =	vst v63  }
0x87: {  	s6 =	sld [smem:$0x7ED];
	_ =	sdelay $0x2  }
0x88: {  	[tilespmem:s7], [sflag:$0x1] =	stream.linear.gather [hbm4b:s6+s2], $0x200, $0x38;
	[tilespmem:$0xA400] =	vst v63  }
0x89: {  	s7 =	sld [smem:$0x7EE];
	_ =	sdelay $0x2  }
0x8a: {  	[tilespmem:s8], [sflag:$0x1] =	stream.linear.gather [hbm4b:s7+s2], $0x200, $0x38;
	[tilespmem:$0xA400] =	vst v63  }
0x8b: {  	s8 =	sld [smem:$0x7EF];
	_ =	sdelay $0x2  }
0x8c: {  	[tilespmem:s9], [sflag:$0x1] =	stream.linear.gather [hbm4b:s8+s2], $0x200, $0x38;
	[tilespmem:$0xA400] =	vst v63  }
0x8d: {  	s9 =	sld [smem:$0x7F0];
	_ =	sdelay $0x2  }
0x8e: {  	[tilespmem:s10], [sflag:$0x1] =	stream.linear.gather [hbm4b:s9+s2], $0x200, $0x38;
	[tilespmem:$0xA400] =	vst v63  }
0x8f: {  	s10 =	sld [smem:$0x7F1];
	_ =	sdelay $0x2  }
0x90: {  	[tilespmem:s11], [sflag:$0x1] =	stream.linear.gather [hbm4b:s10+s2], $0x200, $0x38;
	[tilespmem:$0xA400] =	vst v63  }
0x91: {  	s11 =	sld [smem:$0x7F2];
	_ =	sdelay $0x2  }
0x92: {  	[tilespmem:s12], [sflag:$0x1] =	stream.linear.gather [hbm4b:s11+s2], $0x200, $0x38;
	[tilespmem:$0xA400] =	vst v63  }
0x93: {  	s12 =	sld [smem:$0x7F3];
	_ =	sdelay $0x2  }
0x94: {  	[tilespmem:s13], [sflag:$0x1] =	stream.linear.gather [hbm4b:s12+s2], $0x200, $0x38;
	[tilespmem:$0xA400] =	vst v63  }
0x95: {  	s13 =	sld [smem:$0x7F4];
	_ =	sdelay $0x2  }
0x96: {  	[tilespmem:s14], [sflag:$0x1] =	stream.linear.gather [hbm4b:s13+s2], $0x200, $0x38;
	[tilespmem:$0xA400] =	vst v63  }
0x97: {  	s14 =	sld [smem:$0x7F5];
	_ =	sdelay $0x2  }
0x98: {  	[tilespmem:s15], [sflag:$0x1] =	stream.linear.gather [hbm4b:s14+s2], $0x200, $0x38;
	[tilespmem:$0xA400] =	vst v63  }
0x99: {  	s15 =	sld [smem:$0x7F6];
	_ =	sdelay $0x1  }
0x9a: {  	s23 =	sld [smem:$0x7F7]  }
0x9b: {  	[tilespmem:s16], [sflag:$0x1] =	stream.linear.gather [hbm4b:s15+s2], $0x200, $0x38;
	[tilespmem:$0xA400] =	vst v63  }
0x9c: {  	s24 =	sld [smem:$0x7F8]  }
0x9d: {  	[tilespmem:s21], [sflag:$0x1] =	stream.linear.gather [hbm4b:s23+s2], $0x200, $0x38;
	[tilespmem:$0xA400] =	vst v63  }
0x9e: {  	s25 =	sld [smem:$0x7F9]  }
0x9f: {  	[tilespmem:s17], [sflag:$0x1] =	stream.linear.gather [hbm4b:s24+s2], $0x200, $0x38;
	[tilespmem:$0xA400] =	vst v63  }
0xa0: {  	s26 =	sld [smem:$0x7FA]  }
0xa1: {  	[tilespmem:s18], [sflag:$0x1] =	stream.linear.gather [hbm4b:s25+s2], $0x200, $0x38;
	[tilespmem:$0xA400] =	vst v63  }
0xa2: {  	_ = 	snop  }
0xa3: {  	[tilespmem:s30], [sflag:$0x1] =	stream.linear.gather [hbm4b:s26+s2], $0x200, $0x38;
	[tilespmem:$0xA400] =	vst v63  }
0xa4: {  	s30 =	sld [smem:$0x7FB];
	_ =	sdelay $0x2  }
0xa5: {  	[tilespmem:s31], [sflag:$0x1] =	stream.linear.gather [hbm4b:s30+s2], $0x200, $0x38;
	[tilespmem:$0xA400] =	vst v63  }
0xa6: {  	s22 =	simm.s32 $0x400;
	s31 =	simm.s32 $0x0  }
.LBB2_2:
0xa7: {  	p0 =	sne.s32 s22, $0xFC00;
	[tilespmem:s31+$0x64F0] =	vst v0  }
0xa8: {  	[tilespmem:s31+$0x6400] =	vst v0  }
0xa9: {  	[tilespmem:s31+$0x6410] =	vst v0  }
0xaa: {  	[tilespmem:s31+$0x6420] =	vst v0  }
0xab: {  	[tilespmem:s31+$0x6430] =	vst v0  }
0xac: {  	[tilespmem:s31+$0x6440] =	vst v0  }
0xad: {  	[tilespmem:s31+$0x6450] =	vst v0  }
0xae: {  	[tilespmem:s31+$0x6460] =	vst v0  }
0xaf: {  	[tilespmem:s31+$0x6470] =	vst v0  }
0xb0: {  	[tilespmem:s31+$0x6480] =	vst v0  }
0xb1: {  	[tilespmem:s31+$0x6490] =	vst v0  }
.Ltmp0:
0xb2: {  	[tilespmem:s31+$0x64A0] =	vst v0;
	(pc) =	sbr.rel @p0 .LBB2_2-.Ltmp0, $4  }
0xb3: {  	[tilespmem:s31+$0x64B0] =	vst v0  }
0xb4: {  	[tilespmem:s31+$0x64C0] =	vst v0  }
0xb5: {  	[tilespmem:s31+$0x64D0] =	vst v0  }
0xb6: {  	[tilespmem:s31+$0x64E0] =	vst v0;
	s31 =	sshra.s32 s22, $0x2;
	s22 =	sadd.s32 $0x400, s22  }
0xb7: {  	[tilespmem:s31+$0x64F0] =	vst v0  }
0xb8: {  	[tilespmem:s31+$0x6400] =	vst v0  }
0xb9: {  	[tilespmem:s31+$0x6410] =	vst v0  }
0xba: {  	[tilespmem:s31+$0x6420] =	vst v0  }
0xbb: {  	[tilespmem:s31+$0x6430] =	vst v0  }
0xbc: {  	[tilespmem:s31+$0x6440] =	vst v0  }
0xbd: {  	[tilespmem:s31+$0x6450] =	vst v0  }
0xbe: {  	[tilespmem:s31+$0x6460] =	vst v0  }
0xbf: {  	[tilespmem:s31+$0x6470] =	vst v0  }
0xc0: {  	[tilespmem:s31+$0x6480] =	vst v0  }
0xc1: {  	[tilespmem:s31+$0x6490] =	vst v0  }
0xc2: {  	[tilespmem:s31+$0x64A0] =	vst v0  }
0xc3: {  	[tilespmem:s31+$0x64B0] =	vst v0  }
0xc4: {  	[tilespmem:s31+$0x64C0] =	vst v0  }
0xc5: {  	[tilespmem:s31+$0x64D0] =	vst v0  }
0xc6: {  	[tilespmem:s31+$0x64E0] =	vst v0  }
0xc7: {  	_ =	swait.ge [sflag:s19], $0x200  }
0xc8: {  	[sflag:s19] =	ssyncset.done $0x0  }
0xc9: {  	[sflag:s19] =	ssyncadd.s32 $0xFFFFFE00  }
0xca: {  	[tilespmem:s29], [sflag:$0x2] =	stream.indirect.gather.add.f32 [hbm:s3], $0x20, s2, s28, $0xb8;
	[tilespmem:$0xA400] =	vst v63  }
0xcb: {  	_ =	swait.ge [sflag:s19], $0x200  }
0xcc: {  	[sflag:s19] =	ssyncset.done $0x0  }
0xcd: {  	[sflag:s19] =	ssyncadd.s32 $0xFFFFFE00  }
0xce: {  	[tilespmem:s29], [sflag:$0x2] =	stream.indirect.gather.add.f32 [hbm:s3], $0x20, s28, s28, $0xb8;
	[tilespmem:$0xA400] =	vst v63  }
0xcf: {  	_ =	swait.ge [sflag:s19], $0x200  }
0xd0: {  	[sflag:s19] =	ssyncset.done $0x0  }
0xd1: {  	s0 =	simm.s32 $0x400;
	[sflag:s19] =	ssyncadd.s32 $0xFFFFFE00  }
0xd2: {  	[tilespmem:s29], [sflag:$0x2] =	stream.indirect.gather.add.f32 [hbm:s3], $0x20, s0, s28, $0xb8;
	[tilespmem:$0xA400] =	vst v63  }
0xd3: {  	_ =	swait.ge [sflag:s19], $0x200  }
0xd4: {  	[sflag:s19] =	ssyncset.done $0x0  }
0xd5: {  	s24 =	simm.s32 $0x600;
	[sflag:s19] =	ssyncadd.s32 $0xFFFFFE00  }
0xd6: {  	[tilespmem:s29], [sflag:$0x2] =	stream.indirect.gather.add.f32 [hbm:s3], $0x20, s24, s28, $0xb8;
	[tilespmem:$0xA400] =	vst v63  }
0xd7: {  	_ =	swait.ge [sflag:s19], $0x200  }
0xd8: {  	[sflag:s19] =	ssyncset.done $0x0  }
0xd9: {  	s25 =	simm.s32 $0x800;
	[sflag:s19] =	ssyncadd.s32 $0xFFFFFE00  }
0xda: {  	[tilespmem:s29], [sflag:$0x2] =	stream.indirect.gather.add.f32 [hbm:s3], $0x20, s25, s28, $0xb8;
	[tilespmem:$0xA400] =	vst v63  }
0xdb: {  	_ =	swait.ge [sflag:s19], $0x200  }
0xdc: {  	[sflag:s19] =	ssyncset.done $0x0  }
0xdd: {  	s26 =	simm.s32 $0xA00;
	[sflag:s19] =	ssyncadd.s32 $0xFFFFFE00  }
0xde: {  	[tilespmem:s29], [sflag:$0x2] =	stream.indirect.gather.add.f32 [hbm:s3], $0x20, s26, s28, $0xb8;
	[tilespmem:$0xA400] =	vst v63  }
0xdf: {  	_ =	swait.ge [sflag:s19], $0x200  }
0xe0: {  	[sflag:s19] =	ssyncset.done $0x0  }
0xe1: {  	s1 =	simm.s32 $0xC00;
	[sflag:s19] =	ssyncadd.s32 $0xFFFFFE00  }
0xe2: {  	[tilespmem:s29], [sflag:$0x2] =	stream.indirect.gather.add.f32 [hbm:s3], $0x20, s1, s28, $0xb8;
	[tilespmem:$0xA400] =	vst v63  }
0xe3: {  	_ =	swait.ge [sflag:s19], $0x200  }
0xe4: {  	[sflag:s19] =	ssyncset.done $0x0  }
0xe5: {  	s4 =	simm.s32 $0xE00;
	[sflag:s19] =	ssyncadd.s32 $0xFFFFFE00  }
0xe6: {  	[tilespmem:s29], [sflag:$0x2] =	stream.indirect.gather.add.f32 [hbm:s3], $0x20, s4, s28, $0xb8;
	[tilespmem:$0xA400] =	vst v63  }
0xe7: {  	_ =	swait.ge [sflag:s19], $0x200  }
0xe8: {  	[sflag:s19] =	ssyncset.done $0x0  }
0xe9: {  	s5 =	simm.s32 $0x1000;
	[sflag:s19] =	ssyncadd.s32 $0xFFFFFE00  }
0xea: {  	[tilespmem:s29], [sflag:$0x2] =	stream.indirect.gather.add.f32 [hbm:s3], $0x20, s5, s28, $0xb8;
	[tilespmem:$0xA400] =	vst v63  }
0xeb: {  	_ =	swait.ge [sflag:s19], $0x200  }
0xec: {  	[sflag:s19] =	ssyncset.done $0x0  }
0xed: {  	s6 =	simm.s32 $0x1200;
	[sflag:s19] =	ssyncadd.s32 $0xFFFFFE00  }
0xee: {  	[tilespmem:s29], [sflag:$0x2] =	stream.indirect.gather.add.f32 [hbm:s3], $0x20, s6, s28, $0xb8;
	[tilespmem:$0xA400] =	vst v63  }
0xef: {  	_ =	swait.ge [sflag:s19], $0x200  }
0xf0: {  	[sflag:s19] =	ssyncset.done $0x0  }
0xf1: {  	s7 =	simm.s32 $0x1400;
	[sflag:s19] =	ssyncadd.s32 $0xFFFFFE00  }
0xf2: {  	[tilespmem:s29], [sflag:$0x2] =	stream.indirect.gather.add.f32 [hbm:s3], $0x20, s7, s28, $0xb8;
	[tilespmem:$0xA400] =	vst v63  }
0xf3: {  	_ =	swait.ge [sflag:s19], $0x200  }
0xf4: {  	[sflag:s19] =	ssyncset.done $0x0  }
0xf5: {  	s8 =	simm.s32 $0x1600;
	[sflag:s19] =	ssyncadd.s32 $0xFFFFFE00  }
0xf6: {  	[tilespmem:s29], [sflag:$0x2] =	stream.indirect.gather.add.f32 [hbm:s3], $0x20, s8, s28, $0xb8;
	[tilespmem:$0xA400] =	vst v63  }
0xf7: {  	_ =	swait.ge [sflag:s19], $0x200  }
0xf8: {  	[sflag:s19] =	ssyncset.done $0x0  }
0xf9: {  	s9 =	simm.s32 $0x1800;
	[sflag:s19] =	ssyncadd.s32 $0xFFFFFE00  }
0xfa: {  	[tilespmem:s29], [sflag:$0x2] =	stream.indirect.gather.add.f32 [hbm:s3], $0x20, s9, s28, $0xb8;
	[tilespmem:$0xA400] =	vst v63  }
0xfb: {  	_ =	swait.ge [sflag:s19], $0x200  }
0xfc: {  	[sflag:s19] =	ssyncset.done $0x0  }
0xfd: {  	s10 =	simm.s32 $0x1A00;
	[sflag:s19] =	ssyncadd.s32 $0xFFFFFE00  }
0xfe: {  	[tilespmem:s29], [sflag:$0x2] =	stream.indirect.gather.add.f32 [hbm:s3], $0x20, s10, s28, $0xb8;
	[tilespmem:$0xA400] =	vst v63  }
0xff: {  	_ =	swait.ge [sflag:s19], $0x200  }
0x100: {  	[sflag:s19] =	ssyncset.done $0x0  }
0x101: {  	s11 =	simm.s32 $0x1C00;
	[sflag:s19] =	ssyncadd.s32 $0xFFFFFE00  }
0x102: {  	[tilespmem:s29], [sflag:$0x2] =	stream.indirect.gather.add.f32 [hbm:s3], $0x20, s11, s28, $0xb8;
	[tilespmem:$0xA400] =	vst v63  }
0x103: {  	_ =	swait.ge [sflag:s19], $0x200  }
0x104: {  	[sflag:s19] =	ssyncset.done $0x0  }
0x105: {  	s12 =	simm.s32 $0x1E00;
	[sflag:s19] =	ssyncadd.s32 $0xFFFFFE00  }
0x106: {  	[tilespmem:s29], [sflag:$0x2] =	stream.indirect.gather.add.f32 [hbm:s3], $0x20, s12, s28, $0xb8;
	[tilespmem:$0xA400] =	vst v63  }
0x107: {  	_ =	swait.ge [sflag:s19], $0x200  }
0x108: {  	[sflag:s19] =	ssyncset.done $0x0  }
0x109: {  	s13 =	simm.s32 $0x2000;
	[sflag:s19] =	ssyncadd.s32 $0xFFFFFE00  }
0x10a: {  	[tilespmem:s29], [sflag:$0x2] =	stream.indirect.gather.add.f32 [hbm:s3], $0x20, s13, s28, $0xb8;
	[tilespmem:$0xA400] =	vst v63  }
0x10b: {  	_ =	swait.ge [sflag:s19], $0x200  }
0x10c: {  	[sflag:s19] =	ssyncset.done $0x0  }
0x10d: {  	s14 =	simm.s32 $0x2200;
	[sflag:s19] =	ssyncadd.s32 $0xFFFFFE00  }
0x10e: {  	[tilespmem:s29], [sflag:$0x2] =	stream.indirect.gather.add.f32 [hbm:s3], $0x20, s14, s28, $0xb8;
	[tilespmem:$0xA400] =	vst v63  }
0x10f: {  	_ =	swait.ge [sflag:s19], $0x200  }
0x110: {  	[sflag:s19] =	ssyncset.done $0x0  }
0x111: {  	s15 =	simm.s32 $0x2400;
	[sflag:s19] =	ssyncadd.s32 $0xFFFFFE00  }
0x112: {  	[tilespmem:s29], [sflag:$0x2] =	stream.indirect.gather.add.f32 [hbm:s3], $0x20, s15, s28, $0xb8;
	[tilespmem:$0xA400] =	vst v63  }
0x113: {  	_ =	swait.ge [sflag:s19], $0x200  }
0x114: {  	[sflag:s19] =	ssyncset.done $0x0  }
0x115: {  	s16 =	simm.s32 $0x2600;
	[sflag:s19] =	ssyncadd.s32 $0xFFFFFE00  }
0x116: {  	[tilespmem:s29], [sflag:$0x2] =	stream.indirect.gather.add.f32 [hbm:s3], $0x20, s16, s28, $0xb8;
	[tilespmem:$0xA400] =	vst v63  }
0x117: {  	_ =	swait.ge [sflag:s19], $0x200  }
0x118: {  	[sflag:s19] =	ssyncset.done $0x0  }
0x119: {  	s17 =	simm.s32 $0x2800;
	[sflag:s19] =	ssyncadd.s32 $0xFFFFFE00  }
0x11a: {  	[tilespmem:s29], [sflag:$0x2] =	stream.indirect.gather.add.f32 [hbm:s3], $0x20, s17, s28, $0xb8;
	[tilespmem:$0xA400] =	vst v63  }
0x11b: {  	_ =	swait.ge [sflag:s19], $0x200  }
0x11c: {  	[sflag:s19] =	ssyncset.done $0x0  }
0x11d: {  	s18 =	simm.s32 $0x2A00;
	[sflag:s19] =	ssyncadd.s32 $0xFFFFFE00  }
0x11e: {  	[tilespmem:s29], [sflag:$0x2] =	stream.indirect.gather.add.f32 [hbm:s3], $0x20, s18, s28, $0xb8;
	[tilespmem:$0xA400] =	vst v63  }
0x11f: {  	_ =	swait.ge [sflag:s19], $0x200  }
0x120: {  	[sflag:s19] =	ssyncset.done $0x0  }
0x121: {  	s21 =	simm.s32 $0x2C00;
	[sflag:s19] =	ssyncadd.s32 $0xFFFFFE00  }
0x122: {  	[tilespmem:s29], [sflag:$0x2] =	stream.indirect.gather.add.f32 [hbm:s3], $0x20, s21, s28, $0xb8;
	[tilespmem:$0xA400] =	vst v63  }
0x123: {  	_ =	swait.ge [sflag:s19], $0x200  }
0x124: {  	[sflag:s19] =	ssyncset.done $0x0  }
0x125: {  	s22 =	simm.s32 $0x2E00;
	[sflag:s19] =	ssyncadd.s32 $0xFFFFFE00  }
0x126: {  	[tilespmem:s29], [sflag:$0x2] =	stream.indirect.gather.add.f32 [hbm:s3], $0x20, s22, s28, $0xb8;
	[tilespmem:$0xA400] =	vst v63  }
0x127: {  	_ =	swait.ge [sflag:s19], $0x200  }
0x128: {  	[sflag:s19] =	ssyncset.done $0x0  }
0x129: {  	s23 =	simm.s32 $0x3000;
	[sflag:s19] =	ssyncadd.s32 $0xFFFFFE00  }
0x12a: {  	[tilespmem:s29], [sflag:$0x2] =	stream.indirect.gather.add.f32 [hbm:s3], $0x20, s23, s28, $0xb8;
	[tilespmem:$0xA400] =	vst v63  }
0x12b: {  	_ =	swait.ge [sflag:s19], $0x200  }
0x12c: {  	[sflag:s19] =	ssyncset.done $0x0  }
0x12d: {  	s24 =	simm.s32 $0x3200;
	[sflag:s19] =	ssyncadd.s32 $0xFFFFFE00  }
0x12e: {  	[tilespmem:s29], [sflag:$0x2] =	stream.indirect.gather.add.f32 [hbm:s3], $0x20, s24, s28, $0xb8;
	[tilespmem:$0xA400] =	vst v63  }
0x12f: {  	_ =	swait.ge [sflag:s19], $0x200  }
0x130: {  	[sflag:s19] =	ssyncset.done $0x0  }
0x131: {  	s25 =	simm.s32 $0x3400;
	[sflag:s19] =	ssyncadd.s32 $0xFFFFFE00  }
0x132: {  	[tilespmem:s29], [sflag:$0x2] =	stream.indirect.gather.add.f32 [hbm:s3], $0x20, s25, s28, $0xb8;
	[tilespmem:$0xA400] =	vst v63  }
0x133: {  	_ =	swait.ge [sflag:s19], $0x200  }
0x134: {  	[sflag:s19] =	ssyncset.done $0x0  }
0x135: {  	s26 =	simm.s32 $0x3600;
	[sflag:s19] =	ssyncadd.s32 $0xFFFFFE00  }
0x136: {  	[tilespmem:s29], [sflag:$0x2] =	stream.indirect.gather.add.f32 [hbm:s3], $0x20, s26, s28, $0xb8;
	[tilespmem:$0xA400] =	vst v63  }
0x137: {  	_ =	swait.ge [sflag:s19], $0x200  }
0x138: {  	[sflag:s19] =	ssyncset.done $0x0  }
0x139: {  	s1 =	simm.s32 $0x3800;
	[sflag:s19] =	ssyncadd.s32 $0xFFFFFE00  }
0x13a: {  	[tilespmem:s29], [sflag:$0x2] =	stream.indirect.gather.add.f32 [hbm:s3], $0x20, s1, s28, $0xb8;
	[tilespmem:$0xA400] =	vst v63  }
0x13b: {  	_ =	swait.ge [sflag:s19], $0x200  }
0x13c: {  	[sflag:s19] =	ssyncset.done $0x0  }
0x13d: {  	s24 =	simm.s32 $0x3A00;
	[sflag:s19] =	ssyncadd.s32 $0xFFFFFE00  }
0x13e: {  	[tilespmem:s29], [sflag:$0x2] =	stream.indirect.gather.add.f32 [hbm:s3], $0x20, s24, s28, $0xb8;
	[tilespmem:$0xA400] =	vst v63  }
0x13f: {  	_ =	swait.ge [sflag:s19], $0x200  }
0x140: {  	[sflag:s19] =	ssyncset.done $0x0  }
0x141: {  	s4 =	simm.s32 $0x3C00;
	[sflag:s19] =	ssyncadd.s32 $0xFFFFFE00  }
0x142: {  	[tilespmem:s29], [sflag:$0x2] =	stream.indirect.gather.add.f32 [hbm:s3], $0x20, s4, s28, $0xb8;
	[tilespmem:$0xA400] =	vst v63  }
0x143: {  	_ =	swait.ge [sflag:s19], $0x200  }
0x144: {  	[sflag:s19] =	ssyncset.done $0x0  }
0x145: {  	s25 =	simm.s32 $0x3E00;
	[sflag:s19] =	ssyncadd.s32 $0xFFFFFE00  }
0x146: {  	[tilespmem:s29], [sflag:$0x2] =	stream.indirect.gather.add.f32 [hbm:s3], $0x20, s25, s28, $0xb8;
	[tilespmem:$0xA400] =	vst v63  }
0x147: {  	_ =	swait.ge [sflag:s19], $0x200  }
0x148: {  	[sflag:s19] =	ssyncset.done $0x0  }
0x149: {  	s5 =	simm.s32 $0x4000;
	[sflag:s19] =	ssyncadd.s32 $0xFFFFFE00  }
0x14a: {  	[tilespmem:s29], [sflag:$0x2] =	stream.indirect.gather.add.f32 [hbm:s3], $0x20, s5, s28, $0xb8;
	[tilespmem:$0xA400] =	vst v63  }
0x14b: {  	_ =	swait.ge [sflag:s19], $0x200  }
0x14c: {  	[sflag:s19] =	ssyncset.done $0x0  }
0x14d: {  	s26 =	simm.s32 $0x4200;
	[sflag:s19] =	ssyncadd.s32 $0xFFFFFE00  }
0x14e: {  	[tilespmem:s29], [sflag:$0x2] =	stream.indirect.gather.add.f32 [hbm:s3], $0x20, s26, s28, $0xb8;
	[tilespmem:$0xA400] =	vst v63  }
0x14f: {  	_ =	swait.ge [sflag:s19], $0x200  }
0x150: {  	[sflag:s19] =	ssyncset.done $0x0  }
0x151: {  	s6 =	simm.s32 $0x4400;
	[sflag:s19] =	ssyncadd.s32 $0xFFFFFE00  }
0x152: {  	[tilespmem:s29], [sflag:$0x2] =	stream.indirect.gather.add.f32 [hbm:s3], $0x20, s6, s28, $0xb8;
	[tilespmem:$0xA400] =	vst v63  }
0x153: {  	_ =	swait.ge [sflag:s19], $0x200  }
0x154: {  	[sflag:s19] =	ssyncset.done $0x0  }
0x155: {  	s7 =	simm.s32 $0x4600;
	[sflag:s19] =	ssyncadd.s32 $0xFFFFFE00  }
0x156: {  	[tilespmem:s29], [sflag:$0x2] =	stream.indirect.gather.add.f32 [hbm:s3], $0x20, s7, s28, $0xb8;
	[tilespmem:$0xA400] =	vst v63  }
0x157: {  	_ =	swait.ge [sflag:s19], $0x200  }
0x158: {  	[sflag:s19] =	ssyncset.done $0x0  }
0x159: {  	s8 =	simm.s32 $0x4800;
	[sflag:s19] =	ssyncadd.s32 $0xFFFFFE00  }
0x15a: {  	[tilespmem:s29], [sflag:$0x2] =	stream.indirect.gather.add.f32 [hbm:s3], $0x20, s8, s28, $0xb8;
	[tilespmem:$0xA400] =	vst v63  }
0x15b: {  	_ =	swait.ge [sflag:s19], $0x200  }
0x15c: {  	[sflag:s19] =	ssyncset.done $0x0  }
0x15d: {  	s9 =	simm.s32 $0x4A00;
	[sflag:s19] =	ssyncadd.s32 $0xFFFFFE00  }
0x15e: {  	[tilespmem:s29], [sflag:$0x2] =	stream.indirect.gather.add.f32 [hbm:s3], $0x20, s9, s28, $0xb8;
	[tilespmem:$0xA400] =	vst v63  }
0x15f: {  	_ =	swait.ge [sflag:s19], $0x200  }
0x160: {  	[sflag:s19] =	ssyncset.done $0x0  }
0x161: {  	s10 =	simm.s32 $0x4C00;
	[sflag:s19] =	ssyncadd.s32 $0xFFFFFE00  }
0x162: {  	[tilespmem:s29], [sflag:$0x2] =	stream.indirect.gather.add.f32 [hbm:s3], $0x20, s10, s28, $0xb8;
	[tilespmem:$0xA400] =	vst v63  }
0x163: {  	_ =	swait.ge [sflag:s19], $0x200  }
0x164: {  	[sflag:s19] =	ssyncset.done $0x0  }
0x165: {  	s11 =	simm.s32 $0x4E00;
	[sflag:s19] =	ssyncadd.s32 $0xFFFFFE00  }
0x166: {  	[tilespmem:s29], [sflag:$0x2] =	stream.indirect.gather.add.f32 [hbm:s3], $0x20, s11, s28, $0xb8;
	[tilespmem:$0xA400] =	vst v63  }
0x167: {  	_ =	swait.ge [sflag:s19], $0x200  }
0x168: {  	[sflag:s19] =	ssyncset.done $0x0  }
0x169: {  	s12 =	simm.s32 $0x5000;
	[sflag:s19] =	ssyncadd.s32 $0xFFFFFE00  }
0x16a: {  	[tilespmem:s29], [sflag:$0x2] =	stream.indirect.gather.add.f32 [hbm:s3], $0x20, s12, s28, $0xb8;
	[tilespmem:$0xA400] =	vst v63  }
0x16b: {  	_ =	swait.ge [sflag:s19], $0x200  }
0x16c: {  	[sflag:s19] =	ssyncset.done $0x0  }
0x16d: {  	s13 =	simm.s32 $0x5200;
	[sflag:s19] =	ssyncadd.s32 $0xFFFFFE00  }
0x16e: {  	[tilespmem:s29], [sflag:$0x2] =	stream.indirect.gather.add.f32 [hbm:s3], $0x20, s13, s28, $0xb8;
	[tilespmem:$0xA400] =	vst v63  }
0x16f: {  	_ =	swait.ge [sflag:s19], $0x200  }
0x170: {  	[sflag:s19] =	ssyncset.done $0x0  }
0x171: {  	s14 =	simm.s32 $0x5400;
	[sflag:s19] =	ssyncadd.s32 $0xFFFFFE00  }
0x172: {  	[tilespmem:s29], [sflag:$0x2] =	stream.indirect.gather.add.f32 [hbm:s3], $0x20, s14, s28, $0xb8;
	[tilespmem:$0xA400] =	vst v63  }
0x173: {  	_ =	swait.ge [sflag:s19], $0x200  }
0x174: {  	[sflag:s19] =	ssyncset.done $0x0  }
0x175: {  	s15 =	simm.s32 $0x5600;
	[sflag:s19] =	ssyncadd.s32 $0xFFFFFE00  }
0x176: {  	[tilespmem:s29], [sflag:$0x2] =	stream.indirect.gather.add.f32 [hbm:s3], $0x20, s15, s28, $0xb8;
	[tilespmem:$0xA400] =	vst v63  }
0x177: {  	_ =	swait.ge [sflag:s19], $0x200  }
0x178: {  	[sflag:s19] =	ssyncset.done $0x0  }
0x179: {  	s16 =	simm.s32 $0x5800;
	[sflag:s19] =	ssyncadd.s32 $0xFFFFFE00  }
0x17a: {  	[tilespmem:s29], [sflag:$0x2] =	stream.indirect.gather.add.f32 [hbm:s3], $0x20, s16, s28, $0xb8;
	[tilespmem:$0xA400] =	vst v63  }
0x17b: {  	_ =	swait.ge [sflag:s19], $0x200  }
0x17c: {  	[sflag:s19] =	ssyncset.done $0x0  }
0x17d: {  	s21 =	simm.s32 $0x5A00;
	[sflag:s19] =	ssyncadd.s32 $0xFFFFFE00  }
0x17e: {  	[tilespmem:s29], [sflag:$0x2] =	stream.indirect.gather.add.f32 [hbm:s3], $0x20, s21, s28, $0xb8;
	[tilespmem:$0xA400] =	vst v63  }
0x17f: {  	_ =	swait.ge [sflag:s19], $0x200  }
0x180: {  	[sflag:s19] =	ssyncset.done $0x0  }
0x181: {  	s17 =	simm.s32 $0x5C00;
	[sflag:s19] =	ssyncadd.s32 $0xFFFFFE00  }
0x182: {  	[tilespmem:s29], [sflag:$0x2] =	stream.indirect.gather.add.f32 [hbm:s3], $0x20, s17, s28, $0xb8;
	[tilespmem:$0xA400] =	vst v63  }
0x183: {  	_ =	swait.ge [sflag:s19], $0x200  }
0x184: {  	[sflag:s19] =	ssyncset.done $0x0  }
0x185: {  	s18 =	simm.s32 $0x5E00;
	[sflag:s19] =	ssyncadd.s32 $0xFFFFFE00  }
0x186: {  	[tilespmem:s29], [sflag:$0x2] =	stream.indirect.gather.add.f32 [hbm:s3], $0x20, s18, s28, $0xb8;
	[tilespmem:$0xA400] =	vst v63  }
0x187: {  	_ =	swait.ge [sflag:s19], $0x200  }
0x188: {  	[sflag:s19] =	ssyncset.done $0x0  }
0x189: {  	s30 =	simm.s32 $0x6000;
	[sflag:s19] =	ssyncadd.s32 $0xFFFFFE00  }
0x18a: {  	[tilespmem:s29], [sflag:$0x2] =	stream.indirect.gather.add.f32 [hbm:s3], $0x20, s30, s28, $0xb8;
	[tilespmem:$0xA400] =	vst v63  }
0x18b: {  	_ =	swait.ge [sflag:s19], $0x200  }
0x18c: {  	[sflag:s19] =	ssyncset.done $0x0  }
0x18d: {  	s31 =	simm.s32 $0x6200;
	[sflag:s19] =	ssyncadd.s32 $0xFFFFFE00  }
0x18e: {  	[tilespmem:s29], [sflag:$0x2] =	stream.indirect.gather.add.f32 [hbm:s3], $0x20, s31, s28, $0xb8;
	[tilespmem:$0xA400] =	vst v63  }
0x18f: {  	_ =	swait.ge [sflag:s20], $0x4000  }
0x190: {  	[sflag:s20] =	ssyncset.done $0x0  }
0x191: {  	[sflag:s20] =	ssyncadd.s32 $0xFFFFC000  }
0x192: {  	_ =	swait.ge [sflag:s20], $0x4000  }
0x193: {  	[sflag:s20] =	ssyncset.done $0x0  }
0x194: {  	[sflag:s20] =	ssyncadd.s32 $0xFFFFC000  }
0x195: {  	_ =	swait.ge [sflag:s20], $0x4000  }
0x196: {  	[sflag:s20] =	ssyncset.done $0x0  }
0x197: {  	[sflag:s20] =	ssyncadd.s32 $0xFFFFC000  }
0x198: {  	_ =	swait.ge [sflag:s20], $0x4000  }
0x199: {  	[sflag:s20] =	ssyncset.done $0x0  }
0x19a: {  	[sflag:s20] =	ssyncadd.s32 $0xFFFFC000  }
0x19b: {  	_ =	swait.ge [sflag:s20], $0x4000  }
0x19c: {  	[sflag:s20] =	ssyncset.done $0x0  }
0x19d: {  	[sflag:s20] =	ssyncadd.s32 $0xFFFFC000  }
0x19e: {  	_ =	swait.ge [sflag:s20], $0x4000  }
0x19f: {  	[sflag:s20] =	ssyncset.done $0x0  }
0x1a0: {  	[sflag:s20] =	ssyncadd.s32 $0xFFFFC000  }
0x1a1: {  	_ =	swait.ge [sflag:s20], $0x4000  }
0x1a2: {  	[sflag:s20] =	ssyncset.done $0x0  }
0x1a3: {  	[sflag:s20] =	ssyncadd.s32 $0xFFFFC000  }
0x1a4: {  	_ =	swait.ge [sflag:s20], $0x4000  }
0x1a5: {  	[sflag:s20] =	ssyncset.done $0x0  }
0x1a6: {  	[sflag:s20] =	ssyncadd.s32 $0xFFFFC000  }
0x1a7: {  	_ =	swait.ge [sflag:s20], $0x4000  }
0x1a8: {  	[sflag:s20] =	ssyncset.done $0x0  }
0x1a9: {  	[sflag:s20] =	ssyncadd.s32 $0xFFFFC000  }
0x1aa: {  	_ =	swait.ge [sflag:s20], $0x4000  }
0x1ab: {  	[sflag:s20] =	ssyncset.done $0x0  }
0x1ac: {  	[sflag:s20] =	ssyncadd.s32 $0xFFFFC000  }
0x1ad: {  	_ =	swait.ge [sflag:s20], $0x4000  }
0x1ae: {  	[sflag:s20] =	ssyncset.done $0x0  }
0x1af: {  	[sflag:s20] =	ssyncadd.s32 $0xFFFFC000  }
0x1b0: {  	_ =	swait.ge [sflag:s20], $0x4000  }
0x1b1: {  	[sflag:s20] =	ssyncset.done $0x0  }
0x1b2: {  	[sflag:s20] =	ssyncadd.s32 $0xFFFFC000  }
0x1b3: {  	_ =	swait.ge [sflag:s20], $0x4000  }
0x1b4: {  	[sflag:s20] =	ssyncset.done $0x0  }
0x1b5: {  	[sflag:s20] =	ssyncadd.s32 $0xFFFFC000  }
0x1b6: {  	_ =	swait.ge [sflag:s20], $0x4000  }
0x1b7: {  	[sflag:s20] =	ssyncset.done $0x0  }
0x1b8: {  	[sflag:s20] =	ssyncadd.s32 $0xFFFFC000  }
0x1b9: {  	_ =	swait.ge [sflag:s20], $0x4000  }
0x1ba: {  	[sflag:s20] =	ssyncset.done $0x0  }
0x1bb: {  	[sflag:s20] =	ssyncadd.s32 $0xFFFFC000  }
0x1bc: {  	_ =	swait.ge [sflag:s20], $0x4000  }
0x1bd: {  	[sflag:s20] =	ssyncset.done $0x0  }
0x1be: {  	[sflag:s20] =	ssyncadd.s32 $0xFFFFC000  }
0x1bf: {  	_ =	swait.ge [sflag:s20], $0x4000  }
0x1c0: {  	[sflag:s20] =	ssyncset.done $0x0  }
0x1c1: {  	[sflag:s20] =	ssyncadd.s32 $0xFFFFC000  }
0x1c2: {  	_ =	swait.ge [sflag:s20], $0x4000  }
0x1c3: {  	[sflag:s20] =	ssyncset.done $0x0  }
0x1c4: {  	[sflag:s20] =	ssyncadd.s32 $0xFFFFC000  }
0x1c5: {  	_ =	swait.ge [sflag:s20], $0x4000  }
0x1c6: {  	[sflag:s20] =	ssyncset.done $0x0  }
0x1c7: {  	[sflag:s20] =	ssyncadd.s32 $0xFFFFC000  }
0x1c8: {  	_ =	swait.ge [sflag:s20], $0x4000  }
0x1c9: {  	[sflag:s20] =	ssyncset.done $0x0  }
0x1ca: {  	[sflag:s20] =	ssyncadd.s32 $0xFFFFC000  }
0x1cb: {  	_ =	swait.ge [sflag:s20], $0x4000  }
0x1cc: {  	[sflag:s20] =	ssyncset.done $0x0  }
0x1cd: {  	[sflag:s20] =	ssyncadd.s32 $0xFFFFC000  }
0x1ce: {  	_ =	swait.ge [sflag:s20], $0x4000  }
0x1cf: {  	[sflag:s20] =	ssyncset.done $0x0  }
0x1d0: {  	[sflag:s20] =	ssyncadd.s32 $0xFFFFC000  }
0x1d1: {  	_ =	swait.ge [sflag:s20], $0x4000  }
0x1d2: {  	[sflag:s20] =	ssyncset.done $0x0  }
0x1d3: {  	[sflag:s20] =	ssyncadd.s32 $0xFFFFC000  }
0x1d4: {  	_ =	swait.ge [sflag:s20], $0x4000  }
0x1d5: {  	[sflag:s20] =	ssyncset.done $0x0  }
0x1d6: {  	[sflag:s20] =	ssyncadd.s32 $0xFFFFC000  }
0x1d7: {  	_ =	swait.ge [sflag:s20], $0x4000  }
0x1d8: {  	[sflag:s20] =	ssyncset.done $0x0  }
0x1d9: {  	[sflag:s20] =	ssyncadd.s32 $0xFFFFC000  }
0x1da: {  	_ =	swait.ge [sflag:s20], $0x4000  }
0x1db: {  	[sflag:s20] =	ssyncset.done $0x0  }
0x1dc: {  	[sflag:s20] =	ssyncadd.s32 $0xFFFFC000  }
0x1dd: {  	_ =	swait.ge [sflag:s20], $0x4000  }
0x1de: {  	[sflag:s20] =	ssyncset.done $0x0  }
0x1df: {  	[sflag:s20] =	ssyncadd.s32 $0xFFFFC000  }
0x1e0: {  	_ =	swait.ge [sflag:s20], $0x4000  }
0x1e1: {  	[sflag:s20] =	ssyncset.done $0x0  }
0x1e2: {  	[sflag:s20] =	ssyncadd.s32 $0xFFFFC000  }
0x1e3: {  	_ =	swait.ge [sflag:s20], $0x4000  }
0x1e4: {  	[sflag:s20] =	ssyncset.done $0x0  }
0x1e5: {  	[sflag:s20] =	ssyncadd.s32 $0xFFFFC000  }
0x1e6: {  	_ =	swait.ge [sflag:s20], $0x4000  }
0x1e7: {  	[sflag:s20] =	ssyncset.done $0x0  }
0x1e8: {  	[sflag:s20] =	ssyncadd.s32 $0xFFFFC000  }
0x1e9: {  	_ =	swait.ge [sflag:s20], $0x4000  }
0x1ea: {  	[sflag:s20] =	ssyncset.done $0x0  }
0x1eb: {  	[sflag:s20] =	ssyncadd.s32 $0xFFFFC000  }
0x1ec: {  	_ =	swait.ge [sflag:s20], $0x4000  }
0x1ed: {  	[sflag:s20] =	ssyncset.done $0x0  }
0x1ee: {  	[sflag:s20] =	ssyncadd.s32 $0xFFFFC000  }
0x1ef: {  	_ =	swait.ge [sflag:s20], $0x4000  }
0x1f0: {  	[sflag:s20] =	ssyncset.done $0x0  }
0x1f1: {  	[sflag:s20] =	ssyncadd.s32 $0xFFFFC000  }
0x1f2: {  	_ =	swait.ge [sflag:s20], $0x4000  }
0x1f3: {  	[sflag:s20] =	ssyncset.done $0x0  }
0x1f4: {  	[sflag:s20] =	ssyncadd.s32 $0xFFFFC000  }
0x1f5: {  	_ =	swait.ge [sflag:s20], $0x4000  }
0x1f6: {  	[sflag:s20] =	ssyncset.done $0x0  }
0x1f7: {  	[sflag:s20] =	ssyncadd.s32 $0xFFFFC000  }
0x1f8: {  	_ =	swait.ge [sflag:s20], $0x4000  }
0x1f9: {  	[sflag:s20] =	ssyncset.done $0x0  }
0x1fa: {  	[sflag:s20] =	ssyncadd.s32 $0xFFFFC000  }
0x1fb: {  	_ =	swait.ge [sflag:s20], $0x4000  }
0x1fc: {  	[sflag:s20] =	ssyncset.done $0x0  }
0x1fd: {  	[sflag:s20] =	ssyncadd.s32 $0xFFFFC000  }
0x1fe: {  	_ =	swait.ge [sflag:s20], $0x4000  }
0x1ff: {  	[sflag:s20] =	ssyncset.done $0x0  }
0x200: {  	[sflag:s20] =	ssyncadd.s32 $0xFFFFC000  }
0x201: {  	_ =	swait.ge [sflag:s20], $0x4000  }
0x202: {  	[sflag:s20] =	ssyncset.done $0x0  }
0x203: {  	[sflag:s20] =	ssyncadd.s32 $0xFFFFC000  }
0x204: {  	_ =	swait.ge [sflag:s20], $0x4000  }
0x205: {  	[sflag:s20] =	ssyncset.done $0x0  }
0x206: {  	[sflag:s20] =	ssyncadd.s32 $0xFFFFC000  }
0x207: {  	_ =	swait.ge [sflag:s20], $0x4000  }
0x208: {  	[sflag:s20] =	ssyncset.done $0x0  }
0x209: {  	[sflag:s20] =	ssyncadd.s32 $0xFFFFC000  }
0x20a: {  	_ =	swait.ge [sflag:s20], $0x4000  }
0x20b: {  	[sflag:s20] =	ssyncset.done $0x0  }
0x20c: {  	[sflag:s20] =	ssyncadd.s32 $0xFFFFC000  }
0x20d: {  	_ =	swait.ge [sflag:s20], $0x4000  }
0x20e: {  	[sflag:s20] =	ssyncset.done $0x0  }
0x20f: {  	[sflag:s20] =	ssyncadd.s32 $0xFFFFC000  }
0x210: {  	_ =	swait.ge [sflag:s20], $0x4000  }
0x211: {  	[sflag:s20] =	ssyncset.done $0x0  }
0x212: {  	[sflag:s20] =	ssyncadd.s32 $0xFFFFC000  }
0x213: {  	_ =	swait.ge [sflag:s20], $0x4000  }
0x214: {  	[sflag:s20] =	ssyncset.done $0x0  }
0x215: {  	[sflag:s20] =	ssyncadd.s32 $0xFFFFC000  }
0x216: {  	_ =	swait.ge [sflag:s20], $0x4000  }
0x217: {  	[sflag:s20] =	ssyncset.done $0x0  }
0x218: {  	[sflag:s20] =	ssyncadd.s32 $0xFFFFC000  }
0x219: {  	_ =	swait.ge [sflag:s20], $0x4000  }
0x21a: {  	[sflag:s20] =	ssyncset.done $0x0  }
0x21b: {  	[sflag:s20] =	ssyncadd.s32 $0xFFFFC000  }
0x21c: {  	_ =	swait.ge [sflag:s20], $0x4000  }
0x21d: {  	[sflag:s20] =	ssyncset.done $0x0  }
0x21e: {  	[sflag:s20] =	ssyncadd.s32 $0xFFFFC000  }
0x21f: {  	_ =	swait.ge [sflag:s20], $0x4000  }
0x220: {  	[sflag:s20] =	ssyncset.done $0x0  }
0x221: {  	[sflag:s20] =	ssyncadd.s32 $0xFFFFC000  }
0x222: {  	_ =	swait.ge [sflag:s20], $0x4000  }
0x223: {  	[sflag:s20] =	ssyncset.done $0x0  }
0x224: {  	s0 =	simm.s32 $0x3;
	s22 =	rddreg [dreg:$0x15];
	[sflag:s20] =	ssyncadd.s32 $0xFFFFC000  }
0x225: {  	[hbm4b:s22+s2] =	stream.linear.scatter [tilespmem:s29], [sflag:$0x3], $0x4000, $0x38;
	[tilespmem:$0xA400] =	vst v63  }
0x226: {  	_ =	swait.ge [sflag:s0], $0x4000  }
0x227: {  	s23 =	sld [smem:$0x7FD]  }
0x228: {  	s22 =	sld [smem:$0x7FC];
	_ =	sdelay $0x1  }
0x229: {  	s23 =	sadd.s32 $0x1, s23  }
0x22a: {  	p0 =	sne.s32 s23, s22  }
.Ltmp1:
0x22b: {  	_ = 	snop;
	(pc) =	sbr.rel @p0 .LBB2_1-.Ltmp1, $3  }
0x22c: {  	_ =	sdelay $0x1  }
0x22d: {  	[sflag:s0] =	ssyncset.done $0x0  }
0x22e: {  	[sflag:s0] =	ssyncadd.s32 $0xFFFFC000;
	[smem:$0x7FD] =	sst s23;
	s23 =	simm.s32 $0x400  }
0x22f: {  	_ =	sfence.sel $0x180000  }
0x230: {  	[bflag:$0x0] =	sbarrier.arrive $0xFFFF  }
0x231: {  	_ =	strace $0x90000047  }
0x232: {  	s0 =	stileid.u32;
	[bflag:$0x2] =	sbarrier.arrive $0xFFFF  }
0x233: {  	p0 =	sne.s32 s0, $0x0;
	s0 =	rddreg [dreg:$0x2]  }
0x234: {  	s0 =	sadd.s32 @!p0 $0x100000, s0  }
0x235: {  	[sflag:s0] =	ssyncadd.tile.s32 @!p0 $0x1;
	_ =	shalt  }
.Lfunc_end2:
_tile_overlayer_lowered:
.L_overlay_start_2:
0x236: {  	(tag) =	ssettag $0x2  }
0x237: {  	s0 =	rddreg [dreg:$0x0];
	s2 =	stileid.u32  }
0x238: {  	s1 =	rddreg [dreg:$0x1];
	p0 =	sne.s32 s2, $0x0  }
0x239: {  	s3 =	rddreg [dreg:$0x2];
	[bflag:$0x3] =	sbarrier.arrive $0xFFFF;
	s2 =	simm.s32 @!p0 $0x1C03  }
0x23a: {  	[timem:s3], [sflag:s2] =	dma.local @!p0 [hbm:s0], s1  }
0x23b: {  	s0 =	simm.s32 @!p0 $0x3  }
0x23c: {  	_ =	swait.ge @!p0 [sflag:s0], s1  }
0x23d: {  	s1 =	ssub.s32 @!p0 $0x0, s1;
	[sflag:s0] =	ssyncset.done @!p0 $0x0  }
0x23e: {  	[sflag:s0] =	ssyncadd.s32 @!p0 s1  }
0x23f: {  	[bflag:$0x3] =	sbarrier.arrive $0xFFFF  }
0x240: {  	_ =	shalt  }

</sc_bundles>
